<compile_context>
chip_gen: v7x
topology: tpu7x:2x2x1
jax: 0.10.2.dev20260603
libtpu: 0.0.44.dev20260713+nightly
codegen_flags: <defaults>
</compile_context>

<pallas_src>
import functools

import jax
import jax.numpy as jnp
from jax import lax
from jax.experimental import pallas as pl
from jax.experimental.pallas import tpu as pltpu
from jax.experimental.pallas import tpu_sc as plsc

KTOP = 100
ROWS = 4096
COLS = 16384
LANES = 16
NV = COLS // LANES
NC = 2
NS = 16
NW = NC * NS
ROWS_PER_W = ROWS // NW
SAMPLE_STRIDE = 8
QLO = 13
CSTRIDE = 1025
JCAP = 32


def _sortable(xv):
    iv = lax.bitcast_convert_type(xv, jnp.int32)
    return jnp.where(iv < 0, iv ^ 0x7FFFFFFF, iv)


def _gat(vec, idx_splat):
    return vec.at[idx_splat].get(mode="promise_in_bounds")


def _popc(mask):
    return plsc.all_reduce_population_count(mask)


def _scan_fixed(hist_v, start_vreg, k_splat, iota, niter):
    zerov = jnp.zeros((LANES,), jnp.int32)

    def body(j, st):
        cum, b, cg, cb, found = st
        i = jnp.maximum(start_vreg - j, 0)
        v = hist_v[pl.ds(i * LANES, LANES)]
        sfx = lax.rev(plsc.cumsum(lax.rev(v, (0,))), (0,))
        hit = (cum + sfx) >= k_splat
        pc = _popc(hit)
        jstar = jnp.maximum(pc - 1, 0)
        anyv = jnp.logical_and(pc > 0, found == 0)
        vj = _gat(v, jstar)
        sj = _gat(sfx, jstar)
        b_new = jnp.where(anyv, i * LANES + jstar, b)
        cg_new = jnp.where(anyv, cum + sj - vj, cg)
        cb_new = jnp.where(anyv, vj, cb)
        fnd = jnp.where(anyv, 1, found)
        cum_new = jnp.where(found == 0, cum + _gat(sfx, zerov), cum)
        return (cum_new, b_new, cg_new, cb_new, fnd)

    st = lax.fori_loop(
        0, niter, body, (zerov, zerov, zerov, zerov, zerov))
    return st[1], st[2], st[3]


def _clear_hist(hist_v, nvregs):
    zeros16 = jnp.zeros((LANES,), jnp.int32)

    @plsc.parallel_loop(0, nvregs, unroll=4)
    def _(i):
        hist_v[pl.ds(i * LANES, LANES)] = zeros16


def _radix_full(row_v, k_splat, hist_v, iota, ones16):
    _clear_hist(hist_v, 2048 // LANES)

    @plsc.parallel_loop(0, NV, unroll=8)
    def _(i):
        uv = _sortable(row_v[pl.ds(i * LANES, LANES)])
        plsc.addupdate_scatter(hist_v, [(uv >> 21) + 1024], ones16)

    nv1 = 2048 // LANES
    b1, cgt1, c1 = _scan_fixed(hist_v, nv1 - 1, k_splat, iota, nv1)
    hh1 = b1 - 1024

    _clear_hist(hist_v, 2048 // LANES)

    @plsc.parallel_loop(0, NV, unroll=8)
    def _(i):
        uv = _sortable(row_v[pl.ds(i * LANES, LANES)])
        act = (uv >> 21) == hh1
        plsc.addupdate_scatter(
            hist_v, [(uv >> 10) & 0x7FF], ones16, mask=act)

    k2 = k_splat - cgt1
    b2, cgt2, c2 = _scan_fixed(hist_v, nv1 - 1, k2, iota, nv1)
    pre22 = (hh1 << 11) | b2

    _clear_hist(hist_v, 1024 // LANES)

    @plsc.parallel_loop(0, NV, unroll=8)
    def _(i):
        uv = _sortable(row_v[pl.ds(i * LANES, LANES)])
        act = (uv >> 10) == pre22
        plsc.addupdate_scatter(hist_v, [uv & 0x3FF], ones16, mask=act)

    nv3 = 1024 // LANES
    k3 = k2 - cgt2
    b3, cgt3, ceq = _scan_fixed(hist_v, nv3 - 1, k3, iota, nv3)
    t = (pre22 << 10) | b3
    return t, k3 - cgt3, ceq


def _write_output(row_v, t, m, ceq):
    zf = jnp.float32(0.0)

    def out_simple(_):
        @plsc.parallel_loop(0, NV, unroll=8)
        def _(i):
            xv = row_v[pl.ds(i * LANES, LANES)]
            keep = _sortable(xv) >= t
            row_v[pl.ds(i * LANES, LANES)] = jnp.where(keep, xv, zf)

        return 0

    def out_ties(_):
        def ob(i, c):
            xv = row_v[pl.ds(i * LANES, LANES)]
            uv = _sortable(xv)
            eq = uv == t
            eqi = eq.astype(jnp.int32)
            pref = plsc.cumsum(eqi)
            keep = jnp.logical_or(
                uv > t, jnp.logical_and(eq, (pref + c) <= m))
            row_v[pl.ds(i * LANES, LANES)] = jnp.where(keep, xv, zf)
            return c + jnp.sum(eqi)

        lax.fori_loop(0, NV, ob, jnp.int32(0))
        return 0

    lax.cond(jnp.max(m) == jnp.max(ceq), out_simple, out_ties, 0)


def _select_and_mask(row_v, cand_v, hist_v, iota, ones16):
    kk = jnp.int32(KTOP)
    kkv = jnp.full((LANES,), KTOP, jnp.int32)

    _clear_hist(hist_v, 2048 // LANES)

    @plsc.parallel_loop(
        0, NV // SAMPLE_STRIDE, unroll=8,
        carry=jnp.full((LANES,), -1, jnp.int32))
    def bmaxsv(i, vmax):
        uv = _sortable(row_v[pl.ds(i * SAMPLE_STRIDE * LANES, LANES)])
        b = (uv >> 21) + 1024
        plsc.addupdate_scatter(hist_v, [b], ones16)
        return jnp.maximum(vmax, b)

    bhi_s = jnp.max(bmaxsv)
    qlo = jnp.full((LANES,), QLO, jnp.int32)
    bg, _, _ = _scan_fixed(hist_v, bhi_s // LANES, qlo, iota, 4)
    hg = bg - 1024

    zero16 = jnp.zeros((LANES,), jnp.int32)
    base_idx = iota * CSTRIDE

    @plsc.parallel_loop(0, NV, unroll=8, carry=(zero16, zero16))
    def gt_c(i, st):
        gtv, cvec = st
        uv = _sortable(row_v[pl.ds(i * LANES, LANES)])
        hb = uv >> 21
        act = hb == hg
        plsc.store_scatter(cand_v, [base_idx + cvec], uv, mask=act)
        return (gtv + jnp.where(hb > hg, 1, 0),
                cvec + jnp.where(act, 1, 0))

    gtv, cvec = gt_c
    cnt_gt = jnp.sum(gtv)
    c1 = jnp.sum(cvec)
    jmax = jnp.max(cvec)
    valid = jnp.logical_and(
        jnp.logical_and(cnt_gt < kk, (cnt_gt + c1) >= kk), jmax <= JCAP)

    def fast(_):
        k1 = kkv - cnt_gt
        nh = 128 // LANES

        def stage(act_fn, bucket_fn, k_stage):
            _clear_hist(hist_v, nh)

            @plsc.parallel_loop(0, JCAP, unroll=4)
            def _(j):
                uv = plsc.load_gather(cand_v, [base_idx + j])
                ok = jnp.logical_and(j < cvec, act_fn(uv))
                plsc.addupdate_scatter(
                    hist_v, [bucket_fn(uv)], ones16, mask=ok)

            return _scan_fixed(hist_v, nh - 1, k_stage, iota, nh)

        p1, cg1, _ = stage(
            lambda uv: jnp.full((LANES,), True),
            lambda uv: (uv >> 14) & 0x7F, k1)
        k2 = k1 - cg1
        p2, cg2, _ = stage(
            lambda uv: ((uv >> 14) & 0x7F) == p1,
            lambda uv: (uv >> 7) & 0x7F, k2)
        p12 = (p1 << 7) | p2
        k3 = k2 - cg2
        p3, cg3, ceq = stage(
            lambda uv: ((uv >> 7) & 0x3FFF) == p12,
            lambda uv: uv & 0x7F, k3)
        t = (hg << 21) | (p12 << 7) | p3
        return t, k3 - cg3, ceq

    def classic(_):
        return _radix_full(row_v, kkv, hist_v, iota, ones16)

    t, m, ceq = lax.cond(valid, fast, classic, 0)
    _write_output(row_v, t, m, ceq)


def _topk_body(x_hbm, out_hbm, row_a, row_b, cand_v, hist_v,
               sem_ia, sem_ib, sem_oa, sem_ob):
    wid = lax.axis_index("s") * NC + lax.axis_index("c")
    base = wid * ROWS_PER_W
    iota = lax.iota(jnp.int32, LANES)
    ones16 = jnp.ones((LANES,), jnp.int32)
    npair = ROWS_PER_W // 2

    pltpu.async_copy(x_hbm.at[base], row_a, sem_ia)

    def per_pair(rr, carry):
        r0 = base + 2 * rr
        r1 = r0 + 1

        @pl.when(rr > 0)
        def _():
            pltpu.make_async_copy(row_b, out_hbm.at[r1 - 2], sem_ob).wait()

        pltpu.async_copy(x_hbm.at[r1], row_b, sem_ib)

        pltpu.make_async_copy(x_hbm.at[r0], row_a, sem_ia).wait()
        _select_and_mask(row_a, cand_v, hist_v, iota, ones16)
        pltpu.async_copy(row_a, out_hbm.at[r0], sem_oa)

        pltpu.make_async_copy(x_hbm.at[r1], row_b, sem_ib).wait()
        _select_and_mask(row_b, cand_v, hist_v, iota, ones16)
        pltpu.async_copy(row_b, out_hbm.at[r1], sem_ob)

        @pl.when(rr < npair - 1)
        def _():
            pltpu.make_async_copy(row_a, out_hbm.at[r0], sem_oa).wait()
            pltpu.async_copy(x_hbm.at[r0 + 2], row_a, sem_ia)

        return carry

    lax.fori_loop(0, npair, per_pair, 0)

    last = base + ROWS_PER_W - 1
    pltpu.make_async_copy(row_a, out_hbm.at[last - 1], sem_oa).wait()
    pltpu.make_async_copy(row_b, out_hbm.at[last], sem_ob).wait()


def kernel(x):
    mesh = plsc.VectorSubcoreMesh(
        core_axis_name="c", subcore_axis_name="s",
        num_cores=NC, num_subcores=NS)
    fn = functools.partial(
        pl.kernel,
        mesh=mesh,
        compiler_params=pltpu.CompilerParams(needs_layout_passes=False),
        out_type=jax.ShapeDtypeStruct((ROWS, COLS), jnp.float32),
        scratch_types=[
            pltpu.VMEM((COLS,), jnp.float32),
            pltpu.VMEM((COLS,), jnp.float32),
            pltpu.VMEM((LANES * CSTRIDE,), jnp.int32),
            pltpu.VMEM((2048,), jnp.int32),
            pltpu.SemaphoreType.DMA,
            pltpu.SemaphoreType.DMA,
            pltpu.SemaphoreType.DMA,
            pltpu.SemaphoreType.DMA,
        ],
    )(_topk_body)
    return fn(x)

# --- scband reference (transcript-rebuilt; emitter-appended) ---
"""Pipeline reference for scband-top-kactivation-80582176408300 (READ-ONLY COPY).

The authoritative reference and input builder live on the scoring server;
editing this copy changes nothing except your own understanding.
"""

import jax, jax.numpy as jnp
import numpy as np

K = 100


def setup_inputs(seed: int = 0) -> dict:
    key = jax.random.key(seed)
    x = jax.random.normal(key, (4096, 16384), dtype=jnp.float32)
    return {"x": x}


def reference(x):
    # torch.topk(x, k, dim=-1)
    values, indices = jax.lax.top_k(x, K)
    # mask = zeros_like(x); scatter_(-1, indices[..., i:i+1], 1) for each i
    mask = jnp.zeros_like(x)
    rows = jnp.arange(x.shape[0])[:, None]
    mask = mask.at[rows, indices].set(1.0)
    return x * mask

if __name__ == "__main__":
    import jax
    _d = setup_inputs()
    print(jax.jit(kernel)(*tuple(_d.values())))

</pallas_src>

<mosaic_0001>
#map = affine_map<(d0, d1) -> (0, 0)>
module attributes {stable_mosaic.version = 14 : i64} {
  func.func @_topk_body(%arg0: i32, %arg1: i32, %arg2: memref<4096x16384xf32, #tpu.memory_space<hbm>>, %arg3: memref<4096x16384xf32, #tpu.memory_space<hbm>>, %arg4: memref<16384xf32, #tpu.memory_space<vmem>>, %arg5: memref<16384xf32, #tpu.memory_space<vmem>>, %arg6: memref<16400xi32, #tpu.memory_space<vmem>>, %arg7: memref<2048xi32, #tpu.memory_space<vmem>>, %arg8: memref<!tpu.dma_semaphore, #tpu.memory_space<semaphore_mem>>, %arg9: memref<!tpu.dma_semaphore, #tpu.memory_space<semaphore_mem>>, %arg10: memref<!tpu.dma_semaphore, #tpu.memory_space<semaphore_mem>>, %arg11: memref<!tpu.dma_semaphore, #tpu.memory_space<semaphore_mem>>) attributes {dimension_semantics = [#tpu.dimension_semantics<core_parallel>, #tpu.dimension_semantics<subcore_parallel>], iteration_bounds = array<i64: 2, 16>, scalar_prefetch = 0 : i64, scratch_operands = 8 : i64, tpu.core_type = #tpu.core_type<sc_vector_subcore>, window_params = [{transform_indices = #map}, {transform_indices = #map}]} {
    %mul3A = arith.constant 2 : i32
    %mul3A_0 = arith.muli %arg1, %mul3A : i32
    %add3A = arith.addi %mul3A_0, %arg0 : i32
    %mul3A_1 = arith.constant 128 : i32
    %mul3A_2 = arith.muli %add3A, %mul3A_1 : i32
    %iota3A = tpu.iota {dimensions = array<i32: 0>} : vector<16xi32>
    %broadcast_in_dim3A = arith.constant 1 : i32
    %broadcast_in_dim3A_3 = vector.broadcast %broadcast_in_dim3A : i32 to vector<16xi32>
    %dma_start3A = arith.constant 0 : i32
    %dma_start3A_4 = tpu.memref_slice %arg2[%mul3A_2, %dma_start3A] : memref<4096x16384xf32, #tpu.memory_space<hbm>> -> memref<1x16384xf32, #tpu.memory_space<hbm>>
    %dma_start3A_5 = tpu.memref_squeeze %dma_start3A_4 : memref<1x16384xf32, #tpu.memory_space<hbm>> -> memref<16384xf32, #tpu.memory_space<hbm>>
    %dma_start3A_6 = arith.constant 0 : i32
    %dma_start3A_7 = tpu.memref_slice %arg2[%mul3A_2, %dma_start3A_6] : memref<4096x16384xf32, #tpu.memory_space<hbm>> -> memref<1x16384xf32, #tpu.memory_space<hbm>>
    %dma_start3A_8 = tpu.memref_squeeze %dma_start3A_7 : memref<1x16384xf32, #tpu.memory_space<hbm>> -> memref<16384xf32, #tpu.memory_space<hbm>>
    tpu.enqueue_dma source(%dma_start3A_8 : memref<16384xf32, #tpu.memory_space<hbm>>) target(%arg4 : memref<16384xf32, #tpu.memory_space<vmem>>) target_semaphore(%arg8 : memref<!tpu.dma_semaphore, #tpu.memory_space<semaphore_mem>>)
    %scan3A = arith.constant 0 : i32
    %scan3A_9 = arith.constant 0 : i32
    %scan3A_10 = arith.constant 64 : i32
    %scan3A_11 = arith.addi %scan3A_9, %scan3A_10 : i32
    %scan3A_12 = arith.constant 1 : i32
    scf.for %scan3A_30 = %scan3A_9 to %scan3A_11 step %scan3A_12  : i32 {
      %mul3A_31 = arith.constant 2 : i32
      %mul3A_32 = arith.muli %mul3A_31, %scan3A_30 : i32
      %add3A_33 = arith.addi %mul3A_2, %mul3A_32 : i32
      %add3A_34 = arith.constant 1 : i32
      %add3A_35 = arith.addi %add3A_33, %add3A_34 : i32
      %gt3A = arith.constant 0 : i32
      %gt3A_36 = arith.cmpi sgt, %scan3A_30, %gt3A : i32
      %convert_element_type3A = arith.extui %gt3A_36 : i1 to i32
      %cond3A = arith.constant 0 : i32
      %cond3A_37 = arith.cmpi ne, %convert_element_type3A, %cond3A : i32
      scf.if %cond3A_37 {
        %sub3A_299 = arith.constant 2 : i32
        %sub3A_300 = arith.subi %add3A_35, %sub3A_299 : i32
        %dma_wait3A_301 = arith.constant 0 : i32
        %dma_wait3A_302 = tpu.memref_slice %arg3[%sub3A_300, %dma_wait3A_301] : memref<4096x16384xf32, #tpu.memory_space<hbm>> -> memref<1x16384xf32, #tpu.memory_space<hbm>>
        %dma_wait3A_303 = tpu.memref_squeeze %dma_wait3A_302 : memref<1x16384xf32, #tpu.memory_space<hbm>> -> memref<16384xf32, #tpu.memory_space<hbm>>
        %dma_wait3A_304 = arith.constant 0 : i32
        %dma_wait3A_305 = tpu.memref_slice %arg3[%sub3A_300, %dma_wait3A_304] : memref<4096x16384xf32, #tpu.memory_space<hbm>> -> memref<1x16384xf32, #tpu.memory_space<hbm>>
        %dma_wait3A_306 = tpu.memref_squeeze %dma_wait3A_305 : memref<1x16384xf32, #tpu.memory_space<hbm>> -> memref<16384xf32, #tpu.memory_space<hbm>>
        tpu.wait_dma2 semaphore(%arg11 : memref<!tpu.dma_semaphore, #tpu.memory_space<semaphore_mem>>) src(%arg5 : memref<16384xf32, #tpu.memory_space<vmem>>) dst(%dma_wait3A_306 : memref<16384xf32, #tpu.memory_space<hbm>>)
      } else {
      }
      %dma_start3A_38 = arith.constant 0 : i32
      %dma_start3A_39 = tpu.memref_slice %arg2[%add3A_35, %dma_start3A_38] : memref<4096x16384xf32, #tpu.memory_space<hbm>> -> memref<1x16384xf32, #tpu.memory_space<hbm>>
      %dma_start3A_40 = tpu.memref_squeeze %dma_start3A_39 : memref<1x16384xf32, #tpu.memory_space<hbm>> -> memref<16384xf32, #tpu.memory_space<hbm>>
      %dma_start3A_41 = arith.constant 0 : i32
      %dma_start3A_42 = tpu.memref_slice %arg2[%add3A_35, %dma_start3A_41] : memref<4096x16384xf32, #tpu.memory_space<hbm>> -> memref<1x16384xf32, #tpu.memory_space<hbm>>
      %dma_start3A_43 = tpu.memref_squeeze %dma_start3A_42 : memref<1x16384xf32, #tpu.memory_space<hbm>> -> memref<16384xf32, #tpu.memory_space<hbm>>
      tpu.enqueue_dma source(%dma_start3A_43 : memref<16384xf32, #tpu.memory_space<hbm>>) target(%arg5 : memref<16384xf32, #tpu.memory_space<vmem>>) target_semaphore(%arg9 : memref<!tpu.dma_semaphore, #tpu.memory_space<semaphore_mem>>)
      %dma_wait3A_44 = arith.constant 0 : i32
      %dma_wait3A_45 = tpu.memref_slice %arg2[%add3A_33, %dma_wait3A_44] : memref<4096x16384xf32, #tpu.memory_space<hbm>> -> memref<1x16384xf32, #tpu.memory_space<hbm>>
      %dma_wait3A_46 = tpu.memref_squeeze %dma_wait3A_45 : memref<1x16384xf32, #tpu.memory_space<hbm>> -> memref<16384xf32, #tpu.memory_space<hbm>>
      %dma_wait3A_47 = arith.constant 0 : i32
      %dma_wait3A_48 = tpu.memref_slice %arg2[%add3A_33, %dma_wait3A_47] : memref<4096x16384xf32, #tpu.memory_space<hbm>> -> memref<1x16384xf32, #tpu.memory_space<hbm>>
      %dma_wait3A_49 = tpu.memref_squeeze %dma_wait3A_48 : memref<1x16384xf32, #tpu.memory_space<hbm>> -> memref<16384xf32, #tpu.memory_space<hbm>>
      tpu.wait_dma2 semaphore(%arg8 : memref<!tpu.dma_semaphore, #tpu.memory_space<semaphore_mem>>) src(%dma_wait3A_49 : memref<16384xf32, #tpu.memory_space<hbm>>) dst(%arg4 : memref<16384xf32, #tpu.memory_space<vmem>>)
      %broadcast_in_dim3A_50 = arith.constant 100 : i32
      %broadcast_in_dim3A_51 = vector.broadcast %broadcast_in_dim3A_50 : i32 to vector<16xi32>
      %broadcast_in_dim3A_52 = arith.constant 0 : i32
      %broadcast_in_dim3A_53 = vector.broadcast %broadcast_in_dim3A_52 : i32 to vector<16xi32>
      %parallel_loop3A = arith.constant 0 : i32
      %parallel_loop3A_54 = arith.constant 128 : i32
      %parallel_loop3A_55 = arith.constant 1 : i32
      scf.for %parallel_loop3A_299 = %parallel_loop3A to %parallel_loop3A_54 step %parallel_loop3A_55  : i32 {
        %parallel_loop3A_300 = arith.constant 16 : i32
        %parallel_loop3A_301 = arith.muli %parallel_loop3A_299, %parallel_loop3A_300 : i32
        %parallel_loop3A_302 = arith.index_cast %parallel_loop3A_301 : i32 to index
        %parallel_loop3A_303 = tpu.vector_load %arg7[%parallel_loop3A_302] {strides = array<i32>} : memref<2048xi32, #tpu.memory_space<vmem>>, vector<16xi32>,
        tpu.vector_store %arg7[%parallel_loop3A_302], %broadcast_in_dim3A_53 {strides = array<i32>} : memref<2048xi32, #tpu.memory_space<vmem>>, vector<16xi32>,
      } {sc.loop_unroll_factor = 4 : i64, sc.parallel_access}
      %broadcast_in_dim3A_56 = arith.constant -1 : i32
      %broadcast_in_dim3A_57 = vector.broadcast %broadcast_in_dim3A_56 : i32 to vector<16xi32>
      %parallel_loop3A_58 = arith.constant 0 : i32
      %parallel_loop3A_59 = arith.constant 128 : i32
      %parallel_loop3A_60 = arith.constant 1 : i32
      %parallel_loop3A_61 = scf.for %parallel_loop3A_299 = %parallel_loop3A_58 to %parallel_loop3A_59 step %parallel_loop3A_60 iter_args(%parallel_loop3A_300 = %broadcast_in_dim3A_57) -> (vector<16xi32>)  : i32 {
        %parallel_loop3A_301 = arith.constant 8 : i32
        %parallel_loop3A_302 = arith.muli %parallel_loop3A_299, %parallel_loop3A_301 : i32
        %parallel_loop3A_303 = arith.constant 16 : i32
        %parallel_loop3A_304 = arith.muli %parallel_loop3A_302, %parallel_loop3A_303 : i32
        %parallel_loop3A_305 = arith.index_cast %parallel_loop3A_304 : i32 to index
        %parallel_loop3A_306 = tpu.vector_load %arg4[%parallel_loop3A_305] {strides = array<i32>} : memref<16384xf32, #tpu.memory_space<vmem>>, vector<16xf32>,
        %parallel_loop3A_307 = tpu.bitcast %parallel_loop3A_306 : vector<16xf32> -> vector<16xi32>
        %parallel_loop3A_308 = arith.constant 0 : i32
        %parallel_loop3A_309 = vector.broadcast %parallel_loop3A_308 : i32 to vector<16xi32>
        %parallel_loop3A_310 = arith.cmpi slt, %parallel_loop3A_307, %parallel_loop3A_309 : vector<16xi32>
        %parallel_loop3A_311 = arith.constant 2147483647 : i32
        %parallel_loop3A_312 = vector.broadcast %parallel_loop3A_311 : i32 to vector<16xi32>
        %parallel_loop3A_313 = arith.xori %parallel_loop3A_307, %parallel_loop3A_312 : vector<16xi32>
        %parallel_loop3A_314 = arith.select %parallel_loop3A_310, %parallel_loop3A_313, %parallel_loop3A_307 : vector<16xi1>, vector<16xi32>
        %parallel_loop3A_315 = arith.constant 21 : i32
        %parallel_loop3A_316 = vector.broadcast %parallel_loop3A_315 : i32 to vector<16xi32>
        %parallel_loop3A_317 = arith.shrsi %parallel_loop3A_314, %parallel_loop3A_316 : vector<16xi32>
        %parallel_loop3A_318 = arith.constant 1024 : i32
        %parallel_loop3A_319 = vector.broadcast %parallel_loop3A_318 : i32 to vector<16xi32>
        %parallel_loop3A_320 = arith.addi %parallel_loop3A_317, %parallel_loop3A_319 : vector<16xi32>
        tpu.vector_store_idx %arg7[%parallel_loop3A_320], %broadcast_in_dim3A_3 {add = true} : memref<2048xi32, #tpu.memory_space<vmem>>[vector<16xi32>], vector<16xi32>,
        %parallel_loop3A_321 = arith.maxsi %parallel_loop3A_300, %parallel_loop3A_320 : vector<16xi32>
        scf.yield %parallel_loop3A_321 : vector<16xi32>
      } {sc.loop_unroll_factor = 8 : i64, sc.parallel_access}
      %reduce_max3A = arith.constant true
      %reduce_max3A_62 = vector.broadcast %reduce_max3A : i1 to vector<16xi1>
      %reduce_max3A_63 = arith.constant -2147483648 : i32
      %reduce_max3A_64 = vector.broadcast %reduce_max3A_63 : i32 to vector<16xi32>
      %reduce_max3A_65 = arith.xori %parallel_loop3A_61, %reduce_max3A_64 : vector<16xi32>
      %reduce_max3A_66 = tpu.scan <max>, %reduce_max3A_65 masked %reduce_max3A_62 : vector<16xi32>, vector<16xi1> -> vector<16xi32>
      %reduce_max3A_67 = arith.xori %reduce_max3A_66, %reduce_max3A_64 : vector<16xi32>
      %reduce_max3A_68 = vector.extract %reduce_max3A_67[15] : i32 from vector<16xi32>
      %broadcast_in_dim3A_69 = arith.constant 13 : i32
      %broadcast_in_dim3A_70 = vector.broadcast %broadcast_in_dim3A_69 : i32 to vector<16xi32>
      %jit3A = arith.constant 16 : i32
      %div3A = arith.divsi %reduce_max3A_68, %jit3A : i32
      %sign3A = arith.constant 0 : i32
      %sign3A_71 = arith.cmpi sgt, %reduce_max3A_68, %sign3A : i32
      %sign3A_72 = arith.extui %sign3A_71 : i1 to i32
      %sign3A_73 = arith.constant 0 : i32
      %sign3A_74 = arith.cmpi slt, %reduce_max3A_68, %sign3A_73 : i32
      %sign3A_75 = arith.extui %sign3A_74 : i1 to i32
      %sign3A_76 = arith.subi %sign3A_72, %sign3A_75 : i32
      %sign3A_77 = arith.constant 0 : i32
      %sign3A_78 = arith.cmpi sgt, %jit3A, %sign3A_77 : i32
      %sign3A_79 = arith.extui %sign3A_78 : i1 to i32
      %sign3A_80 = arith.constant 0 : i32
      %sign3A_81 = arith.cmpi slt, %jit3A, %sign3A_80 : i32
      %sign3A_82 = arith.extui %sign3A_81 : i1 to i32
      %sign3A_83 = arith.subi %sign3A_79, %sign3A_82 : i32
      %ne3A = arith.cmpi ne, %sign3A_76, %sign3A_83 : i32
      %rem3A = arith.remsi %reduce_max3A_68, %jit3A : i32
      %ne3A_84 = arith.constant 0 : i32
      %ne3A_85 = arith.cmpi ne, %rem3A, %ne3A_84 : i32
      %and3A = arith.andi %ne3A, %ne3A_85 : i1
      %sub3A_86 = arith.constant 1 : i32
      %sub3A_87 = arith.subi %div3A, %sub3A_86 : i32
      %select_n3A = arith.select %and3A, %sub3A_87, %div3A : i32
      %broadcast_in_dim3A_88 = arith.constant 0 : i32
      %broadcast_in_dim3A_89 = vector.broadcast %broadcast_in_dim3A_88 : i32 to vector<16xi32>
      %scan3A_90 = arith.constant 0 : i32
      %scan3A_91 = arith.constant 4 : i32
      %scan3A_92 = arith.addi %scan3A_90, %scan3A_91 : i32
      %scan3A_93 = arith.constant 1 : i32
      %scan3A_94:5 = scf.for %scan3A_299 = %scan3A_90 to %scan3A_92 step %scan3A_93 iter_args(%scan3A_300 = %broadcast_in_dim3A_89, %scan3A_301 = %broadcast_in_dim3A_89, %scan3A_302 = %broadcast_in_dim3A_89, %scan3A_303 = %broadcast_in_dim3A_89, %scan3A_304 = %broadcast_in_dim3A_89) -> (vector<16xi32>, vector<16xi32>, vector<16xi32>, vector<16xi32>, vector<16xi32>)  : i32 {
        %sub3A_305 = arith.subi %select_n3A, %scan3A_299 : i32
        %max3A = arith.constant 0 : i32
        %max3A_306 = arith.maxsi %sub3A_305, %max3A : i32
        %mul3A_307 = arith.constant 16 : i32
        %mul3A_308 = arith.muli %max3A_306, %mul3A_307 : i32
        %get3A = arith.index_cast %mul3A_308 : i32 to index
        %get3A_309 = tpu.vector_load %arg7[%get3A] {strides = array<i32>} : memref<2048xi32, #tpu.memory_space<vmem>>, vector<16xi32>,
        %rev3A = arith.constant 15 : i32
        %rev3A_310 = vector.broadcast %rev3A : i32 to vector<16xi32>
        %rev3A_311 = tpu.iota {dimensions = array<i32: 0>} : vector<16xi32>
        %rev3A_312 = arith.subi %rev3A_310, %rev3A_311 : vector<16xi32>
        %rev3A_313 = tpu.dynamic_gather %get3A_309[%rev3A_312] in [0] : vector<16xi32>, vector<16xi32> -> vector<16xi32>
        %broadcast_in_dim3A_314 = arith.constant true
        %broadcast_in_dim3A_315 = vector.broadcast %broadcast_in_dim3A_314 : i1 to vector<16xi1>
        %masked_cumsum3A = tpu.scan <sum>, %rev3A_313 masked %broadcast_in_dim3A_315 : vector<16xi32>, vector<16xi1> -> vector<16xi32>
        %rev3A_316 = arith.constant 15 : i32
        %rev3A_317 = vector.broadcast %rev3A_316 : i32 to vector<16xi32>
        %rev3A_318 = tpu.iota {dimensions = array<i32: 0>} : vector<16xi32>
        %rev3A_319 = arith.subi %rev3A_317, %rev3A_318 : vector<16xi32>
        %rev3A_320 = tpu.dynamic_gather %masked_cumsum3A[%rev3A_319] in [0] : vector<16xi32>, vector<16xi32> -> vector<16xi32>
        %add3A_321 = arith.addi %scan3A_300, %rev3A_320 : vector<16xi32>
        %ge3A_322 = arith.cmpi sge, %add3A_321, %broadcast_in_dim3A_70 : vector<16xi32>
        %all_reduce_population_count3A = tpu.all_reduce %ge3A_322 {dim = 0 : i64, kind = #tpu.reduction_kind<sum>} : vector<16xi1> -> vector<16xi32>
        %sub3A_323 = arith.constant 1 : i32
        %sub3A_324 = vector.broadcast %sub3A_323 : i32 to vector<16xi32>
        %sub3A_325 = arith.subi %all_reduce_population_count3A, %sub3A_324 : vector<16xi32>
        %max3A_326 = arith.constant 0 : i32
        %max3A_327 = vector.broadcast %max3A_326 : i32 to vector<16xi32>
        %max3A_328 = arith.maxsi %sub3A_325, %max3A_327 : vector<16xi32>
        %gt3A_329 = arith.constant 0 : i32
        %gt3A_330 = vector.broadcast %gt3A_329 : i32 to vector<16xi32>
        %gt3A_331 = arith.cmpi sgt, %all_reduce_population_count3A, %gt3A_330 : vector<16xi32>
        %eq3A_332 = arith.constant 0 : i32
        %eq3A_333 = vector.broadcast %eq3A_332 : i32 to vector<16xi32>
        %eq3A_334 = arith.cmpi eq, %scan3A_304, %eq3A_333 : vector<16xi32>
        %and3A_335 = arith.andi %gt3A_331, %eq3A_334 : vector<16xi1>
        %lt3A_336 = arith.constant 0 : i32
        %lt3A_337 = vector.broadcast %lt3A_336 : i32 to vector<16xi32>
        %lt3A_338 = arith.cmpi slt, %max3A_328, %lt3A_337 : vector<16xi32>
        %add3A_339 = arith.constant 16 : i32
        %add3A_340 = vector.broadcast %add3A_339 : i32 to vector<16xi32>
        %add3A_341 = arith.addi %max3A_328, %add3A_340 : vector<16xi32>
        %select_n3A_342 = arith.select %lt3A_338, %add3A_341, %max3A_328 : vector<16xi1>, vector<16xi32>
        %broadcast_in_dim3A_343 = vector.shape_cast %select_n3A_342 : vector<16xi32> to vector<16x1xi32>
        %gather3A = vector.shape_cast %broadcast_in_dim3A_343 : vector<16x1xi32> to vector<16xi32>
        %gather3A_344 = tpu.dynamic_gather %get3A_309[%gather3A] in [0] : vector<16xi32>, vector<16xi32> -> vector<16xi32>
        %lt3A_345 = arith.constant 0 : i32
        %lt3A_346 = vector.broadcast %lt3A_345 : i32 to vector<16xi32>
        %lt3A_347 = arith.cmpi slt, %max3A_328, %lt3A_346 : vector<16xi32>
        %add3A_348 = arith.constant 16 : i32
        %add3A_349 = vector.broadcast %add3A_348 : i32 to vector<16xi32>
        %add3A_350 = arith.addi %max3A_328, %add3A_349 : vector<16xi32>
        %select_n3A_351 = arith.select %lt3A_347, %add3A_350, %max3A_328 : vector<16xi1>, vector<16xi32>
        %broadcast_in_dim3A_352 = vector.shape_cast %select_n3A_351 : vector<16xi32> to vector<16x1xi32>
        %gather3A_353 = vector.shape_cast %broadcast_in_dim3A_352 : vector<16x1xi32> to vector<16xi32>
        %gather3A_354 = tpu.dynamic_gather %rev3A_320[%gather3A_353] in [0] : vector<16xi32>, vector<16xi32> -> vector<16xi32>
        %mul3A_355 = arith.constant 16 : i32
        %mul3A_356 = arith.muli %max3A_306, %mul3A_355 : i32
        %add3A_357 = vector.broadcast %mul3A_356 : i32 to vector<16xi32>
        %add3A_358 = arith.addi %add3A_357, %max3A_328 : vector<16xi32>
        %select_n3A_359 = arith.select %and3A_335, %add3A_358, %scan3A_301 : vector<16xi1>, vector<16xi32>
        %add3A_360 = arith.addi %scan3A_300, %gather3A_354 : vector<16xi32>
        %sub3A_361 = arith.subi %add3A_360, %gather3A_344 : vector<16xi32>
        %select_n3A_362 = arith.select %and3A_335, %sub3A_361, %scan3A_302 : vector<16xi1>, vector<16xi32>
        %select_n3A_363 = arith.select %and3A_335, %gather3A_344, %scan3A_303 : vector<16xi1>, vector<16xi32>
        %jit3A_364 = arith.constant 1 : i32
        %broadcast_in_dim3A_365 = vector.broadcast %jit3A_364 : i32 to vector<16xi32>
        %select_n3A_366 = arith.select %and3A_335, %broadcast_in_dim3A_365, %scan3A_304 : vector<16xi1>, vector<16xi32>
        %eq3A_367 = arith.constant 0 : i32
        %eq3A_368 = vector.broadcast %eq3A_367 : i32 to vector<16xi32>
        %eq3A_369 = arith.cmpi eq, %scan3A_304, %eq3A_368 : vector<16xi32>
        %lt3A_370 = arith.constant 0 : i32
        %lt3A_371 = vector.broadcast %lt3A_370 : i32 to vector<16xi32>
        %lt3A_372 = arith.cmpi slt, %broadcast_in_dim3A_89, %lt3A_371 : vector<16xi32>
        %add3A_373 = arith.constant 16 : i32
        %add3A_374 = vector.broadcast %add3A_373 : i32 to vector<16xi32>
        %add3A_375 = arith.addi %broadcast_in_dim3A_89, %add3A_374 : vector<16xi32>
        %select_n3A_376 = arith.select %lt3A_372, %add3A_375, %broadcast_in_dim3A_89 : vector<16xi1>, vector<16xi32>
        %broadcast_in_dim3A_377 = vector.shape_cast %select_n3A_376 : vector<16xi32> to vector<16x1xi32>
        %gather3A_378 = vector.shape_cast %broadcast_in_dim3A_377 : vector<16x1xi32> to vector<16xi32>
        %gather3A_379 = tpu.dynamic_gather %rev3A_320[%gather3A_378] in [0] : vector<16xi32>, vector<16xi32> -> vector<16xi32>
        %add3A_380 = arith.addi %scan3A_300, %gather3A_379 : vector<16xi32>
        %select_n3A_381 = arith.select %eq3A_369, %add3A_380, %scan3A_300 : vector<16xi1>, vector<16xi32>
        scf.yield %select_n3A_381, %select_n3A_359, %select_n3A_362, %select_n3A_363, %select_n3A_366 : vector<16xi32>, vector<16xi32>, vector<16xi32>, vector<16xi32>, vector<16xi32>
      }
      %scan3A_95 = arith.constant 4 : i32
      %sub3A_96 = arith.constant 1024 : i32
      %sub3A_97 = vector.broadcast %sub3A_96 : i32 to vector<16xi32>
      %sub3A_98 = arith.subi %scan3A_94#1, %sub3A_97 : vector<16xi32>
      %broadcast_in_dim3A_99 = arith.constant 0 : i32
      %broadcast_in_dim3A_100 = vector.broadcast %broadcast_in_dim3A_99 : i32 to vector<16xi32>
      %mul3A_101 = arith.constant 1025 : i32
      %mul3A_102 = vector.broadcast %mul3A_101 : i32 to vector<16xi32>
      %mul3A_103 = arith.muli %iota3A, %mul3A_102 : vector<16xi32>
      %parallel_loop3A_104 = arith.constant 0 : i32
      %parallel_loop3A_105 = arith.constant 1024 : i32
      %parallel_loop3A_106 = arith.constant 1 : i32
      %parallel_loop3A_107:2 = scf.for %parallel_loop3A_299 = %parallel_loop3A_104 to %parallel_loop3A_105 step %parallel_loop3A_106 iter_args(%parallel_loop3A_300 = %broadcast_in_dim3A_100, %parallel_loop3A_301 = %broadcast_in_dim3A_100) -> (vector<16xi32>, vector<16xi32>)  : i32 {
        %parallel_loop3A_302 = arith.constant 16 : i32
        %parallel_loop3A_303 = arith.muli %parallel_loop3A_299, %parallel_loop3A_302 : i32
        %parallel_loop3A_304 = arith.index_cast %parallel_loop3A_303 : i32 to index
        %parallel_loop3A_305 = tpu.vector_load %arg4[%parallel_loop3A_304] {strides = array<i32>} : memref<16384xf32, #tpu.memory_space<vmem>>, vector<16xf32>,
        %parallel_loop3A_306 = tpu.bitcast %parallel_loop3A_305 : vector<16xf32> -> vector<16xi32>
        %parallel_loop3A_307 = arith.constant 0 : i32
        %parallel_loop3A_308 = vector.broadcast %parallel_loop3A_307 : i32 to vector<16xi32>
        %parallel_loop3A_309 = arith.cmpi slt, %parallel_loop3A_306, %parallel_loop3A_308 : vector<16xi32>
        %parallel_loop3A_310 = arith.constant 2147483647 : i32
        %parallel_loop3A_311 = vector.broadcast %parallel_loop3A_310 : i32 to vector<16xi32>
        %parallel_loop3A_312 = arith.xori %parallel_loop3A_306, %parallel_loop3A_311 : vector<16xi32>
        %parallel_loop3A_313 = arith.select %parallel_loop3A_309, %parallel_loop3A_312, %parallel_loop3A_306 : vector<16xi1>, vector<16xi32>
        %parallel_loop3A_314 = arith.constant 21 : i32
        %parallel_loop3A_315 = vector.broadcast %parallel_loop3A_314 : i32 to vector<16xi32>
        %parallel_loop3A_316 = arith.shrsi %parallel_loop3A_313, %parallel_loop3A_315 : vector<16xi32>
        %parallel_loop3A_317 = arith.cmpi eq, %parallel_loop3A_316, %sub3A_98 : vector<16xi32>
        %parallel_loop3A_318 = arith.addi %mul3A_103, %parallel_loop3A_301 : vector<16xi32>
        tpu.vector_store_idx %arg6[%parallel_loop3A_318], %parallel_loop3A_313 masked %parallel_loop3A_317 : memref<16400xi32, #tpu.memory_space<vmem>>[vector<16xi32>], vector<16xi32>, vector<16xi1>
        %parallel_loop3A_319 = arith.cmpi sgt, %parallel_loop3A_316, %sub3A_98 : vector<16xi32>
        %parallel_loop3A_320 = arith.constant 1 : i32
        %parallel_loop3A_321 = arith.constant 0 : i32
        %parallel_loop3A_322 = vector.broadcast %parallel_loop3A_320 : i32 to vector<16xi32>
        %parallel_loop3A_323 = vector.broadcast %parallel_loop3A_321 : i32 to vector<16xi32>
        %parallel_loop3A_324 = arith.select %parallel_loop3A_319, %parallel_loop3A_322, %parallel_loop3A_323 : vector<16xi1>, vector<16xi32>
        %parallel_loop3A_325 = arith.addi %parallel_loop3A_300, %parallel_loop3A_324 : vector<16xi32>
        %parallel_loop3A_326 = arith.constant 1 : i32
        %parallel_loop3A_327 = arith.constant 0 : i32
        %parallel_loop3A_328 = vector.broadcast %parallel_loop3A_326 : i32 to vector<16xi32>
        %parallel_loop3A_329 = vector.broadcast %parallel_loop3A_327 : i32 to vector<16xi32>
        %parallel_loop3A_330 = arith.select %parallel_loop3A_317, %parallel_loop3A_328, %parallel_loop3A_329 : vector<16xi1>, vector<16xi32>
        %parallel_loop3A_331 = arith.addi %parallel_loop3A_301, %parallel_loop3A_330 : vector<16xi32>
        scf.yield %parallel_loop3A_325, %parallel_loop3A_331 : vector<16xi32>, vector<16xi32>
      } {sc.loop_unroll_factor = 8 : i64, sc.parallel_access}
      %reduce_sum3A = arith.constant true
      %reduce_sum3A_108 = vector.broadcast %reduce_sum3A : i1 to vector<16xi1>
      %reduce_sum3A_109 = tpu.scan <sum>, %parallel_loop3A_107#0 masked %reduce_sum3A_108 : vector<16xi32>, vector<16xi1> -> vector<16xi32>
      %reduce_sum3A_110 = vector.extract %reduce_sum3A_109[15] : i32 from vector<16xi32>
      %reduce_sum3A_111 = arith.constant true
      %reduce_sum3A_112 = vector.broadcast %reduce_sum3A_111 : i1 to vector<16xi1>
      %reduce_sum3A_113 = tpu.scan <sum>, %parallel_loop3A_107#1 masked %reduce_sum3A_112 : vector<16xi32>, vector<16xi1> -> vector<16xi32>
      %reduce_sum3A_114 = vector.extract %reduce_sum3A_113[15] : i32 from vector<16xi32>
      %reduce_max3A_115 = arith.constant true
      %reduce_max3A_116 = vector.broadcast %reduce_max3A_115 : i1 to vector<16xi1>
      %reduce_max3A_117 = arith.constant -2147483648 : i32
      %reduce_max3A_118 = vector.broadcast %reduce_max3A_117 : i32 to vector<16xi32>
      %reduce_max3A_119 = arith.xori %parallel_loop3A_107#1, %reduce_max3A_118 : vector<16xi32>
      %reduce_max3A_120 = tpu.scan <max>, %reduce_max3A_119 masked %reduce_max3A_116 : vector<16xi32>, vector<16xi1> -> vector<16xi32>
      %reduce_max3A_121 = arith.xori %reduce_max3A_120, %reduce_max3A_118 : vector<16xi32>
      %reduce_max3A_122 = vector.extract %reduce_max3A_121[15] : i32 from vector<16xi32>
      %lt3A = arith.constant 100 : i32
      %lt3A_123 = arith.cmpi slt, %reduce_sum3A_110, %lt3A : i32
      %add3A_124 = arith.addi %reduce_sum3A_110, %reduce_sum3A_114 : i32
      %ge3A = arith.constant 100 : i32
      %ge3A_125 = arith.cmpi sge, %add3A_124, %ge3A : i32
      %and3A_126 = arith.andi %lt3A_123, %ge3A_125 : i1
      %le3A = arith.constant 32 : i32
      %le3A_127 = arith.cmpi sle, %reduce_max3A_122, %le3A : i32
      %and3A_128 = arith.andi %and3A_126, %le3A_127 : i1
      %convert_element_type3A_129 = arith.extui %and3A_128 : i1 to i32
      %cond3A_130 = arith.constant 0 : i32
      %cond3A_131 = arith.constant 0 : i32
      %cond3A_132 = arith.cmpi ne, %convert_element_type3A_129, %cond3A_131 : i32
      %cond3A_133:3 = scf.if %cond3A_132 -> (vector<16xi32>, vector<16xi32>, vector<16xi32>) {
        %sub3A_299 = vector.broadcast %reduce_sum3A_110 : i32 to vector<16xi32>
        %sub3A_300 = arith.subi %broadcast_in_dim3A_51, %sub3A_299 : vector<16xi32>
        %broadcast_in_dim3A_301 = arith.constant 0 : i32
        %broadcast_in_dim3A_302 = vector.broadcast %broadcast_in_dim3A_301 : i32 to vector<16xi32>
        %parallel_loop3A_303 = arith.constant 0 : i32
        %parallel_loop3A_304 = arith.constant 8 : i32
        %parallel_loop3A_305 = arith.constant 1 : i32
        scf.for %parallel_loop3A_362 = %parallel_loop3A_303 to %parallel_loop3A_304 step %parallel_loop3A_305  : i32 {
          %parallel_loop3A_363 = arith.constant 16 : i32
          %parallel_loop3A_364 = arith.muli %parallel_loop3A_362, %parallel_loop3A_363 : i32
          %parallel_loop3A_365 = arith.index_cast %parallel_loop3A_364 : i32 to index
          %parallel_loop3A_366 = tpu.vector_load %arg7[%parallel_loop3A_365] {strides = array<i32>} : memref<2048xi32, #tpu.memory_space<vmem>>, vector<16xi32>,
          tpu.vector_store %arg7[%parallel_loop3A_365], %broadcast_in_dim3A_302 {strides = array<i32>} : memref<2048xi32, #tpu.memory_space<vmem>>, vector<16xi32>,
        } {sc.loop_unroll_factor = 4 : i64, sc.parallel_access}
        %parallel_loop3A_306 = arith.constant 0 : i32
        %parallel_loop3A_307 = arith.constant 32 : i32
        %parallel_loop3A_308 = arith.constant 1 : i32
        scf.for %parallel_loop3A_362 = %parallel_loop3A_306 to %parallel_loop3A_307 step %parallel_loop3A_308  : i32 {
          %parallel_loop3A_363 = vector.broadcast %parallel_loop3A_362 : i32 to vector<16xi32>
          %parallel_loop3A_364 = arith.addi %mul3A_103, %parallel_loop3A_363 : vector<16xi32>
          %parallel_loop3A_365 = tpu.vector_load_idx %arg6[%parallel_loop3A_364] : memref<16400xi32, #tpu.memory_space<vmem>>[vector<16xi32>], vector<16xi32>,
          %parallel_loop3A_366 = vector.broadcast %parallel_loop3A_362 : i32 to vector<16xi32>
          %parallel_loop3A_367 = arith.cmpi slt, %parallel_loop3A_366, %parallel_loop3A_107#1 : vector<16xi32>
          %parallel_loop3A_368 = arith.constant true
          %parallel_loop3A_369 = vector.broadcast %parallel_loop3A_368 : i1 to vector<16xi1>
          %parallel_loop3A_370 = arith.andi %parallel_loop3A_367, %parallel_loop3A_369 : vector<16xi1>
          %parallel_loop3A_371 = arith.constant 14 : i32
          %parallel_loop3A_372 = vector.broadcast %parallel_loop3A_371 : i32 to vector<16xi32>
          %parallel_loop3A_373 = arith.shrsi %parallel_loop3A_365, %parallel_loop3A_372 : vector<16xi32>
          %parallel_loop3A_374 = arith.constant 127 : i32
          %parallel_loop3A_375 = vector.broadcast %parallel_loop3A_374 : i32 to vector<16xi32>
          %parallel_loop3A_376 = arith.andi %parallel_loop3A_373, %parallel_loop3A_375 : vector<16xi32>
          tpu.vector_store_idx %arg7[%parallel_loop3A_376], %broadcast_in_dim3A_3 masked %parallel_loop3A_370 {add = true} : memref<2048xi32, #tpu.memory_space<vmem>>[vector<16xi32>], vector<16xi32>, vector<16xi1>
        } {sc.loop_unroll_factor = 4 : i64, sc.parallel_access}
        %broadcast_in_dim3A_309 = arith.constant 0 : i32
        %broadcast_in_dim3A_310 = vector.broadcast %broadcast_in_dim3A_309 : i32 to vector<16xi32>
        %scan3A_311 = arith.constant 0 : i32
        %scan3A_312 = arith.constant 8 : i32
        %scan3A_313 = arith.addi %scan3A_311, %scan3A_312 : i32
        %scan3A_314 = arith.constant 1 : i32
        %scan3A_315:5 = scf.for %scan3A_362 = %scan3A_311 to %scan3A_313 step %scan3A_314 iter_args(%scan3A_363 = %broadcast_in_dim3A_310, %scan3A_364 = %broadcast_in_dim3A_310, %scan3A_365 = %broadcast_in_dim3A_310, %scan3A_366 = %broadcast_in_dim3A_310, %scan3A_367 = %broadcast_in_dim3A_310) -> (vector<16xi32>, vector<16xi32>, vector<16xi32>, vector<16xi32>, vector<16xi32>)  : i32 {
          %sub3A_368 = arith.constant 7 : i32
          %sub3A_369 = arith.subi %sub3A_368, %scan3A_362 : i32
          %max3A = arith.constant 0 : i32
          %max3A_370 = arith.maxsi %sub3A_369, %max3A : i32
          %mul3A_371 = arith.constant 16 : i32
          %mul3A_372 = arith.muli %max3A_370, %mul3A_371 : i32
          %get3A = arith.index_cast %mul3A_372 : i32 to index
          %get3A_373 = tpu.vector_load %arg7[%get3A] {strides = array<i32>} : memref<2048xi32, #tpu.memory_space<vmem>>, vector<16xi32>,
          %rev3A = arith.constant 15 : i32
          %rev3A_374 = vector.broadcast %rev3A : i32 to vector<16xi32>
          %rev3A_375 = tpu.iota {dimensions = array<i32: 0>} : vector<16xi32>
          %rev3A_376 = arith.subi %rev3A_374, %rev3A_375 : vector<16xi32>
          %rev3A_377 = tpu.dynamic_gather %get3A_373[%rev3A_376] in [0] : vector<16xi32>, vector<16xi32> -> vector<16xi32>
          %broadcast_in_dim3A_378 = arith.constant true
          %broadcast_in_dim3A_379 = vector.broadcast %broadcast_in_dim3A_378 : i1 to vector<16xi1>
          %masked_cumsum3A = tpu.scan <sum>, %rev3A_377 masked %broadcast_in_dim3A_379 : vector<16xi32>, vector<16xi1> -> vector<16xi32>
          %rev3A_380 = arith.constant 15 : i32
          %rev3A_381 = vector.broadcast %rev3A_380 : i32 to vector<16xi32>
          %rev3A_382 = tpu.iota {dimensions = array<i32: 0>} : vector<16xi32>
          %rev3A_383 = arith.subi %rev3A_381, %rev3A_382 : vector<16xi32>
          %rev3A_384 = tpu.dynamic_gather %masked_cumsum3A[%rev3A_383] in [0] : vector<16xi32>, vector<16xi32> -> vector<16xi32>
          %add3A_385 = arith.addi %scan3A_363, %rev3A_384 : vector<16xi32>
          %ge3A_386 = arith.cmpi sge, %add3A_385, %sub3A_300 : vector<16xi32>
          %all_reduce_population_count3A = tpu.all_reduce %ge3A_386 {dim = 0 : i64, kind = #tpu.reduction_kind<sum>} : vector<16xi1> -> vector<16xi32>
          %sub3A_387 = arith.constant 1 : i32
          %sub3A_388 = vector.broadcast %sub3A_387 : i32 to vector<16xi32>
          %sub3A_389 = arith.subi %all_reduce_population_count3A, %sub3A_388 : vector<16xi32>
          %max3A_390 = arith.constant 0 : i32
          %max3A_391 = vector.broadcast %max3A_390 : i32 to vector<16xi32>
          %max3A_392 = arith.maxsi %sub3A_389, %max3A_391 : vector<16xi32>
          %gt3A_393 = arith.constant 0 : i32
          %gt3A_394 = vector.broadcast %gt3A_393 : i32 to vector<16xi32>
          %gt3A_395 = arith.cmpi sgt, %all_reduce_population_count3A, %gt3A_394 : vector<16xi32>
          %eq3A_396 = arith.constant 0 : i32
          %eq3A_397 = vector.broadcast %eq3A_396 : i32 to vector<16xi32>
          %eq3A_398 = arith.cmpi eq, %scan3A_367, %eq3A_397 : vector<16xi32>
          %and3A_399 = arith.andi %gt3A_395, %eq3A_398 : vector<16xi1>
          %lt3A_400 = arith.constant 0 : i32
          %lt3A_401 = vector.broadcast %lt3A_400 : i32 to vector<16xi32>
          %lt3A_402 = arith.cmpi slt, %max3A_392, %lt3A_401 : vector<16xi32>
          %add3A_403 = arith.constant 16 : i32
          %add3A_404 = vector.broadcast %add3A_403 : i32 to vector<16xi32>
          %add3A_405 = arith.addi %max3A_392, %add3A_404 : vector<16xi32>
          %select_n3A_406 = arith.select %lt3A_402, %add3A_405, %max3A_392 : vector<16xi1>, vector<16xi32>
          %broadcast_in_dim3A_407 = vector.shape_cast %select_n3A_406 : vector<16xi32> to vector<16x1xi32>
          %gather3A = vector.shape_cast %broadcast_in_dim3A_407 : vector<16x1xi32> to vector<16xi32>
          %gather3A_408 = tpu.dynamic_gather %get3A_373[%gather3A] in [0] : vector<16xi32>, vector<16xi32> -> vector<16xi32>
          %lt3A_409 = arith.constant 0 : i32
          %lt3A_410 = vector.broadcast %lt3A_409 : i32 to vector<16xi32>
          %lt3A_411 = arith.cmpi slt, %max3A_392, %lt3A_410 : vector<16xi32>
          %add3A_412 = arith.constant 16 : i32
          %add3A_413 = vector.broadcast %add3A_412 : i32 to vector<16xi32>
          %add3A_414 = arith.addi %max3A_392, %add3A_413 : vector<16xi32>
          %select_n3A_415 = arith.select %lt3A_411, %add3A_414, %max3A_392 : vector<16xi1>, vector<16xi32>
          %broadcast_in_dim3A_416 = vector.shape_cast %select_n3A_415 : vector<16xi32> to vector<16x1xi32>
          %gather3A_417 = vector.shape_cast %broadcast_in_dim3A_416 : vector<16x1xi32> to vector<16xi32>
          %gather3A_418 = tpu.dynamic_gather %rev3A_384[%gather3A_417] in [0] : vector<16xi32>, vector<16xi32> -> vector<16xi32>
          %mul3A_419 = arith.constant 16 : i32
          %mul3A_420 = arith.muli %max3A_370, %mul3A_419 : i32
          %add3A_421 = vector.broadcast %mul3A_420 : i32 to vector<16xi32>
          %add3A_422 = arith.addi %add3A_421, %max3A_392 : vector<16xi32>
          %select_n3A_423 = arith.select %and3A_399, %add3A_422, %scan3A_364 : vector<16xi1>, vector<16xi32>
          %add3A_424 = arith.addi %scan3A_363, %gather3A_418 : vector<16xi32>
          %sub3A_425 = arith.subi %add3A_424, %gather3A_408 : vector<16xi32>
          %select_n3A_426 = arith.select %and3A_399, %sub3A_425, %scan3A_365 : vector<16xi1>, vector<16xi32>
          %select_n3A_427 = arith.select %and3A_399, %gather3A_408, %scan3A_366 : vector<16xi1>, vector<16xi32>
          %jit3A_428 = arith.constant 1 : i32
          %broadcast_in_dim3A_429 = vector.broadcast %jit3A_428 : i32 to vector<16xi32>
          %select_n3A_430 = arith.select %and3A_399, %broadcast_in_dim3A_429, %scan3A_367 : vector<16xi1>, vector<16xi32>
          %eq3A_431 = arith.constant 0 : i32
          %eq3A_432 = vector.broadcast %eq3A_431 : i32 to vector<16xi32>
          %eq3A_433 = arith.cmpi eq, %scan3A_367, %eq3A_432 : vector<16xi32>
          %lt3A_434 = arith.constant 0 : i32
          %lt3A_435 = vector.broadcast %lt3A_434 : i32 to vector<16xi32>
          %lt3A_436 = arith.cmpi slt, %broadcast_in_dim3A_310, %lt3A_435 : vector<16xi32>
          %add3A_437 = arith.constant 16 : i32
          %add3A_438 = vector.broadcast %add3A_437 : i32 to vector<16xi32>
          %add3A_439 = arith.addi %broadcast_in_dim3A_310, %add3A_438 : vector<16xi32>
          %select_n3A_440 = arith.select %lt3A_436, %add3A_439, %broadcast_in_dim3A_310 : vector<16xi1>, vector<16xi32>
          %broadcast_in_dim3A_441 = vector.shape_cast %select_n3A_440 : vector<16xi32> to vector<16x1xi32>
          %gather3A_442 = vector.shape_cast %broadcast_in_dim3A_441 : vector<16x1xi32> to vector<16xi32>
          %gather3A_443 = tpu.dynamic_gather %rev3A_384[%gather3A_442] in [0] : vector<16xi32>, vector<16xi32> -> vector<16xi32>
          %add3A_444 = arith.addi %scan3A_363, %gather3A_443 : vector<16xi32>
          %select_n3A_445 = arith.select %eq3A_433, %add3A_444, %scan3A_363 : vector<16xi1>, vector<16xi32>
          scf.yield %select_n3A_445, %select_n3A_423, %select_n3A_426, %select_n3A_427, %select_n3A_430 : vector<16xi32>, vector<16xi32>, vector<16xi32>, vector<16xi32>, vector<16xi32>
        }
        %scan3A_316 = arith.constant 8 : i32
        %sub3A_317 = arith.subi %sub3A_300, %scan3A_315#2 : vector<16xi32>
        %broadcast_in_dim3A_318 = arith.constant 0 : i32
        %broadcast_in_dim3A_319 = vector.broadcast %broadcast_in_dim3A_318 : i32 to vector<16xi32>
        %parallel_loop3A_320 = arith.constant 0 : i32
        %parallel_loop3A_321 = arith.constant 8 : i32
        %parallel_loop3A_322 = arith.constant 1 : i32
        scf.for %parallel_loop3A_362 = %parallel_loop3A_320 to %parallel_loop3A_321 step %parallel_loop3A_322  : i32 {
          %parallel_loop3A_363 = arith.constant 16 : i32
          %parallel_loop3A_364 = arith.muli %parallel_loop3A_362, %parallel_loop3A_363 : i32
          %parallel_loop3A_365 = arith.index_cast %parallel_loop3A_364 : i32 to index
          %parallel_loop3A_366 = tpu.vector_load %arg7[%parallel_loop3A_365] {strides = array<i32>} : memref<2048xi32, #tpu.memory_space<vmem>>, vector<16xi32>,
          tpu.vector_store %arg7[%parallel_loop3A_365], %broadcast_in_dim3A_319 {strides = array<i32>} : memref<2048xi32, #tpu.memory_space<vmem>>, vector<16xi32>,
        } {sc.loop_unroll_factor = 4 : i64, sc.parallel_access}
        %parallel_loop3A_323 = arith.constant 0 : i32
        %parallel_loop3A_324 = arith.constant 32 : i32
        %parallel_loop3A_325 = arith.constant 1 : i32
        scf.for %parallel_loop3A_362 = %parallel_loop3A_323 to %parallel_loop3A_324 step %parallel_loop3A_325  : i32 {
          %parallel_loop3A_363 = vector.broadcast %parallel_loop3A_362 : i32 to vector<16xi32>
          %parallel_loop3A_364 = arith.addi %mul3A_103, %parallel_loop3A_363 : vector<16xi32>
          %parallel_loop3A_365 = tpu.vector_load_idx %arg6[%parallel_loop3A_364] : memref<16400xi32, #tpu.memory_space<vmem>>[vector<16xi32>], vector<16xi32>,
          %parallel_loop3A_366 = vector.broadcast %parallel_loop3A_362 : i32 to vector<16xi32>
          %parallel_loop3A_367 = arith.cmpi slt, %parallel_loop3A_366, %parallel_loop3A_107#1 : vector<16xi32>
          %parallel_loop3A_368 = arith.constant 14 : i32
          %parallel_loop3A_369 = vector.broadcast %parallel_loop3A_368 : i32 to vector<16xi32>
          %parallel_loop3A_370 = arith.shrsi %parallel_loop3A_365, %parallel_loop3A_369 : vector<16xi32>
          %parallel_loop3A_371 = arith.constant 127 : i32
          %parallel_loop3A_372 = vector.broadcast %parallel_loop3A_371 : i32 to vector<16xi32>
          %parallel_loop3A_373 = arith.andi %parallel_loop3A_370, %parallel_loop3A_372 : vector<16xi32>
          %parallel_loop3A_374 = arith.cmpi eq, %parallel_loop3A_373, %scan3A_315#1 : vector<16xi32>
          %parallel_loop3A_375 = arith.andi %parallel_loop3A_367, %parallel_loop3A_374 : vector<16xi1>
          %parallel_loop3A_376 = arith.constant 7 : i32
          %parallel_loop3A_377 = vector.broadcast %parallel_loop3A_376 : i32 to vector<16xi32>
          %parallel_loop3A_378 = arith.shrsi %parallel_loop3A_365, %parallel_loop3A_377 : vector<16xi32>
          %parallel_loop3A_379 = arith.constant 127 : i32
          %parallel_loop3A_380 = vector.broadcast %parallel_loop3A_379 : i32 to vector<16xi32>
          %parallel_loop3A_381 = arith.andi %parallel_loop3A_378, %parallel_loop3A_380 : vector<16xi32>
          tpu.vector_store_idx %arg7[%parallel_loop3A_381], %broadcast_in_dim3A_3 masked %parallel_loop3A_375 {add = true} : memref<2048xi32, #tpu.memory_space<vmem>>[vector<16xi32>], vector<16xi32>, vector<16xi1>
        } {sc.loop_unroll_factor = 4 : i64, sc.parallel_access}
        %broadcast_in_dim3A_326 = arith.constant 0 : i32
        %broadcast_in_dim3A_327 = vector.broadcast %broadcast_in_dim3A_326 : i32 to vector<16xi32>
        %scan3A_328 = arith.constant 0 : i32
        %scan3A_329 = arith.constant 8 : i32
        %scan3A_330 = arith.addi %scan3A_328, %scan3A_329 : i32
        %scan3A_331 = arith.constant 1 : i32
        %scan3A_332:5 = scf.for %scan3A_362 = %scan3A_328 to %scan3A_330 step %scan3A_331 iter_args(%scan3A_363 = %broadcast_in_dim3A_327, %scan3A_364 = %broadcast_in_dim3A_327, %scan3A_365 = %broadcast_in_dim3A_327, %scan3A_366 = %broadcast_in_dim3A_327, %scan3A_367 = %broadcast_in_dim3A_327) -> (vector<16xi32>, vector<16xi32>, vector<16xi32>, vector<16xi32>, vector<16xi32>)  : i32 {
          %sub3A_368 = arith.constant 7 : i32
          %sub3A_369 = arith.subi %sub3A_368, %scan3A_362 : i32
          %max3A = arith.constant 0 : i32
          %max3A_370 = arith.maxsi %sub3A_369, %max3A : i32
          %mul3A_371 = arith.constant 16 : i32
          %mul3A_372 = arith.muli %max3A_370, %mul3A_371 : i32
          %get3A = arith.index_cast %mul3A_372 : i32 to index
          %get3A_373 = tpu.vector_load %arg7[%get3A] {strides = array<i32>} : memref<2048xi32, #tpu.memory_space<vmem>>, vector<16xi32>,
          %rev3A = arith.constant 15 : i32
          %rev3A_374 = vector.broadcast %rev3A : i32 to vector<16xi32>
          %rev3A_375 = tpu.iota {dimensions = array<i32: 0>} : vector<16xi32>
          %rev3A_376 = arith.subi %rev3A_374, %rev3A_375 : vector<16xi32>
          %rev3A_377 = tpu.dynamic_gather %get3A_373[%rev3A_376] in [0] : vector<16xi32>, vector<16xi32> -> vector<16xi32>
          %broadcast_in_dim3A_378 = arith.constant true
          %broadcast_in_dim3A_379 = vector.broadcast %broadcast_in_dim3A_378 : i1 to vector<16xi1>
          %masked_cumsum3A = tpu.scan <sum>, %rev3A_377 masked %broadcast_in_dim3A_379 : vector<16xi32>, vector<16xi1> -> vector<16xi32>
          %rev3A_380 = arith.constant 15 : i32
          %rev3A_381 = vector.broadcast %rev3A_380 : i32 to vector<16xi32>
          %rev3A_382 = tpu.iota {dimensions = array<i32: 0>} : vector<16xi32>
          %rev3A_383 = arith.subi %rev3A_381, %rev3A_382 : vector<16xi32>
          %rev3A_384 = tpu.dynamic_gather %masked_cumsum3A[%rev3A_383] in [0] : vector<16xi32>, vector<16xi32> -> vector<16xi32>
          %add3A_385 = arith.addi %scan3A_363, %rev3A_384 : vector<16xi32>
          %ge3A_386 = arith.cmpi sge, %add3A_385, %sub3A_317 : vector<16xi32>
          %all_reduce_population_count3A = tpu.all_reduce %ge3A_386 {dim = 0 : i64, kind = #tpu.reduction_kind<sum>} : vector<16xi1> -> vector<16xi32>
          %sub3A_387 = arith.constant 1 : i32
          %sub3A_388 = vector.broadcast %sub3A_387 : i32 to vector<16xi32>
          %sub3A_389 = arith.subi %all_reduce_population_count3A, %sub3A_388 : vector<16xi32>
          %max3A_390 = arith.constant 0 : i32
          %max3A_391 = vector.broadcast %max3A_390 : i32 to vector<16xi32>
          %max3A_392 = arith.maxsi %sub3A_389, %max3A_391 : vector<16xi32>
          %gt3A_393 = arith.constant 0 : i32
          %gt3A_394 = vector.broadcast %gt3A_393 : i32 to vector<16xi32>
          %gt3A_395 = arith.cmpi sgt, %all_reduce_population_count3A, %gt3A_394 : vector<16xi32>
          %eq3A_396 = arith.constant 0 : i32
          %eq3A_397 = vector.broadcast %eq3A_396 : i32 to vector<16xi32>
          %eq3A_398 = arith.cmpi eq, %scan3A_367, %eq3A_397 : vector<16xi32>
          %and3A_399 = arith.andi %gt3A_395, %eq3A_398 : vector<16xi1>
          %lt3A_400 = arith.constant 0 : i32
          %lt3A_401 = vector.broadcast %lt3A_400 : i32 to vector<16xi32>
          %lt3A_402 = arith.cmpi slt, %max3A_392, %lt3A_401 : vector<16xi32>
          %add3A_403 = arith.constant 16 : i32
          %add3A_404 = vector.broadcast %add3A_403 : i32 to vector<16xi32>
          %add3A_405 = arith.addi %max3A_392, %add3A_404 : vector<16xi32>
          %select_n3A_406 = arith.select %lt3A_402, %add3A_405, %max3A_392 : vector<16xi1>, vector<16xi32>
          %broadcast_in_dim3A_407 = vector.shape_cast %select_n3A_406 : vector<16xi32> to vector<16x1xi32>
          %gather3A = vector.shape_cast %broadcast_in_dim3A_407 : vector<16x1xi32> to vector<16xi32>
          %gather3A_408 = tpu.dynamic_gather %get3A_373[%gather3A] in [0] : vector<16xi32>, vector<16xi32> -> vector<16xi32>
          %lt3A_409 = arith.constant 0 : i32
          %lt3A_410 = vector.broadcast %lt3A_409 : i32 to vector<16xi32>
          %lt3A_411 = arith.cmpi slt, %max3A_392, %lt3A_410 : vector<16xi32>
          %add3A_412 = arith.constant 16 : i32
          %add3A_413 = vector.broadcast %add3A_412 : i32 to vector<16xi32>
          %add3A_414 = arith.addi %max3A_392, %add3A_413 : vector<16xi32>
          %select_n3A_415 = arith.select %lt3A_411, %add3A_414, %max3A_392 : vector<16xi1>, vector<16xi32>
          %broadcast_in_dim3A_416 = vector.shape_cast %select_n3A_415 : vector<16xi32> to vector<16x1xi32>
          %gather3A_417 = vector.shape_cast %broadcast_in_dim3A_416 : vector<16x1xi32> to vector<16xi32>
          %gather3A_418 = tpu.dynamic_gather %rev3A_384[%gather3A_417] in [0] : vector<16xi32>, vector<16xi32> -> vector<16xi32>
          %mul3A_419 = arith.constant 16 : i32
          %mul3A_420 = arith.muli %max3A_370, %mul3A_419 : i32
          %add3A_421 = vector.broadcast %mul3A_420 : i32 to vector<16xi32>
          %add3A_422 = arith.addi %add3A_421, %max3A_392 : vector<16xi32>
          %select_n3A_423 = arith.select %and3A_399, %add3A_422, %scan3A_364 : vector<16xi1>, vector<16xi32>
          %add3A_424 = arith.addi %scan3A_363, %gather3A_418 : vector<16xi32>
          %sub3A_425 = arith.subi %add3A_424, %gather3A_408 : vector<16xi32>
          %select_n3A_426 = arith.select %and3A_399, %sub3A_425, %scan3A_365 : vector<16xi1>, vector<16xi32>
          %select_n3A_427 = arith.select %and3A_399, %gather3A_408, %scan3A_366 : vector<16xi1>, vector<16xi32>
          %jit3A_428 = arith.constant 1 : i32
          %broadcast_in_dim3A_429 = vector.broadcast %jit3A_428 : i32 to vector<16xi32>
          %select_n3A_430 = arith.select %and3A_399, %broadcast_in_dim3A_429, %scan3A_367 : vector<16xi1>, vector<16xi32>
          %eq3A_431 = arith.constant 0 : i32
          %eq3A_432 = vector.broadcast %eq3A_431 : i32 to vector<16xi32>
          %eq3A_433 = arith.cmpi eq, %scan3A_367, %eq3A_432 : vector<16xi32>
          %lt3A_434 = arith.constant 0 : i32
          %lt3A_435 = vector.broadcast %lt3A_434 : i32 to vector<16xi32>
          %lt3A_436 = arith.cmpi slt, %broadcast_in_dim3A_327, %lt3A_435 : vector<16xi32>
          %add3A_437 = arith.constant 16 : i32
          %add3A_438 = vector.broadcast %add3A_437 : i32 to vector<16xi32>
          %add3A_439 = arith.addi %broadcast_in_dim3A_327, %add3A_438 : vector<16xi32>
          %select_n3A_440 = arith.select %lt3A_436, %add3A_439, %broadcast_in_dim3A_327 : vector<16xi1>, vector<16xi32>
          %broadcast_in_dim3A_441 = vector.shape_cast %select_n3A_440 : vector<16xi32> to vector<16x1xi32>
          %gather3A_442 = vector.shape_cast %broadcast_in_dim3A_441 : vector<16x1xi32> to vector<16xi32>
          %gather3A_443 = tpu.dynamic_gather %rev3A_384[%gather3A_442] in [0] : vector<16xi32>, vector<16xi32> -> vector<16xi32>
          %add3A_444 = arith.addi %scan3A_363, %gather3A_443 : vector<16xi32>
          %select_n3A_445 = arith.select %eq3A_433, %add3A_444, %scan3A_363 : vector<16xi1>, vector<16xi32>
          scf.yield %select_n3A_445, %select_n3A_423, %select_n3A_426, %select_n3A_427, %select_n3A_430 : vector<16xi32>, vector<16xi32>, vector<16xi32>, vector<16xi32>, vector<16xi32>
        }
        %scan3A_333 = arith.constant 8 : i32
        %shift_left3A = arith.constant 7 : i32
        %shift_left3A_334 = vector.broadcast %shift_left3A : i32 to vector<16xi32>
        %shift_left3A_335 = arith.shli %scan3A_315#1, %shift_left3A_334 : vector<16xi32>
        %or3A = arith.ori %shift_left3A_335, %scan3A_332#1 : vector<16xi32>
        %sub3A_336 = arith.subi %sub3A_317, %scan3A_332#2 : vector<16xi32>
        %broadcast_in_dim3A_337 = arith.constant 0 : i32
        %broadcast_in_dim3A_338 = vector.broadcast %broadcast_in_dim3A_337 : i32 to vector<16xi32>
        %parallel_loop3A_339 = arith.constant 0 : i32
        %parallel_loop3A_340 = arith.constant 8 : i32
        %parallel_loop3A_341 = arith.constant 1 : i32
        scf.for %parallel_loop3A_362 = %parallel_loop3A_339 to %parallel_loop3A_340 step %parallel_loop3A_341  : i32 {
          %parallel_loop3A_363 = arith.constant 16 : i32
          %parallel_loop3A_364 = arith.muli %parallel_loop3A_362, %parallel_loop3A_363 : i32
          %parallel_loop3A_365 = arith.index_cast %parallel_loop3A_364 : i32 to index
          %parallel_loop3A_366 = tpu.vector_load %arg7[%parallel_loop3A_365] {strides = array<i32>} : memref<2048xi32, #tpu.memory_space<vmem>>, vector<16xi32>,
          tpu.vector_store %arg7[%parallel_loop3A_365], %broadcast_in_dim3A_338 {strides = array<i32>} : memref<2048xi32, #tpu.memory_space<vmem>>, vector<16xi32>,
        } {sc.loop_unroll_factor = 4 : i64, sc.parallel_access}
        %parallel_loop3A_342 = arith.constant 0 : i32
        %parallel_loop3A_343 = arith.constant 32 : i32
        %parallel_loop3A_344 = arith.constant 1 : i32
        scf.for %parallel_loop3A_362 = %parallel_loop3A_342 to %parallel_loop3A_343 step %parallel_loop3A_344  : i32 {
          %parallel_loop3A_363 = vector.broadcast %parallel_loop3A_362 : i32 to vector<16xi32>
          %parallel_loop3A_364 = arith.addi %mul3A_103, %parallel_loop3A_363 : vector<16xi32>
          %parallel_loop3A_365 = tpu.vector_load_idx %arg6[%parallel_loop3A_364] : memref<16400xi32, #tpu.memory_space<vmem>>[vector<16xi32>], vector<16xi32>,
          %parallel_loop3A_366 = vector.broadcast %parallel_loop3A_362 : i32 to vector<16xi32>
          %parallel_loop3A_367 = arith.cmpi slt, %parallel_loop3A_366, %parallel_loop3A_107#1 : vector<16xi32>
          %parallel_loop3A_368 = arith.constant 7 : i32
          %parallel_loop3A_369 = vector.broadcast %parallel_loop3A_368 : i32 to vector<16xi32>
          %parallel_loop3A_370 = arith.shrsi %parallel_loop3A_365, %parallel_loop3A_369 : vector<16xi32>
          %parallel_loop3A_371 = arith.constant 16383 : i32
          %parallel_loop3A_372 = vector.broadcast %parallel_loop3A_371 : i32 to vector<16xi32>
          %parallel_loop3A_373 = arith.andi %parallel_loop3A_370, %parallel_loop3A_372 : vector<16xi32>
          %parallel_loop3A_374 = arith.cmpi eq, %parallel_loop3A_373, %or3A : vector<16xi32>
          %parallel_loop3A_375 = arith.andi %parallel_loop3A_367, %parallel_loop3A_374 : vector<16xi1>
          %parallel_loop3A_376 = arith.constant 127 : i32
          %parallel_loop3A_377 = vector.broadcast %parallel_loop3A_376 : i32 to vector<16xi32>
          %parallel_loop3A_378 = arith.andi %parallel_loop3A_365, %parallel_loop3A_377 : vector<16xi32>
          tpu.vector_store_idx %arg7[%parallel_loop3A_378], %broadcast_in_dim3A_3 masked %parallel_loop3A_375 {add = true} : memref<2048xi32, #tpu.memory_space<vmem>>[vector<16xi32>], vector<16xi32>, vector<16xi1>
        } {sc.loop_unroll_factor = 4 : i64, sc.parallel_access}
        %broadcast_in_dim3A_345 = arith.constant 0 : i32
        %broadcast_in_dim3A_346 = vector.broadcast %broadcast_in_dim3A_345 : i32 to vector<16xi32>
        %scan3A_347 = arith.constant 0 : i32
        %scan3A_348 = arith.constant 8 : i32
        %scan3A_349 = arith.addi %scan3A_347, %scan3A_348 : i32
        %scan3A_350 = arith.constant 1 : i32
        %scan3A_351:5 = scf.for %scan3A_362 = %scan3A_347 to %scan3A_349 step %scan3A_350 iter_args(%scan3A_363 = %broadcast_in_dim3A_346, %scan3A_364 = %broadcast_in_dim3A_346, %scan3A_365 = %broadcast_in_dim3A_346, %scan3A_366 = %broadcast_in_dim3A_346, %scan3A_367 = %broadcast_in_dim3A_346) -> (vector<16xi32>, vector<16xi32>, vector<16xi32>, vector<16xi32>, vector<16xi32>)  : i32 {
          %sub3A_368 = arith.constant 7 : i32
          %sub3A_369 = arith.subi %sub3A_368, %scan3A_362 : i32
          %max3A = arith.constant 0 : i32
          %max3A_370 = arith.maxsi %sub3A_369, %max3A : i32
          %mul3A_371 = arith.constant 16 : i32
          %mul3A_372 = arith.muli %max3A_370, %mul3A_371 : i32
          %get3A = arith.index_cast %mul3A_372 : i32 to index
          %get3A_373 = tpu.vector_load %arg7[%get3A] {strides = array<i32>} : memref<2048xi32, #tpu.memory_space<vmem>>, vector<16xi32>,
          %rev3A = arith.constant 15 : i32
          %rev3A_374 = vector.broadcast %rev3A : i32 to vector<16xi32>
          %rev3A_375 = tpu.iota {dimensions = array<i32: 0>} : vector<16xi32>
          %rev3A_376 = arith.subi %rev3A_374, %rev3A_375 : vector<16xi32>
          %rev3A_377 = tpu.dynamic_gather %get3A_373[%rev3A_376] in [0] : vector<16xi32>, vector<16xi32> -> vector<16xi32>
          %broadcast_in_dim3A_378 = arith.constant true
          %broadcast_in_dim3A_379 = vector.broadcast %broadcast_in_dim3A_378 : i1 to vector<16xi1>
          %masked_cumsum3A = tpu.scan <sum>, %rev3A_377 masked %broadcast_in_dim3A_379 : vector<16xi32>, vector<16xi1> -> vector<16xi32>
          %rev3A_380 = arith.constant 15 : i32
          %rev3A_381 = vector.broadcast %rev3A_380 : i32 to vector<16xi32>
          %rev3A_382 = tpu.iota {dimensions = array<i32: 0>} : vector<16xi32>
          %rev3A_383 = arith.subi %rev3A_381, %rev3A_382 : vector<16xi32>
          %rev3A_384 = tpu.dynamic_gather %masked_cumsum3A[%rev3A_383] in [0] : vector<16xi32>, vector<16xi32> -> vector<16xi32>
          %add3A_385 = arith.addi %scan3A_363, %rev3A_384 : vector<16xi32>
          %ge3A_386 = arith.cmpi sge, %add3A_385, %sub3A_336 : vector<16xi32>
          %all_reduce_population_count3A = tpu.all_reduce %ge3A_386 {dim = 0 : i64, kind = #tpu.reduction_kind<sum>} : vector<16xi1> -> vector<16xi32>
          %sub3A_387 = arith.constant 1 : i32
          %sub3A_388 = vector.broadcast %sub3A_387 : i32 to vector<16xi32>
          %sub3A_389 = arith.subi %all_reduce_population_count3A, %sub3A_388 : vector<16xi32>
          %max3A_390 = arith.constant 0 : i32
          %max3A_391 = vector.broadcast %max3A_390 : i32 to vector<16xi32>
          %max3A_392 = arith.maxsi %sub3A_389, %max3A_391 : vector<16xi32>
          %gt3A_393 = arith.constant 0 : i32
          %gt3A_394 = vector.broadcast %gt3A_393 : i32 to vector<16xi32>
          %gt3A_395 = arith.cmpi sgt, %all_reduce_population_count3A, %gt3A_394 : vector<16xi32>
          %eq3A_396 = arith.constant 0 : i32
          %eq3A_397 = vector.broadcast %eq3A_396 : i32 to vector<16xi32>
          %eq3A_398 = arith.cmpi eq, %scan3A_367, %eq3A_397 : vector<16xi32>
          %and3A_399 = arith.andi %gt3A_395, %eq3A_398 : vector<16xi1>
          %lt3A_400 = arith.constant 0 : i32
          %lt3A_401 = vector.broadcast %lt3A_400 : i32 to vector<16xi32>
          %lt3A_402 = arith.cmpi slt, %max3A_392, %lt3A_401 : vector<16xi32>
          %add3A_403 = arith.constant 16 : i32
          %add3A_404 = vector.broadcast %add3A_403 : i32 to vector<16xi32>
          %add3A_405 = arith.addi %max3A_392, %add3A_404 : vector<16xi32>
          %select_n3A_406 = arith.select %lt3A_402, %add3A_405, %max3A_392 : vector<16xi1>, vector<16xi32>
          %broadcast_in_dim3A_407 = vector.shape_cast %select_n3A_406 : vector<16xi32> to vector<16x1xi32>
          %gather3A = vector.shape_cast %broadcast_in_dim3A_407 : vector<16x1xi32> to vector<16xi32>
          %gather3A_408 = tpu.dynamic_gather %get3A_373[%gather3A] in [0] : vector<16xi32>, vector<16xi32> -> vector<16xi32>
          %lt3A_409 = arith.constant 0 : i32
          %lt3A_410 = vector.broadcast %lt3A_409 : i32 to vector<16xi32>
          %lt3A_411 = arith.cmpi slt, %max3A_392, %lt3A_410 : vector<16xi32>
          %add3A_412 = arith.constant 16 : i32
          %add3A_413 = vector.broadcast %add3A_412 : i32 to vector<16xi32>
          %add3A_414 = arith.addi %max3A_392, %add3A_413 : vector<16xi32>
          %select_n3A_415 = arith.select %lt3A_411, %add3A_414, %max3A_392 : vector<16xi1>, vector<16xi32>
          %broadcast_in_dim3A_416 = vector.shape_cast %select_n3A_415 : vector<16xi32> to vector<16x1xi32>
          %gather3A_417 = vector.shape_cast %broadcast_in_dim3A_416 : vector<16x1xi32> to vector<16xi32>
          %gather3A_418 = tpu.dynamic_gather %rev3A_384[%gather3A_417] in [0] : vector<16xi32>, vector<16xi32> -> vector<16xi32>
          %mul3A_419 = arith.constant 16 : i32
          %mul3A_420 = arith.muli %max3A_370, %mul3A_419 : i32
          %add3A_421 = vector.broadcast %mul3A_420 : i32 to vector<16xi32>
          %add3A_422 = arith.addi %add3A_421, %max3A_392 : vector<16xi32>
          %select_n3A_423 = arith.select %and3A_399, %add3A_422, %scan3A_364 : vector<16xi1>, vector<16xi32>
          %add3A_424 = arith.addi %scan3A_363, %gather3A_418 : vector<16xi32>
          %sub3A_425 = arith.subi %add3A_424, %gather3A_408 : vector<16xi32>
          %select_n3A_426 = arith.select %and3A_399, %sub3A_425, %scan3A_365 : vector<16xi1>, vector<16xi32>
          %select_n3A_427 = arith.select %and3A_399, %gather3A_408, %scan3A_366 : vector<16xi1>, vector<16xi32>
          %jit3A_428 = arith.constant 1 : i32
          %broadcast_in_dim3A_429 = vector.broadcast %jit3A_428 : i32 to vector<16xi32>
          %select_n3A_430 = arith.select %and3A_399, %broadcast_in_dim3A_429, %scan3A_367 : vector<16xi1>, vector<16xi32>
          %eq3A_431 = arith.constant 0 : i32
          %eq3A_432 = vector.broadcast %eq3A_431 : i32 to vector<16xi32>
          %eq3A_433 = arith.cmpi eq, %scan3A_367, %eq3A_432 : vector<16xi32>
          %lt3A_434 = arith.constant 0 : i32
          %lt3A_435 = vector.broadcast %lt3A_434 : i32 to vector<16xi32>
          %lt3A_436 = arith.cmpi slt, %broadcast_in_dim3A_346, %lt3A_435 : vector<16xi32>
          %add3A_437 = arith.constant 16 : i32
          %add3A_438 = vector.broadcast %add3A_437 : i32 to vector<16xi32>
          %add3A_439 = arith.addi %broadcast_in_dim3A_346, %add3A_438 : vector<16xi32>
          %select_n3A_440 = arith.select %lt3A_436, %add3A_439, %broadcast_in_dim3A_346 : vector<16xi1>, vector<16xi32>
          %broadcast_in_dim3A_441 = vector.shape_cast %select_n3A_440 : vector<16xi32> to vector<16x1xi32>
          %gather3A_442 = vector.shape_cast %broadcast_in_dim3A_441 : vector<16x1xi32> to vector<16xi32>
          %gather3A_443 = tpu.dynamic_gather %rev3A_384[%gather3A_442] in [0] : vector<16xi32>, vector<16xi32> -> vector<16xi32>
          %add3A_444 = arith.addi %scan3A_363, %gather3A_443 : vector<16xi32>
          %select_n3A_445 = arith.select %eq3A_433, %add3A_444, %scan3A_363 : vector<16xi1>, vector<16xi32>
          scf.yield %select_n3A_445, %select_n3A_423, %select_n3A_426, %select_n3A_427, %select_n3A_430 : vector<16xi32>, vector<16xi32>, vector<16xi32>, vector<16xi32>, vector<16xi32>
        }
        %scan3A_352 = arith.constant 8 : i32
        %shift_left3A_353 = arith.constant 21 : i32
        %shift_left3A_354 = vector.broadcast %shift_left3A_353 : i32 to vector<16xi32>
        %shift_left3A_355 = arith.shli %sub3A_98, %shift_left3A_354 : vector<16xi32>
        %shift_left3A_356 = arith.constant 7 : i32
        %shift_left3A_357 = vector.broadcast %shift_left3A_356 : i32 to vector<16xi32>
        %shift_left3A_358 = arith.shli %or3A, %shift_left3A_357 : vector<16xi32>
        %or3A_359 = arith.ori %shift_left3A_355, %shift_left3A_358 : vector<16xi32>
        %or3A_360 = arith.ori %or3A_359, %scan3A_351#1 : vector<16xi32>
        %sub3A_361 = arith.subi %sub3A_336, %scan3A_351#2 : vector<16xi32>
        scf.yield %or3A_360, %sub3A_361, %scan3A_351#3 : vector<16xi32>, vector<16xi32>, vector<16xi32>
      } else {
        %broadcast_in_dim3A_299 = arith.constant 0 : i32
        %broadcast_in_dim3A_300 = vector.broadcast %broadcast_in_dim3A_299 : i32 to vector<16xi32>
        %parallel_loop3A_301 = arith.constant 0 : i32
        %parallel_loop3A_302 = arith.constant 128 : i32
        %parallel_loop3A_303 = arith.constant 1 : i32
        scf.for %parallel_loop3A_359 = %parallel_loop3A_301 to %parallel_loop3A_302 step %parallel_loop3A_303  : i32 {
          %parallel_loop3A_360 = arith.constant 16 : i32
          %parallel_loop3A_361 = arith.muli %parallel_loop3A_359, %parallel_loop3A_360 : i32
          %parallel_loop3A_362 = arith.index_cast %parallel_loop3A_361 : i32 to index
          %parallel_loop3A_363 = tpu.vector_load %arg7[%parallel_loop3A_362] {strides = array<i32>} : memref<2048xi32, #tpu.memory_space<vmem>>, vector<16xi32>,
          tpu.vector_store %arg7[%parallel_loop3A_362], %broadcast_in_dim3A_300 {strides = array<i32>} : memref<2048xi32, #tpu.memory_space<vmem>>, vector<16xi32>,
        } {sc.loop_unroll_factor = 4 : i64, sc.parallel_access}
        %parallel_loop3A_304 = arith.constant 0 : i32
        %parallel_loop3A_305 = arith.constant 1024 : i32
        %parallel_loop3A_306 = arith.constant 1 : i32
        scf.for %parallel_loop3A_359 = %parallel_loop3A_304 to %parallel_loop3A_305 step %parallel_loop3A_306  : i32 {
          %parallel_loop3A_360 = arith.constant 16 : i32
          %parallel_loop3A_361 = arith.muli %parallel_loop3A_359, %parallel_loop3A_360 : i32
          %parallel_loop3A_362 = arith.index_cast %parallel_loop3A_361 : i32 to index
          %parallel_loop3A_363 = tpu.vector_load %arg4[%parallel_loop3A_362] {strides = array<i32>} : memref<16384xf32, #tpu.memory_space<vmem>>, vector<16xf32>,
          %parallel_loop3A_364 = tpu.bitcast %parallel_loop3A_363 : vector<16xf32> -> vector<16xi32>
          %parallel_loop3A_365 = arith.constant 0 : i32
          %parallel_loop3A_366 = vector.broadcast %parallel_loop3A_365 : i32 to vector<16xi32>
          %parallel_loop3A_367 = arith.cmpi slt, %parallel_loop3A_364, %parallel_loop3A_366 : vector<16xi32>
          %parallel_loop3A_368 = arith.constant 2147483647 : i32
          %parallel_loop3A_369 = vector.broadcast %parallel_loop3A_368 : i32 to vector<16xi32>
          %parallel_loop3A_370 = arith.xori %parallel_loop3A_364, %parallel_loop3A_369 : vector<16xi32>
          %parallel_loop3A_371 = arith.select %parallel_loop3A_367, %parallel_loop3A_370, %parallel_loop3A_364 : vector<16xi1>, vector<16xi32>
          %parallel_loop3A_372 = arith.constant 21 : i32
          %parallel_loop3A_373 = vector.broadcast %parallel_loop3A_372 : i32 to vector<16xi32>
          %parallel_loop3A_374 = arith.shrsi %parallel_loop3A_371, %parallel_loop3A_373 : vector<16xi32>
          %parallel_loop3A_375 = arith.constant 1024 : i32
          %parallel_loop3A_376 = vector.broadcast %parallel_loop3A_375 : i32 to vector<16xi32>
          %parallel_loop3A_377 = arith.addi %parallel_loop3A_374, %parallel_loop3A_376 : vector<16xi32>
          tpu.vector_store_idx %arg7[%parallel_loop3A_377], %broadcast_in_dim3A_3 {add = true} : memref<2048xi32, #tpu.memory_space<vmem>>[vector<16xi32>], vector<16xi32>,
        } {sc.loop_unroll_factor = 8 : i64, sc.parallel_access}
        %broadcast_in_dim3A_307 = arith.constant 0 : i32
        %broadcast_in_dim3A_308 = vector.broadcast %broadcast_in_dim3A_307 : i32 to vector<16xi32>
        %scan3A_309 = arith.constant 0 : i32
        %scan3A_310 = arith.constant 128 : i32
        %scan3A_311 = arith.addi %scan3A_309, %scan3A_310 : i32
        %scan3A_312 = arith.constant 1 : i32
        %scan3A_313:5 = scf.for %scan3A_359 = %scan3A_309 to %scan3A_311 step %scan3A_312 iter_args(%scan3A_360 = %broadcast_in_dim3A_308, %scan3A_361 = %broadcast_in_dim3A_308, %scan3A_362 = %broadcast_in_dim3A_308, %scan3A_363 = %broadcast_in_dim3A_308, %scan3A_364 = %broadcast_in_dim3A_308) -> (vector<16xi32>, vector<16xi32>, vector<16xi32>, vector<16xi32>, vector<16xi32>)  : i32 {
          %sub3A_365 = arith.constant 127 : i32
          %sub3A_366 = arith.subi %sub3A_365, %scan3A_359 : i32
          %max3A = arith.constant 0 : i32
          %max3A_367 = arith.maxsi %sub3A_366, %max3A : i32
          %mul3A_368 = arith.constant 16 : i32
          %mul3A_369 = arith.muli %max3A_367, %mul3A_368 : i32
          %get3A = arith.index_cast %mul3A_369 : i32 to index
          %get3A_370 = tpu.vector_load %arg7[%get3A] {strides = array<i32>} : memref<2048xi32, #tpu.memory_space<vmem>>, vector<16xi32>,
          %rev3A = arith.constant 15 : i32
          %rev3A_371 = vector.broadcast %rev3A : i32 to vector<16xi32>
          %rev3A_372 = tpu.iota {dimensions = array<i32: 0>} : vector<16xi32>
          %rev3A_373 = arith.subi %rev3A_371, %rev3A_372 : vector<16xi32>
          %rev3A_374 = tpu.dynamic_gather %get3A_370[%rev3A_373] in [0] : vector<16xi32>, vector<16xi32> -> vector<16xi32>
          %broadcast_in_dim3A_375 = arith.constant true
          %broadcast_in_dim3A_376 = vector.broadcast %broadcast_in_dim3A_375 : i1 to vector<16xi1>
          %masked_cumsum3A = tpu.scan <sum>, %rev3A_374 masked %broadcast_in_dim3A_376 : vector<16xi32>, vector<16xi1> -> vector<16xi32>
          %rev3A_377 = arith.constant 15 : i32
          %rev3A_378 = vector.broadcast %rev3A_377 : i32 to vector<16xi32>
          %rev3A_379 = tpu.iota {dimensions = array<i32: 0>} : vector<16xi32>
          %rev3A_380 = arith.subi %rev3A_378, %rev3A_379 : vector<16xi32>
          %rev3A_381 = tpu.dynamic_gather %masked_cumsum3A[%rev3A_380] in [0] : vector<16xi32>, vector<16xi32> -> vector<16xi32>
          %add3A_382 = arith.addi %scan3A_360, %rev3A_381 : vector<16xi32>
          %ge3A_383 = arith.cmpi sge, %add3A_382, %broadcast_in_dim3A_51 : vector<16xi32>
          %all_reduce_population_count3A = tpu.all_reduce %ge3A_383 {dim = 0 : i64, kind = #tpu.reduction_kind<sum>} : vector<16xi1> -> vector<16xi32>
          %sub3A_384 = arith.constant 1 : i32
          %sub3A_385 = vector.broadcast %sub3A_384 : i32 to vector<16xi32>
          %sub3A_386 = arith.subi %all_reduce_population_count3A, %sub3A_385 : vector<16xi32>
          %max3A_387 = arith.constant 0 : i32
          %max3A_388 = vector.broadcast %max3A_387 : i32 to vector<16xi32>
          %max3A_389 = arith.maxsi %sub3A_386, %max3A_388 : vector<16xi32>
          %gt3A_390 = arith.constant 0 : i32
          %gt3A_391 = vector.broadcast %gt3A_390 : i32 to vector<16xi32>
          %gt3A_392 = arith.cmpi sgt, %all_reduce_population_count3A, %gt3A_391 : vector<16xi32>
          %eq3A_393 = arith.constant 0 : i32
          %eq3A_394 = vector.broadcast %eq3A_393 : i32 to vector<16xi32>
          %eq3A_395 = arith.cmpi eq, %scan3A_364, %eq3A_394 : vector<16xi32>
          %and3A_396 = arith.andi %gt3A_392, %eq3A_395 : vector<16xi1>
          %lt3A_397 = arith.constant 0 : i32
          %lt3A_398 = vector.broadcast %lt3A_397 : i32 to vector<16xi32>
          %lt3A_399 = arith.cmpi slt, %max3A_389, %lt3A_398 : vector<16xi32>
          %add3A_400 = arith.constant 16 : i32
          %add3A_401 = vector.broadcast %add3A_400 : i32 to vector<16xi32>
          %add3A_402 = arith.addi %max3A_389, %add3A_401 : vector<16xi32>
          %select_n3A_403 = arith.select %lt3A_399, %add3A_402, %max3A_389 : vector<16xi1>, vector<16xi32>
          %broadcast_in_dim3A_404 = vector.shape_cast %select_n3A_403 : vector<16xi32> to vector<16x1xi32>
          %gather3A = vector.shape_cast %broadcast_in_dim3A_404 : vector<16x1xi32> to vector<16xi32>
          %gather3A_405 = tpu.dynamic_gather %get3A_370[%gather3A] in [0] : vector<16xi32>, vector<16xi32> -> vector<16xi32>
          %lt3A_406 = arith.constant 0 : i32
          %lt3A_407 = vector.broadcast %lt3A_406 : i32 to vector<16xi32>
          %lt3A_408 = arith.cmpi slt, %max3A_389, %lt3A_407 : vector<16xi32>
          %add3A_409 = arith.constant 16 : i32
          %add3A_410 = vector.broadcast %add3A_409 : i32 to vector<16xi32>
          %add3A_411 = arith.addi %max3A_389, %add3A_410 : vector<16xi32>
          %select_n3A_412 = arith.select %lt3A_408, %add3A_411, %max3A_389 : vector<16xi1>, vector<16xi32>
          %broadcast_in_dim3A_413 = vector.shape_cast %select_n3A_412 : vector<16xi32> to vector<16x1xi32>
          %gather3A_414 = vector.shape_cast %broadcast_in_dim3A_413 : vector<16x1xi32> to vector<16xi32>
          %gather3A_415 = tpu.dynamic_gather %rev3A_381[%gather3A_414] in [0] : vector<16xi32>, vector<16xi32> -> vector<16xi32>
          %mul3A_416 = arith.constant 16 : i32
          %mul3A_417 = arith.muli %max3A_367, %mul3A_416 : i32
          %add3A_418 = vector.broadcast %mul3A_417 : i32 to vector<16xi32>
          %add3A_419 = arith.addi %add3A_418, %max3A_389 : vector<16xi32>
          %select_n3A_420 = arith.select %and3A_396, %add3A_419, %scan3A_361 : vector<16xi1>, vector<16xi32>
          %add3A_421 = arith.addi %scan3A_360, %gather3A_415 : vector<16xi32>
          %sub3A_422 = arith.subi %add3A_421, %gather3A_405 : vector<16xi32>
          %select_n3A_423 = arith.select %and3A_396, %sub3A_422, %scan3A_362 : vector<16xi1>, vector<16xi32>
          %select_n3A_424 = arith.select %and3A_396, %gather3A_405, %scan3A_363 : vector<16xi1>, vector<16xi32>
          %jit3A_425 = arith.constant 1 : i32
          %broadcast_in_dim3A_426 = vector.broadcast %jit3A_425 : i32 to vector<16xi32>
          %select_n3A_427 = arith.select %and3A_396, %broadcast_in_dim3A_426, %scan3A_364 : vector<16xi1>, vector<16xi32>
          %eq3A_428 = arith.constant 0 : i32
          %eq3A_429 = vector.broadcast %eq3A_428 : i32 to vector<16xi32>
          %eq3A_430 = arith.cmpi eq, %scan3A_364, %eq3A_429 : vector<16xi32>
          %lt3A_431 = arith.constant 0 : i32
          %lt3A_432 = vector.broadcast %lt3A_431 : i32 to vector<16xi32>
          %lt3A_433 = arith.cmpi slt, %broadcast_in_dim3A_308, %lt3A_432 : vector<16xi32>
          %add3A_434 = arith.constant 16 : i32
          %add3A_435 = vector.broadcast %add3A_434 : i32 to vector<16xi32>
          %add3A_436 = arith.addi %broadcast_in_dim3A_308, %add3A_435 : vector<16xi32>
          %select_n3A_437 = arith.select %lt3A_433, %add3A_436, %broadcast_in_dim3A_308 : vector<16xi1>, vector<16xi32>
          %broadcast_in_dim3A_438 = vector.shape_cast %select_n3A_437 : vector<16xi32> to vector<16x1xi32>
          %gather3A_439 = vector.shape_cast %broadcast_in_dim3A_438 : vector<16x1xi32> to vector<16xi32>
          %gather3A_440 = tpu.dynamic_gather %rev3A_381[%gather3A_439] in [0] : vector<16xi32>, vector<16xi32> -> vector<16xi32>
          %add3A_441 = arith.addi %scan3A_360, %gather3A_440 : vector<16xi32>
          %select_n3A_442 = arith.select %eq3A_430, %add3A_441, %scan3A_360 : vector<16xi1>, vector<16xi32>
          scf.yield %select_n3A_442, %select_n3A_420, %select_n3A_423, %select_n3A_424, %select_n3A_427 : vector<16xi32>, vector<16xi32>, vector<16xi32>, vector<16xi32>, vector<16xi32>
        }
        %scan3A_314 = arith.constant 128 : i32
        %sub3A_315 = arith.constant 1024 : i32
        %sub3A_316 = vector.broadcast %sub3A_315 : i32 to vector<16xi32>
        %sub3A_317 = arith.subi %scan3A_313#1, %sub3A_316 : vector<16xi32>
        %broadcast_in_dim3A_318 = arith.constant 0 : i32
        %broadcast_in_dim3A_319 = vector.broadcast %broadcast_in_dim3A_318 : i32 to vector<16xi32>
        %parallel_loop3A_320 = arith.constant 0 : i32
        %parallel_loop3A_321 = arith.constant 128 : i32
        %parallel_loop3A_322 = arith.constant 1 : i32
        scf.for %parallel_loop3A_359 = %parallel_loop3A_320 to %parallel_loop3A_321 step %parallel_loop3A_322  : i32 {
          %parallel_loop3A_360 = arith.constant 16 : i32
          %parallel_loop3A_361 = arith.muli %parallel_loop3A_359, %parallel_loop3A_360 : i32
          %parallel_loop3A_362 = arith.index_cast %parallel_loop3A_361 : i32 to index
          %parallel_loop3A_363 = tpu.vector_load %arg7[%parallel_loop3A_362] {strides = array<i32>} : memref<2048xi32, #tpu.memory_space<vmem>>, vector<16xi32>,
          tpu.vector_store %arg7[%parallel_loop3A_362], %broadcast_in_dim3A_319 {strides = array<i32>} : memref<2048xi32, #tpu.memory_space<vmem>>, vector<16xi32>,
        } {sc.loop_unroll_factor = 4 : i64, sc.parallel_access}
        %parallel_loop3A_323 = arith.constant 0 : i32
        %parallel_loop3A_324 = arith.constant 1024 : i32
        %parallel_loop3A_325 = arith.constant 1 : i32
        scf.for %parallel_loop3A_359 = %parallel_loop3A_323 to %parallel_loop3A_324 step %parallel_loop3A_325  : i32 {
          %parallel_loop3A_360 = arith.constant 16 : i32
          %parallel_loop3A_361 = arith.muli %parallel_loop3A_359, %parallel_loop3A_360 : i32
          %parallel_loop3A_362 = arith.index_cast %parallel_loop3A_361 : i32 to index
          %parallel_loop3A_363 = tpu.vector_load %arg4[%parallel_loop3A_362] {strides = array<i32>} : memref<16384xf32, #tpu.memory_space<vmem>>, vector<16xf32>,
          %parallel_loop3A_364 = tpu.bitcast %parallel_loop3A_363 : vector<16xf32> -> vector<16xi32>
          %parallel_loop3A_365 = arith.constant 0 : i32
          %parallel_loop3A_366 = vector.broadcast %parallel_loop3A_365 : i32 to vector<16xi32>
          %parallel_loop3A_367 = arith.cmpi slt, %parallel_loop3A_364, %parallel_loop3A_366 : vector<16xi32>
          %parallel_loop3A_368 = arith.constant 2147483647 : i32
          %parallel_loop3A_369 = vector.broadcast %parallel_loop3A_368 : i32 to vector<16xi32>
          %parallel_loop3A_370 = arith.xori %parallel_loop3A_364, %parallel_loop3A_369 : vector<16xi32>
          %parallel_loop3A_371 = arith.select %parallel_loop3A_367, %parallel_loop3A_370, %parallel_loop3A_364 : vector<16xi1>, vector<16xi32>
          %parallel_loop3A_372 = arith.constant 21 : i32
          %parallel_loop3A_373 = vector.broadcast %parallel_loop3A_372 : i32 to vector<16xi32>
          %parallel_loop3A_374 = arith.shrsi %parallel_loop3A_371, %parallel_loop3A_373 : vector<16xi32>
          %parallel_loop3A_375 = arith.cmpi eq, %parallel_loop3A_374, %sub3A_317 : vector<16xi32>
          %parallel_loop3A_376 = arith.constant 10 : i32
          %parallel_loop3A_377 = vector.broadcast %parallel_loop3A_376 : i32 to vector<16xi32>
          %parallel_loop3A_378 = arith.shrsi %parallel_loop3A_371, %parallel_loop3A_377 : vector<16xi32>
          %parallel_loop3A_379 = arith.constant 2047 : i32
          %parallel_loop3A_380 = vector.broadcast %parallel_loop3A_379 : i32 to vector<16xi32>
          %parallel_loop3A_381 = arith.andi %parallel_loop3A_378, %parallel_loop3A_380 : vector<16xi32>
          tpu.vector_store_idx %arg7[%parallel_loop3A_381], %broadcast_in_dim3A_3 masked %parallel_loop3A_375 {add = true} : memref<2048xi32, #tpu.memory_space<vmem>>[vector<16xi32>], vector<16xi32>, vector<16xi1>
        } {sc.loop_unroll_factor = 8 : i64, sc.parallel_access}
        %sub3A_326 = arith.subi %broadcast_in_dim3A_51, %scan3A_313#2 : vector<16xi32>
        %broadcast_in_dim3A_327 = arith.constant 0 : i32
        %broadcast_in_dim3A_328 = vector.broadcast %broadcast_in_dim3A_327 : i32 to vector<16xi32>
        %scan3A_329 = arith.constant 0 : i32
        %scan3A_330 = arith.constant 128 : i32
        %scan3A_331 = arith.addi %scan3A_329, %scan3A_330 : i32
        %scan3A_332 = arith.constant 1 : i32
        %scan3A_333:5 = scf.for %scan3A_359 = %scan3A_329 to %scan3A_331 step %scan3A_332 iter_args(%scan3A_360 = %broadcast_in_dim3A_328, %scan3A_361 = %broadcast_in_dim3A_328, %scan3A_362 = %broadcast_in_dim3A_328, %scan3A_363 = %broadcast_in_dim3A_328, %scan3A_364 = %broadcast_in_dim3A_328) -> (vector<16xi32>, vector<16xi32>, vector<16xi32>, vector<16xi32>, vector<16xi32>)  : i32 {
          %sub3A_365 = arith.constant 127 : i32
          %sub3A_366 = arith.subi %sub3A_365, %scan3A_359 : i32
          %max3A = arith.constant 0 : i32
          %max3A_367 = arith.maxsi %sub3A_366, %max3A : i32
          %mul3A_368 = arith.constant 16 : i32
          %mul3A_369 = arith.muli %max3A_367, %mul3A_368 : i32
          %get3A = arith.index_cast %mul3A_369 : i32 to index
          %get3A_370 = tpu.vector_load %arg7[%get3A] {strides = array<i32>} : memref<2048xi32, #tpu.memory_space<vmem>>, vector<16xi32>,
          %rev3A = arith.constant 15 : i32
          %rev3A_371 = vector.broadcast %rev3A : i32 to vector<16xi32>
          %rev3A_372 = tpu.iota {dimensions = array<i32: 0>} : vector<16xi32>
          %rev3A_373 = arith.subi %rev3A_371, %rev3A_372 : vector<16xi32>
          %rev3A_374 = tpu.dynamic_gather %get3A_370[%rev3A_373] in [0] : vector<16xi32>, vector<16xi32> -> vector<16xi32>
          %broadcast_in_dim3A_375 = arith.constant true
          %broadcast_in_dim3A_376 = vector.broadcast %broadcast_in_dim3A_375 : i1 to vector<16xi1>
          %masked_cumsum3A = tpu.scan <sum>, %rev3A_374 masked %broadcast_in_dim3A_376 : vector<16xi32>, vector<16xi1> -> vector<16xi32>
          %rev3A_377 = arith.constant 15 : i32
          %rev3A_378 = vector.broadcast %rev3A_377 : i32 to vector<16xi32>
          %rev3A_379 = tpu.iota {dimensions = array<i32: 0>} : vector<16xi32>
          %rev3A_380 = arith.subi %rev3A_378, %rev3A_379 : vector<16xi32>
          %rev3A_381 = tpu.dynamic_gather %masked_cumsum3A[%rev3A_380] in [0] : vector<16xi32>, vector<16xi32> -> vector<16xi32>
          %add3A_382 = arith.addi %scan3A_360, %rev3A_381 : vector<16xi32>
          %ge3A_383 = arith.cmpi sge, %add3A_382, %sub3A_326 : vector<16xi32>
          %all_reduce_population_count3A = tpu.all_reduce %ge3A_383 {dim = 0 : i64, kind = #tpu.reduction_kind<sum>} : vector<16xi1> -> vector<16xi32>
          %sub3A_384 = arith.constant 1 : i32
          %sub3A_385 = vector.broadcast %sub3A_384 : i32 to vector<16xi32>
          %sub3A_386 = arith.subi %all_reduce_population_count3A, %sub3A_385 : vector<16xi32>
          %max3A_387 = arith.constant 0 : i32
          %max3A_388 = vector.broadcast %max3A_387 : i32 to vector<16xi32>
          %max3A_389 = arith.maxsi %sub3A_386, %max3A_388 : vector<16xi32>
          %gt3A_390 = arith.constant 0 : i32
          %gt3A_391 = vector.broadcast %gt3A_390 : i32 to vector<16xi32>
          %gt3A_392 = arith.cmpi sgt, %all_reduce_population_count3A, %gt3A_391 : vector<16xi32>
          %eq3A_393 = arith.constant 0 : i32
          %eq3A_394 = vector.broadcast %eq3A_393 : i32 to vector<16xi32>
          %eq3A_395 = arith.cmpi eq, %scan3A_364, %eq3A_394 : vector<16xi32>
          %and3A_396 = arith.andi %gt3A_392, %eq3A_395 : vector<16xi1>
          %lt3A_397 = arith.constant 0 : i32
          %lt3A_398 = vector.broadcast %lt3A_397 : i32 to vector<16xi32>
          %lt3A_399 = arith.cmpi slt, %max3A_389, %lt3A_398 : vector<16xi32>
          %add3A_400 = arith.constant 16 : i32
          %add3A_401 = vector.broadcast %add3A_400 : i32 to vector<16xi32>
          %add3A_402 = arith.addi %max3A_389, %add3A_401 : vector<16xi32>
          %select_n3A_403 = arith.select %lt3A_399, %add3A_402, %max3A_389 : vector<16xi1>, vector<16xi32>
          %broadcast_in_dim3A_404 = vector.shape_cast %select_n3A_403 : vector<16xi32> to vector<16x1xi32>
          %gather3A = vector.shape_cast %broadcast_in_dim3A_404 : vector<16x1xi32> to vector<16xi32>
          %gather3A_405 = tpu.dynamic_gather %get3A_370[%gather3A] in [0] : vector<16xi32>, vector<16xi32> -> vector<16xi32>
          %lt3A_406 = arith.constant 0 : i32
          %lt3A_407 = vector.broadcast %lt3A_406 : i32 to vector<16xi32>
          %lt3A_408 = arith.cmpi slt, %max3A_389, %lt3A_407 : vector<16xi32>
          %add3A_409 = arith.constant 16 : i32
          %add3A_410 = vector.broadcast %add3A_409 : i32 to vector<16xi32>
          %add3A_411 = arith.addi %max3A_389, %add3A_410 : vector<16xi32>
          %select_n3A_412 = arith.select %lt3A_408, %add3A_411, %max3A_389 : vector<16xi1>, vector<16xi32>
          %broadcast_in_dim3A_413 = vector.shape_cast %select_n3A_412 : vector<16xi32> to vector<16x1xi32>
          %gather3A_414 = vector.shape_cast %broadcast_in_dim3A_413 : vector<16x1xi32> to vector<16xi32>
          %gather3A_415 = tpu.dynamic_gather %rev3A_381[%gather3A_414] in [0] : vector<16xi32>, vector<16xi32> -> vector<16xi32>
          %mul3A_416 = arith.constant 16 : i32
          %mul3A_417 = arith.muli %max3A_367, %mul3A_416 : i32
          %add3A_418 = vector.broadcast %mul3A_417 : i32 to vector<16xi32>
          %add3A_419 = arith.addi %add3A_418, %max3A_389 : vector<16xi32>
          %select_n3A_420 = arith.select %and3A_396, %add3A_419, %scan3A_361 : vector<16xi1>, vector<16xi32>
          %add3A_421 = arith.addi %scan3A_360, %gather3A_415 : vector<16xi32>
          %sub3A_422 = arith.subi %add3A_421, %gather3A_405 : vector<16xi32>
          %select_n3A_423 = arith.select %and3A_396, %sub3A_422, %scan3A_362 : vector<16xi1>, vector<16xi32>
          %select_n3A_424 = arith.select %and3A_396, %gather3A_405, %scan3A_363 : vector<16xi1>, vector<16xi32>
          %jit3A_425 = arith.constant 1 : i32
          %broadcast_in_dim3A_426 = vector.broadcast %jit3A_425 : i32 to vector<16xi32>
          %select_n3A_427 = arith.select %and3A_396, %broadcast_in_dim3A_426, %scan3A_364 : vector<16xi1>, vector<16xi32>
          %eq3A_428 = arith.constant 0 : i32
          %eq3A_429 = vector.broadcast %eq3A_428 : i32 to vector<16xi32>
          %eq3A_430 = arith.cmpi eq, %scan3A_364, %eq3A_429 : vector<16xi32>
          %lt3A_431 = arith.constant 0 : i32
          %lt3A_432 = vector.broadcast %lt3A_431 : i32 to vector<16xi32>
          %lt3A_433 = arith.cmpi slt, %broadcast_in_dim3A_328, %lt3A_432 : vector<16xi32>
          %add3A_434 = arith.constant 16 : i32
          %add3A_435 = vector.broadcast %add3A_434 : i32 to vector<16xi32>
          %add3A_436 = arith.addi %broadcast_in_dim3A_328, %add3A_435 : vector<16xi32>
          %select_n3A_437 = arith.select %lt3A_433, %add3A_436, %broadcast_in_dim3A_328 : vector<16xi1>, vector<16xi32>
          %broadcast_in_dim3A_438 = vector.shape_cast %select_n3A_437 : vector<16xi32> to vector<16x1xi32>
          %gather3A_439 = vector.shape_cast %broadcast_in_dim3A_438 : vector<16x1xi32> to vector<16xi32>
          %gather3A_440 = tpu.dynamic_gather %rev3A_381[%gather3A_439] in [0] : vector<16xi32>, vector<16xi32> -> vector<16xi32>
          %add3A_441 = arith.addi %scan3A_360, %gather3A_440 : vector<16xi32>
          %select_n3A_442 = arith.select %eq3A_430, %add3A_441, %scan3A_360 : vector<16xi1>, vector<16xi32>
          scf.yield %select_n3A_442, %select_n3A_420, %select_n3A_423, %select_n3A_424, %select_n3A_427 : vector<16xi32>, vector<16xi32>, vector<16xi32>, vector<16xi32>, vector<16xi32>
        }
        %scan3A_334 = arith.constant 128 : i32
        %shift_left3A = arith.constant 11 : i32
        %shift_left3A_335 = vector.broadcast %shift_left3A : i32 to vector<16xi32>
        %shift_left3A_336 = arith.shli %sub3A_317, %shift_left3A_335 : vector<16xi32>
        %or3A = arith.ori %shift_left3A_336, %scan3A_333#1 : vector<16xi32>
        %broadcast_in_dim3A_337 = arith.constant 0 : i32
        %broadcast_in_dim3A_338 = vector.broadcast %broadcast_in_dim3A_337 : i32 to vector<16xi32>
        %parallel_loop3A_339 = arith.constant 0 : i32
        %parallel_loop3A_340 = arith.constant 64 : i32
        %parallel_loop3A_341 = arith.constant 1 : i32
        scf.for %parallel_loop3A_359 = %parallel_loop3A_339 to %parallel_loop3A_340 step %parallel_loop3A_341  : i32 {
          %parallel_loop3A_360 = arith.constant 16 : i32
          %parallel_loop3A_361 = arith.muli %parallel_loop3A_359, %parallel_loop3A_360 : i32
          %parallel_loop3A_362 = arith.index_cast %parallel_loop3A_361 : i32 to index
          %parallel_loop3A_363 = tpu.vector_load %arg7[%parallel_loop3A_362] {strides = array<i32>} : memref<2048xi32, #tpu.memory_space<vmem>>, vector<16xi32>,
          tpu.vector_store %arg7[%parallel_loop3A_362], %broadcast_in_dim3A_338 {strides = array<i32>} : memref<2048xi32, #tpu.memory_space<vmem>>, vector<16xi32>,
        } {sc.loop_unroll_factor = 4 : i64, sc.parallel_access}
        %parallel_loop3A_342 = arith.constant 0 : i32
        %parallel_loop3A_343 = arith.constant 1024 : i32
        %parallel_loop3A_344 = arith.constant 1 : i32
        scf.for %parallel_loop3A_359 = %parallel_loop3A_342 to %parallel_loop3A_343 step %parallel_loop3A_344  : i32 {
          %parallel_loop3A_360 = arith.constant 16 : i32
          %parallel_loop3A_361 = arith.muli %parallel_loop3A_359, %parallel_loop3A_360 : i32
          %parallel_loop3A_362 = arith.index_cast %parallel_loop3A_361 : i32 to index
          %parallel_loop3A_363 = tpu.vector_load %arg4[%parallel_loop3A_362] {strides = array<i32>} : memref<16384xf32, #tpu.memory_space<vmem>>, vector<16xf32>,
          %parallel_loop3A_364 = tpu.bitcast %parallel_loop3A_363 : vector<16xf32> -> vector<16xi32>
          %parallel_loop3A_365 = arith.constant 0 : i32
          %parallel_loop3A_366 = vector.broadcast %parallel_loop3A_365 : i32 to vector<16xi32>
          %parallel_loop3A_367 = arith.cmpi slt, %parallel_loop3A_364, %parallel_loop3A_366 : vector<16xi32>
          %parallel_loop3A_368 = arith.constant 2147483647 : i32
          %parallel_loop3A_369 = vector.broadcast %parallel_loop3A_368 : i32 to vector<16xi32>
          %parallel_loop3A_370 = arith.xori %parallel_loop3A_364, %parallel_loop3A_369 : vector<16xi32>
          %parallel_loop3A_371 = arith.select %parallel_loop3A_367, %parallel_loop3A_370, %parallel_loop3A_364 : vector<16xi1>, vector<16xi32>
          %parallel_loop3A_372 = arith.constant 10 : i32
          %parallel_loop3A_373 = vector.broadcast %parallel_loop3A_372 : i32 to vector<16xi32>
          %parallel_loop3A_374 = arith.shrsi %parallel_loop3A_371, %parallel_loop3A_373 : vector<16xi32>
          %parallel_loop3A_375 = arith.cmpi eq, %parallel_loop3A_374, %or3A : vector<16xi32>
          %parallel_loop3A_376 = arith.constant 1023 : i32
          %parallel_loop3A_377 = vector.broadcast %parallel_loop3A_376 : i32 to vector<16xi32>
          %parallel_loop3A_378 = arith.andi %parallel_loop3A_371, %parallel_loop3A_377 : vector<16xi32>
          tpu.vector_store_idx %arg7[%parallel_loop3A_378], %broadcast_in_dim3A_3 masked %parallel_loop3A_375 {add = true} : memref<2048xi32, #tpu.memory_space<vmem>>[vector<16xi32>], vector<16xi32>, vector<16xi1>
        } {sc.loop_unroll_factor = 8 : i64, sc.parallel_access}
        %sub3A_345 = arith.subi %sub3A_326, %scan3A_333#2 : vector<16xi32>
        %broadcast_in_dim3A_346 = arith.constant 0 : i32
        %broadcast_in_dim3A_347 = vector.broadcast %broadcast_in_dim3A_346 : i32 to vector<16xi32>
        %scan3A_348 = arith.constant 0 : i32
        %scan3A_349 = arith.constant 64 : i32
        %scan3A_350 = arith.addi %scan3A_348, %scan3A_349 : i32
        %scan3A_351 = arith.constant 1 : i32
        %scan3A_352:5 = scf.for %scan3A_359 = %scan3A_348 to %scan3A_350 step %scan3A_351 iter_args(%scan3A_360 = %broadcast_in_dim3A_347, %scan3A_361 = %broadcast_in_dim3A_347, %scan3A_362 = %broadcast_in_dim3A_347, %scan3A_363 = %broadcast_in_dim3A_347, %scan3A_364 = %broadcast_in_dim3A_347) -> (vector<16xi32>, vector<16xi32>, vector<16xi32>, vector<16xi32>, vector<16xi32>)  : i32 {
          %sub3A_365 = arith.constant 63 : i32
          %sub3A_366 = arith.subi %sub3A_365, %scan3A_359 : i32
          %max3A = arith.constant 0 : i32
          %max3A_367 = arith.maxsi %sub3A_366, %max3A : i32
          %mul3A_368 = arith.constant 16 : i32
          %mul3A_369 = arith.muli %max3A_367, %mul3A_368 : i32
          %get3A = arith.index_cast %mul3A_369 : i32 to index
          %get3A_370 = tpu.vector_load %arg7[%get3A] {strides = array<i32>} : memref<2048xi32, #tpu.memory_space<vmem>>, vector<16xi32>,
          %rev3A = arith.constant 15 : i32
          %rev3A_371 = vector.broadcast %rev3A : i32 to vector<16xi32>
          %rev3A_372 = tpu.iota {dimensions = array<i32: 0>} : vector<16xi32>
          %rev3A_373 = arith.subi %rev3A_371, %rev3A_372 : vector<16xi32>
          %rev3A_374 = tpu.dynamic_gather %get3A_370[%rev3A_373] in [0] : vector<16xi32>, vector<16xi32> -> vector<16xi32>
          %broadcast_in_dim3A_375 = arith.constant true
          %broadcast_in_dim3A_376 = vector.broadcast %broadcast_in_dim3A_375 : i1 to vector<16xi1>
          %masked_cumsum3A = tpu.scan <sum>, %rev3A_374 masked %broadcast_in_dim3A_376 : vector<16xi32>, vector<16xi1> -> vector<16xi32>
          %rev3A_377 = arith.constant 15 : i32
          %rev3A_378 = vector.broadcast %rev3A_377 : i32 to vector<16xi32>
          %rev3A_379 = tpu.iota {dimensions = array<i32: 0>} : vector<16xi32>
          %rev3A_380 = arith.subi %rev3A_378, %rev3A_379 : vector<16xi32>
          %rev3A_381 = tpu.dynamic_gather %masked_cumsum3A[%rev3A_380] in [0] : vector<16xi32>, vector<16xi32> -> vector<16xi32>
          %add3A_382 = arith.addi %scan3A_360, %rev3A_381 : vector<16xi32>
          %ge3A_383 = arith.cmpi sge, %add3A_382, %sub3A_345 : vector<16xi32>
          %all_reduce_population_count3A = tpu.all_reduce %ge3A_383 {dim = 0 : i64, kind = #tpu.reduction_kind<sum>} : vector<16xi1> -> vector<16xi32>
          %sub3A_384 = arith.constant 1 : i32
          %sub3A_385 = vector.broadcast %sub3A_384 : i32 to vector<16xi32>
          %sub3A_386 = arith.subi %all_reduce_population_count3A, %sub3A_385 : vector<16xi32>
          %max3A_387 = arith.constant 0 : i32
          %max3A_388 = vector.broadcast %max3A_387 : i32 to vector<16xi32>
          %max3A_389 = arith.maxsi %sub3A_386, %max3A_388 : vector<16xi32>
          %gt3A_390 = arith.constant 0 : i32
          %gt3A_391 = vector.broadcast %gt3A_390 : i32 to vector<16xi32>
          %gt3A_392 = arith.cmpi sgt, %all_reduce_population_count3A, %gt3A_391 : vector<16xi32>
          %eq3A_393 = arith.constant 0 : i32
          %eq3A_394 = vector.broadcast %eq3A_393 : i32 to vector<16xi32>
          %eq3A_395 = arith.cmpi eq, %scan3A_364, %eq3A_394 : vector<16xi32>
          %and3A_396 = arith.andi %gt3A_392, %eq3A_395 : vector<16xi1>
          %lt3A_397 = arith.constant 0 : i32
          %lt3A_398 = vector.broadcast %lt3A_397 : i32 to vector<16xi32>
          %lt3A_399 = arith.cmpi slt, %max3A_389, %lt3A_398 : vector<16xi32>
          %add3A_400 = arith.constant 16 : i32
          %add3A_401 = vector.broadcast %add3A_400 : i32 to vector<16xi32>
          %add3A_402 = arith.addi %max3A_389, %add3A_401 : vector<16xi32>
          %select_n3A_403 = arith.select %lt3A_399, %add3A_402, %max3A_389 : vector<16xi1>, vector<16xi32>
          %broadcast_in_dim3A_404 = vector.shape_cast %select_n3A_403 : vector<16xi32> to vector<16x1xi32>
          %gather3A = vector.shape_cast %broadcast_in_dim3A_404 : vector<16x1xi32> to vector<16xi32>
          %gather3A_405 = tpu.dynamic_gather %get3A_370[%gather3A] in [0] : vector<16xi32>, vector<16xi32> -> vector<16xi32>
          %lt3A_406 = arith.constant 0 : i32
          %lt3A_407 = vector.broadcast %lt3A_406 : i32 to vector<16xi32>
          %lt3A_408 = arith.cmpi slt, %max3A_389, %lt3A_407 : vector<16xi32>
          %add3A_409 = arith.constant 16 : i32
          %add3A_410 = vector.broadcast %add3A_409 : i32 to vector<16xi32>
          %add3A_411 = arith.addi %max3A_389, %add3A_410 : vector<16xi32>
          %select_n3A_412 = arith.select %lt3A_408, %add3A_411, %max3A_389 : vector<16xi1>, vector<16xi32>
          %broadcast_in_dim3A_413 = vector.shape_cast %select_n3A_412 : vector<16xi32> to vector<16x1xi32>
          %gather3A_414 = vector.shape_cast %broadcast_in_dim3A_413 : vector<16x1xi32> to vector<16xi32>
          %gather3A_415 = tpu.dynamic_gather %rev3A_381[%gather3A_414] in [0] : vector<16xi32>, vector<16xi32> -> vector<16xi32>
          %mul3A_416 = arith.constant 16 : i32
          %mul3A_417 = arith.muli %max3A_367, %mul3A_416 : i32
          %add3A_418 = vector.broadcast %mul3A_417 : i32 to vector<16xi32>
          %add3A_419 = arith.addi %add3A_418, %max3A_389 : vector<16xi32>
          %select_n3A_420 = arith.select %and3A_396, %add3A_419, %scan3A_361 : vector<16xi1>, vector<16xi32>
          %add3A_421 = arith.addi %scan3A_360, %gather3A_415 : vector<16xi32>
          %sub3A_422 = arith.subi %add3A_421, %gather3A_405 : vector<16xi32>
          %select_n3A_423 = arith.select %and3A_396, %sub3A_422, %scan3A_362 : vector<16xi1>, vector<16xi32>
          %select_n3A_424 = arith.select %and3A_396, %gather3A_405, %scan3A_363 : vector<16xi1>, vector<16xi32>
          %jit3A_425 = arith.constant 1 : i32
          %broadcast_in_dim3A_426 = vector.broadcast %jit3A_425 : i32 to vector<16xi32>
          %select_n3A_427 = arith.select %and3A_396, %broadcast_in_dim3A_426, %scan3A_364 : vector<16xi1>, vector<16xi32>
          %eq3A_428 = arith.constant 0 : i32
          %eq3A_429 = vector.broadcast %eq3A_428 : i32 to vector<16xi32>
          %eq3A_430 = arith.cmpi eq, %scan3A_364, %eq3A_429 : vector<16xi32>
          %lt3A_431 = arith.constant 0 : i32
          %lt3A_432 = vector.broadcast %lt3A_431 : i32 to vector<16xi32>
          %lt3A_433 = arith.cmpi slt, %broadcast_in_dim3A_347, %lt3A_432 : vector<16xi32>
          %add3A_434 = arith.constant 16 : i32
          %add3A_435 = vector.broadcast %add3A_434 : i32 to vector<16xi32>
          %add3A_436 = arith.addi %broadcast_in_dim3A_347, %add3A_435 : vector<16xi32>
          %select_n3A_437 = arith.select %lt3A_433, %add3A_436, %broadcast_in_dim3A_347 : vector<16xi1>, vector<16xi32>
          %broadcast_in_dim3A_438 = vector.shape_cast %select_n3A_437 : vector<16xi32> to vector<16x1xi32>
          %gather3A_439 = vector.shape_cast %broadcast_in_dim3A_438 : vector<16x1xi32> to vector<16xi32>
          %gather3A_440 = tpu.dynamic_gather %rev3A_381[%gather3A_439] in [0] : vector<16xi32>, vector<16xi32> -> vector<16xi32>
          %add3A_441 = arith.addi %scan3A_360, %gather3A_440 : vector<16xi32>
          %select_n3A_442 = arith.select %eq3A_430, %add3A_441, %scan3A_360 : vector<16xi1>, vector<16xi32>
          scf.yield %select_n3A_442, %select_n3A_420, %select_n3A_423, %select_n3A_424, %select_n3A_427 : vector<16xi32>, vector<16xi32>, vector<16xi32>, vector<16xi32>, vector<16xi32>
        }
        %scan3A_353 = arith.constant 64 : i32
        %shift_left3A_354 = arith.constant 10 : i32
        %shift_left3A_355 = vector.broadcast %shift_left3A_354 : i32 to vector<16xi32>
        %shift_left3A_356 = arith.shli %or3A, %shift_left3A_355 : vector<16xi32>
        %or3A_357 = arith.ori %shift_left3A_356, %scan3A_352#1 : vector<16xi32>
        %sub3A_358 = arith.subi %sub3A_345, %scan3A_352#2 : vector<16xi32>
        scf.yield %or3A_357, %sub3A_358, %scan3A_352#3 : vector<16xi32>, vector<16xi32>, vector<16xi32>
      }
      %reduce_max3A_134 = arith.constant true
      %reduce_max3A_135 = vector.broadcast %reduce_max3A_134 : i1 to vector<16xi1>
      %reduce_max3A_136 = arith.constant -2147483648 : i32
      %reduce_max3A_137 = vector.broadcast %reduce_max3A_136 : i32 to vector<16xi32>
      %reduce_max3A_138 = arith.xori %cond3A_133#1, %reduce_max3A_137 : vector<16xi32>
      %reduce_max3A_139 = tpu.scan <max>, %reduce_max3A_138 masked %reduce_max3A_135 : vector<16xi32>, vector<16xi1> -> vector<16xi32>
      %reduce_max3A_140 = arith.xori %reduce_max3A_139, %reduce_max3A_137 : vector<16xi32>
      %reduce_max3A_141 = vector.extract %reduce_max3A_140[15] : i32 from vector<16xi32>
      %reduce_max3A_142 = arith.constant true
      %reduce_max3A_143 = vector.broadcast %reduce_max3A_142 : i1 to vector<16xi1>
      %reduce_max3A_144 = arith.constant -2147483648 : i32
      %reduce_max3A_145 = vector.broadcast %reduce_max3A_144 : i32 to vector<16xi32>
      %reduce_max3A_146 = arith.xori %cond3A_133#2, %reduce_max3A_145 : vector<16xi32>
      %reduce_max3A_147 = tpu.scan <max>, %reduce_max3A_146 masked %reduce_max3A_143 : vector<16xi32>, vector<16xi1> -> vector<16xi32>
      %reduce_max3A_148 = arith.xori %reduce_max3A_147, %reduce_max3A_145 : vector<16xi32>
      %reduce_max3A_149 = vector.extract %reduce_max3A_148[15] : i32 from vector<16xi32>
      %eq3A = arith.cmpi eq, %reduce_max3A_141, %reduce_max3A_149 : i32
      %convert_element_type3A_150 = arith.extui %eq3A : i1 to i32
      %cond3A_151 = arith.constant 0.000000e+00 : f32
      %cond3A_152 = arith.constant 0 : i32
      %cond3A_153 = arith.constant 0 : i32
      %cond3A_154 = arith.cmpi ne, %convert_element_type3A_150, %cond3A_153 : i32
      %cond3A_155 = scf.if %cond3A_154 -> (i32) {
        %parallel_loop3A_299 = arith.constant 0 : i32
        %parallel_loop3A_300 = arith.constant 1024 : i32
        %parallel_loop3A_301 = arith.constant 1 : i32
        scf.for %parallel_loop3A_303 = %parallel_loop3A_299 to %parallel_loop3A_300 step %parallel_loop3A_301  : i32 {
          %parallel_loop3A_304 = arith.constant 16 : i32
          %parallel_loop3A_305 = arith.muli %parallel_loop3A_303, %parallel_loop3A_304 : i32
          %parallel_loop3A_306 = arith.index_cast %parallel_loop3A_305 : i32 to index
          %parallel_loop3A_307 = tpu.vector_load %arg4[%parallel_loop3A_306] {strides = array<i32>} : memref<16384xf32, #tpu.memory_space<vmem>>, vector<16xf32>,
          %parallel_loop3A_308 = tpu.bitcast %parallel_loop3A_307 : vector<16xf32> -> vector<16xi32>
          %parallel_loop3A_309 = arith.constant 0 : i32
          %parallel_loop3A_310 = vector.broadcast %parallel_loop3A_309 : i32 to vector<16xi32>
          %parallel_loop3A_311 = arith.cmpi slt, %parallel_loop3A_308, %parallel_loop3A_310 : vector<16xi32>
          %parallel_loop3A_312 = arith.constant 2147483647 : i32
          %parallel_loop3A_313 = vector.broadcast %parallel_loop3A_312 : i32 to vector<16xi32>
          %parallel_loop3A_314 = arith.xori %parallel_loop3A_308, %parallel_loop3A_313 : vector<16xi32>
          %parallel_loop3A_315 = arith.select %parallel_loop3A_311, %parallel_loop3A_314, %parallel_loop3A_308 : vector<16xi1>, vector<16xi32>
          %parallel_loop3A_316 = arith.cmpi sge, %parallel_loop3A_315, %cond3A_133#0 : vector<16xi32>
          %parallel_loop3A_317 = vector.broadcast %cond3A_151 : f32 to vector<16xf32>
          %parallel_loop3A_318 = arith.select %parallel_loop3A_316, %parallel_loop3A_307, %parallel_loop3A_317 : vector<16xi1>, vector<16xf32>
          %parallel_loop3A_319 = arith.constant 16 : i32
          %parallel_loop3A_320 = arith.muli %parallel_loop3A_303, %parallel_loop3A_319 : i32
          %parallel_loop3A_321 = arith.index_cast %parallel_loop3A_320 : i32 to index
          %parallel_loop3A_322 = tpu.vector_load %arg4[%parallel_loop3A_321] {strides = array<i32>} : memref<16384xf32, #tpu.memory_space<vmem>>, vector<16xf32>,
          tpu.vector_store %arg4[%parallel_loop3A_321], %parallel_loop3A_318 {strides = array<i32>} : memref<16384xf32, #tpu.memory_space<vmem>>, vector<16xf32>,
        } {sc.loop_unroll_factor = 8 : i64, sc.parallel_access}
        %cond3A_302 = arith.constant 0 : i32
        scf.yield %cond3A_302 : i32
      } else {
        %scan3A_299 = arith.constant 0 : i32
        %scan3A_300 = arith.constant 0 : i32
        %scan3A_301 = arith.constant 1024 : i32
        %scan3A_302 = arith.addi %scan3A_300, %scan3A_301 : i32
        %scan3A_303 = arith.constant 1 : i32
        %scan3A_304 = scf.for %scan3A_307 = %scan3A_300 to %scan3A_302 step %scan3A_303 iter_args(%scan3A_308 = %scan3A_299) -> (i32)  : i32 {
          %mul3A_309 = arith.constant 16 : i32
          %mul3A_310 = arith.muli %scan3A_307, %mul3A_309 : i32
          %get3A = arith.index_cast %mul3A_310 : i32 to index
          %get3A_311 = tpu.vector_load %arg4[%get3A] {strides = array<i32>} : memref<16384xf32, #tpu.memory_space<vmem>>, vector<16xf32>,
          %bitcast_convert_type3A = tpu.bitcast %get3A_311 : vector<16xf32> -> vector<16xi32>
          %lt3A_312 = arith.constant 0 : i32
          %lt3A_313 = vector.broadcast %lt3A_312 : i32 to vector<16xi32>
          %lt3A_314 = arith.cmpi slt, %bitcast_convert_type3A, %lt3A_313 : vector<16xi32>
          %xor3A = arith.constant 2147483647 : i32
          %xor3A_315 = vector.broadcast %xor3A : i32 to vector<16xi32>
          %xor3A_316 = arith.xori %bitcast_convert_type3A, %xor3A_315 : vector<16xi32>
          %select_n3A_317 = arith.select %lt3A_314, %xor3A_316, %bitcast_convert_type3A : vector<16xi1>, vector<16xi32>
          %eq3A_318 = arith.cmpi eq, %select_n3A_317, %cond3A_133#0 : vector<16xi32>
          %convert_element_type3A_319 = arith.extui %eq3A_318 : vector<16xi1> to vector<16xi32>
          %broadcast_in_dim3A_320 = arith.constant true
          %broadcast_in_dim3A_321 = vector.broadcast %broadcast_in_dim3A_320 : i1 to vector<16xi1>
          %masked_cumsum3A = tpu.scan <sum>, %convert_element_type3A_319 masked %broadcast_in_dim3A_321 : vector<16xi32>, vector<16xi1> -> vector<16xi32>
          %gt3A_322 = arith.cmpi sgt, %select_n3A_317, %cond3A_133#0 : vector<16xi32>
          %add3A_323 = vector.broadcast %scan3A_308 : i32 to vector<16xi32>
          %add3A_324 = arith.addi %masked_cumsum3A, %add3A_323 : vector<16xi32>
          %le3A_325 = arith.cmpi sle, %add3A_324, %cond3A_133#1 : vector<16xi32>
          %and3A_326 = arith.andi %eq3A_318, %le3A_325 : vector<16xi1>
          %or3A = arith.ori %gt3A_322, %and3A_326 : vector<16xi1>
          %broadcast_in_dim3A_327 = vector.broadcast %cond3A_151 : f32 to vector<16xf32>
          %select_n3A_328 = arith.select %or3A, %get3A_311, %broadcast_in_dim3A_327 : vector<16xi1>, vector<16xf32>
          %mul3A_329 = arith.constant 16 : i32
          %mul3A_330 = arith.muli %scan3A_307, %mul3A_329 : i32
          %swap3A = arith.index_cast %mul3A_330 : i32 to index
          %swap3A_331 = tpu.vector_load %arg4[%swap3A] {strides = array<i32>} : memref<16384xf32, #tpu.memory_space<vmem>>, vector<16xf32>,
          tpu.vector_store %arg4[%swap3A], %select_n3A_328 {strides = array<i32>} : memref<16384xf32, #tpu.memory_space<vmem>>, vector<16xf32>,
          %reduce_sum3A_332 = arith.constant true
          %reduce_sum3A_333 = vector.broadcast %reduce_sum3A_332 : i1 to vector<16xi1>
          %reduce_sum3A_334 = tpu.scan <sum>, %convert_element_type3A_319 masked %reduce_sum3A_333 : vector<16xi32>, vector<16xi1> -> vector<16xi32>
          %reduce_sum3A_335 = vector.extract %reduce_sum3A_334[15] : i32 from vector<16xi32>
          %add3A_336 = arith.addi %scan3A_308, %reduce_sum3A_335 : i32
          scf.yield %add3A_336 : i32
        }
        %scan3A_305 = arith.constant 1024 : i32
        %cond3A_306 = arith.constant 0 : i32
        scf.yield %cond3A_306 : i32
      }
      %dma_start3A_156 = arith.constant 0 : i32
      %dma_start3A_157 = tpu.memref_slice %arg3[%add3A_33, %dma_start3A_156] : memref<4096x16384xf32, #tpu.memory_space<hbm>> -> memref<1x16384xf32, #tpu.memory_space<hbm>>
      %dma_start3A_158 = tpu.memref_squeeze %dma_start3A_157 : memref<1x16384xf32, #tpu.memory_space<hbm>> -> memref<16384xf32, #tpu.memory_space<hbm>>
      %dma_start3A_159 = arith.constant 0 : i32
      %dma_start3A_160 = tpu.memref_slice %arg3[%add3A_33, %dma_start3A_159] : memref<4096x16384xf32, #tpu.memory_space<hbm>> -> memref<1x16384xf32, #tpu.memory_space<hbm>>
      %dma_start3A_161 = tpu.memref_squeeze %dma_start3A_160 : memref<1x16384xf32, #tpu.memory_space<hbm>> -> memref<16384xf32, #tpu.memory_space<hbm>>
      tpu.enqueue_dma source(%arg4 : memref<16384xf32, #tpu.memory_space<vmem>>) target(%dma_start3A_161 : memref<16384xf32, #tpu.memory_space<hbm>>) target_semaphore(%arg10 : memref<!tpu.dma_semaphore, #tpu.memory_space<semaphore_mem>>)
      %dma_wait3A_162 = arith.constant 0 : i32
      %dma_wait3A_163 = tpu.memref_slice %arg2[%add3A_35, %dma_wait3A_162] : memref<4096x16384xf32, #tpu.memory_space<hbm>> -> memref<1x16384xf32, #tpu.memory_space<hbm>>
      %dma_wait3A_164 = tpu.memref_squeeze %dma_wait3A_163 : memref<1x16384xf32, #tpu.memory_space<hbm>> -> memref<16384xf32, #tpu.memory_space<hbm>>
      %dma_wait3A_165 = arith.constant 0 : i32
      %dma_wait3A_166 = tpu.memref_slice %arg2[%add3A_35, %dma_wait3A_165] : memref<4096x16384xf32, #tpu.memory_space<hbm>> -> memref<1x16384xf32, #tpu.memory_space<hbm>>
      %dma_wait3A_167 = tpu.memref_squeeze %dma_wait3A_166 : memref<1x16384xf32, #tpu.memory_space<hbm>> -> memref<16384xf32, #tpu.memory_space<hbm>>
      tpu.wait_dma2 semaphore(%arg9 : memref<!tpu.dma_semaphore, #tpu.memory_space<semaphore_mem>>) src(%dma_wait3A_167 : memref<16384xf32, #tpu.memory_space<hbm>>) dst(%arg5 : memref<16384xf32, #tpu.memory_space<vmem>>)
      %broadcast_in_dim3A_168 = arith.constant 100 : i32
      %broadcast_in_dim3A_169 = vector.broadcast %broadcast_in_dim3A_168 : i32 to vector<16xi32>
      %broadcast_in_dim3A_170 = arith.constant 0 : i32
      %broadcast_in_dim3A_171 = vector.broadcast %broadcast_in_dim3A_170 : i32 to vector<16xi32>
      %parallel_loop3A_172 = arith.constant 0 : i32
      %parallel_loop3A_173 = arith.constant 128 : i32
      %parallel_loop3A_174 = arith.constant 1 : i32
      scf.for %parallel_loop3A_299 = %parallel_loop3A_172 to %parallel_loop3A_173 step %parallel_loop3A_174  : i32 {
        %parallel_loop3A_300 = arith.constant 16 : i32
        %parallel_loop3A_301 = arith.muli %parallel_loop3A_299, %parallel_loop3A_300 : i32
        %parallel_loop3A_302 = arith.index_cast %parallel_loop3A_301 : i32 to index
        %parallel_loop3A_303 = tpu.vector_load %arg7[%parallel_loop3A_302] {strides = array<i32>} : memref<2048xi32, #tpu.memory_space<vmem>>, vector<16xi32>,
        tpu.vector_store %arg7[%parallel_loop3A_302], %broadcast_in_dim3A_171 {strides = array<i32>} : memref<2048xi32, #tpu.memory_space<vmem>>, vector<16xi32>,
      } {sc.loop_unroll_factor = 4 : i64, sc.parallel_access}
      %broadcast_in_dim3A_175 = arith.constant -1 : i32
      %broadcast_in_dim3A_176 = vector.broadcast %broadcast_in_dim3A_175 : i32 to vector<16xi32>
      %parallel_loop3A_177 = arith.constant 0 : i32
      %parallel_loop3A_178 = arith.constant 128 : i32
      %parallel_loop3A_179 = arith.constant 1 : i32
      %parallel_loop3A_180 = scf.for %parallel_loop3A_299 = %parallel_loop3A_177 to %parallel_loop3A_178 step %parallel_loop3A_179 iter_args(%parallel_loop3A_300 = %broadcast_in_dim3A_176) -> (vector<16xi32>)  : i32 {
        %parallel_loop3A_301 = arith.constant 8 : i32
        %parallel_loop3A_302 = arith.muli %parallel_loop3A_299, %parallel_loop3A_301 : i32
        %parallel_loop3A_303 = arith.constant 16 : i32
        %parallel_loop3A_304 = arith.muli %parallel_loop3A_302, %parallel_loop3A_303 : i32
        %parallel_loop3A_305 = arith.index_cast %parallel_loop3A_304 : i32 to index
        %parallel_loop3A_306 = tpu.vector_load %arg5[%parallel_loop3A_305] {strides = array<i32>} : memref<16384xf32, #tpu.memory_space<vmem>>, vector<16xf32>,
        %parallel_loop3A_307 = tpu.bitcast %parallel_loop3A_306 : vector<16xf32> -> vector<16xi32>
        %parallel_loop3A_308 = arith.constant 0 : i32
        %parallel_loop3A_309 = vector.broadcast %parallel_loop3A_308 : i32 to vector<16xi32>
        %parallel_loop3A_310 = arith.cmpi slt, %parallel_loop3A_307, %parallel_loop3A_309 : vector<16xi32>
        %parallel_loop3A_311 = arith.constant 2147483647 : i32
        %parallel_loop3A_312 = vector.broadcast %parallel_loop3A_311 : i32 to vector<16xi32>
        %parallel_loop3A_313 = arith.xori %parallel_loop3A_307, %parallel_loop3A_312 : vector<16xi32>
        %parallel_loop3A_314 = arith.select %parallel_loop3A_310, %parallel_loop3A_313, %parallel_loop3A_307 : vector<16xi1>, vector<16xi32>
        %parallel_loop3A_315 = arith.constant 21 : i32
        %parallel_loop3A_316 = vector.broadcast %parallel_loop3A_315 : i32 to vector<16xi32>
        %parallel_loop3A_317 = arith.shrsi %parallel_loop3A_314, %parallel_loop3A_316 : vector<16xi32>
        %parallel_loop3A_318 = arith.constant 1024 : i32
        %parallel_loop3A_319 = vector.broadcast %parallel_loop3A_318 : i32 to vector<16xi32>
        %parallel_loop3A_320 = arith.addi %parallel_loop3A_317, %parallel_loop3A_319 : vector<16xi32>
        tpu.vector_store_idx %arg7[%parallel_loop3A_320], %broadcast_in_dim3A_3 {add = true} : memref<2048xi32, #tpu.memory_space<vmem>>[vector<16xi32>], vector<16xi32>,
        %parallel_loop3A_321 = arith.maxsi %parallel_loop3A_300, %parallel_loop3A_320 : vector<16xi32>
        scf.yield %parallel_loop3A_321 : vector<16xi32>
      } {sc.loop_unroll_factor = 8 : i64, sc.parallel_access}
      %reduce_max3A_181 = arith.constant true
      %reduce_max3A_182 = vector.broadcast %reduce_max3A_181 : i1 to vector<16xi1>
      %reduce_max3A_183 = arith.constant -2147483648 : i32
      %reduce_max3A_184 = vector.broadcast %reduce_max3A_183 : i32 to vector<16xi32>
      %reduce_max3A_185 = arith.xori %parallel_loop3A_180, %reduce_max3A_184 : vector<16xi32>
      %reduce_max3A_186 = tpu.scan <max>, %reduce_max3A_185 masked %reduce_max3A_182 : vector<16xi32>, vector<16xi1> -> vector<16xi32>
      %reduce_max3A_187 = arith.xori %reduce_max3A_186, %reduce_max3A_184 : vector<16xi32>
      %reduce_max3A_188 = vector.extract %reduce_max3A_187[15] : i32 from vector<16xi32>
      %broadcast_in_dim3A_189 = arith.constant 13 : i32
      %broadcast_in_dim3A_190 = vector.broadcast %broadcast_in_dim3A_189 : i32 to vector<16xi32>
      %jit3A_191 = arith.constant 16 : i32
      %div3A_192 = arith.divsi %reduce_max3A_188, %jit3A_191 : i32
      %sign3A_193 = arith.constant 0 : i32
      %sign3A_194 = arith.cmpi sgt, %reduce_max3A_188, %sign3A_193 : i32
      %sign3A_195 = arith.extui %sign3A_194 : i1 to i32
      %sign3A_196 = arith.constant 0 : i32
      %sign3A_197 = arith.cmpi slt, %reduce_max3A_188, %sign3A_196 : i32
      %sign3A_198 = arith.extui %sign3A_197 : i1 to i32
      %sign3A_199 = arith.subi %sign3A_195, %sign3A_198 : i32
      %sign3A_200 = arith.constant 0 : i32
      %sign3A_201 = arith.cmpi sgt, %jit3A_191, %sign3A_200 : i32
      %sign3A_202 = arith.extui %sign3A_201 : i1 to i32
      %sign3A_203 = arith.constant 0 : i32
      %sign3A_204 = arith.cmpi slt, %jit3A_191, %sign3A_203 : i32
      %sign3A_205 = arith.extui %sign3A_204 : i1 to i32
      %sign3A_206 = arith.subi %sign3A_202, %sign3A_205 : i32
      %ne3A_207 = arith.cmpi ne, %sign3A_199, %sign3A_206 : i32
      %rem3A_208 = arith.remsi %reduce_max3A_188, %jit3A_191 : i32
      %ne3A_209 = arith.constant 0 : i32
      %ne3A_210 = arith.cmpi ne, %rem3A_208, %ne3A_209 : i32
      %and3A_211 = arith.andi %ne3A_207, %ne3A_210 : i1
      %sub3A_212 = arith.constant 1 : i32
      %sub3A_213 = arith.subi %div3A_192, %sub3A_212 : i32
      %select_n3A_214 = arith.select %and3A_211, %sub3A_213, %div3A_192 : i32
      %broadcast_in_dim3A_215 = arith.constant 0 : i32
      %broadcast_in_dim3A_216 = vector.broadcast %broadcast_in_dim3A_215 : i32 to vector<16xi32>
      %scan3A_217 = arith.constant 0 : i32
      %scan3A_218 = arith.constant 4 : i32
      %scan3A_219 = arith.addi %scan3A_217, %scan3A_218 : i32
      %scan3A_220 = arith.constant 1 : i32
      %scan3A_221:5 = scf.for %scan3A_299 = %scan3A_217 to %scan3A_219 step %scan3A_220 iter_args(%scan3A_300 = %broadcast_in_dim3A_216, %scan3A_301 = %broadcast_in_dim3A_216, %scan3A_302 = %broadcast_in_dim3A_216, %scan3A_303 = %broadcast_in_dim3A_216, %scan3A_304 = %broadcast_in_dim3A_216) -> (vector<16xi32>, vector<16xi32>, vector<16xi32>, vector<16xi32>, vector<16xi32>)  : i32 {
        %sub3A_305 = arith.subi %select_n3A_214, %scan3A_299 : i32
        %max3A = arith.constant 0 : i32
        %max3A_306 = arith.maxsi %sub3A_305, %max3A : i32
        %mul3A_307 = arith.constant 16 : i32
        %mul3A_308 = arith.muli %max3A_306, %mul3A_307 : i32
        %get3A = arith.index_cast %mul3A_308 : i32 to index
        %get3A_309 = tpu.vector_load %arg7[%get3A] {strides = array<i32>} : memref<2048xi32, #tpu.memory_space<vmem>>, vector<16xi32>,
        %rev3A = arith.constant 15 : i32
        %rev3A_310 = vector.broadcast %rev3A : i32 to vector<16xi32>
        %rev3A_311 = tpu.iota {dimensions = array<i32: 0>} : vector<16xi32>
        %rev3A_312 = arith.subi %rev3A_310, %rev3A_311 : vector<16xi32>
        %rev3A_313 = tpu.dynamic_gather %get3A_309[%rev3A_312] in [0] : vector<16xi32>, vector<16xi32> -> vector<16xi32>
        %broadcast_in_dim3A_314 = arith.constant true
        %broadcast_in_dim3A_315 = vector.broadcast %broadcast_in_dim3A_314 : i1 to vector<16xi1>
        %masked_cumsum3A = tpu.scan <sum>, %rev3A_313 masked %broadcast_in_dim3A_315 : vector<16xi32>, vector<16xi1> -> vector<16xi32>
        %rev3A_316 = arith.constant 15 : i32
        %rev3A_317 = vector.broadcast %rev3A_316 : i32 to vector<16xi32>
        %rev3A_318 = tpu.iota {dimensions = array<i32: 0>} : vector<16xi32>
        %rev3A_319 = arith.subi %rev3A_317, %rev3A_318 : vector<16xi32>
        %rev3A_320 = tpu.dynamic_gather %masked_cumsum3A[%rev3A_319] in [0] : vector<16xi32>, vector<16xi32> -> vector<16xi32>
        %add3A_321 = arith.addi %scan3A_300, %rev3A_320 : vector<16xi32>
        %ge3A_322 = arith.cmpi sge, %add3A_321, %broadcast_in_dim3A_190 : vector<16xi32>
        %all_reduce_population_count3A = tpu.all_reduce %ge3A_322 {dim = 0 : i64, kind = #tpu.reduction_kind<sum>} : vector<16xi1> -> vector<16xi32>
        %sub3A_323 = arith.constant 1 : i32
        %sub3A_324 = vector.broadcast %sub3A_323 : i32 to vector<16xi32>
        %sub3A_325 = arith.subi %all_reduce_population_count3A, %sub3A_324 : vector<16xi32>
        %max3A_326 = arith.constant 0 : i32
        %max3A_327 = vector.broadcast %max3A_326 : i32 to vector<16xi32>
        %max3A_328 = arith.maxsi %sub3A_325, %max3A_327 : vector<16xi32>
        %gt3A_329 = arith.constant 0 : i32
        %gt3A_330 = vector.broadcast %gt3A_329 : i32 to vector<16xi32>
        %gt3A_331 = arith.cmpi sgt, %all_reduce_population_count3A, %gt3A_330 : vector<16xi32>
        %eq3A_332 = arith.constant 0 : i32
        %eq3A_333 = vector.broadcast %eq3A_332 : i32 to vector<16xi32>
        %eq3A_334 = arith.cmpi eq, %scan3A_304, %eq3A_333 : vector<16xi32>
        %and3A_335 = arith.andi %gt3A_331, %eq3A_334 : vector<16xi1>
        %lt3A_336 = arith.constant 0 : i32
        %lt3A_337 = vector.broadcast %lt3A_336 : i32 to vector<16xi32>
        %lt3A_338 = arith.cmpi slt, %max3A_328, %lt3A_337 : vector<16xi32>
        %add3A_339 = arith.constant 16 : i32
        %add3A_340 = vector.broadcast %add3A_339 : i32 to vector<16xi32>
        %add3A_341 = arith.addi %max3A_328, %add3A_340 : vector<16xi32>
        %select_n3A_342 = arith.select %lt3A_338, %add3A_341, %max3A_328 : vector<16xi1>, vector<16xi32>
        %broadcast_in_dim3A_343 = vector.shape_cast %select_n3A_342 : vector<16xi32> to vector<16x1xi32>
        %gather3A = vector.shape_cast %broadcast_in_dim3A_343 : vector<16x1xi32> to vector<16xi32>
        %gather3A_344 = tpu.dynamic_gather %get3A_309[%gather3A] in [0] : vector<16xi32>, vector<16xi32> -> vector<16xi32>
        %lt3A_345 = arith.constant 0 : i32
        %lt3A_346 = vector.broadcast %lt3A_345 : i32 to vector<16xi32>
        %lt3A_347 = arith.cmpi slt, %max3A_328, %lt3A_346 : vector<16xi32>
        %add3A_348 = arith.constant 16 : i32
        %add3A_349 = vector.broadcast %add3A_348 : i32 to vector<16xi32>
        %add3A_350 = arith.addi %max3A_328, %add3A_349 : vector<16xi32>
        %select_n3A_351 = arith.select %lt3A_347, %add3A_350, %max3A_328 : vector<16xi1>, vector<16xi32>
        %broadcast_in_dim3A_352 = vector.shape_cast %select_n3A_351 : vector<16xi32> to vector<16x1xi32>
        %gather3A_353 = vector.shape_cast %broadcast_in_dim3A_352 : vector<16x1xi32> to vector<16xi32>
        %gather3A_354 = tpu.dynamic_gather %rev3A_320[%gather3A_353] in [0] : vector<16xi32>, vector<16xi32> -> vector<16xi32>
        %mul3A_355 = arith.constant 16 : i32
        %mul3A_356 = arith.muli %max3A_306, %mul3A_355 : i32
        %add3A_357 = vector.broadcast %mul3A_356 : i32 to vector<16xi32>
        %add3A_358 = arith.addi %add3A_357, %max3A_328 : vector<16xi32>
        %select_n3A_359 = arith.select %and3A_335, %add3A_358, %scan3A_301 : vector<16xi1>, vector<16xi32>
        %add3A_360 = arith.addi %scan3A_300, %gather3A_354 : vector<16xi32>
        %sub3A_361 = arith.subi %add3A_360, %gather3A_344 : vector<16xi32>
        %select_n3A_362 = arith.select %and3A_335, %sub3A_361, %scan3A_302 : vector<16xi1>, vector<16xi32>
        %select_n3A_363 = arith.select %and3A_335, %gather3A_344, %scan3A_303 : vector<16xi1>, vector<16xi32>
        %jit3A_364 = arith.constant 1 : i32
        %broadcast_in_dim3A_365 = vector.broadcast %jit3A_364 : i32 to vector<16xi32>
        %select_n3A_366 = arith.select %and3A_335, %broadcast_in_dim3A_365, %scan3A_304 : vector<16xi1>, vector<16xi32>
        %eq3A_367 = arith.constant 0 : i32
        %eq3A_368 = vector.broadcast %eq3A_367 : i32 to vector<16xi32>
        %eq3A_369 = arith.cmpi eq, %scan3A_304, %eq3A_368 : vector<16xi32>
        %lt3A_370 = arith.constant 0 : i32
        %lt3A_371 = vector.broadcast %lt3A_370 : i32 to vector<16xi32>
        %lt3A_372 = arith.cmpi slt, %broadcast_in_dim3A_216, %lt3A_371 : vector<16xi32>
        %add3A_373 = arith.constant 16 : i32
        %add3A_374 = vector.broadcast %add3A_373 : i32 to vector<16xi32>
        %add3A_375 = arith.addi %broadcast_in_dim3A_216, %add3A_374 : vector<16xi32>
        %select_n3A_376 = arith.select %lt3A_372, %add3A_375, %broadcast_in_dim3A_216 : vector<16xi1>, vector<16xi32>
        %broadcast_in_dim3A_377 = vector.shape_cast %select_n3A_376 : vector<16xi32> to vector<16x1xi32>
        %gather3A_378 = vector.shape_cast %broadcast_in_dim3A_377 : vector<16x1xi32> to vector<16xi32>
        %gather3A_379 = tpu.dynamic_gather %rev3A_320[%gather3A_378] in [0] : vector<16xi32>, vector<16xi32> -> vector<16xi32>
        %add3A_380 = arith.addi %scan3A_300, %gather3A_379 : vector<16xi32>
        %select_n3A_381 = arith.select %eq3A_369, %add3A_380, %scan3A_300 : vector<16xi1>, vector<16xi32>
        scf.yield %select_n3A_381, %select_n3A_359, %select_n3A_362, %select_n3A_363, %select_n3A_366 : vector<16xi32>, vector<16xi32>, vector<16xi32>, vector<16xi32>, vector<16xi32>
      }
      %scan3A_222 = arith.constant 4 : i32
      %sub3A_223 = arith.constant 1024 : i32
      %sub3A_224 = vector.broadcast %sub3A_223 : i32 to vector<16xi32>
      %sub3A_225 = arith.subi %scan3A_221#1, %sub3A_224 : vector<16xi32>
      %broadcast_in_dim3A_226 = arith.constant 0 : i32
      %broadcast_in_dim3A_227 = vector.broadcast %broadcast_in_dim3A_226 : i32 to vector<16xi32>
      %mul3A_228 = arith.constant 1025 : i32
      %mul3A_229 = vector.broadcast %mul3A_228 : i32 to vector<16xi32>
      %mul3A_230 = arith.muli %iota3A, %mul3A_229 : vector<16xi32>
      %parallel_loop3A_231 = arith.constant 0 : i32
      %parallel_loop3A_232 = arith.constant 1024 : i32
      %parallel_loop3A_233 = arith.constant 1 : i32
      %parallel_loop3A_234:2 = scf.for %parallel_loop3A_299 = %parallel_loop3A_231 to %parallel_loop3A_232 step %parallel_loop3A_233 iter_args(%parallel_loop3A_300 = %broadcast_in_dim3A_227, %parallel_loop3A_301 = %broadcast_in_dim3A_227) -> (vector<16xi32>, vector<16xi32>)  : i32 {
        %parallel_loop3A_302 = arith.constant 16 : i32
        %parallel_loop3A_303 = arith.muli %parallel_loop3A_299, %parallel_loop3A_302 : i32
        %parallel_loop3A_304 = arith.index_cast %parallel_loop3A_303 : i32 to index
        %parallel_loop3A_305 = tpu.vector_load %arg5[%parallel_loop3A_304] {strides = array<i32>} : memref<16384xf32, #tpu.memory_space<vmem>>, vector<16xf32>,
        %parallel_loop3A_306 = tpu.bitcast %parallel_loop3A_305 : vector<16xf32> -> vector<16xi32>
        %parallel_loop3A_307 = arith.constant 0 : i32
        %parallel_loop3A_308 = vector.broadcast %parallel_loop3A_307 : i32 to vector<16xi32>
        %parallel_loop3A_309 = arith.cmpi slt, %parallel_loop3A_306, %parallel_loop3A_308 : vector<16xi32>
        %parallel_loop3A_310 = arith.constant 2147483647 : i32
        %parallel_loop3A_311 = vector.broadcast %parallel_loop3A_310 : i32 to vector<16xi32>
        %parallel_loop3A_312 = arith.xori %parallel_loop3A_306, %parallel_loop3A_311 : vector<16xi32>
        %parallel_loop3A_313 = arith.select %parallel_loop3A_309, %parallel_loop3A_312, %parallel_loop3A_306 : vector<16xi1>, vector<16xi32>
        %parallel_loop3A_314 = arith.constant 21 : i32
        %parallel_loop3A_315 = vector.broadcast %parallel_loop3A_314 : i32 to vector<16xi32>
        %parallel_loop3A_316 = arith.shrsi %parallel_loop3A_313, %parallel_loop3A_315 : vector<16xi32>
        %parallel_loop3A_317 = arith.cmpi eq, %parallel_loop3A_316, %sub3A_225 : vector<16xi32>
        %parallel_loop3A_318 = arith.addi %mul3A_230, %parallel_loop3A_301 : vector<16xi32>
        tpu.vector_store_idx %arg6[%parallel_loop3A_318], %parallel_loop3A_313 masked %parallel_loop3A_317 : memref<16400xi32, #tpu.memory_space<vmem>>[vector<16xi32>], vector<16xi32>, vector<16xi1>
        %parallel_loop3A_319 = arith.cmpi sgt, %parallel_loop3A_316, %sub3A_225 : vector<16xi32>
        %parallel_loop3A_320 = arith.constant 1 : i32
        %parallel_loop3A_321 = arith.constant 0 : i32
        %parallel_loop3A_322 = vector.broadcast %parallel_loop3A_320 : i32 to vector<16xi32>
        %parallel_loop3A_323 = vector.broadcast %parallel_loop3A_321 : i32 to vector<16xi32>
        %parallel_loop3A_324 = arith.select %parallel_loop3A_319, %parallel_loop3A_322, %parallel_loop3A_323 : vector<16xi1>, vector<16xi32>
        %parallel_loop3A_325 = arith.addi %parallel_loop3A_300, %parallel_loop3A_324 : vector<16xi32>
        %parallel_loop3A_326 = arith.constant 1 : i32
        %parallel_loop3A_327 = arith.constant 0 : i32
        %parallel_loop3A_328 = vector.broadcast %parallel_loop3A_326 : i32 to vector<16xi32>
        %parallel_loop3A_329 = vector.broadcast %parallel_loop3A_327 : i32 to vector<16xi32>
        %parallel_loop3A_330 = arith.select %parallel_loop3A_317, %parallel_loop3A_328, %parallel_loop3A_329 : vector<16xi1>, vector<16xi32>
        %parallel_loop3A_331 = arith.addi %parallel_loop3A_301, %parallel_loop3A_330 : vector<16xi32>
        scf.yield %parallel_loop3A_325, %parallel_loop3A_331 : vector<16xi32>, vector<16xi32>
      } {sc.loop_unroll_factor = 8 : i64, sc.parallel_access}
      %reduce_sum3A_235 = arith.constant true
      %reduce_sum3A_236 = vector.broadcast %reduce_sum3A_235 : i1 to vector<16xi1>
      %reduce_sum3A_237 = tpu.scan <sum>, %parallel_loop3A_234#0 masked %reduce_sum3A_236 : vector<16xi32>, vector<16xi1> -> vector<16xi32>
      %reduce_sum3A_238 = vector.extract %reduce_sum3A_237[15] : i32 from vector<16xi32>
      %reduce_sum3A_239 = arith.constant true
      %reduce_sum3A_240 = vector.broadcast %reduce_sum3A_239 : i1 to vector<16xi1>
      %reduce_sum3A_241 = tpu.scan <sum>, %parallel_loop3A_234#1 masked %reduce_sum3A_240 : vector<16xi32>, vector<16xi1> -> vector<16xi32>
      %reduce_sum3A_242 = vector.extract %reduce_sum3A_241[15] : i32 from vector<16xi32>
      %reduce_max3A_243 = arith.constant true
      %reduce_max3A_244 = vector.broadcast %reduce_max3A_243 : i1 to vector<16xi1>
      %reduce_max3A_245 = arith.constant -2147483648 : i32
      %reduce_max3A_246 = vector.broadcast %reduce_max3A_245 : i32 to vector<16xi32>
      %reduce_max3A_247 = arith.xori %parallel_loop3A_234#1, %reduce_max3A_246 : vector<16xi32>
      %reduce_max3A_248 = tpu.scan <max>, %reduce_max3A_247 masked %reduce_max3A_244 : vector<16xi32>, vector<16xi1> -> vector<16xi32>
      %reduce_max3A_249 = arith.xori %reduce_max3A_248, %reduce_max3A_246 : vector<16xi32>
      %reduce_max3A_250 = vector.extract %reduce_max3A_249[15] : i32 from vector<16xi32>
      %lt3A_251 = arith.constant 100 : i32
      %lt3A_252 = arith.cmpi slt, %reduce_sum3A_238, %lt3A_251 : i32
      %add3A_253 = arith.addi %reduce_sum3A_238, %reduce_sum3A_242 : i32
      %ge3A_254 = arith.constant 100 : i32
      %ge3A_255 = arith.cmpi sge, %add3A_253, %ge3A_254 : i32
      %and3A_256 = arith.andi %lt3A_252, %ge3A_255 : i1
      %le3A_257 = arith.constant 32 : i32
      %le3A_258 = arith.cmpi sle, %reduce_max3A_250, %le3A_257 : i32
      %and3A_259 = arith.andi %and3A_256, %le3A_258 : i1
      %convert_element_type3A_260 = arith.extui %and3A_259 : i1 to i32
      %cond3A_261 = arith.constant 0 : i32
      %cond3A_262 = arith.constant 0 : i32
      %cond3A_263 = arith.cmpi ne, %convert_element_type3A_260, %cond3A_262 : i32
      %cond3A_264:3 = scf.if %cond3A_263 -> (vector<16xi32>, vector<16xi32>, vector<16xi32>) {
        %sub3A_299 = vector.broadcast %reduce_sum3A_238 : i32 to vector<16xi32>
        %sub3A_300 = arith.subi %broadcast_in_dim3A_169, %sub3A_299 : vector<16xi32>
        %broadcast_in_dim3A_301 = arith.constant 0 : i32
        %broadcast_in_dim3A_302 = vector.broadcast %broadcast_in_dim3A_301 : i32 to vector<16xi32>
        %parallel_loop3A_303 = arith.constant 0 : i32
        %parallel_loop3A_304 = arith.constant 8 : i32
        %parallel_loop3A_305 = arith.constant 1 : i32
        scf.for %parallel_loop3A_362 = %parallel_loop3A_303 to %parallel_loop3A_304 step %parallel_loop3A_305  : i32 {
          %parallel_loop3A_363 = arith.constant 16 : i32
          %parallel_loop3A_364 = arith.muli %parallel_loop3A_362, %parallel_loop3A_363 : i32
          %parallel_loop3A_365 = arith.index_cast %parallel_loop3A_364 : i32 to index
          %parallel_loop3A_366 = tpu.vector_load %arg7[%parallel_loop3A_365] {strides = array<i32>} : memref<2048xi32, #tpu.memory_space<vmem>>, vector<16xi32>,
          tpu.vector_store %arg7[%parallel_loop3A_365], %broadcast_in_dim3A_302 {strides = array<i32>} : memref<2048xi32, #tpu.memory_space<vmem>>, vector<16xi32>,
        } {sc.loop_unroll_factor = 4 : i64, sc.parallel_access}
        %parallel_loop3A_306 = arith.constant 0 : i32
        %parallel_loop3A_307 = arith.constant 32 : i32
        %parallel_loop3A_308 = arith.constant 1 : i32
        scf.for %parallel_loop3A_362 = %parallel_loop3A_306 to %parallel_loop3A_307 step %parallel_loop3A_308  : i32 {
          %parallel_loop3A_363 = vector.broadcast %parallel_loop3A_362 : i32 to vector<16xi32>
          %parallel_loop3A_364 = arith.addi %mul3A_230, %parallel_loop3A_363 : vector<16xi32>
          %parallel_loop3A_365 = tpu.vector_load_idx %arg6[%parallel_loop3A_364] : memref<16400xi32, #tpu.memory_space<vmem>>[vector<16xi32>], vector<16xi32>,
          %parallel_loop3A_366 = vector.broadcast %parallel_loop3A_362 : i32 to vector<16xi32>
          %parallel_loop3A_367 = arith.cmpi slt, %parallel_loop3A_366, %parallel_loop3A_234#1 : vector<16xi32>
          %parallel_loop3A_368 = arith.constant true
          %parallel_loop3A_369 = vector.broadcast %parallel_loop3A_368 : i1 to vector<16xi1>
          %parallel_loop3A_370 = arith.andi %parallel_loop3A_367, %parallel_loop3A_369 : vector<16xi1>
          %parallel_loop3A_371 = arith.constant 14 : i32
          %parallel_loop3A_372 = vector.broadcast %parallel_loop3A_371 : i32 to vector<16xi32>
          %parallel_loop3A_373 = arith.shrsi %parallel_loop3A_365, %parallel_loop3A_372 : vector<16xi32>
          %parallel_loop3A_374 = arith.constant 127 : i32
          %parallel_loop3A_375 = vector.broadcast %parallel_loop3A_374 : i32 to vector<16xi32>
          %parallel_loop3A_376 = arith.andi %parallel_loop3A_373, %parallel_loop3A_375 : vector<16xi32>
          tpu.vector_store_idx %arg7[%parallel_loop3A_376], %broadcast_in_dim3A_3 masked %parallel_loop3A_370 {add = true} : memref<2048xi32, #tpu.memory_space<vmem>>[vector<16xi32>], vector<16xi32>, vector<16xi1>
        } {sc.loop_unroll_factor = 4 : i64, sc.parallel_access}
        %broadcast_in_dim3A_309 = arith.constant 0 : i32
        %broadcast_in_dim3A_310 = vector.broadcast %broadcast_in_dim3A_309 : i32 to vector<16xi32>
        %scan3A_311 = arith.constant 0 : i32
        %scan3A_312 = arith.constant 8 : i32
        %scan3A_313 = arith.addi %scan3A_311, %scan3A_312 : i32
        %scan3A_314 = arith.constant 1 : i32
        %scan3A_315:5 = scf.for %scan3A_362 = %scan3A_311 to %scan3A_313 step %scan3A_314 iter_args(%scan3A_363 = %broadcast_in_dim3A_310, %scan3A_364 = %broadcast_in_dim3A_310, %scan3A_365 = %broadcast_in_dim3A_310, %scan3A_366 = %broadcast_in_dim3A_310, %scan3A_367 = %broadcast_in_dim3A_310) -> (vector<16xi32>, vector<16xi32>, vector<16xi32>, vector<16xi32>, vector<16xi32>)  : i32 {
          %sub3A_368 = arith.constant 7 : i32
          %sub3A_369 = arith.subi %sub3A_368, %scan3A_362 : i32
          %max3A = arith.constant 0 : i32
          %max3A_370 = arith.maxsi %sub3A_369, %max3A : i32
          %mul3A_371 = arith.constant 16 : i32
          %mul3A_372 = arith.muli %max3A_370, %mul3A_371 : i32
          %get3A = arith.index_cast %mul3A_372 : i32 to index
          %get3A_373 = tpu.vector_load %arg7[%get3A] {strides = array<i32>} : memref<2048xi32, #tpu.memory_space<vmem>>, vector<16xi32>,
          %rev3A = arith.constant 15 : i32
          %rev3A_374 = vector.broadcast %rev3A : i32 to vector<16xi32>
          %rev3A_375 = tpu.iota {dimensions = array<i32: 0>} : vector<16xi32>
          %rev3A_376 = arith.subi %rev3A_374, %rev3A_375 : vector<16xi32>
          %rev3A_377 = tpu.dynamic_gather %get3A_373[%rev3A_376] in [0] : vector<16xi32>, vector<16xi32> -> vector<16xi32>
          %broadcast_in_dim3A_378 = arith.constant true
          %broadcast_in_dim3A_379 = vector.broadcast %broadcast_in_dim3A_378 : i1 to vector<16xi1>
          %masked_cumsum3A = tpu.scan <sum>, %rev3A_377 masked %broadcast_in_dim3A_379 : vector<16xi32>, vector<16xi1> -> vector<16xi32>
          %rev3A_380 = arith.constant 15 : i32
          %rev3A_381 = vector.broadcast %rev3A_380 : i32 to vector<16xi32>
          %rev3A_382 = tpu.iota {dimensions = array<i32: 0>} : vector<16xi32>
          %rev3A_383 = arith.subi %rev3A_381, %rev3A_382 : vector<16xi32>
          %rev3A_384 = tpu.dynamic_gather %masked_cumsum3A[%rev3A_383] in [0] : vector<16xi32>, vector<16xi32> -> vector<16xi32>
          %add3A_385 = arith.addi %scan3A_363, %rev3A_384 : vector<16xi32>
          %ge3A_386 = arith.cmpi sge, %add3A_385, %sub3A_300 : vector<16xi32>
          %all_reduce_population_count3A = tpu.all_reduce %ge3A_386 {dim = 0 : i64, kind = #tpu.reduction_kind<sum>} : vector<16xi1> -> vector<16xi32>
          %sub3A_387 = arith.constant 1 : i32
          %sub3A_388 = vector.broadcast %sub3A_387 : i32 to vector<16xi32>
          %sub3A_389 = arith.subi %all_reduce_population_count3A, %sub3A_388 : vector<16xi32>
          %max3A_390 = arith.constant 0 : i32
          %max3A_391 = vector.broadcast %max3A_390 : i32 to vector<16xi32>
          %max3A_392 = arith.maxsi %sub3A_389, %max3A_391 : vector<16xi32>
          %gt3A_393 = arith.constant 0 : i32
          %gt3A_394 = vector.broadcast %gt3A_393 : i32 to vector<16xi32>
          %gt3A_395 = arith.cmpi sgt, %all_reduce_population_count3A, %gt3A_394 : vector<16xi32>
          %eq3A_396 = arith.constant 0 : i32
          %eq3A_397 = vector.broadcast %eq3A_396 : i32 to vector<16xi32>
          %eq3A_398 = arith.cmpi eq, %scan3A_367, %eq3A_397 : vector<16xi32>
          %and3A_399 = arith.andi %gt3A_395, %eq3A_398 : vector<16xi1>
          %lt3A_400 = arith.constant 0 : i32
          %lt3A_401 = vector.broadcast %lt3A_400 : i32 to vector<16xi32>
          %lt3A_402 = arith.cmpi slt, %max3A_392, %lt3A_401 : vector<16xi32>
          %add3A_403 = arith.constant 16 : i32
          %add3A_404 = vector.broadcast %add3A_403 : i32 to vector<16xi32>
          %add3A_405 = arith.addi %max3A_392, %add3A_404 : vector<16xi32>
          %select_n3A_406 = arith.select %lt3A_402, %add3A_405, %max3A_392 : vector<16xi1>, vector<16xi32>
          %broadcast_in_dim3A_407 = vector.shape_cast %select_n3A_406 : vector<16xi32> to vector<16x1xi32>
          %gather3A = vector.shape_cast %broadcast_in_dim3A_407 : vector<16x1xi32> to vector<16xi32>
          %gather3A_408 = tpu.dynamic_gather %get3A_373[%gather3A] in [0] : vector<16xi32>, vector<16xi32> -> vector<16xi32>
          %lt3A_409 = arith.constant 0 : i32
          %lt3A_410 = vector.broadcast %lt3A_409 : i32 to vector<16xi32>
          %lt3A_411 = arith.cmpi slt, %max3A_392, %lt3A_410 : vector<16xi32>
          %add3A_412 = arith.constant 16 : i32
          %add3A_413 = vector.broadcast %add3A_412 : i32 to vector<16xi32>
          %add3A_414 = arith.addi %max3A_392, %add3A_413 : vector<16xi32>
          %select_n3A_415 = arith.select %lt3A_411, %add3A_414, %max3A_392 : vector<16xi1>, vector<16xi32>
          %broadcast_in_dim3A_416 = vector.shape_cast %select_n3A_415 : vector<16xi32> to vector<16x1xi32>
          %gather3A_417 = vector.shape_cast %broadcast_in_dim3A_416 : vector<16x1xi32> to vector<16xi32>
          %gather3A_418 = tpu.dynamic_gather %rev3A_384[%gather3A_417] in [0] : vector<16xi32>, vector<16xi32> -> vector<16xi32>
          %mul3A_419 = arith.constant 16 : i32
          %mul3A_420 = arith.muli %max3A_370, %mul3A_419 : i32
          %add3A_421 = vector.broadcast %mul3A_420 : i32 to vector<16xi32>
          %add3A_422 = arith.addi %add3A_421, %max3A_392 : vector<16xi32>
          %select_n3A_423 = arith.select %and3A_399, %add3A_422, %scan3A_364 : vector<16xi1>, vector<16xi32>
          %add3A_424 = arith.addi %scan3A_363, %gather3A_418 : vector<16xi32>
          %sub3A_425 = arith.subi %add3A_424, %gather3A_408 : vector<16xi32>
          %select_n3A_426 = arith.select %and3A_399, %sub3A_425, %scan3A_365 : vector<16xi1>, vector<16xi32>
          %select_n3A_427 = arith.select %and3A_399, %gather3A_408, %scan3A_366 : vector<16xi1>, vector<16xi32>
          %jit3A_428 = arith.constant 1 : i32
          %broadcast_in_dim3A_429 = vector.broadcast %jit3A_428 : i32 to vector<16xi32>
          %select_n3A_430 = arith.select %and3A_399, %broadcast_in_dim3A_429, %scan3A_367 : vector<16xi1>, vector<16xi32>
          %eq3A_431 = arith.constant 0 : i32
          %eq3A_432 = vector.broadcast %eq3A_431 : i32 to vector<16xi32>
          %eq3A_433 = arith.cmpi eq, %scan3A_367, %eq3A_432 : vector<16xi32>
          %lt3A_434 = arith.constant 0 : i32
          %lt3A_435 = vector.broadcast %lt3A_434 : i32 to vector<16xi32>
          %lt3A_436 = arith.cmpi slt, %broadcast_in_dim3A_310, %lt3A_435 : vector<16xi32>
          %add3A_437 = arith.constant 16 : i32
          %add3A_438 = vector.broadcast %add3A_437 : i32 to vector<16xi32>
          %add3A_439 = arith.addi %broadcast_in_dim3A_310, %add3A_438 : vector<16xi32>
          %select_n3A_440 = arith.select %lt3A_436, %add3A_439, %broadcast_in_dim3A_310 : vector<16xi1>, vector<16xi32>
          %broadcast_in_dim3A_441 = vector.shape_cast %select_n3A_440 : vector<16xi32> to vector<16x1xi32>
          %gather3A_442 = vector.shape_cast %broadcast_in_dim3A_441 : vector<16x1xi32> to vector<16xi32>
          %gather3A_443 = tpu.dynamic_gather %rev3A_384[%gather3A_442] in [0] : vector<16xi32>, vector<16xi32> -> vector<16xi32>
          %add3A_444 = arith.addi %scan3A_363, %gather3A_443 : vector<16xi32>
          %select_n3A_445 = arith.select %eq3A_433, %add3A_444, %scan3A_363 : vector<16xi1>, vector<16xi32>
          scf.yield %select_n3A_445, %select_n3A_423, %select_n3A_426, %select_n3A_427, %select_n3A_430 : vector<16xi32>, vector<16xi32>, vector<16xi32>, vector<16xi32>, vector<16xi32>
        }
        %scan3A_316 = arith.constant 8 : i32
        %sub3A_317 = arith.subi %sub3A_300, %scan3A_315#2 : vector<16xi32>
        %broadcast_in_dim3A_318 = arith.constant 0 : i32
        %broadcast_in_dim3A_319 = vector.broadcast %broadcast_in_dim3A_318 : i32 to vector<16xi32>
        %parallel_loop3A_320 = arith.constant 0 : i32
        %parallel_loop3A_321 = arith.constant 8 : i32
        %parallel_loop3A_322 = arith.constant 1 : i32
        scf.for %parallel_loop3A_362 = %parallel_loop3A_320 to %parallel_loop3A_321 step %parallel_loop3A_322  : i32 {
          %parallel_loop3A_363 = arith.constant 16 : i32
          %parallel_loop3A_364 = arith.muli %parallel_loop3A_362, %parallel_loop3A_363 : i32
          %parallel_loop3A_365 = arith.index_cast %parallel_loop3A_364 : i32 to index
          %parallel_loop3A_366 = tpu.vector_load %arg7[%parallel_loop3A_365] {strides = array<i32>} : memref<2048xi32, #tpu.memory_space<vmem>>, vector<16xi32>,
          tpu.vector_store %arg7[%parallel_loop3A_365], %broadcast_in_dim3A_319 {strides = array<i32>} : memref<2048xi32, #tpu.memory_space<vmem>>, vector<16xi32>,
        } {sc.loop_unroll_factor = 4 : i64, sc.parallel_access}
        %parallel_loop3A_323 = arith.constant 0 : i32
        %parallel_loop3A_324 = arith.constant 32 : i32
        %parallel_loop3A_325 = arith.constant 1 : i32
        scf.for %parallel_loop3A_362 = %parallel_loop3A_323 to %parallel_loop3A_324 step %parallel_loop3A_325  : i32 {
          %parallel_loop3A_363 = vector.broadcast %parallel_loop3A_362 : i32 to vector<16xi32>
          %parallel_loop3A_364 = arith.addi %mul3A_230, %parallel_loop3A_363 : vector<16xi32>
          %parallel_loop3A_365 = tpu.vector_load_idx %arg6[%parallel_loop3A_364] : memref<16400xi32, #tpu.memory_space<vmem>>[vector<16xi32>], vector<16xi32>,
          %parallel_loop3A_366 = vector.broadcast %parallel_loop3A_362 : i32 to vector<16xi32>
          %parallel_loop3A_367 = arith.cmpi slt, %parallel_loop3A_366, %parallel_loop3A_234#1 : vector<16xi32>
          %parallel_loop3A_368 = arith.constant 14 : i32
          %parallel_loop3A_369 = vector.broadcast %parallel_loop3A_368 : i32 to vector<16xi32>
          %parallel_loop3A_370 = arith.shrsi %parallel_loop3A_365, %parallel_loop3A_369 : vector<16xi32>
          %parallel_loop3A_371 = arith.constant 127 : i32
          %parallel_loop3A_372 = vector.broadcast %parallel_loop3A_371 : i32 to vector<16xi32>
          %parallel_loop3A_373 = arith.andi %parallel_loop3A_370, %parallel_loop3A_372 : vector<16xi32>
          %parallel_loop3A_374 = arith.cmpi eq, %parallel_loop3A_373, %scan3A_315#1 : vector<16xi32>
          %parallel_loop3A_375 = arith.andi %parallel_loop3A_367, %parallel_loop3A_374 : vector<16xi1>
          %parallel_loop3A_376 = arith.constant 7 : i32
          %parallel_loop3A_377 = vector.broadcast %parallel_loop3A_376 : i32 to vector<16xi32>
          %parallel_loop3A_378 = arith.shrsi %parallel_loop3A_365, %parallel_loop3A_377 : vector<16xi32>
          %parallel_loop3A_379 = arith.constant 127 : i32
          %parallel_loop3A_380 = vector.broadcast %parallel_loop3A_379 : i32 to vector<16xi32>
          %parallel_loop3A_381 = arith.andi %parallel_loop3A_378, %parallel_loop3A_380 : vector<16xi32>
          tpu.vector_store_idx %arg7[%parallel_loop3A_381], %broadcast_in_dim3A_3 masked %parallel_loop3A_375 {add = true} : memref<2048xi32, #tpu.memory_space<vmem>>[vector<16xi32>], vector<16xi32>, vector<16xi1>
        } {sc.loop_unroll_factor = 4 : i64, sc.parallel_access}
        %broadcast_in_dim3A_326 = arith.constant 0 : i32
        %broadcast_in_dim3A_327 = vector.broadcast %broadcast_in_dim3A_326 : i32 to vector<16xi32>
        %scan3A_328 = arith.constant 0 : i32
        %scan3A_329 = arith.constant 8 : i32
        %scan3A_330 = arith.addi %scan3A_328, %scan3A_329 : i32
        %scan3A_331 = arith.constant 1 : i32
        %scan3A_332:5 = scf.for %scan3A_362 = %scan3A_328 to %scan3A_330 step %scan3A_331 iter_args(%scan3A_363 = %broadcast_in_dim3A_327, %scan3A_364 = %broadcast_in_dim3A_327, %scan3A_365 = %broadcast_in_dim3A_327, %scan3A_366 = %broadcast_in_dim3A_327, %scan3A_367 = %broadcast_in_dim3A_327) -> (vector<16xi32>, vector<16xi32>, vector<16xi32>, vector<16xi32>, vector<16xi32>)  : i32 {
          %sub3A_368 = arith.constant 7 : i32
          %sub3A_369 = arith.subi %sub3A_368, %scan3A_362 : i32
          %max3A = arith.constant 0 : i32
          %max3A_370 = arith.maxsi %sub3A_369, %max3A : i32
          %mul3A_371 = arith.constant 16 : i32
          %mul3A_372 = arith.muli %max3A_370, %mul3A_371 : i32
          %get3A = arith.index_cast %mul3A_372 : i32 to index
          %get3A_373 = tpu.vector_load %arg7[%get3A] {strides = array<i32>} : memref<2048xi32, #tpu.memory_space<vmem>>, vector<16xi32>,
          %rev3A = arith.constant 15 : i32
          %rev3A_374 = vector.broadcast %rev3A : i32 to vector<16xi32>
          %rev3A_375 = tpu.iota {dimensions = array<i32: 0>} : vector<16xi32>
          %rev3A_376 = arith.subi %rev3A_374, %rev3A_375 : vector<16xi32>
          %rev3A_377 = tpu.dynamic_gather %get3A_373[%rev3A_376] in [0] : vector<16xi32>, vector<16xi32> -> vector<16xi32>
          %broadcast_in_dim3A_378 = arith.constant true
          %broadcast_in_dim3A_379 = vector.broadcast %broadcast_in_dim3A_378 : i1 to vector<16xi1>
          %masked_cumsum3A = tpu.scan <sum>, %rev3A_377 masked %broadcast_in_dim3A_379 : vector<16xi32>, vector<16xi1> -> vector<16xi32>
          %rev3A_380 = arith.constant 15 : i32
          %rev3A_381 = vector.broadcast %rev3A_380 : i32 to vector<16xi32>
          %rev3A_382 = tpu.iota {dimensions = array<i32: 0>} : vector<16xi32>
          %rev3A_383 = arith.subi %rev3A_381, %rev3A_382 : vector<16xi32>
          %rev3A_384 = tpu.dynamic_gather %masked_cumsum3A[%rev3A_383] in [0] : vector<16xi32>, vector<16xi32> -> vector<16xi32>
          %add3A_385 = arith.addi %scan3A_363, %rev3A_384 : vector<16xi32>
          %ge3A_386 = arith.cmpi sge, %add3A_385, %sub3A_317 : vector<16xi32>
          %all_reduce_population_count3A = tpu.all_reduce %ge3A_386 {dim = 0 : i64, kind = #tpu.reduction_kind<sum>} : vector<16xi1> -> vector<16xi32>
          %sub3A_387 = arith.constant 1 : i32
          %sub3A_388 = vector.broadcast %sub3A_387 : i32 to vector<16xi32>
          %sub3A_389 = arith.subi %all_reduce_population_count3A, %sub3A_388 : vector<16xi32>
          %max3A_390 = arith.constant 0 : i32
          %max3A_391 = vector.broadcast %max3A_390 : i32 to vector<16xi32>
          %max3A_392 = arith.maxsi %sub3A_389, %max3A_391 : vector<16xi32>
          %gt3A_393 = arith.constant 0 : i32
          %gt3A_394 = vector.broadcast %gt3A_393 : i32 to vector<16xi32>
          %gt3A_395 = arith.cmpi sgt, %all_reduce_population_count3A, %gt3A_394 : vector<16xi32>
          %eq3A_396 = arith.constant 0 : i32
          %eq3A_397 = vector.broadcast %eq3A_396 : i32 to vector<16xi32>
          %eq3A_398 = arith.cmpi eq, %scan3A_367, %eq3A_397 : vector<16xi32>
          %and3A_399 = arith.andi %gt3A_395, %eq3A_398 : vector<16xi1>
          %lt3A_400 = arith.constant 0 : i32
          %lt3A_401 = vector.broadcast %lt3A_400 : i32 to vector<16xi32>
          %lt3A_402 = arith.cmpi slt, %max3A_392, %lt3A_401 : vector<16xi32>
          %add3A_403 = arith.constant 16 : i32
          %add3A_404 = vector.broadcast %add3A_403 : i32 to vector<16xi32>
          %add3A_405 = arith.addi %max3A_392, %add3A_404 : vector<16xi32>
          %select_n3A_406 = arith.select %lt3A_402, %add3A_405, %max3A_392 : vector<16xi1>, vector<16xi32>
          %broadcast_in_dim3A_407 = vector.shape_cast %select_n3A_406 : vector<16xi32> to vector<16x1xi32>
          %gather3A = vector.shape_cast %broadcast_in_dim3A_407 : vector<16x1xi32> to vector<16xi32>
          %gather3A_408 = tpu.dynamic_gather %get3A_373[%gather3A] in [0] : vector<16xi32>, vector<16xi32> -> vector<16xi32>
          %lt3A_409 = arith.constant 0 : i32
          %lt3A_410 = vector.broadcast %lt3A_409 : i32 to vector<16xi32>
          %lt3A_411 = arith.cmpi slt, %max3A_392, %lt3A_410 : vector<16xi32>
          %add3A_412 = arith.constant 16 : i32
          %add3A_413 = vector.broadcast %add3A_412 : i32 to vector<16xi32>
          %add3A_414 = arith.addi %max3A_392, %add3A_413 : vector<16xi32>
          %select_n3A_415 = arith.select %lt3A_411, %add3A_414, %max3A_392 : vector<16xi1>, vector<16xi32>
          %broadcast_in_dim3A_416 = vector.shape_cast %select_n3A_415 : vector<16xi32> to vector<16x1xi32>
          %gather3A_417 = vector.shape_cast %broadcast_in_dim3A_416 : vector<16x1xi32> to vector<16xi32>
          %gather3A_418 = tpu.dynamic_gather %rev3A_384[%gather3A_417] in [0] : vector<16xi32>, vector<16xi32> -> vector<16xi32>
          %mul3A_419 = arith.constant 16 : i32
          %mul3A_420 = arith.muli %max3A_370, %mul3A_419 : i32
          %add3A_421 = vector.broadcast %mul3A_420 : i32 to vector<16xi32>
          %add3A_422 = arith.addi %add3A_421, %max3A_392 : vector<16xi32>
          %select_n3A_423 = arith.select %and3A_399, %add3A_422, %scan3A_364 : vector<16xi1>, vector<16xi32>
          %add3A_424 = arith.addi %scan3A_363, %gather3A_418 : vector<16xi32>
          %sub3A_425 = arith.subi %add3A_424, %gather3A_408 : vector<16xi32>
          %select_n3A_426 = arith.select %and3A_399, %sub3A_425, %scan3A_365 : vector<16xi1>, vector<16xi32>
          %select_n3A_427 = arith.select %and3A_399, %gather3A_408, %scan3A_366 : vector<16xi1>, vector<16xi32>
          %jit3A_428 = arith.constant 1 : i32
          %broadcast_in_dim3A_429 = vector.broadcast %jit3A_428 : i32 to vector<16xi32>
          %select_n3A_430 = arith.select %and3A_399, %broadcast_in_dim3A_429, %scan3A_367 : vector<16xi1>, vector<16xi32>
          %eq3A_431 = arith.constant 0 : i32
          %eq3A_432 = vector.broadcast %eq3A_431 : i32 to vector<16xi32>
          %eq3A_433 = arith.cmpi eq, %scan3A_367, %eq3A_432 : vector<16xi32>
          %lt3A_434 = arith.constant 0 : i32
          %lt3A_435 = vector.broadcast %lt3A_434 : i32 to vector<16xi32>
          %lt3A_436 = arith.cmpi slt, %broadcast_in_dim3A_327, %lt3A_435 : vector<16xi32>
          %add3A_437 = arith.constant 16 : i32
          %add3A_438 = vector.broadcast %add3A_437 : i32 to vector<16xi32>
          %add3A_439 = arith.addi %broadcast_in_dim3A_327, %add3A_438 : vector<16xi32>
          %select_n3A_440 = arith.select %lt3A_436, %add3A_439, %broadcast_in_dim3A_327 : vector<16xi1>, vector<16xi32>
          %broadcast_in_dim3A_441 = vector.shape_cast %select_n3A_440 : vector<16xi32> to vector<16x1xi32>
          %gather3A_442 = vector.shape_cast %broadcast_in_dim3A_441 : vector<16x1xi32> to vector<16xi32>
          %gather3A_443 = tpu.dynamic_gather %rev3A_384[%gather3A_442] in [0] : vector<16xi32>, vector<16xi32> -> vector<16xi32>
          %add3A_444 = arith.addi %scan3A_363, %gather3A_443 : vector<16xi32>
          %select_n3A_445 = arith.select %eq3A_433, %add3A_444, %scan3A_363 : vector<16xi1>, vector<16xi32>
          scf.yield %select_n3A_445, %select_n3A_423, %select_n3A_426, %select_n3A_427, %select_n3A_430 : vector<16xi32>, vector<16xi32>, vector<16xi32>, vector<16xi32>, vector<16xi32>
        }
        %scan3A_333 = arith.constant 8 : i32
        %shift_left3A = arith.constant 7 : i32
        %shift_left3A_334 = vector.broadcast %shift_left3A : i32 to vector<16xi32>
        %shift_left3A_335 = arith.shli %scan3A_315#1, %shift_left3A_334 : vector<16xi32>
        %or3A = arith.ori %shift_left3A_335, %scan3A_332#1 : vector<16xi32>
        %sub3A_336 = arith.subi %sub3A_317, %scan3A_332#2 : vector<16xi32>
        %broadcast_in_dim3A_337 = arith.constant 0 : i32
        %broadcast_in_dim3A_338 = vector.broadcast %broadcast_in_dim3A_337 : i32 to vector<16xi32>
        %parallel_loop3A_339 = arith.constant 0 : i32
        %parallel_loop3A_340 = arith.constant 8 : i32
        %parallel_loop3A_341 = arith.constant 1 : i32
        scf.for %parallel_loop3A_362 = %parallel_loop3A_339 to %parallel_loop3A_340 step %parallel_loop3A_341  : i32 {
          %parallel_loop3A_363 = arith.constant 16 : i32
          %parallel_loop3A_364 = arith.muli %parallel_loop3A_362, %parallel_loop3A_363 : i32
          %parallel_loop3A_365 = arith.index_cast %parallel_loop3A_364 : i32 to index
          %parallel_loop3A_366 = tpu.vector_load %arg7[%parallel_loop3A_365] {strides = array<i32>} : memref<2048xi32, #tpu.memory_space<vmem>>, vector<16xi32>,
          tpu.vector_store %arg7[%parallel_loop3A_365], %broadcast_in_dim3A_338 {strides = array<i32>} : memref<2048xi32, #tpu.memory_space<vmem>>, vector<16xi32>,
        } {sc.loop_unroll_factor = 4 : i64, sc.parallel_access}
        %parallel_loop3A_342 = arith.constant 0 : i32
        %parallel_loop3A_343 = arith.constant 32 : i32
        %parallel_loop3A_344 = arith.constant 1 : i32
        scf.for %parallel_loop3A_362 = %parallel_loop3A_342 to %parallel_loop3A_343 step %parallel_loop3A_344  : i32 {
          %parallel_loop3A_363 = vector.broadcast %parallel_loop3A_362 : i32 to vector<16xi32>
          %parallel_loop3A_364 = arith.addi %mul3A_230, %parallel_loop3A_363 : vector<16xi32>
          %parallel_loop3A_365 = tpu.vector_load_idx %arg6[%parallel_loop3A_364] : memref<16400xi32, #tpu.memory_space<vmem>>[vector<16xi32>], vector<16xi32>,
          %parallel_loop3A_366 = vector.broadcast %parallel_loop3A_362 : i32 to vector<16xi32>
          %parallel_loop3A_367 = arith.cmpi slt, %parallel_loop3A_366, %parallel_loop3A_234#1 : vector<16xi32>
          %parallel_loop3A_368 = arith.constant 7 : i32
          %parallel_loop3A_369 = vector.broadcast %parallel_loop3A_368 : i32 to vector<16xi32>
          %parallel_loop3A_370 = arith.shrsi %parallel_loop3A_365, %parallel_loop3A_369 : vector<16xi32>
          %parallel_loop3A_371 = arith.constant 16383 : i32
          %parallel_loop3A_372 = vector.broadcast %parallel_loop3A_371 : i32 to vector<16xi32>
          %parallel_loop3A_373 = arith.andi %parallel_loop3A_370, %parallel_loop3A_372 : vector<16xi32>
          %parallel_loop3A_374 = arith.cmpi eq, %parallel_loop3A_373, %or3A : vector<16xi32>
          %parallel_loop3A_375 = arith.andi %parallel_loop3A_367, %parallel_loop3A_374 : vector<16xi1>
          %parallel_loop3A_376 = arith.constant 127 : i32
          %parallel_loop3A_377 = vector.broadcast %parallel_loop3A_376 : i32 to vector<16xi32>
          %parallel_loop3A_378 = arith.andi %parallel_loop3A_365, %parallel_loop3A_377 : vector<16xi32>
          tpu.vector_store_idx %arg7[%parallel_loop3A_378], %broadcast_in_dim3A_3 masked %parallel_loop3A_375 {add = true} : memref<2048xi32, #tpu.memory_space<vmem>>[vector<16xi32>], vector<16xi32>, vector<16xi1>
        } {sc.loop_unroll_factor = 4 : i64, sc.parallel_access}
        %broadcast_in_dim3A_345 = arith.constant 0 : i32
        %broadcast_in_dim3A_346 = vector.broadcast %broadcast_in_dim3A_345 : i32 to vector<16xi32>
        %scan3A_347 = arith.constant 0 : i32
        %scan3A_348 = arith.constant 8 : i32
        %scan3A_349 = arith.addi %scan3A_347, %scan3A_348 : i32
        %scan3A_350 = arith.constant 1 : i32
        %scan3A_351:5 = scf.for %scan3A_362 = %scan3A_347 to %scan3A_349 step %scan3A_350 iter_args(%scan3A_363 = %broadcast_in_dim3A_346, %scan3A_364 = %broadcast_in_dim3A_346, %scan3A_365 = %broadcast_in_dim3A_346, %scan3A_366 = %broadcast_in_dim3A_346, %scan3A_367 = %broadcast_in_dim3A_346) -> (vector<16xi32>, vector<16xi32>, vector<16xi32>, vector<16xi32>, vector<16xi32>)  : i32 {
          %sub3A_368 = arith.constant 7 : i32
          %sub3A_369 = arith.subi %sub3A_368, %scan3A_362 : i32
          %max3A = arith.constant 0 : i32
          %max3A_370 = arith.maxsi %sub3A_369, %max3A : i32
          %mul3A_371 = arith.constant 16 : i32
          %mul3A_372 = arith.muli %max3A_370, %mul3A_371 : i32
          %get3A = arith.index_cast %mul3A_372 : i32 to index
          %get3A_373 = tpu.vector_load %arg7[%get3A] {strides = array<i32>} : memref<2048xi32, #tpu.memory_space<vmem>>, vector<16xi32>,
          %rev3A = arith.constant 15 : i32
          %rev3A_374 = vector.broadcast %rev3A : i32 to vector<16xi32>
          %rev3A_375 = tpu.iota {dimensions = array<i32: 0>} : vector<16xi32>
          %rev3A_376 = arith.subi %rev3A_374, %rev3A_375 : vector<16xi32>
          %rev3A_377 = tpu.dynamic_gather %get3A_373[%rev3A_376] in [0] : vector<16xi32>, vector<16xi32> -> vector<16xi32>
          %broadcast_in_dim3A_378 = arith.constant true
          %broadcast_in_dim3A_379 = vector.broadcast %broadcast_in_dim3A_378 : i1 to vector<16xi1>
          %masked_cumsum3A = tpu.scan <sum>, %rev3A_377 masked %broadcast_in_dim3A_379 : vector<16xi32>, vector<16xi1> -> vector<16xi32>
          %rev3A_380 = arith.constant 15 : i32
          %rev3A_381 = vector.broadcast %rev3A_380 : i32 to vector<16xi32>
          %rev3A_382 = tpu.iota {dimensions = array<i32: 0>} : vector<16xi32>
          %rev3A_383 = arith.subi %rev3A_381, %rev3A_382 : vector<16xi32>
          %rev3A_384 = tpu.dynamic_gather %masked_cumsum3A[%rev3A_383] in [0] : vector<16xi32>, vector<16xi32> -> vector<16xi32>
          %add3A_385 = arith.addi %scan3A_363, %rev3A_384 : vector<16xi32>
          %ge3A_386 = arith.cmpi sge, %add3A_385, %sub3A_336 : vector<16xi32>
          %all_reduce_population_count3A = tpu.all_reduce %ge3A_386 {dim = 0 : i64, kind = #tpu.reduction_kind<sum>} : vector<16xi1> -> vector<16xi32>
          %sub3A_387 = arith.constant 1 : i32
          %sub3A_388 = vector.broadcast %sub3A_387 : i32 to vector<16xi32>
          %sub3A_389 = arith.subi %all_reduce_population_count3A, %sub3A_388 : vector<16xi32>
          %max3A_390 = arith.constant 0 : i32
          %max3A_391 = vector.broadcast %max3A_390 : i32 to vector<16xi32>
          %max3A_392 = arith.maxsi %sub3A_389, %max3A_391 : vector<16xi32>
          %gt3A_393 = arith.constant 0 : i32
          %gt3A_394 = vector.broadcast %gt3A_393 : i32 to vector<16xi32>
          %gt3A_395 = arith.cmpi sgt, %all_reduce_population_count3A, %gt3A_394 : vector<16xi32>
          %eq3A_396 = arith.constant 0 : i32
          %eq3A_397 = vector.broadcast %eq3A_396 : i32 to vector<16xi32>
          %eq3A_398 = arith.cmpi eq, %scan3A_367, %eq3A_397 : vector<16xi32>
          %and3A_399 = arith.andi %gt3A_395, %eq3A_398 : vector<16xi1>
          %lt3A_400 = arith.constant 0 : i32
          %lt3A_401 = vector.broadcast %lt3A_400 : i32 to vector<16xi32>
          %lt3A_402 = arith.cmpi slt, %max3A_392, %lt3A_401 : vector<16xi32>
          %add3A_403 = arith.constant 16 : i32
          %add3A_404 = vector.broadcast %add3A_403 : i32 to vector<16xi32>
          %add3A_405 = arith.addi %max3A_392, %add3A_404 : vector<16xi32>
          %select_n3A_406 = arith.select %lt3A_402, %add3A_405, %max3A_392 : vector<16xi1>, vector<16xi32>
          %broadcast_in_dim3A_407 = vector.shape_cast %select_n3A_406 : vector<16xi32> to vector<16x1xi32>
          %gather3A = vector.shape_cast %broadcast_in_dim3A_407 : vector<16x1xi32> to vector<16xi32>
          %gather3A_408 = tpu.dynamic_gather %get3A_373[%gather3A] in [0] : vector<16xi32>, vector<16xi32> -> vector<16xi32>
          %lt3A_409 = arith.constant 0 : i32
          %lt3A_410 = vector.broadcast %lt3A_409 : i32 to vector<16xi32>
          %lt3A_411 = arith.cmpi slt, %max3A_392, %lt3A_410 : vector<16xi32>
          %add3A_412 = arith.constant 16 : i32
          %add3A_413 = vector.broadcast %add3A_412 : i32 to vector<16xi32>
          %add3A_414 = arith.addi %max3A_392, %add3A_413 : vector<16xi32>
          %select_n3A_415 = arith.select %lt3A_411, %add3A_414, %max3A_392 : vector<16xi1>, vector<16xi32>
          %broadcast_in_dim3A_416 = vector.shape_cast %select_n3A_415 : vector<16xi32> to vector<16x1xi32>
          %gather3A_417 = vector.shape_cast %broadcast_in_dim3A_416 : vector<16x1xi32> to vector<16xi32>
          %gather3A_418 = tpu.dynamic_gather %rev3A_384[%gather3A_417] in [0] : vector<16xi32>, vector<16xi32> -> vector<16xi32>
          %mul3A_419 = arith.constant 16 : i32
          %mul3A_420 = arith.muli %max3A_370, %mul3A_419 : i32
          %add3A_421 = vector.broadcast %mul3A_420 : i32 to vector<16xi32>
          %add3A_422 = arith.addi %add3A_421, %max3A_392 : vector<16xi32>
          %select_n3A_423 = arith.select %and3A_399, %add3A_422, %scan3A_364 : vector<16xi1>, vector<16xi32>
          %add3A_424 = arith.addi %scan3A_363, %gather3A_418 : vector<16xi32>
          %sub3A_425 = arith.subi %add3A_424, %gather3A_408 : vector<16xi32>
          %select_n3A_426 = arith.select %and3A_399, %sub3A_425, %scan3A_365 : vector<16xi1>, vector<16xi32>
          %select_n3A_427 = arith.select %and3A_399, %gather3A_408, %scan3A_366 : vector<16xi1>, vector<16xi32>
          %jit3A_428 = arith.constant 1 : i32
          %broadcast_in_dim3A_429 = vector.broadcast %jit3A_428 : i32 to vector<16xi32>
          %select_n3A_430 = arith.select %and3A_399, %broadcast_in_dim3A_429, %scan3A_367 : vector<16xi1>, vector<16xi32>
          %eq3A_431 = arith.constant 0 : i32
          %eq3A_432 = vector.broadcast %eq3A_431 : i32 to vector<16xi32>
          %eq3A_433 = arith.cmpi eq, %scan3A_367, %eq3A_432 : vector<16xi32>
          %lt3A_434 = arith.constant 0 : i32
          %lt3A_435 = vector.broadcast %lt3A_434 : i32 to vector<16xi32>
          %lt3A_436 = arith.cmpi slt, %broadcast_in_dim3A_346, %lt3A_435 : vector<16xi32>
          %add3A_437 = arith.constant 16 : i32
          %add3A_438 = vector.broadcast %add3A_437 : i32 to vector<16xi32>
          %add3A_439 = arith.addi %broadcast_in_dim3A_346, %add3A_438 : vector<16xi32>
          %select_n3A_440 = arith.select %lt3A_436, %add3A_439, %broadcast_in_dim3A_346 : vector<16xi1>, vector<16xi32>
          %broadcast_in_dim3A_441 = vector.shape_cast %select_n3A_440 : vector<16xi32> to vector<16x1xi32>
          %gather3A_442 = vector.shape_cast %broadcast_in_dim3A_441 : vector<16x1xi32> to vector<16xi32>
          %gather3A_443 = tpu.dynamic_gather %rev3A_384[%gather3A_442] in [0] : vector<16xi32>, vector<16xi32> -> vector<16xi32>
          %add3A_444 = arith.addi %scan3A_363, %gather3A_443 : vector<16xi32>
          %select_n3A_445 = arith.select %eq3A_433, %add3A_444, %scan3A_363 : vector<16xi1>, vector<16xi32>
          scf.yield %select_n3A_445, %select_n3A_423, %select_n3A_426, %select_n3A_427, %select_n3A_430 : vector<16xi32>, vector<16xi32>, vector<16xi32>, vector<16xi32>, vector<16xi32>
        }
        %scan3A_352 = arith.constant 8 : i32
        %shift_left3A_353 = arith.constant 21 : i32
        %shift_left3A_354 = vector.broadcast %shift_left3A_353 : i32 to vector<16xi32>
        %shift_left3A_355 = arith.shli %sub3A_225, %shift_left3A_354 : vector<16xi32>
        %shift_left3A_356 = arith.constant 7 : i32
        %shift_left3A_357 = vector.broadcast %shift_left3A_356 : i32 to vector<16xi32>
        %shift_left3A_358 = arith.shli %or3A, %shift_left3A_357 : vector<16xi32>
        %or3A_359 = arith.ori %shift_left3A_355, %shift_left3A_358 : vector<16xi32>
        %or3A_360 = arith.ori %or3A_359, %scan3A_351#1 : vector<16xi32>
        %sub3A_361 = arith.subi %sub3A_336, %scan3A_351#2 : vector<16xi32>
        scf.yield %or3A_360, %sub3A_361, %scan3A_351#3 : vector<16xi32>, vector<16xi32>, vector<16xi32>
      } else {
        %broadcast_in_dim3A_299 = arith.constant 0 : i32
        %broadcast_in_dim3A_300 = vector.broadcast %broadcast_in_dim3A_299 : i32 to vector<16xi32>
        %parallel_loop3A_301 = arith.constant 0 : i32
        %parallel_loop3A_302 = arith.constant 128 : i32
        %parallel_loop3A_303 = arith.constant 1 : i32
        scf.for %parallel_loop3A_359 = %parallel_loop3A_301 to %parallel_loop3A_302 step %parallel_loop3A_303  : i32 {
          %parallel_loop3A_360 = arith.constant 16 : i32
          %parallel_loop3A_361 = arith.muli %parallel_loop3A_359, %parallel_loop3A_360 : i32
          %parallel_loop3A_362 = arith.index_cast %parallel_loop3A_361 : i32 to index
          %parallel_loop3A_363 = tpu.vector_load %arg7[%parallel_loop3A_362] {strides = array<i32>} : memref<2048xi32, #tpu.memory_space<vmem>>, vector<16xi32>,
          tpu.vector_store %arg7[%parallel_loop3A_362], %broadcast_in_dim3A_300 {strides = array<i32>} : memref<2048xi32, #tpu.memory_space<vmem>>, vector<16xi32>,
        } {sc.loop_unroll_factor = 4 : i64, sc.parallel_access}
        %parallel_loop3A_304 = arith.constant 0 : i32
        %parallel_loop3A_305 = arith.constant 1024 : i32
        %parallel_loop3A_306 = arith.constant 1 : i32
        scf.for %parallel_loop3A_359 = %parallel_loop3A_304 to %parallel_loop3A_305 step %parallel_loop3A_306  : i32 {
          %parallel_loop3A_360 = arith.constant 16 : i32
          %parallel_loop3A_361 = arith.muli %parallel_loop3A_359, %parallel_loop3A_360 : i32
          %parallel_loop3A_362 = arith.index_cast %parallel_loop3A_361 : i32 to index
          %parallel_loop3A_363 = tpu.vector_load %arg5[%parallel_loop3A_362] {strides = array<i32>} : memref<16384xf32, #tpu.memory_space<vmem>>, vector<16xf32>,
          %parallel_loop3A_364 = tpu.bitcast %parallel_loop3A_363 : vector<16xf32> -> vector<16xi32>
          %parallel_loop3A_365 = arith.constant 0 : i32
          %parallel_loop3A_366 = vector.broadcast %parallel_loop3A_365 : i32 to vector<16xi32>
          %parallel_loop3A_367 = arith.cmpi slt, %parallel_loop3A_364, %parallel_loop3A_366 : vector<16xi32>
          %parallel_loop3A_368 = arith.constant 2147483647 : i32
          %parallel_loop3A_369 = vector.broadcast %parallel_loop3A_368 : i32 to vector<16xi32>
          %parallel_loop3A_370 = arith.xori %parallel_loop3A_364, %parallel_loop3A_369 : vector<16xi32>
          %parallel_loop3A_371 = arith.select %parallel_loop3A_367, %parallel_loop3A_370, %parallel_loop3A_364 : vector<16xi1>, vector<16xi32>
          %parallel_loop3A_372 = arith.constant 21 : i32
          %parallel_loop3A_373 = vector.broadcast %parallel_loop3A_372 : i32 to vector<16xi32>
          %parallel_loop3A_374 = arith.shrsi %parallel_loop3A_371, %parallel_loop3A_373 : vector<16xi32>
          %parallel_loop3A_375 = arith.constant 1024 : i32
          %parallel_loop3A_376 = vector.broadcast %parallel_loop3A_375 : i32 to vector<16xi32>
          %parallel_loop3A_377 = arith.addi %parallel_loop3A_374, %parallel_loop3A_376 : vector<16xi32>
          tpu.vector_store_idx %arg7[%parallel_loop3A_377], %broadcast_in_dim3A_3 {add = true} : memref<2048xi32, #tpu.memory_space<vmem>>[vector<16xi32>], vector<16xi32>,
        } {sc.loop_unroll_factor = 8 : i64, sc.parallel_access}
        %broadcast_in_dim3A_307 = arith.constant 0 : i32
        %broadcast_in_dim3A_308 = vector.broadcast %broadcast_in_dim3A_307 : i32 to vector<16xi32>
        %scan3A_309 = arith.constant 0 : i32
        %scan3A_310 = arith.constant 128 : i32
        %scan3A_311 = arith.addi %scan3A_309, %scan3A_310 : i32
        %scan3A_312 = arith.constant 1 : i32
        %scan3A_313:5 = scf.for %scan3A_359 = %scan3A_309 to %scan3A_311 step %scan3A_312 iter_args(%scan3A_360 = %broadcast_in_dim3A_308, %scan3A_361 = %broadcast_in_dim3A_308, %scan3A_362 = %broadcast_in_dim3A_308, %scan3A_363 = %broadcast_in_dim3A_308, %scan3A_364 = %broadcast_in_dim3A_308) -> (vector<16xi32>, vector<16xi32>, vector<16xi32>, vector<16xi32>, vector<16xi32>)  : i32 {
          %sub3A_365 = arith.constant 127 : i32
          %sub3A_366 = arith.subi %sub3A_365, %scan3A_359 : i32
          %max3A = arith.constant 0 : i32
          %max3A_367 = arith.maxsi %sub3A_366, %max3A : i32
          %mul3A_368 = arith.constant 16 : i32
          %mul3A_369 = arith.muli %max3A_367, %mul3A_368 : i32
          %get3A = arith.index_cast %mul3A_369 : i32 to index
          %get3A_370 = tpu.vector_load %arg7[%get3A] {strides = array<i32>} : memref<2048xi32, #tpu.memory_space<vmem>>, vector<16xi32>,
          %rev3A = arith.constant 15 : i32
          %rev3A_371 = vector.broadcast %rev3A : i32 to vector<16xi32>
          %rev3A_372 = tpu.iota {dimensions = array<i32: 0>} : vector<16xi32>
          %rev3A_373 = arith.subi %rev3A_371, %rev3A_372 : vector<16xi32>
          %rev3A_374 = tpu.dynamic_gather %get3A_370[%rev3A_373] in [0] : vector<16xi32>, vector<16xi32> -> vector<16xi32>
          %broadcast_in_dim3A_375 = arith.constant true
          %broadcast_in_dim3A_376 = vector.broadcast %broadcast_in_dim3A_375 : i1 to vector<16xi1>
          %masked_cumsum3A = tpu.scan <sum>, %rev3A_374 masked %broadcast_in_dim3A_376 : vector<16xi32>, vector<16xi1> -> vector<16xi32>
          %rev3A_377 = arith.constant 15 : i32
          %rev3A_378 = vector.broadcast %rev3A_377 : i32 to vector<16xi32>
          %rev3A_379 = tpu.iota {dimensions = array<i32: 0>} : vector<16xi32>
          %rev3A_380 = arith.subi %rev3A_378, %rev3A_379 : vector<16xi32>
          %rev3A_381 = tpu.dynamic_gather %masked_cumsum3A[%rev3A_380] in [0] : vector<16xi32>, vector<16xi32> -> vector<16xi32>
          %add3A_382 = arith.addi %scan3A_360, %rev3A_381 : vector<16xi32>
          %ge3A_383 = arith.cmpi sge, %add3A_382, %broadcast_in_dim3A_169 : vector<16xi32>
          %all_reduce_population_count3A = tpu.all_reduce %ge3A_383 {dim = 0 : i64, kind = #tpu.reduction_kind<sum>} : vector<16xi1> -> vector<16xi32>
          %sub3A_384 = arith.constant 1 : i32
          %sub3A_385 = vector.broadcast %sub3A_384 : i32 to vector<16xi32>
          %sub3A_386 = arith.subi %all_reduce_population_count3A, %sub3A_385 : vector<16xi32>
          %max3A_387 = arith.constant 0 : i32
          %max3A_388 = vector.broadcast %max3A_387 : i32 to vector<16xi32>
          %max3A_389 = arith.maxsi %sub3A_386, %max3A_388 : vector<16xi32>
          %gt3A_390 = arith.constant 0 : i32
          %gt3A_391 = vector.broadcast %gt3A_390 : i32 to vector<16xi32>
          %gt3A_392 = arith.cmpi sgt, %all_reduce_population_count3A, %gt3A_391 : vector<16xi32>
          %eq3A_393 = arith.constant 0 : i32
          %eq3A_394 = vector.broadcast %eq3A_393 : i32 to vector<16xi32>
          %eq3A_395 = arith.cmpi eq, %scan3A_364, %eq3A_394 : vector<16xi32>
          %and3A_396 = arith.andi %gt3A_392, %eq3A_395 : vector<16xi1>
          %lt3A_397 = arith.constant 0 : i32
          %lt3A_398 = vector.broadcast %lt3A_397 : i32 to vector<16xi32>
          %lt3A_399 = arith.cmpi slt, %max3A_389, %lt3A_398 : vector<16xi32>
          %add3A_400 = arith.constant 16 : i32
          %add3A_401 = vector.broadcast %add3A_400 : i32 to vector<16xi32>
          %add3A_402 = arith.addi %max3A_389, %add3A_401 : vector<16xi32>
          %select_n3A_403 = arith.select %lt3A_399, %add3A_402, %max3A_389 : vector<16xi1>, vector<16xi32>
          %broadcast_in_dim3A_404 = vector.shape_cast %select_n3A_403 : vector<16xi32> to vector<16x1xi32>
          %gather3A = vector.shape_cast %broadcast_in_dim3A_404 : vector<16x1xi32> to vector<16xi32>
          %gather3A_405 = tpu.dynamic_gather %get3A_370[%gather3A] in [0] : vector<16xi32>, vector<16xi32> -> vector<16xi32>
          %lt3A_406 = arith.constant 0 : i32
          %lt3A_407 = vector.broadcast %lt3A_406 : i32 to vector<16xi32>
          %lt3A_408 = arith.cmpi slt, %max3A_389, %lt3A_407 : vector<16xi32>
          %add3A_409 = arith.constant 16 : i32
          %add3A_410 = vector.broadcast %add3A_409 : i32 to vector<16xi32>
          %add3A_411 = arith.addi %max3A_389, %add3A_410 : vector<16xi32>
          %select_n3A_412 = arith.select %lt3A_408, %add3A_411, %max3A_389 : vector<16xi1>, vector<16xi32>
          %broadcast_in_dim3A_413 = vector.shape_cast %select_n3A_412 : vector<16xi32> to vector<16x1xi32>
          %gather3A_414 = vector.shape_cast %broadcast_in_dim3A_413 : vector<16x1xi32> to vector<16xi32>
          %gather3A_415 = tpu.dynamic_gather %rev3A_381[%gather3A_414] in [0] : vector<16xi32>, vector<16xi32> -> vector<16xi32>
          %mul3A_416 = arith.constant 16 : i32
          %mul3A_417 = arith.muli %max3A_367, %mul3A_416 : i32
          %add3A_418 = vector.broadcast %mul3A_417 : i32 to vector<16xi32>
          %add3A_419 = arith.addi %add3A_418, %max3A_389 : vector<16xi32>
          %select_n3A_420 = arith.select %and3A_396, %add3A_419, %scan3A_361 : vector<16xi1>, vector<16xi32>
          %add3A_421 = arith.addi %scan3A_360, %gather3A_415 : vector<16xi32>
          %sub3A_422 = arith.subi %add3A_421, %gather3A_405 : vector<16xi32>
          %select_n3A_423 = arith.select %and3A_396, %sub3A_422, %scan3A_362 : vector<16xi1>, vector<16xi32>
          %select_n3A_424 = arith.select %and3A_396, %gather3A_405, %scan3A_363 : vector<16xi1>, vector<16xi32>
          %jit3A_425 = arith.constant 1 : i32
          %broadcast_in_dim3A_426 = vector.broadcast %jit3A_425 : i32 to vector<16xi32>
          %select_n3A_427 = arith.select %and3A_396, %broadcast_in_dim3A_426, %scan3A_364 : vector<16xi1>, vector<16xi32>
          %eq3A_428 = arith.constant 0 : i32
          %eq3A_429 = vector.broadcast %eq3A_428 : i32 to vector<16xi32>
          %eq3A_430 = arith.cmpi eq, %scan3A_364, %eq3A_429 : vector<16xi32>
          %lt3A_431 = arith.constant 0 : i32
          %lt3A_432 = vector.broadcast %lt3A_431 : i32 to vector<16xi32>
          %lt3A_433 = arith.cmpi slt, %broadcast_in_dim3A_308, %lt3A_432 : vector<16xi32>
          %add3A_434 = arith.constant 16 : i32
          %add3A_435 = vector.broadcast %add3A_434 : i32 to vector<16xi32>
          %add3A_436 = arith.addi %broadcast_in_dim3A_308, %add3A_435 : vector<16xi32>
          %select_n3A_437 = arith.select %lt3A_433, %add3A_436, %broadcast_in_dim3A_308 : vector<16xi1>, vector<16xi32>
          %broadcast_in_dim3A_438 = vector.shape_cast %select_n3A_437 : vector<16xi32> to vector<16x1xi32>
          %gather3A_439 = vector.shape_cast %broadcast_in_dim3A_438 : vector<16x1xi32> to vector<16xi32>
          %gather3A_440 = tpu.dynamic_gather %rev3A_381[%gather3A_439] in [0] : vector<16xi32>, vector<16xi32> -> vector<16xi32>
          %add3A_441 = arith.addi %scan3A_360, %gather3A_440 : vector<16xi32>
          %select_n3A_442 = arith.select %eq3A_430, %add3A_441, %scan3A_360 : vector<16xi1>, vector<16xi32>
          scf.yield %select_n3A_442, %select_n3A_420, %select_n3A_423, %select_n3A_424, %select_n3A_427 : vector<16xi32>, vector<16xi32>, vector<16xi32>, vector<16xi32>, vector<16xi32>
        }
        %scan3A_314 = arith.constant 128 : i32
        %sub3A_315 = arith.constant 1024 : i32
        %sub3A_316 = vector.broadcast %sub3A_315 : i32 to vector<16xi32>
        %sub3A_317 = arith.subi %scan3A_313#1, %sub3A_316 : vector<16xi32>
        %broadcast_in_dim3A_318 = arith.constant 0 : i32
        %broadcast_in_dim3A_319 = vector.broadcast %broadcast_in_dim3A_318 : i32 to vector<16xi32>
        %parallel_loop3A_320 = arith.constant 0 : i32
        %parallel_loop3A_321 = arith.constant 128 : i32
        %parallel_loop3A_322 = arith.constant 1 : i32
        scf.for %parallel_loop3A_359 = %parallel_loop3A_320 to %parallel_loop3A_321 step %parallel_loop3A_322  : i32 {
          %parallel_loop3A_360 = arith.constant 16 : i32
          %parallel_loop3A_361 = arith.muli %parallel_loop3A_359, %parallel_loop3A_360 : i32
          %parallel_loop3A_362 = arith.index_cast %parallel_loop3A_361 : i32 to index
          %parallel_loop3A_363 = tpu.vector_load %arg7[%parallel_loop3A_362] {strides = array<i32>} : memref<2048xi32, #tpu.memory_space<vmem>>, vector<16xi32>,
          tpu.vector_store %arg7[%parallel_loop3A_362], %broadcast_in_dim3A_319 {strides = array<i32>} : memref<2048xi32, #tpu.memory_space<vmem>>, vector<16xi32>,
        } {sc.loop_unroll_factor = 4 : i64, sc.parallel_access}
        %parallel_loop3A_323 = arith.constant 0 : i32
        %parallel_loop3A_324 = arith.constant 1024 : i32
        %parallel_loop3A_325 = arith.constant 1 : i32
        scf.for %parallel_loop3A_359 = %parallel_loop3A_323 to %parallel_loop3A_324 step %parallel_loop3A_325  : i32 {
          %parallel_loop3A_360 = arith.constant 16 : i32
          %parallel_loop3A_361 = arith.muli %parallel_loop3A_359, %parallel_loop3A_360 : i32
          %parallel_loop3A_362 = arith.index_cast %parallel_loop3A_361 : i32 to index
          %parallel_loop3A_363 = tpu.vector_load %arg5[%parallel_loop3A_362] {strides = array<i32>} : memref<16384xf32, #tpu.memory_space<vmem>>, vector<16xf32>,
          %parallel_loop3A_364 = tpu.bitcast %parallel_loop3A_363 : vector<16xf32> -> vector<16xi32>
          %parallel_loop3A_365 = arith.constant 0 : i32
          %parallel_loop3A_366 = vector.broadcast %parallel_loop3A_365 : i32 to vector<16xi32>
          %parallel_loop3A_367 = arith.cmpi slt, %parallel_loop3A_364, %parallel_loop3A_366 : vector<16xi32>
          %parallel_loop3A_368 = arith.constant 2147483647 : i32
          %parallel_loop3A_369 = vector.broadcast %parallel_loop3A_368 : i32 to vector<16xi32>
          %parallel_loop3A_370 = arith.xori %parallel_loop3A_364, %parallel_loop3A_369 : vector<16xi32>
          %parallel_loop3A_371 = arith.select %parallel_loop3A_367, %parallel_loop3A_370, %parallel_loop3A_364 : vector<16xi1>, vector<16xi32>
          %parallel_loop3A_372 = arith.constant 21 : i32
          %parallel_loop3A_373 = vector.broadcast %parallel_loop3A_372 : i32 to vector<16xi32>
          %parallel_loop3A_374 = arith.shrsi %parallel_loop3A_371, %parallel_loop3A_373 : vector<16xi32>
          %parallel_loop3A_375 = arith.cmpi eq, %parallel_loop3A_374, %sub3A_317 : vector<16xi32>
          %parallel_loop3A_376 = arith.constant 10 : i32
          %parallel_loop3A_377 = vector.broadcast %parallel_loop3A_376 : i32 to vector<16xi32>
          %parallel_loop3A_378 = arith.shrsi %parallel_loop3A_371, %parallel_loop3A_377 : vector<16xi32>
          %parallel_loop3A_379 = arith.constant 2047 : i32
          %parallel_loop3A_380 = vector.broadcast %parallel_loop3A_379 : i32 to vector<16xi32>
          %parallel_loop3A_381 = arith.andi %parallel_loop3A_378, %parallel_loop3A_380 : vector<16xi32>
          tpu.vector_store_idx %arg7[%parallel_loop3A_381], %broadcast_in_dim3A_3 masked %parallel_loop3A_375 {add = true} : memref<2048xi32, #tpu.memory_space<vmem>>[vector<16xi32>], vector<16xi32>, vector<16xi1>
        } {sc.loop_unroll_factor = 8 : i64, sc.parallel_access}
        %sub3A_326 = arith.subi %broadcast_in_dim3A_169, %scan3A_313#2 : vector<16xi32>
        %broadcast_in_dim3A_327 = arith.constant 0 : i32
        %broadcast_in_dim3A_328 = vector.broadcast %broadcast_in_dim3A_327 : i32 to vector<16xi32>
        %scan3A_329 = arith.constant 0 : i32
        %scan3A_330 = arith.constant 128 : i32
        %scan3A_331 = arith.addi %scan3A_329, %scan3A_330 : i32
        %scan3A_332 = arith.constant 1 : i32
        %scan3A_333:5 = scf.for %scan3A_359 = %scan3A_329 to %scan3A_331 step %scan3A_332 iter_args(%scan3A_360 = %broadcast_in_dim3A_328, %scan3A_361 = %broadcast_in_dim3A_328, %scan3A_362 = %broadcast_in_dim3A_328, %scan3A_363 = %broadcast_in_dim3A_328, %scan3A_364 = %broadcast_in_dim3A_328) -> (vector<16xi32>, vector<16xi32>, vector<16xi32>, vector<16xi32>, vector<16xi32>)  : i32 {
          %sub3A_365 = arith.constant 127 : i32
          %sub3A_366 = arith.subi %sub3A_365, %scan3A_359 : i32
          %max3A = arith.constant 0 : i32
          %max3A_367 = arith.maxsi %sub3A_366, %max3A : i32
          %mul3A_368 = arith.constant 16 : i32
          %mul3A_369 = arith.muli %max3A_367, %mul3A_368 : i32
          %get3A = arith.index_cast %mul3A_369 : i32 to index
          %get3A_370 = tpu.vector_load %arg7[%get3A] {strides = array<i32>} : memref<2048xi32, #tpu.memory_space<vmem>>, vector<16xi32>,
          %rev3A = arith.constant 15 : i32
          %rev3A_371 = vector.broadcast %rev3A : i32 to vector<16xi32>
          %rev3A_372 = tpu.iota {dimensions = array<i32: 0>} : vector<16xi32>
          %rev3A_373 = arith.subi %rev3A_371, %rev3A_372 : vector<16xi32>
          %rev3A_374 = tpu.dynamic_gather %get3A_370[%rev3A_373] in [0] : vector<16xi32>, vector<16xi32> -> vector<16xi32>
          %broadcast_in_dim3A_375 = arith.constant true
          %broadcast_in_dim3A_376 = vector.broadcast %broadcast_in_dim3A_375 : i1 to vector<16xi1>
          %masked_cumsum3A = tpu.scan <sum>, %rev3A_374 masked %broadcast_in_dim3A_376 : vector<16xi32>, vector<16xi1> -> vector<16xi32>
          %rev3A_377 = arith.constant 15 : i32
          %rev3A_378 = vector.broadcast %rev3A_377 : i32 to vector<16xi32>
          %rev3A_379 = tpu.iota {dimensions = array<i32: 0>} : vector<16xi32>
          %rev3A_380 = arith.subi %rev3A_378, %rev3A_379 : vector<16xi32>
          %rev3A_381 = tpu.dynamic_gather %masked_cumsum3A[%rev3A_380] in [0] : vector<16xi32>, vector<16xi32> -> vector<16xi32>
          %add3A_382 = arith.addi %scan3A_360, %rev3A_381 : vector<16xi32>
          %ge3A_383 = arith.cmpi sge, %add3A_382, %sub3A_326 : vector<16xi32>
          %all_reduce_population_count3A = tpu.all_reduce %ge3A_383 {dim = 0 : i64, kind = #tpu.reduction_kind<sum>} : vector<16xi1> -> vector<16xi32>
          %sub3A_384 = arith.constant 1 : i32
          %sub3A_385 = vector.broadcast %sub3A_384 : i32 to vector<16xi32>
          %sub3A_386 = arith.subi %all_reduce_population_count3A, %sub3A_385 : vector<16xi32>
          %max3A_387 = arith.constant 0 : i32
          %max3A_388 = vector.broadcast %max3A_387 : i32 to vector<16xi32>
          %max3A_389 = arith.maxsi %sub3A_386, %max3A_388 : vector<16xi32>
          %gt3A_390 = arith.constant 0 : i32
          %gt3A_391 = vector.broadcast %gt3A_390 : i32 to vector<16xi32>
          %gt3A_392 = arith.cmpi sgt, %all_reduce_population_count3A, %gt3A_391 : vector<16xi32>
          %eq3A_393 = arith.constant 0 : i32
          %eq3A_394 = vector.broadcast %eq3A_393 : i32 to vector<16xi32>
          %eq3A_395 = arith.cmpi eq, %scan3A_364, %eq3A_394 : vector<16xi32>
          %and3A_396 = arith.andi %gt3A_392, %eq3A_395 : vector<16xi1>
          %lt3A_397 = arith.constant 0 : i32
          %lt3A_398 = vector.broadcast %lt3A_397 : i32 to vector<16xi32>
          %lt3A_399 = arith.cmpi slt, %max3A_389, %lt3A_398 : vector<16xi32>
          %add3A_400 = arith.constant 16 : i32
          %add3A_401 = vector.broadcast %add3A_400 : i32 to vector<16xi32>
          %add3A_402 = arith.addi %max3A_389, %add3A_401 : vector<16xi32>
          %select_n3A_403 = arith.select %lt3A_399, %add3A_402, %max3A_389 : vector<16xi1>, vector<16xi32>
          %broadcast_in_dim3A_404 = vector.shape_cast %select_n3A_403 : vector<16xi32> to vector<16x1xi32>
          %gather3A = vector.shape_cast %broadcast_in_dim3A_404 : vector<16x1xi32> to vector<16xi32>
          %gather3A_405 = tpu.dynamic_gather %get3A_370[%gather3A] in [0] : vector<16xi32>, vector<16xi32> -> vector<16xi32>
          %lt3A_406 = arith.constant 0 : i32
          %lt3A_407 = vector.broadcast %lt3A_406 : i32 to vector<16xi32>
          %lt3A_408 = arith.cmpi slt, %max3A_389, %lt3A_407 : vector<16xi32>
          %add3A_409 = arith.constant 16 : i32
          %add3A_410 = vector.broadcast %add3A_409 : i32 to vector<16xi32>
          %add3A_411 = arith.addi %max3A_389, %add3A_410 : vector<16xi32>
          %select_n3A_412 = arith.select %lt3A_408, %add3A_411, %max3A_389 : vector<16xi1>, vector<16xi32>
          %broadcast_in_dim3A_413 = vector.shape_cast %select_n3A_412 : vector<16xi32> to vector<16x1xi32>
          %gather3A_414 = vector.shape_cast %broadcast_in_dim3A_413 : vector<16x1xi32> to vector<16xi32>
          %gather3A_415 = tpu.dynamic_gather %rev3A_381[%gather3A_414] in [0] : vector<16xi32>, vector<16xi32> -> vector<16xi32>
          %mul3A_416 = arith.constant 16 : i32
          %mul3A_417 = arith.muli %max3A_367, %mul3A_416 : i32
          %add3A_418 = vector.broadcast %mul3A_417 : i32 to vector<16xi32>
          %add3A_419 = arith.addi %add3A_418, %max3A_389 : vector<16xi32>
          %select_n3A_420 = arith.select %and3A_396, %add3A_419, %scan3A_361 : vector<16xi1>, vector<16xi32>
          %add3A_421 = arith.addi %scan3A_360, %gather3A_415 : vector<16xi32>
          %sub3A_422 = arith.subi %add3A_421, %gather3A_405 : vector<16xi32>
          %select_n3A_423 = arith.select %and3A_396, %sub3A_422, %scan3A_362 : vector<16xi1>, vector<16xi32>
          %select_n3A_424 = arith.select %and3A_396, %gather3A_405, %scan3A_363 : vector<16xi1>, vector<16xi32>
          %jit3A_425 = arith.constant 1 : i32
          %broadcast_in_dim3A_426 = vector.broadcast %jit3A_425 : i32 to vector<16xi32>
          %select_n3A_427 = arith.select %and3A_396, %broadcast_in_dim3A_426, %scan3A_364 : vector<16xi1>, vector<16xi32>
          %eq3A_428 = arith.constant 0 : i32
          %eq3A_429 = vector.broadcast %eq3A_428 : i32 to vector<16xi32>
          %eq3A_430 = arith.cmpi eq, %scan3A_364, %eq3A_429 : vector<16xi32>
          %lt3A_431 = arith.constant 0 : i32
          %lt3A_432 = vector.broadcast %lt3A_431 : i32 to vector<16xi32>
          %lt3A_433 = arith.cmpi slt, %broadcast_in_dim3A_328, %lt3A_432 : vector<16xi32>
          %add3A_434 = arith.constant 16 : i32
          %add3A_435 = vector.broadcast %add3A_434 : i32 to vector<16xi32>
          %add3A_436 = arith.addi %broadcast_in_dim3A_328, %add3A_435 : vector<16xi32>
          %select_n3A_437 = arith.select %lt3A_433, %add3A_436, %broadcast_in_dim3A_328 : vector<16xi1>, vector<16xi32>
          %broadcast_in_dim3A_438 = vector.shape_cast %select_n3A_437 : vector<16xi32> to vector<16x1xi32>
          %gather3A_439 = vector.shape_cast %broadcast_in_dim3A_438 : vector<16x1xi32> to vector<16xi32>
          %gather3A_440 = tpu.dynamic_gather %rev3A_381[%gather3A_439] in [0] : vector<16xi32>, vector<16xi32> -> vector<16xi32>
          %add3A_441 = arith.addi %scan3A_360, %gather3A_440 : vector<16xi32>
          %select_n3A_442 = arith.select %eq3A_430, %add3A_441, %scan3A_360 : vector<16xi1>, vector<16xi32>
          scf.yield %select_n3A_442, %select_n3A_420, %select_n3A_423, %select_n3A_424, %select_n3A_427 : vector<16xi32>, vector<16xi32>, vector<16xi32>, vector<16xi32>, vector<16xi32>
        }
        %scan3A_334 = arith.constant 128 : i32
        %shift_left3A = arith.constant 11 : i32
        %shift_left3A_335 = vector.broadcast %shift_left3A : i32 to vector<16xi32>
        %shift_left3A_336 = arith.shli %sub3A_317, %shift_left3A_335 : vector<16xi32>
        %or3A = arith.ori %shift_left3A_336, %scan3A_333#1 : vector<16xi32>
        %broadcast_in_dim3A_337 = arith.constant 0 : i32
        %broadcast_in_dim3A_338 = vector.broadcast %broadcast_in_dim3A_337 : i32 to vector<16xi32>
        %parallel_loop3A_339 = arith.constant 0 : i32
        %parallel_loop3A_340 = arith.constant 64 : i32
        %parallel_loop3A_341 = arith.constant 1 : i32
        scf.for %parallel_loop3A_359 = %parallel_loop3A_339 to %parallel_loop3A_340 step %parallel_loop3A_341  : i32 {
          %parallel_loop3A_360 = arith.constant 16 : i32
          %parallel_loop3A_361 = arith.muli %parallel_loop3A_359, %parallel_loop3A_360 : i32
          %parallel_loop3A_362 = arith.index_cast %parallel_loop3A_361 : i32 to index
          %parallel_loop3A_363 = tpu.vector_load %arg7[%parallel_loop3A_362] {strides = array<i32>} : memref<2048xi32, #tpu.memory_space<vmem>>, vector<16xi32>,
          tpu.vector_store %arg7[%parallel_loop3A_362], %broadcast_in_dim3A_338 {strides = array<i32>} : memref<2048xi32, #tpu.memory_space<vmem>>, vector<16xi32>,
        } {sc.loop_unroll_factor = 4 : i64, sc.parallel_access}
        %parallel_loop3A_342 = arith.constant 0 : i32
        %parallel_loop3A_343 = arith.constant 1024 : i32
        %parallel_loop3A_344 = arith.constant 1 : i32
        scf.for %parallel_loop3A_359 = %parallel_loop3A_342 to %parallel_loop3A_343 step %parallel_loop3A_344  : i32 {
          %parallel_loop3A_360 = arith.constant 16 : i32
          %parallel_loop3A_361 = arith.muli %parallel_loop3A_359, %parallel_loop3A_360 : i32
          %parallel_loop3A_362 = arith.index_cast %parallel_loop3A_361 : i32 to index
          %parallel_loop3A_363 = tpu.vector_load %arg5[%parallel_loop3A_362] {strides = array<i32>} : memref<16384xf32, #tpu.memory_space<vmem>>, vector<16xf32>,
          %parallel_loop3A_364 = tpu.bitcast %parallel_loop3A_363 : vector<16xf32> -> vector<16xi32>
          %parallel_loop3A_365 = arith.constant 0 : i32
          %parallel_loop3A_366 = vector.broadcast %parallel_loop3A_365 : i32 to vector<16xi32>
          %parallel_loop3A_367 = arith.cmpi slt, %parallel_loop3A_364, %parallel_loop3A_366 : vector<16xi32>
          %parallel_loop3A_368 = arith.constant 2147483647 : i32
          %parallel_loop3A_369 = vector.broadcast %parallel_loop3A_368 : i32 to vector<16xi32>
          %parallel_loop3A_370 = arith.xori %parallel_loop3A_364, %parallel_loop3A_369 : vector<16xi32>
          %parallel_loop3A_371 = arith.select %parallel_loop3A_367, %parallel_loop3A_370, %parallel_loop3A_364 : vector<16xi1>, vector<16xi32>
          %parallel_loop3A_372 = arith.constant 10 : i32
          %parallel_loop3A_373 = vector.broadcast %parallel_loop3A_372 : i32 to vector<16xi32>
          %parallel_loop3A_374 = arith.shrsi %parallel_loop3A_371, %parallel_loop3A_373 : vector<16xi32>
          %parallel_loop3A_375 = arith.cmpi eq, %parallel_loop3A_374, %or3A : vector<16xi32>
          %parallel_loop3A_376 = arith.constant 1023 : i32
          %parallel_loop3A_377 = vector.broadcast %parallel_loop3A_376 : i32 to vector<16xi32>
          %parallel_loop3A_378 = arith.andi %parallel_loop3A_371, %parallel_loop3A_377 : vector<16xi32>
          tpu.vector_store_idx %arg7[%parallel_loop3A_378], %broadcast_in_dim3A_3 masked %parallel_loop3A_375 {add = true} : memref<2048xi32, #tpu.memory_space<vmem>>[vector<16xi32>], vector<16xi32>, vector<16xi1>
        } {sc.loop_unroll_factor = 8 : i64, sc.parallel_access}
        %sub3A_345 = arith.subi %sub3A_326, %scan3A_333#2 : vector<16xi32>
        %broadcast_in_dim3A_346 = arith.constant 0 : i32
        %broadcast_in_dim3A_347 = vector.broadcast %broadcast_in_dim3A_346 : i32 to vector<16xi32>
        %scan3A_348 = arith.constant 0 : i32
        %scan3A_349 = arith.constant 64 : i32
        %scan3A_350 = arith.addi %scan3A_348, %scan3A_349 : i32
        %scan3A_351 = arith.constant 1 : i32
        %scan3A_352:5 = scf.for %scan3A_359 = %scan3A_348 to %scan3A_350 step %scan3A_351 iter_args(%scan3A_360 = %broadcast_in_dim3A_347, %scan3A_361 = %broadcast_in_dim3A_347, %scan3A_362 = %broadcast_in_dim3A_347, %scan3A_363 = %broadcast_in_dim3A_347, %scan3A_364 = %broadcast_in_dim3A_347) -> (vector<16xi32>, vector<16xi32>, vector<16xi32>, vector<16xi32>, vector<16xi32>)  : i32 {
          %sub3A_365 = arith.constant 63 : i32
          %sub3A_366 = arith.subi %sub3A_365, %scan3A_359 : i32
          %max3A = arith.constant 0 : i32
          %max3A_367 = arith.maxsi %sub3A_366, %max3A : i32
          %mul3A_368 = arith.constant 16 : i32
          %mul3A_369 = arith.muli %max3A_367, %mul3A_368 : i32
          %get3A = arith.index_cast %mul3A_369 : i32 to index
          %get3A_370 = tpu.vector_load %arg7[%get3A] {strides = array<i32>} : memref<2048xi32, #tpu.memory_space<vmem>>, vector<16xi32>,
          %rev3A = arith.constant 15 : i32
          %rev3A_371 = vector.broadcast %rev3A : i32 to vector<16xi32>
          %rev3A_372 = tpu.iota {dimensions = array<i32: 0>} : vector<16xi32>
          %rev3A_373 = arith.subi %rev3A_371, %rev3A_372 : vector<16xi32>
          %rev3A_374 = tpu.dynamic_gather %get3A_370[%rev3A_373] in [0] : vector<16xi32>, vector<16xi32> -> vector<16xi32>
          %broadcast_in_dim3A_375 = arith.constant true
          %broadcast_in_dim3A_376 = vector.broadcast %broadcast_in_dim3A_375 : i1 to vector<16xi1>
          %masked_cumsum3A = tpu.scan <sum>, %rev3A_374 masked %broadcast_in_dim3A_376 : vector<16xi32>, vector<16xi1> -> vector<16xi32>
          %rev3A_377 = arith.constant 15 : i32
          %rev3A_378 = vector.broadcast %rev3A_377 : i32 to vector<16xi32>
          %rev3A_379 = tpu.iota {dimensions = array<i32: 0>} : vector<16xi32>
          %rev3A_380 = arith.subi %rev3A_378, %rev3A_379 : vector<16xi32>
          %rev3A_381 = tpu.dynamic_gather %masked_cumsum3A[%rev3A_380] in [0] : vector<16xi32>, vector<16xi32> -> vector<16xi32>
          %add3A_382 = arith.addi %scan3A_360, %rev3A_381 : vector<16xi32>
          %ge3A_383 = arith.cmpi sge, %add3A_382, %sub3A_345 : vector<16xi32>
          %all_reduce_population_count3A = tpu.all_reduce %ge3A_383 {dim = 0 : i64, kind = #tpu.reduction_kind<sum>} : vector<16xi1> -> vector<16xi32>
          %sub3A_384 = arith.constant 1 : i32
          %sub3A_385 = vector.broadcast %sub3A_384 : i32 to vector<16xi32>
          %sub3A_386 = arith.subi %all_reduce_population_count3A, %sub3A_385 : vector<16xi32>
          %max3A_387 = arith.constant 0 : i32
          %max3A_388 = vector.broadcast %max3A_387 : i32 to vector<16xi32>
          %max3A_389 = arith.maxsi %sub3A_386, %max3A_388 : vector<16xi32>
          %gt3A_390 = arith.constant 0 : i32
          %gt3A_391 = vector.broadcast %gt3A_390 : i32 to vector<16xi32>
          %gt3A_392 = arith.cmpi sgt, %all_reduce_population_count3A, %gt3A_391 : vector<16xi32>
          %eq3A_393 = arith.constant 0 : i32
          %eq3A_394 = vector.broadcast %eq3A_393 : i32 to vector<16xi32>
          %eq3A_395 = arith.cmpi eq, %scan3A_364, %eq3A_394 : vector<16xi32>
          %and3A_396 = arith.andi %gt3A_392, %eq3A_395 : vector<16xi1>
          %lt3A_397 = arith.constant 0 : i32
          %lt3A_398 = vector.broadcast %lt3A_397 : i32 to vector<16xi32>
          %lt3A_399 = arith.cmpi slt, %max3A_389, %lt3A_398 : vector<16xi32>
          %add3A_400 = arith.constant 16 : i32
          %add3A_401 = vector.broadcast %add3A_400 : i32 to vector<16xi32>
          %add3A_402 = arith.addi %max3A_389, %add3A_401 : vector<16xi32>
          %select_n3A_403 = arith.select %lt3A_399, %add3A_402, %max3A_389 : vector<16xi1>, vector<16xi32>
          %broadcast_in_dim3A_404 = vector.shape_cast %select_n3A_403 : vector<16xi32> to vector<16x1xi32>
          %gather3A = vector.shape_cast %broadcast_in_dim3A_404 : vector<16x1xi32> to vector<16xi32>
          %gather3A_405 = tpu.dynamic_gather %get3A_370[%gather3A] in [0] : vector<16xi32>, vector<16xi32> -> vector<16xi32>
          %lt3A_406 = arith.constant 0 : i32
          %lt3A_407 = vector.broadcast %lt3A_406 : i32 to vector<16xi32>
          %lt3A_408 = arith.cmpi slt, %max3A_389, %lt3A_407 : vector<16xi32>
          %add3A_409 = arith.constant 16 : i32
          %add3A_410 = vector.broadcast %add3A_409 : i32 to vector<16xi32>
          %add3A_411 = arith.addi %max3A_389, %add3A_410 : vector<16xi32>
          %select_n3A_412 = arith.select %lt3A_408, %add3A_411, %max3A_389 : vector<16xi1>, vector<16xi32>
          %broadcast_in_dim3A_413 = vector.shape_cast %select_n3A_412 : vector<16xi32> to vector<16x1xi32>
          %gather3A_414 = vector.shape_cast %broadcast_in_dim3A_413 : vector<16x1xi32> to vector<16xi32>
          %gather3A_415 = tpu.dynamic_gather %rev3A_381[%gather3A_414] in [0] : vector<16xi32>, vector<16xi32> -> vector<16xi32>
          %mul3A_416 = arith.constant 16 : i32
          %mul3A_417 = arith.muli %max3A_367, %mul3A_416 : i32
          %add3A_418 = vector.broadcast %mul3A_417 : i32 to vector<16xi32>
          %add3A_419 = arith.addi %add3A_418, %max3A_389 : vector<16xi32>
          %select_n3A_420 = arith.select %and3A_396, %add3A_419, %scan3A_361 : vector<16xi1>, vector<16xi32>
          %add3A_421 = arith.addi %scan3A_360, %gather3A_415 : vector<16xi32>
          %sub3A_422 = arith.subi %add3A_421, %gather3A_405 : vector<16xi32>
          %select_n3A_423 = arith.select %and3A_396, %sub3A_422, %scan3A_362 : vector<16xi1>, vector<16xi32>
          %select_n3A_424 = arith.select %and3A_396, %gather3A_405, %scan3A_363 : vector<16xi1>, vector<16xi32>
          %jit3A_425 = arith.constant 1 : i32
          %broadcast_in_dim3A_426 = vector.broadcast %jit3A_425 : i32 to vector<16xi32>
          %select_n3A_427 = arith.select %and3A_396, %broadcast_in_dim3A_426, %scan3A_364 : vector<16xi1>, vector<16xi32>
          %eq3A_428 = arith.constant 0 : i32
          %eq3A_429 = vector.broadcast %eq3A_428 : i32 to vector<16xi32>
          %eq3A_430 = arith.cmpi eq, %scan3A_364, %eq3A_429 : vector<16xi32>
          %lt3A_431 = arith.constant 0 : i32
          %lt3A_432 = vector.broadcast %lt3A_431 : i32 to vector<16xi32>
          %lt3A_433 = arith.cmpi slt, %broadcast_in_dim3A_347, %lt3A_432 : vector<16xi32>
          %add3A_434 = arith.constant 16 : i32
          %add3A_435 = vector.broadcast %add3A_434 : i32 to vector<16xi32>
          %add3A_436 = arith.addi %broadcast_in_dim3A_347, %add3A_435 : vector<16xi32>
          %select_n3A_437 = arith.select %lt3A_433, %add3A_436, %broadcast_in_dim3A_347 : vector<16xi1>, vector<16xi32>
          %broadcast_in_dim3A_438 = vector.shape_cast %select_n3A_437 : vector<16xi32> to vector<16x1xi32>
          %gather3A_439 = vector.shape_cast %broadcast_in_dim3A_438 : vector<16x1xi32> to vector<16xi32>
          %gather3A_440 = tpu.dynamic_gather %rev3A_381[%gather3A_439] in [0] : vector<16xi32>, vector<16xi32> -> vector<16xi32>
          %add3A_441 = arith.addi %scan3A_360, %gather3A_440 : vector<16xi32>
          %select_n3A_442 = arith.select %eq3A_430, %add3A_441, %scan3A_360 : vector<16xi1>, vector<16xi32>
          scf.yield %select_n3A_442, %select_n3A_420, %select_n3A_423, %select_n3A_424, %select_n3A_427 : vector<16xi32>, vector<16xi32>, vector<16xi32>, vector<16xi32>, vector<16xi32>
        }
        %scan3A_353 = arith.constant 64 : i32
        %shift_left3A_354 = arith.constant 10 : i32
        %shift_left3A_355 = vector.broadcast %shift_left3A_354 : i32 to vector<16xi32>
        %shift_left3A_356 = arith.shli %or3A, %shift_left3A_355 : vector<16xi32>
        %or3A_357 = arith.ori %shift_left3A_356, %scan3A_352#1 : vector<16xi32>
        %sub3A_358 = arith.subi %sub3A_345, %scan3A_352#2 : vector<16xi32>
        scf.yield %or3A_357, %sub3A_358, %scan3A_352#3 : vector<16xi32>, vector<16xi32>, vector<16xi32>
      }
      %reduce_max3A_265 = arith.constant true
      %reduce_max3A_266 = vector.broadcast %reduce_max3A_265 : i1 to vector<16xi1>
      %reduce_max3A_267 = arith.constant -2147483648 : i32
      %reduce_max3A_268 = vector.broadcast %reduce_max3A_267 : i32 to vector<16xi32>
      %reduce_max3A_269 = arith.xori %cond3A_264#1, %reduce_max3A_268 : vector<16xi32>
      %reduce_max3A_270 = tpu.scan <max>, %reduce_max3A_269 masked %reduce_max3A_266 : vector<16xi32>, vector<16xi1> -> vector<16xi32>
      %reduce_max3A_271 = arith.xori %reduce_max3A_270, %reduce_max3A_268 : vector<16xi32>
      %reduce_max3A_272 = vector.extract %reduce_max3A_271[15] : i32 from vector<16xi32>
      %reduce_max3A_273 = arith.constant true
      %reduce_max3A_274 = vector.broadcast %reduce_max3A_273 : i1 to vector<16xi1>
      %reduce_max3A_275 = arith.constant -2147483648 : i32
      %reduce_max3A_276 = vector.broadcast %reduce_max3A_275 : i32 to vector<16xi32>
      %reduce_max3A_277 = arith.xori %cond3A_264#2, %reduce_max3A_276 : vector<16xi32>
      %reduce_max3A_278 = tpu.scan <max>, %reduce_max3A_277 masked %reduce_max3A_274 : vector<16xi32>, vector<16xi1> -> vector<16xi32>
      %reduce_max3A_279 = arith.xori %reduce_max3A_278, %reduce_max3A_276 : vector<16xi32>
      %reduce_max3A_280 = vector.extract %reduce_max3A_279[15] : i32 from vector<16xi32>
      %eq3A_281 = arith.cmpi eq, %reduce_max3A_272, %reduce_max3A_280 : i32
      %convert_element_type3A_282 = arith.extui %eq3A_281 : i1 to i32
      %cond3A_283 = arith.constant 0.000000e+00 : f32
      %cond3A_284 = arith.constant 0 : i32
      %cond3A_285 = arith.constant 0 : i32
      %cond3A_286 = arith.cmpi ne, %convert_element_type3A_282, %cond3A_285 : i32
      %cond3A_287 = scf.if %cond3A_286 -> (i32) {
        %parallel_loop3A_299 = arith.constant 0 : i32
        %parallel_loop3A_300 = arith.constant 1024 : i32
        %parallel_loop3A_301 = arith.constant 1 : i32
        scf.for %parallel_loop3A_303 = %parallel_loop3A_299 to %parallel_loop3A_300 step %parallel_loop3A_301  : i32 {
          %parallel_loop3A_304 = arith.constant 16 : i32
          %parallel_loop3A_305 = arith.muli %parallel_loop3A_303, %parallel_loop3A_304 : i32
          %parallel_loop3A_306 = arith.index_cast %parallel_loop3A_305 : i32 to index
          %parallel_loop3A_307 = tpu.vector_load %arg5[%parallel_loop3A_306] {strides = array<i32>} : memref<16384xf32, #tpu.memory_space<vmem>>, vector<16xf32>,
          %parallel_loop3A_308 = tpu.bitcast %parallel_loop3A_307 : vector<16xf32> -> vector<16xi32>
          %parallel_loop3A_309 = arith.constant 0 : i32
          %parallel_loop3A_310 = vector.broadcast %parallel_loop3A_309 : i32 to vector<16xi32>
          %parallel_loop3A_311 = arith.cmpi slt, %parallel_loop3A_308, %parallel_loop3A_310 : vector<16xi32>
          %parallel_loop3A_312 = arith.constant 2147483647 : i32
          %parallel_loop3A_313 = vector.broadcast %parallel_loop3A_312 : i32 to vector<16xi32>
          %parallel_loop3A_314 = arith.xori %parallel_loop3A_308, %parallel_loop3A_313 : vector<16xi32>
          %parallel_loop3A_315 = arith.select %parallel_loop3A_311, %parallel_loop3A_314, %parallel_loop3A_308 : vector<16xi1>, vector<16xi32>
          %parallel_loop3A_316 = arith.cmpi sge, %parallel_loop3A_315, %cond3A_264#0 : vector<16xi32>
          %parallel_loop3A_317 = vector.broadcast %cond3A_283 : f32 to vector<16xf32>
          %parallel_loop3A_318 = arith.select %parallel_loop3A_316, %parallel_loop3A_307, %parallel_loop3A_317 : vector<16xi1>, vector<16xf32>
          %parallel_loop3A_319 = arith.constant 16 : i32
          %parallel_loop3A_320 = arith.muli %parallel_loop3A_303, %parallel_loop3A_319 : i32
          %parallel_loop3A_321 = arith.index_cast %parallel_loop3A_320 : i32 to index
          %parallel_loop3A_322 = tpu.vector_load %arg5[%parallel_loop3A_321] {strides = array<i32>} : memref<16384xf32, #tpu.memory_space<vmem>>, vector<16xf32>,
          tpu.vector_store %arg5[%parallel_loop3A_321], %parallel_loop3A_318 {strides = array<i32>} : memref<16384xf32, #tpu.memory_space<vmem>>, vector<16xf32>,
        } {sc.loop_unroll_factor = 8 : i64, sc.parallel_access}
        %cond3A_302 = arith.constant 0 : i32
        scf.yield %cond3A_302 : i32
      } else {
        %scan3A_299 = arith.constant 0 : i32
        %scan3A_300 = arith.constant 0 : i32
        %scan3A_301 = arith.constant 1024 : i32
        %scan3A_302 = arith.addi %scan3A_300, %scan3A_301 : i32
        %scan3A_303 = arith.constant 1 : i32
        %scan3A_304 = scf.for %scan3A_307 = %scan3A_300 to %scan3A_302 step %scan3A_303 iter_args(%scan3A_308 = %scan3A_299) -> (i32)  : i32 {
          %mul3A_309 = arith.constant 16 : i32
          %mul3A_310 = arith.muli %scan3A_307, %mul3A_309 : i32
          %get3A = arith.index_cast %mul3A_310 : i32 to index
          %get3A_311 = tpu.vector_load %arg5[%get3A] {strides = array<i32>} : memref<16384xf32, #tpu.memory_space<vmem>>, vector<16xf32>,
          %bitcast_convert_type3A = tpu.bitcast %get3A_311 : vector<16xf32> -> vector<16xi32>
          %lt3A_312 = arith.constant 0 : i32
          %lt3A_313 = vector.broadcast %lt3A_312 : i32 to vector<16xi32>
          %lt3A_314 = arith.cmpi slt, %bitcast_convert_type3A, %lt3A_313 : vector<16xi32>
          %xor3A = arith.constant 2147483647 : i32
          %xor3A_315 = vector.broadcast %xor3A : i32 to vector<16xi32>
          %xor3A_316 = arith.xori %bitcast_convert_type3A, %xor3A_315 : vector<16xi32>
          %select_n3A_317 = arith.select %lt3A_314, %xor3A_316, %bitcast_convert_type3A : vector<16xi1>, vector<16xi32>
          %eq3A_318 = arith.cmpi eq, %select_n3A_317, %cond3A_264#0 : vector<16xi32>
          %convert_element_type3A_319 = arith.extui %eq3A_318 : vector<16xi1> to vector<16xi32>
          %broadcast_in_dim3A_320 = arith.constant true
          %broadcast_in_dim3A_321 = vector.broadcast %broadcast_in_dim3A_320 : i1 to vector<16xi1>
          %masked_cumsum3A = tpu.scan <sum>, %convert_element_type3A_319 masked %broadcast_in_dim3A_321 : vector<16xi32>, vector<16xi1> -> vector<16xi32>
          %gt3A_322 = arith.cmpi sgt, %select_n3A_317, %cond3A_264#0 : vector<16xi32>
          %add3A_323 = vector.broadcast %scan3A_308 : i32 to vector<16xi32>
          %add3A_324 = arith.addi %masked_cumsum3A, %add3A_323 : vector<16xi32>
          %le3A_325 = arith.cmpi sle, %add3A_324, %cond3A_264#1 : vector<16xi32>
          %and3A_326 = arith.andi %eq3A_318, %le3A_325 : vector<16xi1>
          %or3A = arith.ori %gt3A_322, %and3A_326 : vector<16xi1>
          %broadcast_in_dim3A_327 = vector.broadcast %cond3A_283 : f32 to vector<16xf32>
          %select_n3A_328 = arith.select %or3A, %get3A_311, %broadcast_in_dim3A_327 : vector<16xi1>, vector<16xf32>
          %mul3A_329 = arith.constant 16 : i32
          %mul3A_330 = arith.muli %scan3A_307, %mul3A_329 : i32
          %swap3A = arith.index_cast %mul3A_330 : i32 to index
          %swap3A_331 = tpu.vector_load %arg5[%swap3A] {strides = array<i32>} : memref<16384xf32, #tpu.memory_space<vmem>>, vector<16xf32>,
          tpu.vector_store %arg5[%swap3A], %select_n3A_328 {strides = array<i32>} : memref<16384xf32, #tpu.memory_space<vmem>>, vector<16xf32>,
          %reduce_sum3A_332 = arith.constant true
          %reduce_sum3A_333 = vector.broadcast %reduce_sum3A_332 : i1 to vector<16xi1>
          %reduce_sum3A_334 = tpu.scan <sum>, %convert_element_type3A_319 masked %reduce_sum3A_333 : vector<16xi32>, vector<16xi1> -> vector<16xi32>
          %reduce_sum3A_335 = vector.extract %reduce_sum3A_334[15] : i32 from vector<16xi32>
          %add3A_336 = arith.addi %scan3A_308, %reduce_sum3A_335 : i32
          scf.yield %add3A_336 : i32
        }
        %scan3A_305 = arith.constant 1024 : i32
        %cond3A_306 = arith.constant 0 : i32
        scf.yield %cond3A_306 : i32
      }
      %dma_start3A_288 = arith.constant 0 : i32
      %dma_start3A_289 = tpu.memref_slice %arg3[%add3A_35, %dma_start3A_288] : memref<4096x16384xf32, #tpu.memory_space<hbm>> -> memref<1x16384xf32, #tpu.memory_space<hbm>>
      %dma_start3A_290 = tpu.memref_squeeze %dma_start3A_289 : memref<1x16384xf32, #tpu.memory_space<hbm>> -> memref<16384xf32, #tpu.memory_space<hbm>>
      %dma_start3A_291 = arith.constant 0 : i32
      %dma_start3A_292 = tpu.memref_slice %arg3[%add3A_35, %dma_start3A_291] : memref<4096x16384xf32, #tpu.memory_space<hbm>> -> memref<1x16384xf32, #tpu.memory_space<hbm>>
      %dma_start3A_293 = tpu.memref_squeeze %dma_start3A_292 : memref<1x16384xf32, #tpu.memory_space<hbm>> -> memref<16384xf32, #tpu.memory_space<hbm>>
      tpu.enqueue_dma source(%arg5 : memref<16384xf32, #tpu.memory_space<vmem>>) target(%dma_start3A_293 : memref<16384xf32, #tpu.memory_space<hbm>>) target_semaphore(%arg11 : memref<!tpu.dma_semaphore, #tpu.memory_space<semaphore_mem>>)
      %lt3A_294 = arith.constant 63 : i32
      %lt3A_295 = arith.cmpi slt, %scan3A_30, %lt3A_294 : i32
      %convert_element_type3A_296 = arith.extui %lt3A_295 : i1 to i32
      %cond3A_297 = arith.constant 0 : i32
      %cond3A_298 = arith.cmpi ne, %convert_element_type3A_296, %cond3A_297 : i32
      scf.if %cond3A_298 {
        %dma_wait3A_299 = arith.constant 0 : i32
        %dma_wait3A_300 = tpu.memref_slice %arg3[%add3A_33, %dma_wait3A_299] : memref<4096x16384xf32, #tpu.memory_space<hbm>> -> memref<1x16384xf32, #tpu.memory_space<hbm>>
        %dma_wait3A_301 = tpu.memref_squeeze %dma_wait3A_300 : memref<1x16384xf32, #tpu.memory_space<hbm>> -> memref<16384xf32, #tpu.memory_space<hbm>>
        %dma_wait3A_302 = arith.constant 0 : i32
        %dma_wait3A_303 = tpu.memref_slice %arg3[%add3A_33, %dma_wait3A_302] : memref<4096x16384xf32, #tpu.memory_space<hbm>> -> memref<1x16384xf32, #tpu.memory_space<hbm>>
        %dma_wait3A_304 = tpu.memref_squeeze %dma_wait3A_303 : memref<1x16384xf32, #tpu.memory_space<hbm>> -> memref<16384xf32, #tpu.memory_space<hbm>>
        tpu.wait_dma2 semaphore(%arg10 : memref<!tpu.dma_semaphore, #tpu.memory_space<semaphore_mem>>) src(%arg4 : memref<16384xf32, #tpu.memory_space<vmem>>) dst(%dma_wait3A_304 : memref<16384xf32, #tpu.memory_space<hbm>>)
        %add3A_305 = arith.constant 2 : i32
        %add3A_306 = arith.addi %add3A_33, %add3A_305 : i32
        %dma_start3A_307 = arith.constant 0 : i32
        %dma_start3A_308 = tpu.memref_slice %arg2[%add3A_306, %dma_start3A_307] : memref<4096x16384xf32, #tpu.memory_space<hbm>> -> memref<1x16384xf32, #tpu.memory_space<hbm>>
        %dma_start3A_309 = tpu.memref_squeeze %dma_start3A_308 : memref<1x16384xf32, #tpu.memory_space<hbm>> -> memref<16384xf32, #tpu.memory_space<hbm>>
        %dma_start3A_310 = arith.constant 0 : i32
        %dma_start3A_311 = tpu.memref_slice %arg2[%add3A_306, %dma_start3A_310] : memref<4096x16384xf32, #tpu.memory_space<hbm>> -> memref<1x16384xf32, #tpu.memory_space<hbm>>
        %dma_start3A_312 = tpu.memref_squeeze %dma_start3A_311 : memref<1x16384xf32, #tpu.memory_space<hbm>> -> memref<16384xf32, #tpu.memory_space<hbm>>
        tpu.enqueue_dma source(%dma_start3A_312 : memref<16384xf32, #tpu.memory_space<hbm>>) target(%arg4 : memref<16384xf32, #tpu.memory_space<vmem>>) target_semaphore(%arg8 : memref<!tpu.dma_semaphore, #tpu.memory_space<semaphore_mem>>)
      } else {
      }
    }
    %scan3A_13 = arith.constant 64 : i32
    %add3A_14 = arith.constant 128 : i32
    %add3A_15 = arith.addi %mul3A_2, %add3A_14 : i32
    %sub3A = arith.constant 1 : i32
    %sub3A_16 = arith.subi %add3A_15, %sub3A : i32
    %sub3A_17 = arith.constant 1 : i32
    %sub3A_18 = arith.subi %sub3A_16, %sub3A_17 : i32
    %dma_wait3A = arith.constant 0 : i32
    %dma_wait3A_19 = tpu.memref_slice %arg3[%sub3A_18, %dma_wait3A] : memref<4096x16384xf32, #tpu.memory_space<hbm>> -> memref<1x16384xf32, #tpu.memory_space<hbm>>
    %dma_wait3A_20 = tpu.memref_squeeze %dma_wait3A_19 : memref<1x16384xf32, #tpu.memory_space<hbm>> -> memref<16384xf32, #tpu.memory_space<hbm>>
    %dma_wait3A_21 = arith.constant 0 : i32
    %dma_wait3A_22 = tpu.memref_slice %arg3[%sub3A_18, %dma_wait3A_21] : memref<4096x16384xf32, #tpu.memory_space<hbm>> -> memref<1x16384xf32, #tpu.memory_space<hbm>>
    %dma_wait3A_23 = tpu.memref_squeeze %dma_wait3A_22 : memref<1x16384xf32, #tpu.memory_space<hbm>> -> memref<16384xf32, #tpu.memory_space<hbm>>
    tpu.wait_dma2 semaphore(%arg10 : memref<!tpu.dma_semaphore, #tpu.memory_space<semaphore_mem>>) src(%arg4 : memref<16384xf32, #tpu.memory_space<vmem>>) dst(%dma_wait3A_23 : memref<16384xf32, #tpu.memory_space<hbm>>)
    %dma_wait3A_24 = arith.constant 0 : i32
    %dma_wait3A_25 = tpu.memref_slice %arg3[%sub3A_16, %dma_wait3A_24] : memref<4096x16384xf32, #tpu.memory_space<hbm>> -> memref<1x16384xf32, #tpu.memory_space<hbm>>
    %dma_wait3A_26 = tpu.memref_squeeze %dma_wait3A_25 : memref<1x16384xf32, #tpu.memory_space<hbm>> -> memref<16384xf32, #tpu.memory_space<hbm>>
    %dma_wait3A_27 = arith.constant 0 : i32
    %dma_wait3A_28 = tpu.memref_slice %arg3[%sub3A_16, %dma_wait3A_27] : memref<4096x16384xf32, #tpu.memory_space<hbm>> -> memref<1x16384xf32, #tpu.memory_space<hbm>>
    %dma_wait3A_29 = tpu.memref_squeeze %dma_wait3A_28 : memref<1x16384xf32, #tpu.memory_space<hbm>> -> memref<16384xf32, #tpu.memory_space<hbm>>
    tpu.wait_dma2 semaphore(%arg11 : memref<!tpu.dma_semaphore, #tpu.memory_space<semaphore_mem>>) src(%arg5 : memref<16384xf32, #tpu.memory_space<vmem>>) dst(%dma_wait3A_29 : memref<16384xf32, #tpu.memory_space<hbm>>)
    return
  }
}

</mosaic_0001>

<sc_bundles>
// kernel: kernel.3.cloned.1.call-start
scs
__scs_entry_jumppad:
0x0: {  	(pc) =	sbr.rel $0x88, $3  }
0x1: {  	(tag) =	ssettag $0x0;
	lr =	simm.s32 $0x1  }
0x2: {  	[smem:$0x3FA0] =	sst lr;
	_ =	strace $0xD0000000  }
0x3: {  	_ = 	snop  }
0x4: {  	_ = 	snop  }
0x5: {  	_ = 	snop  }
0x6: {  	_ = 	snop  }
0x7: {  	_ = 	snop  }
__scs_overlays_trampoline_lowered:
0x8: {  	[smem:$0x3FAF] =	sst s0  }
0x9: {  	[smem:$0x3FB0] =	sst s1  }
0xa: {  	[smem:$0x3FB1] =	sst s2  }
0xb: {  	[smem:$0x3FB2] =	sst s3  }
0xc: {  	[smem:$0x3FB3] =	sst s4  }
0xd: {  	[smem:$0x3FB4] =	sst s5  }
0xe: {  	[smem:$0x3FB5] =	sst s6  }
0xf: {  	[smem:$0x3FB6] =	sst s7  }
0x10: {  	[smem:$0x3FB7] =	sst s8  }
0x11: {  	[smem:$0x3FB8] =	sst s9;
	s0 =	simm.s32 @!p0 $0x0  }
0x12: {  	s1 =	sld [smem:$0x3F9E];
	s0 =	simm.s32 @p0 $0x1  }
0x13: {  	[smem:$0x3FB9] =	sst s0;
	s0 =	simm.s32 @!p1 $0x0  }
0x14: {  	s2 =	sld [smem:$0x3F9D];
	s0 =	simm.s32 @p1 $0x1  }
0x15: {  	[smem:$0x3FBA] =	sst s0;
	s0 =	simm.s32 @!p2 $0x0  }
0x16: {  	s3 =	sld [smem:$0x3FDB];
	s0 =	simm.s32 @p2 $0x1  }
0x17: {  	s4 =	simm.s32 $0x1BF5;
	[smem:$0x3FBC] =	sst s0  }
0x18: {  	s0 =	sld [smem:$0x3F9F];
	_ =	swait.ge [sflag:s4], $0x0  }
0x19: {  	s7 =	sld [smem:$0x3FA0]  }
0x1a: {  	s8 =	sadd.s32 $0xFFFFE003, lr  }
0x1b: {  	s9 =	sadd.s32 $0xFFFFFEF7, lr;
	s5 =	simm.s32 $0xFFFFFFFF;
	p2 =	slt.u32 s8, $0xFFFFF086  }
0x1c: {  	p1 =	slt.u32 s9, $0xF7A;
	s5 =	simm.s32 @!p2 $0x0  }
0x1d: {  	s5 =	simm.s32 @p1 $0x1;
	p0 =	seq.s32 s7, s2  }
0x1e: {  	s7 =	smul.u32 @!p0 $0xF7A, s2;
	p2 =	seq.s32 @!p0 s5, $0x0  }
0x1f: {  	s9 =	smul.u32 $0xF7A, s1;
	s8 =	simm.s32 @!p0 $0x1BF5;
	p2 =	por !p2, p0  }
0x20: {  	[sflag:s8] =	ssyncset.s32 @!p0 $0xFFFFF086;
	s6 =	sadd.s32 @!p0 s3, s7;
	s7 =	simm.s32 @!p0 $0x108  }
0x21: {  	s3 =	sadd.s32 s3, s9;
	s6 =	sadd.s32 @!p0 $0x88, s6;
	s7 =	simm.s32 @p2 $0x1082  }
0x22: {  	[simem:s7], [sflag:s8] =	dma.local @!p0 [hbm:s6], $0xF7A  }
0x23: {  	s9 =	sor.u32 $0xD0000000, s2;
	s6 =	simm.s32 $0x108;
	_ =	swait.ge @!p0 [sflag:s8], $0x0  }
0x24: {  	s3 =	sadd.s32 $0x88, s3;
	s6 =	simm.s32 @!p1 $0x1082;
	[sflag:s4] =	ssyncset.s32 $0xFFFFF086  }
0x25: {  	[simem:s6], [sflag:s4] =	dma.local [hbm:s3], $0xF7A  }
0x26: {  	[smem:$0x3FA0] =	sst s1;
	(tag) =	ssettag s2;
	_ =	strace s9  }
0x27: {  	s1 =	sld [smem:$0x3FB0]  }
0x28: {  	s2 =	sld [smem:$0x3FB1]  }
0x29: {  	s4 =	sld [smem:$0x3FB3]  }
0x2a: {  	p0 =	seq.s32 s5, $0x0;
	s5 =	sld [smem:$0x3FB4]  }
0x2b: {  	s6 =	sld [smem:$0x3FB5]  }
0x2c: {  	s7 =	sld [smem:$0x3FB6]  }
0x2d: {  	s3 =	simm.s32 $0x108;
	s8 =	sld [smem:$0x3FB7]  }
0x2e: {  	s3 =	simm.s32 @!p0 $0x1082;
	s9 =	sld [smem:$0x3FB8]  }
0x2f: {  	lr =	sadd.s32 s0, s3;
	s0 =	sld [smem:$0x3FAF]  }
0x30: {  	s3 =	sld [smem:$0x3FB2]  }
0x31: {  	[smem:$0x3FBB] =	sst s10  }
0x32: {  	s10 =	sld [smem:$0x3FB9];
	_ =	sdelay $0x3  }
0x33: {  	p0 =	seq.s32 s10, $0x1;
	s10 =	sld [smem:$0x3FBB];
	_ =	sdelay $0x3  }
0x34: {  	[smem:$0x3FBB] =	sst s10  }
0x35: {  	s10 =	sld [smem:$0x3FBA];
	_ =	sdelay $0x3  }
0x36: {  	p1 =	seq.s32 s10, $0x1;
	s10 =	sld [smem:$0x3FBB];
	_ =	sdelay $0x3  }
0x37: {  	[smem:$0x3FBB] =	sst s10  }
0x38: {  	s10 =	sld [smem:$0x3FBC]  }
0x39: {  	_ = 	snop;
	(pc) =	sbr.ind lr, $3  }
0x3a: {  	_ = 	snop  }
0x3b: {  	_ = 	snop  }
0x3c: {  	p2 =	seq.s32 s10, $0x1;
	s10 =	sld [smem:$0x3FBB]  }
0x3d: {  	_ =	shalt  }
0x3e: {  	_ =	shalt  }
0x3f: {  	_ =	shalt  }
0x40: {  	_ =	shalt  }
0x41: {  	_ =	shalt  }
0x42: {  	_ =	shalt  }
0x43: {  	_ =	shalt  }
0x44: {  	_ =	shalt  }
0x45: {  	_ =	shalt  }
0x46: {  	_ =	shalt  }
0x47: {  	_ =	shalt  }
0x48: {  	_ =	shalt  }
0x49: {  	_ =	shalt  }
0x4a: {  	_ =	shalt  }
0x4b: {  	_ =	shalt  }
0x4c: {  	_ =	shalt  }
0x4d: {  	_ =	shalt  }
0x4e: {  	_ =	shalt  }
0x4f: {  	_ =	shalt  }
0x50: {  	_ =	shalt  }
0x51: {  	_ =	shalt  }
0x52: {  	_ =	shalt  }
0x53: {  	_ =	shalt  }
0x54: {  	_ =	shalt  }
0x55: {  	_ =	shalt  }
0x56: {  	_ =	shalt  }
0x57: {  	_ =	shalt  }
0x58: {  	_ =	shalt  }
0x59: {  	_ =	shalt  }
0x5a: {  	_ =	shalt  }
0x5b: {  	_ =	shalt  }
0x5c: {  	_ =	shalt  }
0x5d: {  	_ =	shalt  }
0x5e: {  	_ =	shalt  }
0x5f: {  	_ =	shalt  }
0x60: {  	_ =	shalt  }
0x61: {  	_ =	shalt  }
0x62: {  	_ =	shalt  }
0x63: {  	_ =	shalt  }
0x64: {  	_ =	shalt  }
0x65: {  	_ =	shalt  }
0x66: {  	_ =	shalt  }
0x67: {  	_ =	shalt  }
0x68: {  	_ =	shalt  }
0x69: {  	_ =	shalt  }
0x6a: {  	_ =	shalt  }
0x6b: {  	_ =	shalt  }
0x6c: {  	_ =	shalt  }
0x6d: {  	_ =	shalt  }
0x6e: {  	_ =	shalt  }
0x6f: {  	_ =	shalt  }
0x70: {  	_ =	shalt  }
0x71: {  	_ =	shalt  }
0x72: {  	_ =	shalt  }
0x73: {  	_ =	shalt  }
0x74: {  	_ =	shalt  }
0x75: {  	_ =	shalt  }
0x76: {  	_ =	shalt  }
0x77: {  	_ =	shalt  }
0x78: {  	_ =	shalt  }
0x79: {  	_ =	shalt  }
0x7a: {  	_ =	shalt  }
0x7b: {  	_ =	shalt  }
0x7c: {  	_ =	shalt  }
0x7d: {  	_ =	shalt  }
0x7e: {  	_ =	shalt  }
0x7f: {  	_ =	shalt  }
0x80: {  	_ =	shalt  }
0x81: {  	_ =	shalt  }
0x82: {  	_ =	shalt  }
0x83: {  	_ =	shalt  }
0x84: {  	_ =	shalt  }
0x85: {  	_ =	shalt  }
0x86: {  	_ =	shalt  }
0x87: {  	_ =	shalt  }
.Lfunc_end0:
.L_simem_size_0:
called_computation_lowered:
.L_overlay_start_0:
0x88: {  	s2 =	sld [smem:$0x3FD9]  }
0x89: {  	s3 =	sld [smem:$0x3FFE];
	_ =	sdelay $0x1  }
0x8a: {  	s1 =	srdreg.scid  }
0x8b: {  	s0 =	sand.u32 $0x1, s1  }
0x8c: {  	s18 =	sshll.u32 s0, $0xA;
	s2 =	sadd.s32 s3, s2  }
0x8d: {  	s2 =	sadd.s32 s2, s18  }
0x8e: {  	[smem:$0x3FC7] =	sst s2  }
0x8f: {  	_ = 	snop  }
0x90: {  	s2 =	sld [smem:$0x3FC9]  }
0x91: {  	s19 =	sld [smem:$0x3FD0];
	(tm) =	ssettm $0x1  }
0x92: {  	s4 =	sld [smem:$0x3FFB];
	_ =	sdelay $0x3  }
0x93: {  	_ =	strace s4  }
0x94: {  	s4 =	sld [smem:$0x3FFC];
	_ =	sdelay $0x3  }
0x95: {  	_ =	strace s4  }
0x96: {  	s4 =	sld [smem:$0x3FFD];
	_ =	sdelay $0x3  }
0x97: {  	_ =	strace s4  }
0x98: {  	_ =	strace $0x8FFFFFFF  }
0x99: {  	s20 =	sld [smem:$0x3FDB];
	_ =	sdelay $0x1  }
0x9a: {  	s5 =	simm.s32 $_scs_section_size  }
0x9b: {  	s6 =	simm.s32 $_size__tile_overlayer_lowered;
	s7 =	simm.s32 $_tile_overlayer_lowered  }
0x9c: {  	s23 =	simm.s32 $0x1BFF;
	s22 =	sshll.u32 s7, $0x1;
	s4 =	sadd.s32 s5, s20  }
0x9d: {  	s8 =	simm.s32 $0x0;
	s21 =	sshll.u32 s6, $0x1;
	s6 =	sadd.s32 s22, s4  }
0x9e: {  	[timem:s8], [sflag:s23] =	dma.local [hbm:s6], s21  }
0x9f: {  	_ =	swait.ge [sflag:s23], s21  }
0xa0: {  	s5 =	ssub.s32 $0x0, s21;
	[sflag:s23] =	ssyncset.done $0x0  }
0xa1: {  	[sflag:s23] =	ssyncadd.s32 s5;
	_ =	sdelay $0x1  }
0xa2: {  	s24 =	simm.s32 $0x1B8B  }
0xa3: {  	_ =	swait.ge [sflag:s24], $0x1  }
0xa4: {  	[sflag:s24] =	ssyncset.done $0x0  }
0xa5: {  	s25 =	simm.s32 $0x1B8E;
	[sflag:s24] =	ssyncadd.s32 $0xFFFFFFFF  }
0xa6: {  	s26 =	simm.s32 $execute0_lowered;
	[smem:$0x3FD2] =	sst s25  }
0xa7: {  	s5 =	sshll.u32 s26, $0x1;
	_ =	strace $0x80000046;
	[dreg:$0x1] =	wrdreg $0xFFFFFFFF  }
0xa8: {  	s28 =	simm.s32 $_size_execute0_lowered;
	s4 =	sadd.s32 s4, s5;
	[dreg:$0x0] =	wrdreg $0x0  }
0xa9: {  	s5 =	sshll.u32 s28, $0x1;
	[dreg:$0x2] =	wrdreg s4  }
0xaa: {  	[dreg:$0x3] =	wrdreg s5  }
0xab: {  	[dreg:$0x4] =	wrdreg $0xC0  }
0xac: {  	_ =	task [dreg:s8], $0x5FFFF  }
0xad: {  	[dreg:$0x1] =	wrdreg $0xFFFFFFFF  }
0xae: {  	[dreg:$0x0] =	wrdreg $0x60  }
0xaf: {  	[dreg:$0x2] =	wrdreg s2  }
0xb0: {  	[dreg:$0x3] =	wrdreg s19  }
0xb1: {  	[dreg:$0x4] =	wrdreg $0x9  }
0xb2: {  	_ =	task.clear_ibuf [dreg:s8], $0x5FFFF;
	_ =	strace $0x90000046  }
0xb3: {  	s29 =	simm.s32 $0x9;
	_ =	strace $0x80000048  }
0xb4: {  	_ =	swait.ge [sflag:s29], $0x1  }
0xb5: {  	[sflag:s29] =	ssyncadd.s32 $0xFFFFFFFF  }
0xb6: {  	_ =	strace $0x90000048  }
0xb7: {  	_ =	sfence  }
0xb8: {  	s30 =	sld [smem:$0x0];
	_ =	sdelay $0x2  }
0xb9: {  	s31 =	sshll.u32 s1, $0xD;
	s1 =	sshrl.u32 s1, $0x2  }
0xba: {  	s3 =	sand.u32 $0x4000, s31;
	s1 =	sadd.s32 s1, s30  }
0xbb: {  	s0 =	sor.u32 s3, s0;
	s1 =	sshll.u32 s1, $0x11  }
0xbc: {  	s0 =	sor.u32 s1, s0  }
0xbd: {  	s0 =	sadd.s32 $0x8F2B, s0  }
0xbe: {  	[sflag:s0] =	ssyncadd.remote.s32 $0x1  }
0xbf: {  	_ =	sfence.sel $0xFFFF  }
0xc0: {  	[dreg:$0x0] =	wrdreg $0xFFFFFFFF;
	(pc) =	sbr.abs _section_cstart, $3  }
0xc1: {  	[dreg:$0x1] =	wrdreg $0xFFFFFFFF  }
0xc2: {  	_ =	task.clear_ibuf [dreg:s8], $0x2FFFF;
	_ =	strace $0x9FFFFFFF  }
0xc3: {  	(tm) =	ssettm $0x7FFFFFFF  }
tec
execute0_lowered:
.L_overlay_start_1:
0x0: {  	(tag) =	ssettag $0x1  }
0x1: {  	s1 =	rddreg [dreg:$0x0]  }
0x2: {  	s3 =	rddreg [dreg:$0x1]  }
0x3: {  	s0 =	rddreg [dreg:$0x2];
	s5 =	srdreg.scid;
	s4 =	simm.s32 $0x0  }
0x4: {  	s2 =	stileid.u32;
	s9 =	simm.s32 $0x400;
	s10 =	simm.s32 $0x4000  }
0x5: {  	s11 =	simm.s32 $0x1;
	s12 =	simm.s32 $0xC080;
	s13 =	simm.s32 $0x8000  }
0x6: {  	s14 =	simm.s32 $0x2;
	s15 =	simm.s32 $0x3;
	s16 =	simm.s32 $0x4  }
.Ltmp0:
0x7: {  	s17 =	simm.s32 $0x0;
	s5 =	sand.u32 $0x1, s5;
	(pc) =	sbr.rel .LBB2_1-.Ltmp0, $4  }
0x8: {  	v3 =	vlaneseq.u32;
	s7 =	sshll.u32 s2, $0x8;
	s6 =	ssub.s32 $0x2, s5;
	s5 =	sshll.u32 s5, $0x7  }
0x9: {  	[smem:$0x7FF] =	sst s4;
	v2 =	vmul.u32 $0xFFFFFFFF, v3;
	s8 =	sshrl.u32 s6, $0x1;
	s5 =	sor.u32 s5, s7  }
0xa: {  	v3 =	vmul.u32 $0x401, v3;
	_ =	strace $0x80000047;
	s30 =	ssub.s32 s6, s8;
	s31 =	sshll.u32 s5, $0xB  }
0xb: {  	v0 =	vimm.s32 $0x0;
	v1 =	vimm.s32 $0x1;
	v2 =	vadd.s32 $0xF, v2;
	s8 =	simm.s32 $0x80;
	s6 =	sadd.s32 s1, s31;
	s7 =	smax.u32 s30, $0x1  }
.LBB2_100:
0xc: {  	s17 =	sadd.s32 $0x1, s17  }
0xd: {  	p0 =	sne.s32 s17, s7  }
.Ltmp1:
0xe: {  	_ = 	snop;
	(pc) =	sbr.rel @!p0 .LBB2_101-.Ltmp1, $4  }
0xf: {  	_ = 	snop  }
0x10: {  	_ =	swait.ge [sflag:s16], $0x4000  }
0x11: {  	[sflag:s16] =	ssyncset.done $0x0  }
0x12: {  	[sflag:s16] =	ssyncadd.s32 $0xFFFFC000  }
.LBB2_1:
0x13: {  	[tilespmem:s4], [sflag:$0x1] =	stream.strided.gather [hbm4b:s6+s8], $0x4000, s9, s8, $0x38;
	[tilespmem:$0xC880] =	vst v63  }
0x14: {  	s18 =	simm.s32 $0x0  }
.LBB2_2:
0x15: {  	s19 =	sshll.u32 s18, $0x1  }
0x16: {  	s19 =	sadd.s32 s5, s19  }
0x17: {  	p0 =	seq.s32 s18, $0x0;
	s22 =	sshll.u32 s18, $0x5;
	s20 =	sshll.u32 s19, $0xB  }
0x18: {  	s23 =	simm.s32 @!p0 $0x4;
	s22 =	sand.u32 $0x60, s22;
	s21 =	sand.u32 $0x7FC000, s20  }
0x19: {  	_ =	swait.ge @!p0 [sflag:s23], $0x4000;
	s20 =	sor.u32 s22, s21  }
0x1a: {  	[sflag:s23] =	ssyncset.done @!p0 $0x0;
	s20 =	sor.u32 $0x10, s20  }
0x1b: {  	[sflag:s23] =	ssyncadd.s32 @!p0 $0xFFFFC000;
	s31 =	sadd.s32 s1, s20  }
0x1c: {  	[tilespmem:s10], [sflag:$0x2] =	stream.strided.gather [hbm4b:s31+s8], $0x4000, s9, s8, $0x38;
	[tilespmem:$0xC880] =	vst v63  }
0x1d: {  	_ =	swait.ge [sflag:s11], $0x4000  }
0x1e: {  	[sflag:s11] =	ssyncset.done $0x0  }
0x1f: {  	s24 =	simm.s32 $0xC0A0;
	[sflag:s11] =	ssyncadd.s32 $0xFFFFC000  }
0x20: {  	[tilespmem:s24+$0xFFFFFFE0] =	vst v0  }
0x21: {  	[tilespmem:s24+$0x10] =	vst v0  }
0x22: {  	s25 =	simm.s32 $0x0;
	s23 =	simm.s32 $0x200;
	[tilespmem:s24+$0x0] =	vst v0  }
.LBB2_3:
0x23: {  	s25 =	sadd.s32 $0x4, s25  }
0x24: {  	[tilespmem:s24+$0xFFFFFFF0] =	vst v0;
	s24 =	sadd.s32 $0x40, s24;
	v7 =	vimm.s32 $0xFFFFFFFF;
	p0 =	slt.u32 s25, $0x7C  }
.Ltmp2:
0x25: {  	[tilespmem:s24+$0xFFFFFFE0] =	vst v0;
	(pc) =	sbr.rel @p0 .LBB2_3-.Ltmp2, $3  }
0x26: {  	_ =	sdelay $0x1  }
0x27: {  	[tilespmem:s24+$0x10] =	vst v0  }
0x28: {  	[tilespmem:s24+$0x0] =	vst v0  }
0x29: {  	[tilespmem:s24+$0xFFFFFFF0] =	vst v0  }
0x2a: {  	v6 =	vld [tilespmem:s23+$0x100]  }
0x2b: {  	v4 =	vld [tilespmem:s23+$0x180]  }
0x2c: {  	v5 =	vld [tilespmem:s23+$0x80]  }
0x2d: {  	v10 =	vld [tilespmem:s23+$0x0]  }
0x2e: {  	v9 =	vld [tilespmem:s23+$0xFFFFFE00]  }
0x2f: {  	v8 =	vld [tilespmem:s23+$0xFFFFFF80]  }
0x30: {  	v12 =	vld [tilespmem:s23+$0xFFFFFE80]  }
0x31: {  	v11 =	vld [tilespmem:s23+$0xFFFFFF00]  }
0x32: {  	vm1 =	vlt.s32 v6, $0x0;
	vm2 =	vlt.s32 v5, $0x0  }
0x33: {  	vm0 =	vlt.s32 v4, $0x0;
	v13 =	vshra.s32 v9, $0x15;
	vm3 =	vlt.s32 v10, $0x0  }
0x34: {  	vm4 =	vlt.s32 v9, $0x0;
	vm5 =	vlt.s32 v8, $0x0;
	v9 =	vxor.u32 $0x3FF, v13  }
0x35: {  	v61 =	vshra.s32 v12, $0x15;
	vm6 =	vlt.s32 v12, $0x0;
	v9 =	vsel vm4, v9, v13  }
0x36: {  	vm4 =	vlt.s32 v11, $0x0;
	v14 =	vadd.s32 $0x400, v9;
	v9 =	vxor.u32 $0x3FF, v61  }
0x37: {  	v11 =	vshra.s32 v11, $0x15;
	vm7 =	vgt.s32 v7, v14;
	v9 =	vsel vm6, v9, v61  }
0x38: {  	v62 =	vsel vm7, v7, v14;
	v7 =	vadd.s32 $0x400, v9;
	v9 =	vxor.u32 $0x3FF, v11  }
0x39: {  	v63 =	vshra.s32 v8, $0x15;
	vm6 =	vgt.s32 v62, v7;
	v11 =	vsel vm4, v9, v11  }
0x3a: {  	v9 =	vsel vm6, v62, v7;
	v8 =	vadd.s32 $0x400, v11;
	v11 =	vxor.u32 $0x3FF, v63  }
0x3b: {  	s24 =	simm.s32 $0x600;
	s23 =	simm.s32 $0x0;
	v10 =	vshra.s32 v10, $0x15;
	[tilespmem:v14+s12+$0x0] =	vst.idx.add.s32.msk $0xffff, v1;
	vm4 =	vgt.s32 v9, v8;
	v11 =	vsel vm5, v11, v63  }
.LBB2_5:
0x3c: {  	v12 =	vld [tilespmem:s24+$0x100];
	v9 =	vsel vm4, v9, v8;
	v11 =	vadd.s32 $0x400, v11;
	v13 =	vxor.u32 $0x3FF, v10  }
0x3d: {  	v14 =	vld [tilespmem:s24+$0x180];
	vm4 =	vgt.s32 v9, v11;
	v10 =	vsel vm3, v13, v10;
	v13 =	vshra.s32 v5, $0x15  }
0x3e: {  	v5 =	vld [tilespmem:s24+$0x80];
	v9 =	vsel vm4, v9, v11;
	v10 =	vadd.s32 $0x400, v10;
	v15 =	vxor.u32 $0x3FF, v13  }
0x3f: {  	v20 =	vshra.s32 v6, $0x15;
	v16 =	vld [tilespmem:s24+$0x0];
	vm3 =	vgt.s32 v9, v10;
	v13 =	vsel vm2, v15, v13  }
0x40: {  	v17 =	vxor.u32 $0x3FF, v20;
	v15 =	vld [tilespmem:s24+$0xFFFFFF80];
	v9 =	vsel vm3, v9, v10;
	v13 =	vadd.s32 $0x400, v13  }
0x41: {  	s23 =	sadd.s32 $0x8, s23;
	v19 =	vshra.s32 v4, $0x15;
	v17 =	vsel vm1, v17, v20;
	v18 =	vld [tilespmem:s24+$0xFFFFFE00];
	vm2 =	vgt.s32 v9, v13;
	v6 =	vmovc v12  }
0x42: {  	p0 =	slt.u32 s23, $0x78;
	v20 =	vxor.u32 $0x3FF, v19;
	v17 =	vadd.s32 $0x400, v17;
	v12 =	vld [tilespmem:s24+$0xFFFFFF00];
	v9 =	vsel vm2, v9, v13;
	v4 =	vmovc v14  }
0x43: {  	v19 =	vsel vm0, v20, v19;
	v14 =	vld [tilespmem:s24+$0xFFFFFE80];
	vm2 =	vgt.s32 v9, v17  }
0x44: {  	vm1 =	vlt.s32 v6, $0x0;
	[tilespmem:v7+s12+$0x0] =	vst.idx.add.s32.msk $0xffff, v1;
	v7 =	vsel vm2, v9, v17;
	v9 =	vadd.s32 $0x400, v19  }
0x45: {  	vm0 =	vlt.s32 v4, $0x0;
	vm2 =	vlt.s32 v5, $0x0;
	[tilespmem:v8+s12+$0x0] =	vst.idx.add.s32.msk $0xffff, v1;
	vm4 =	vgt.s32 v7, v9  }
0x46: {  	vm3 =	vlt.s32 v16, $0x0;
	v8 =	vshra.s32 v18, $0x15;
	[tilespmem:v11+s12+$0x0] =	vst.idx.add.s32.msk $0xffff, v1;
	v7 =	vsel vm4, v7, v9  }
0x47: {  	vm5 =	vlt.s32 v15, $0x0;
	vm4 =	vlt.s32 v18, $0x0;
	v11 =	vxor.u32 $0x3FF, v8;
	[tilespmem:v10+s12+$0x0] =	vst.idx.add.s32.msk $0xffff, v1  }
0x48: {  	v8 =	vsel vm4, v11, v8;
	v10 =	vshra.s32 v14, $0x15;
	vm4 =	vlt.s32 v12, $0x0;
	[tilespmem:v13+s12+$0x0] =	vst.idx.add.s32.msk $0xffff, v1  }
0x49: {  	vm6 =	vlt.s32 v14, $0x0;
	v11 =	vadd.s32 $0x400, v8;
	v8 =	vxor.u32 $0x3FF, v10;
	[tilespmem:v17+s12+$0x0] =	vst.idx.add.s32.msk $0xffff, v1  }
.Ltmp3:
0x4a: {  	vm7 =	vgt.s32 v7, v11;
	v8 =	vsel vm6, v8, v10;
	v10 =	vshra.s32 v12, $0x15;
	[tilespmem:v9+s12+$0x0] =	vst.idx.add.s32.msk $0xffff, v1;
	(pc) =	sbr.rel @p0 .LBB2_5-.Ltmp3, $4  }
0x4b: {  	v9 =	vsel vm7, v7, v11;
	v7 =	vadd.s32 $0x400, v8;
	v8 =	vxor.u32 $0x3FF, v10  }
0x4c: {  	vm6 =	vgt.s32 v9, v7;
	v8 =	vsel vm4, v8, v10;
	v10 =	vshra.s32 v15, $0x15  }
0x4d: {  	v9 =	vsel vm6, v9, v7;
	v8 =	vadd.s32 $0x400, v8;
	v12 =	vxor.u32 $0x3FF, v10  }
0x4e: {  	s24 =	sadd.s32 $0x400, s24;
	[tilespmem:v11+s12+$0x0] =	vst.idx.add.s32.msk $0xffff, v1;
	vm4 =	vgt.s32 v9, v8;
	v11 =	vsel vm5, v12, v10;
	v10 =	vshra.s32 v16, $0x15  }
0x4f: {  	v9 =	vsel vm4, v9, v8;
	v11 =	vadd.s32 $0x400, v11;
	v12 =	vxor.u32 $0x3FF, v10  }
0x50: {  	v5 =	vshra.s32 v5, $0x15;
	vm4 =	vgt.s32 v9, v11;
	v10 =	vsel vm3, v12, v10  }
0x51: {  	v60 =	vxor.u32 $0x3FF, v5;
	v9 =	vsel vm4, v9, v11;
	v10 =	vadd.s32 $0x400, v10  }
0x52: {  	v6 =	vshra.s32 v6, $0x15;
	v5 =	vsel vm2, v60, v5;
	vm3 =	vgt.s32 v9, v10  }
0x53: {  	v61 =	vxor.u32 $0x3FF, v6;
	v5 =	vadd.s32 $0x400, v5;
	v9 =	vsel vm3, v9, v10  }
0x54: {  	v4 =	vshra.s32 v4, $0x15;
	v6 =	vsel vm1, v61, v6;
	vm2 =	vgt.s32 v9, v5  }
0x55: {  	v62 =	vxor.u32 $0x3FF, v4;
	v6 =	vadd.s32 $0x400, v6;
	v9 =	vsel vm2, v9, v5  }
0x56: {  	v4 =	vsel vm0, v62, v4;
	vm1 =	vgt.s32 v9, v6  }
0x57: {  	v4 =	vadd.s32 $0x400, v4;
	v9 =	vsel vm1, v9, v6  }
0x58: {  	vm0 =	vgt.s32 v9, v4  }
0x59: {  	v9 =	vsel vm0, v9, v4  }
0x5a: {  	v9 =	vxor.u32 $0x80000000, v9  }
0x5b: {  	(xrf0) =	vmax.scan.msk.u32 $0xffff, v9;
	_ =	sdelay $0x5  }
0x5c: {  	v9, _, _ =	vpop (xrf0)  }
0x5d: {  	(v2sf) =	vpush v9, $0xF;
	_ =	sdelay $0xe  }
0x5e: {  	s23 =	spop (v2sf)  }
0x5f: {  	s24 =	sxor.u32 $0x80000000, s23  }
0x60: {  	p1 =	sgt.s32 s23, $0xFFFFFFFF;
	s23 =	sand.u32 $0xF, s23;
	p0 =	slt.s32 s24, $0x1  }
0x61: {  	s25 =	sshra.s32 s24, $0x1F;
	p6 =	sne.s32 s23, $0x0;
	p0 =	por p1, p0  }
0x62: {  	s31 =	sshrl.u32 s25, $0x1C;
	p0 =	por !p6, !p0  }
0x63: {  	[tilespmem:v7+s12+$0x0] =	vst.idx.add.s32.msk $0xffff, v1;
	s23 =	sadd.s32 s31, s24;
	s24 =	simm.s32 $0x1;
	p0 =	por !p0, !p0  }
0x64: {  	[tilespmem:v8+s12+$0x0] =	vst.idx.add.s32.msk $0xffff, v1;
	s23 =	sshra.s32 s23, $0x4;
	s24 =	simm.s32 @!p0 $0x0  }
0x65: {  	[tilespmem:v11+s12+$0x0] =	vst.idx.add.s32.msk $0xffff, v1;
	s24 =	ssub.s32 s23, s24  }
0x66: {  	[tilespmem:v10+s12+$0x0] =	vst.idx.add.s32.msk $0xffff, v1;
	s23 =	sadd.s32 $0x0, s24  }
0x67: {  	[tilespmem:v5+s12+$0x0] =	vst.idx.add.s32.msk $0xffff, v1;
	p0 =	sgt.s32 s23, $0x0  }
0x68: {  	[tilespmem:v6+s12+$0x0] =	vst.idx.add.s32.msk $0xffff, v1;
	s23 =	simm.s32 @!p0 $0x0  }
0x69: {  	[tilespmem:v4+s12+$0x0] =	vst.idx.add.s32.msk $0xffff, v1;
	s26 =	sshll.u32 s23, $0x4  }
0x6a: {  	v4 =	vld [tilespmem:s26+$0xC080];
	_ =	sdelay $0x4  }
0x6b: {  	v4 =	vperm.xlane v4, v2;
	_ =	sdelay $0x1  }
0x6c: {  	(xrf0) =	vadd.scan.msk.s32 $0xffff, v4;
	_ =	sdelay $0x3  }
0x6d: {  	s23 =	sadd.s32 $0xFFFFFFFF, s24  }
0x6e: {  	p0 =	sgt.s32 s23, $0x0  }
0x6f: {  	s23 =	simm.s32 @!p0 $0x0;
	v4, _, _ =	vpop (xrf0)  }
0x70: {  	s23 =	sshll.u32 s23, $0x4;
	v5 =	vperm.xlane v4, v2  }
0x71: {  	v6 =	vld [tilespmem:s23+$0xC080];
	v4 =	vimm.s32 $0x0  }
0x72: {  	v7 =	vadd.s32 v4, v5  }
0x73: {  	vm0 =	vgt.s32 v7, $0xC  }
0x74: {  	v7 =	vmpcnt.ones.xlane vm0  }
0x75: {  	v5 =	vperm.xlane v5, v0  }
0x76: {  	v63 =	vperm.xlane v6, v2;
	vm0 =	veq.s32 v4, $0x0;
	v8 =	vadd.s32 $0xFFFFFFFF, v7  }
0x77: {  	v5 =	vnsel vm0, $0x0, v5;
	vm1 =	vgt.s32 v8, $0x0  }
0x78: {  	(xrf0) =	vadd.scan.msk.s32 $0xffff, v63;
	v6 =	vadd.s32 v4, v5;
	vm2 =	vgt.s32 v7, $0x0;
	v5 =	vnsel vm1, $0x0, v8  }
0x79: {  	s25 =	simm.s32 $0xFFFFFFFE;
	vm0 =	vmand vm0, vm2;
	v7 =	vadd.s32 s26, v5;
	v5 =	vimm.s32 $0x0  }
.LBB2_7:
0x7a: {  	p0 =	sne.s32 s25, $0xFFFFFFFD;
	v4 =	vsel vm0, v7, v4;
	v5 =	vsel vm0, $0x1, v5;
	s26 =	smov.u32 s25;
	s25 =	sadd.s32 $0xFFFFFFFF, s25  }
0x7b: {  	_ = 	snop  }
0x7c: {  	s26 =	sadd.s32 s26, s24  }
0x7d: {  	p1 =	sgt.s32 s26, $0x0  }
0x7e: {  	s26 =	simm.s32 @!p1 $0x0;
	v7, _, _ =	vpop (xrf0)  }
0x7f: {  	s26 =	sshll.u32 s26, $0x4;
	v7 =	vperm.xlane v7, v2  }
0x80: {  	v8 =	vld [tilespmem:s26+$0xC080]  }
0x81: {  	v9 =	vadd.s32 v6, v7;
	v7 =	vperm.xlane v7, v0  }
0x82: {  	vm1 =	veq.s32 v5, $0x0;
	vm0 =	vgt.s32 v9, $0xC  }
0x83: {  	v9 =	vmpcnt.ones.xlane vm0;
	v7 =	vnsel vm1, $0x0, v7  }
.Ltmp4:
0x84: {  	v6 =	vadd.s32 v6, v7;
	(pc) =	sbr.rel @p0 .LBB2_7-.Ltmp4, $4  }
0x85: {  	v7 =	vperm.xlane v8, v2;
	v8 =	vadd.s32 $0xFFFFFFFF, v9;
	vm0 =	vgt.s32 v9, $0x0  }
0x86: {  	vm2 =	vgt.s32 v8, $0x0  }
0x87: {  	(xrf0) =	vadd.scan.msk.s32 $0xffff, v7;
	v7 =	vnsel vm2, $0x0, v8  }
0x88: {  	vm0 =	vmand vm1, vm0;
	v7 =	vadd.s32 s23, v7;
	s23 =	smov.u32 s26  }
0x89: {  	_ =	sdelay $0x1  }
0x8a: {  	s24 =	simm.s32 $0x40  }
0x8b: {  	v11 =	vld [tilespmem:s24+$0x10]  }
0x8c: {  	v13 =	vld [tilespmem:s24+$0x0];
	v8, _, _ =	vpop (xrf0)  }
0x8d: {  	v14 =	vld [tilespmem:s24+$0xFFFFFFE0];
	v8 =	vperm.xlane v8, v2  }
0x8e: {  	v5 =	vsel vm0, $0x1, v5;
	v16 =	vld [tilespmem:s24+$0xFFFFFFC0]  }
0x8f: {  	v4 =	vsel vm0, v7, v4;
	v15 =	vimm.s32 $0x0;
	v6 =	vadd.s32 v6, v8  }
0x90: {  	vm2 =	veq.s32 v5, $0x0;
	v20 =	vadd.s32 v3, v15;
	v8 =	vld [tilespmem:s24+$0x30];
	vm1 =	vgt.s32 v6, $0xC  }
0x91: {  	v9 =	vld [tilespmem:s24+$0x20];
	v17 =	vxor.u32 $0x7FFFFFFF, v11;
	vm4 =	vlt.s32 v13, $0x0;
	v6 =	vmpcnt.ones.xlane vm1  }
0x92: {  	v18 =	vxor.u32 $0x7FFFFFFF, v13;
	vm5 =	vlt.s32 v14, $0x0;
	v19 =	vxor.u32 $0x7FFFFFFF, v14  }
0x93: {  	vm6 =	vlt.s32 v16, $0x0;
	v23 =	vxor.u32 $0x7FFFFFFF, v16;
	v10 =	vadd.s32 $0xFFFFFFFF, v6  }
0x94: {  	v16 =	vsel vm6, v23, v16;
	vm3 =	vgt.s32 v6, $0x0;
	vm1 =	vgt.s32 v10, $0x0  }
0x95: {  	v6 =	vld [tilespmem:s24+$0xFFFFFFF0];
	vm0 =	vmand vm2, vm3;
	v7 =	vxor.u32 $0x7FFFFFFF, v8;
	vm2 =	vlt.s32 v11, $0x0  }
0x96: {  	v5 =	vnsel vm1, $0x0, v10;
	vm1 =	vlt.s32 v8, $0x0;
	v10 =	vxor.u32 $0x7FFFFFFF, v9  }
0x97: {  	v11 =	vsel vm2, v17, v11;
	v5 =	vadd.s32 s23, v5;
	v12 =	vsel vm1, v7, v8  }
0x98: {  	v8 =	vsel vm5, v19, v14;
	v4 =	vsel vm0, v5, v4;
	vm0 =	vlt.s32 v9, $0x0  }
0x99: {  	v14 =	vshra.s32 v12, $0x15;
	v17 =	vshra.s32 v8, $0x15;
	v4 =	vadd.s32 $0xFFFFFC00, v4  }
0x9a: {  	vm3 =	vlt.s32 v6, $0x0;
	v21 =	vxor.u32 $0x7FFFFFFF, v6;
	v10 =	vsel vm0, v10, v9  }
0x9b: {  	v9 =	vsel vm4, v18, v13;
	v7 =	vsel vm3, v21, v6;
	v13 =	vshra.s32 v10, $0x15  }
0x9c: {  	v5 =	vld [tilespmem:s24+$0xFFFFFFD0];
	v19 =	vshra.s32 v9, $0x15;
	v21 =	vshra.s32 v16, $0x15;
	vm11 =	vgt.s32 v17, v4  }
0x9d: {  	vm6 =	veq.s32 v14, v4;
	vm1 =	veq.s32 v17, v4;
	v18 =	vshra.s32 v7, $0x15  }
0x9e: {  	vm8 =	vgt.s32 v19, v4;
	vm10 =	vgt.s32 v13, v4;
	vm13 =	vgt.s32 v21, v4  }
0x9f: {  	vm5 =	veq.s32 v13, v4;
	vm3 =	veq.s32 v19, v4;
	vm15 =	veq.s32 v21, v4  }
0xa0: {  	v21 =	vsel vm11, $0x1, v0;
	vm12 =	vgt.s32 v18, v4;
	vm2 =	veq.s32 v18, v4  }
0xa1: {  	v13 =	vsel vm10, $0x1, v0;
	vm7 =	vlt.s32 v5, $0x0;
	v22 =	vxor.u32 $0x7FFFFFFF, v5  }
0xa2: {  	v18 =	vsel vm8, $0x1, v0;
	v19 =	vsel vm12, $0x1, v0;
	v6 =	vsel vm7, v22, v5  }
0xa3: {  	v5 =	vshra.s32 v11, $0x15;
	vm7 =	vgt.s32 v14, v4;
	v14 =	vsel vm13, $0x1, v0  }
0xa4: {  	v22 =	vshra.s32 v6, $0x15;
	vm9 =	vgt.s32 v5, v4;
	vm4 =	veq.s32 v5, v4  }
0xa5: {  	v5 =	vsel vm7, $0x1, v0;
	v24 =	vadd.s32 v14, v15;
	vm14 =	vgt.s32 v22, v4  }
0xa6: {  	vm0 =	veq.s32 v22, v4;
	v17 =	vsel vm9, $0x1, v0;
	v22 =	vsel vm15, $0x1, v0  }
0xa7: {  	v23 =	vsel vm14, $0x1, v0;
	v14 =	vadd.s32 v22, v15;
	v15 =	vsel vm0, $0x1, v0  }
0xa8: {  	v22 =	vadd.s32 v23, v24;
	v15 =	vadd.s32 v15, v14;
	v23 =	vsel vm1, $0x1, v0  }
0xa9: {  	s23 =	simm.s32 $0x0;
	s24 =	simm.s32 $0xC0;
	[tilespmem:v20+s13+$0x0] =	vst.idx.msk vm15, v16;
	v20 =	vadd.s32 v21, v22;
	v16 =	vadd.s32 v23, v15;
	v21 =	vsel vm2, $0x1, v0  }
.LBB2_9:
0xaa: {  	v22 =	vld [tilespmem:s24+$0x30];
	v19 =	vadd.s32 v19, v20;
	v20 =	vadd.s32 v21, v16;
	v21 =	vsel vm3, $0x1, v0  }
0xab: {  	v23 =	vld [tilespmem:s24+$0x20];
	v18 =	vadd.s32 v18, v19;
	v19 =	vadd.s32 v21, v20;
	v21 =	vsel vm4, $0x1, v0  }
0xac: {  	v24 =	vld [tilespmem:s24+$0x10];
	v17 =	vadd.s32 v17, v18;
	v18 =	vadd.s32 v21, v19;
	v21 =	vsel vm5, $0x1, v0  }
0xad: {  	v25 =	vld [tilespmem:s24+$0x0];
	v13 =	vadd.s32 v13, v17;
	v17 =	vadd.s32 v21, v18;
	v21 =	vsel vm6, $0x1, v0  }
0xae: {  	v26 =	vld [tilespmem:s24+$0xFFFFFFF0];
	v27 =	vadd.s32 v3, v17;
	v28 =	vadd.s32 v5, v13;
	v21 =	vadd.s32 v21, v17  }
0xaf: {  	v18 =	vadd.s32 v3, v18;
	v13 =	vadd.s32 v3, v20;
	v17 =	vadd.s32 v3, v19;
	v5 =	vld [tilespmem:s24+$0xFFFFFFE0]  }
0xb0: {  	v14 =	vadd.s32 v3, v14;
	v15 =	vadd.s32 v3, v15;
	v16 =	vadd.s32 v3, v16;
	v19 =	vld [tilespmem:s24+$0xFFFFFFD0]  }
0xb1: {  	v29 =	vadd.s32 v3, v21;
	v20 =	vld [tilespmem:s24+$0xFFFFFFC0]  }
0xb2: {  	vm8 =	vlt.s32 v22, $0x0;
	v30 =	vxor.u32 $0x7FFFFFFF, v22;
	vm7 =	vlt.s32 v23, $0x0  }
0xb3: {  	v32 =	vxor.u32 $0x7FFFFFFF, v23;
	vm9 =	vlt.s32 v24, $0x0;
	v31 =	vxor.u32 $0x7FFFFFFF, v24;
	[tilespmem:v27+s13+$0x0] =	vst.idx.msk vm6, v12  }
0xb4: {  	vm10 =	vlt.s32 v25, $0x0;
	vm6 =	vlt.s32 v26, $0x0;
	v27 =	vxor.u32 $0x7FFFFFFF, v25;
	[tilespmem:v18+s13+$0x0] =	vst.idx.msk vm5, v10  }
0xb5: {  	v33 =	vxor.u32 $0x7FFFFFFF, v26;
	vm5 =	vlt.s32 v5, $0x0;
	v18 =	vxor.u32 $0x7FFFFFFF, v5;
	[tilespmem:v17+s13+$0x0] =	vst.idx.msk vm4, v11  }
0xb6: {  	s23 =	sadd.s32 $0x8, s23;
	vm11 =	vlt.s32 v19, $0x0;
	v17 =	vxor.u32 $0x7FFFFFFF, v19;
	vm4 =	vlt.s32 v20, $0x0;
	[tilespmem:v13+s13+$0x0] =	vst.idx.msk vm3, v9  }
0xb7: {  	p0 =	slt.u32 s23, $0x3F8;
	v12 =	vsel vm8, v30, v22;
	v10 =	vsel vm7, v32, v23;
	v13 =	vxor.u32 $0x7FFFFFFF, v20;
	[tilespmem:v16+s13+$0x0] =	vst.idx.msk vm2, v7  }
0xb8: {  	v11 =	vsel vm9, v31, v24;
	v9 =	vsel vm10, v27, v25;
	v7 =	vsel vm6, v33, v26  }
0xb9: {  	v5 =	vsel vm5, v18, v5;
	v16 =	vsel vm4, v13, v20;
	v13 =	vsel vm11, v17, v19  }
0xba: {  	v18 =	vshra.s32 v10, $0x15;
	v17 =	vshra.s32 v11, $0x15;
	v19 =	vshra.s32 v12, $0x15;
	[tilespmem:v15+s13+$0x0] =	vst.idx.msk vm1, v8;
	v8 =	vmovc v5  }
0xbb: {  	v20 =	vshra.s32 v9, $0x15;
	v15 =	vshra.s32 v7, $0x15;
	v5 =	vshra.s32 v8, $0x15;
	[tilespmem:v14+s13+$0x0] =	vst.idx.msk vm0, v6;
	v6 =	vmovc v13  }
0xbc: {  	vm7 =	vgt.s32 v19, v4;
	v13 =	vshra.s32 v16, $0x15;
	v14 =	vshra.s32 v6, $0x15  }
0xbd: {  	vm10 =	vgt.s32 v18, v4;
	vm8 =	vgt.s32 v20, v4;
	vm9 =	vgt.s32 v17, v4  }
0xbe: {  	vm6 =	veq.s32 v19, v4;
	vm12 =	vgt.s32 v15, v4;
	vm11 =	vgt.s32 v5, v4  }
0xbf: {  	vm5 =	veq.s32 v18, v4;
	vm13 =	vgt.s32 v13, v4;
	vm14 =	vgt.s32 v14, v4  }
0xc0: {  	vm3 =	veq.s32 v20, v4;
	vm4 =	veq.s32 v17, v4;
	vm2 =	veq.s32 v15, v4  }
0xc1: {  	vm15 =	veq.s32 v13, v4;
	vm1 =	veq.s32 v5, v4;
	vm0 =	veq.s32 v14, v4  }
0xc2: {  	v17 =	vsel vm9, $0x1, v0;
	v13 =	vsel vm10, $0x1, v0;
	v5 =	vsel vm7, $0x1, v0  }
.Ltmp5:
0xc3: {  	v18 =	vsel vm8, $0x1, v0;
	v19 =	vsel vm12, $0x1, v0;
	v20 =	vsel vm11, $0x1, v0;
	(pc) =	sbr.rel @p0 .LBB2_9-.Ltmp5, $4  }
0xc4: {  	v14 =	vsel vm13, $0x1, v0;
	v15 =	vsel vm15, $0x1, v0;
	v22 =	vsel vm14, $0x1, v0  }
0xc5: {  	v23 =	vadd.s32 v14, v28;
	v14 =	vadd.s32 v15, v21;
	v15 =	vsel vm0, $0x1, v0  }
0xc6: {  	v21 =	vadd.s32 v22, v23;
	v15 =	vadd.s32 v15, v14;
	v22 =	vsel vm1, $0x1, v0  }
0xc7: {  	s24 =	sadd.s32 $0x80, s24;
	v20 =	vadd.s32 v20, v21;
	v21 =	vsel vm2, $0x1, v0;
	[tilespmem:v29+s13+$0x0] =	vst.idx.msk vm15, v16;
	v16 =	vadd.s32 v22, v15  }
0xc8: {  	v19 =	vadd.s32 v19, v20  }
0xc9: {  	v53 =	vadd.s32 v21, v16;
	v54 =	vsel vm3, $0x1, v0;
	v18 =	vadd.s32 v18, v19  }
0xca: {  	v56 =	vsel vm4, $0x1, v0;
	v55 =	vadd.s32 v54, v53;
	v17 =	vadd.s32 v17, v18  }
0xcb: {  	v58 =	vsel vm5, $0x1, v0;
	v57 =	vadd.s32 v56, v55;
	v13 =	vadd.s32 v13, v17  }
0xcc: {  	v60 =	vsel vm6, $0x1, v0;
	v59 =	vadd.s32 v58, v57;
	v13 =	vadd.s32 v5, v13  }
0xcd: {  	v5 =	vadd.s32 v60, v59;
	(xrf0) =	vadd.scan.msk.s32 $0xffff, v13  }
0xce: {  	v13 =	vxor.u32 $0x80000000, v5;
	(xrf0) =	vadd.scan.msk.s32 $0xffff, v5  }
0xcf: {  	(xrf0) =	vmax.scan.msk.u32 $0xffff, v13;
	_ =	sdelay $0x3  }
0xd0: {  	v13, _, _ =	vpop (xrf0)  }
0xd1: {  	v61, _, _ =	vpop (xrf0);
	(v2sf) =	vpush v13, $0xF  }
0xd2: {  	(v2sf) =	vpush v61, $0xF;
	v62, _, _ =	vpop (xrf0)  }
0xd3: {  	(v2sf) =	vpush v62, $0xF;
	_ =	sdelay $0xc  }
0xd4: {  	s23 =	spop (v2sf)  }
0xd5: {  	v63 =	vadd.s32 v3, v16;
	s24 =	spop (v2sf)  }
0xd6: {  	v17 =	vadd.s32 v3, v59;
	s25 =	spop (v2sf)  }
0xd7: {  	v15 =	vadd.s32 v3, v15;
	p0 =	sgt.u32 s25, $0x80000020  }
0xd8: {  	v20 =	vadd.s32 v3, v53;
	p1 =	sgt.s32 @!p0 s23, $0x63  }
0xd9: {  	v19 =	vadd.s32 v3, v55;
	s23 =	sadd.s32 s23, s24;
	p1 =	por p0, p1  }
0xda: {  	v18 =	vadd.s32 v3, v57;
	[tilespmem:v63+s13+$0x0] =	vst.idx.msk vm2, v7;
	p2 =	slt.s32 @!p1 s23, $0x64  }
0xdb: {  	[tilespmem:v17+s13+$0x0] =	vst.idx.msk vm6, v12;
	v12 =	vadd.s32 v3, v14;
	p2 =	por p1, p2  }
.Ltmp6:
0xdc: {  	[tilespmem:v15+s13+$0x0] =	vst.idx.msk vm1, v8;
	(pc) =	sbr.rel @p2 .LBB2_11-.Ltmp6, $4  }
0xdd: {  	[tilespmem:v20+s13+$0x0] =	vst.idx.msk vm3, v9  }
0xde: {  	[tilespmem:v19+s13+$0x0] =	vst.idx.msk vm4, v11  }
0xdf: {  	[tilespmem:v18+s13+$0x0] =	vst.idx.msk vm5, v10  }
0xe0: {  	[tilespmem:v12+s13+$0x0] =	vst.idx.msk vm0, v6  }
0xe1: {  	[tilespmem:$0xC080] =	vst v0  }
0xe2: {  	[tilespmem:$0xC090] =	vst v0  }
0xe3: {  	[tilespmem:$0xC0A0] =	vst v0;
	s28 =	simm.s32 $0x0  }
0xe4: {  	[tilespmem:$0xC0B0] =	vst v0;
	v6 =	vadd.s32 s28, v3  }
0xe5: {  	[tilespmem:$0xC0C0] =	vst v0;
	s29 =	simm.s32 $0x3  }
0xe6: {  	[tilespmem:$0xC0D0] =	vst v0;
	v7 =	vadd.s32 s29, v3  }
0xe7: {  	[tilespmem:$0xC0E0] =	vst v0;
	s25 =	simm.s32 $0x2  }
0xe8: {  	[tilespmem:$0xC0F0] =	vst v0;
	s26 =	simm.s32 $0x1;
	v8 =	vadd.s32 s25, v3  }
0xe9: {  	v11 =	vadd.s32 s26, v3;
	v6 =	vld.idx.msk [tilespmem:v6+s13+$0x0], $0xffff;
	_ =	sdelay $0x1  }
0xea: {  	s24 =	simm.s32 $0x4;
	v12 =	vld.idx.msk [tilespmem:v7+s13+$0x0], $0xffff  }
0xeb: {  	v10 =	vadd.s32 s24, v3  }
0xec: {  	s23 =	simm.s32 $0x7;
	v14 =	vmov s28;
	v7 =	vld.idx.msk [tilespmem:v8+s13+$0x0], $0xffff  }
0xed: {  	v9 =	vadd.s32 s23, v3;
	vm0 =	vlt.s32 v14, v5;
	v8 =	vld.idx.msk [tilespmem:v11+s13+$0x0], $0xffff;
	v6 =	vshrl.u32 v6, $0xE  }
0xee: {  	s28 =	simm.s32 $0x6;
	v14 =	vmov s29;
	v6 =	vand.u32 $0x7F, v6  }
0xef: {  	s30 =	simm.s32 $0x5;
	s29 =	simm.s32 $0x8;
	vm1 =	vlt.s32 v14, v5;
	v11 =	vadd.s32 s28, v3;
	v12 =	vshrl.u32 v12, $0xE  }
.LBB2_31:
0xf0: {  	p0 =	slt.u32 s29, $0x1C;
	v14 =	vld.idx.msk [tilespmem:v10+s13+$0x0], $0xffff;
	v15 =	vadd.s32 s30, v3;
	v10 =	vmov s25;
	v12 =	vand.u32 $0x7F, v12;
	s25 =	smov.u32 s28  }
0xf1: {  	v16 =	vmov s26;
	v7 =	vshrl.u32 v7, $0xE;
	s26 =	smov.u32 s30;
	vm2 =	vlt.s32 v10, v5  }
0xf2: {  	vm3 =	vlt.s32 v16, v5;
	v8 =	vshrl.u32 v8, $0xE;
	v16 =	vand.u32 $0x7F, v7;
	v17 =	vld.idx.msk [tilespmem:v9+s13+$0x0], $0xffff  }
0xf3: {  	v18 =	vand.u32 $0x7F, v8;
	[tilespmem:v6+s12+$0x0] =	vst.idx.add.s32.msk vm0, v1  }
.Ltmp7:
0xf4: {  	v10 =	vadd.s32 s29, v3;
	v7 =	vld.idx.msk [tilespmem:v11+s13+$0x0], $0xffff;
	(pc) =	sbr.rel @p0 .LBB2_31-.Ltmp7, $4  }
0xf5: {  	s30 =	sadd.s32 $0x3, s29;
	v6 =	vmov s24;
	s24 =	smov.u32 s29;
	v8 =	vld.idx.msk [tilespmem:v15+s13+$0x0], $0xffff  }
0xf6: {  	v9 =	vadd.s32 s30, v3;
	vm0 =	vlt.s32 v6, v5;
	v6 =	vshrl.u32 v14, $0xE;
	[tilespmem:v12+s12+$0x0] =	vst.idx.add.s32.msk vm1, v1  }
0xf7: {  	s28 =	sadd.s32 $0x2, s29;
	v6 =	vand.u32 $0x7F, v6;
	v12 =	vmov s23;
	s23 =	smov.u32 s30;
	[tilespmem:v16+s12+$0x0] =	vst.idx.add.s32.msk vm2, v1  }
0xf8: {  	s29 =	sadd.s32 $0x4, s29;
	v11 =	vadd.s32 s28, v3;
	s30 =	sadd.s32 $0x1, s24;
	vm1 =	vlt.s32 v12, v5;
	v12 =	vshrl.u32 v17, $0xE;
	[tilespmem:v18+s12+$0x0] =	vst.idx.add.s32.msk vm3, v1  }
0xf9: {  	_ =	sdelay $0x2  }
0xfa: {  	v14 =	vadd.s32 s30, v3  }
0xfb: {  	v10 =	vld.idx.msk [tilespmem:v10+s13+$0x0], $0xffff  }
0xfc: {  	v9 =	vld.idx.msk [tilespmem:v9+s13+$0x0], $0xffff  }
0xfd: {  	v15 =	vmov s25;
	v12 =	vand.u32 $0x7F, v12;
	v16 =	vmov s26;
	v11 =	vld.idx.msk [tilespmem:v11+s13+$0x0], $0xffff  }
0xfe: {  	v7 =	vshrl.u32 v7, $0xE;
	[tilespmem:v6+s12+$0x0] =	vst.idx.add.s32.msk vm0, v1;
	v6 =	vmov s30;
	vm2 =	vlt.s32 v15, v5  }
0xff: {  	vm3 =	vlt.s32 v16, v5;
	v8 =	vshrl.u32 v8, $0xE;
	v15 =	vmov s24;
	v14 =	vld.idx.msk [tilespmem:v14+s13+$0x0], $0xffff  }
0x100: {  	v7 =	vand.u32 $0x7F, v7;
	vm4 =	vlt.s32 v15, v5;
	v15 =	vmov s23  }
0x101: {  	v8 =	vand.u32 $0x7F, v8;
	vm5 =	vlt.s32 v15, v5;
	v10 =	vshrl.u32 v10, $0xE  }
0x102: {  	v15 =	vmov s28;
	v9 =	vshrl.u32 v9, $0xE;
	v10 =	vand.u32 $0x7F, v10  }
0x103: {  	vm0 =	vlt.s32 v15, v5;
	v11 =	vshrl.u32 v11, $0xE;
	v9 =	vand.u32 $0x7F, v9  }
0x104: {  	[tilespmem:v12+s12+$0x0] =	vst.idx.add.s32.msk vm1, v1;
	vm1 =	vlt.s32 v6, v5;
	v11 =	vand.u32 $0x7F, v11;
	v6 =	vshrl.u32 v14, $0xE  }
0x105: {  	[tilespmem:v7+s12+$0x0] =	vst.idx.add.s32.msk vm2, v1;
	v6 =	vand.u32 $0x7F, v6  }
0x106: {  	[tilespmem:v8+s12+$0x0] =	vst.idx.add.s32.msk vm3, v1  }
0x107: {  	[tilespmem:v10+s12+$0x0] =	vst.idx.add.s32.msk vm4, v1  }
0x108: {  	[tilespmem:v9+s12+$0x0] =	vst.idx.add.s32.msk vm5, v1  }
0x109: {  	[tilespmem:v11+s12+$0x0] =	vst.idx.add.s32.msk vm0, v1  }
0x10a: {  	s25 =	simm.s32 $0xC0F0;
	[tilespmem:v6+s12+$0x0] =	vst.idx.add.s32.msk vm1, v1  }
0x10b: {  	v8 =	vld [tilespmem:s25+$0x0];
	_ =	sdelay $0x4  }
0x10c: {  	v6 =	vperm.xlane v8, v2;
	_ =	sdelay $0x1  }
0x10d: {  	s26 =	simm.s32 $0xC0E0;
	(xrf0) =	vadd.scan.msk.s32 $0xffff, v6  }
0x10e: {  	v9 =	vld [tilespmem:s26+$0x0];
	_ =	sdelay $0x4  }
0x10f: {  	v6 =	vperm.xlane v9, v2;
	v7, _, _ =	vpop (xrf0)  }
0x110: {  	v10 =	vsub.s32 $0x64, v13;
	v14 =	vperm.xlane v7, v2  }
0x111: {  	(xrf0) =	vadd.scan.msk.s32 $0xffff, v6;
	v6 =	vbroadcast v10, $0xF;
	v10 =	vimm.s32 $0x0  }
0x112: {  	s30 =	simm.s32 $0xC0D0;
	v11 =	vadd.s32 v10, v14  }
0x113: {  	v7 =	vld [tilespmem:s30+$0x0];
	vm0 =	vge.s32 v11, v6  }
0x114: {  	v11 =	vmpcnt.ones.xlane vm0  }
0x115: {  	v12 =	vperm.xlane v14, v0  }
0x116: {  	vm1 =	veq.s32 v10, $0x0  }
0x117: {  	v12 =	vnsel vm1, $0x0, v12  }
0x118: {  	v17 =	vperm.xlane v7, v2;
	v15 =	vadd.s32 $0xFFFFFFFF, v11;
	vm0 =	vgt.s32 v11, $0x0;
	v11, _, _ =	vpop (xrf0)  }
0x119: {  	vm0 =	vmand vm1, vm0;
	vm1 =	vgt.s32 v15, $0x0;
	v11 =	vperm.xlane v11, v2  }
0x11a: {  	s28 =	simm.s32 $0xC0C0;
	v12 =	vadd.s32 v10, v12;
	v15 =	vnsel vm1, $0x0, v15;
	(xrf0) =	vadd.scan.msk.s32 $0xffff, v17  }
0x11b: {  	v20 =	vperm.xlane v8, v15;
	v8 =	vld [tilespmem:s28+$0x0];
	v16 =	vadd.s32 v12, v11  }
0x11c: {  	s31 =	simm.s32 $0x70;
	v13 =	vsel vm0, $0x1, v10;
	vm0 =	vmmov vm0;
	vm1 =	vge.s32 v16, v6  }
0x11d: {  	s29 =	simm.s32 $0x20;
	s24 =	simm.s32 $0x40;
	v16 =	vperm.xlane v14, v15;
	v14 =	vadd.s32 s31, v15;
	v18 =	vmpcnt.ones.xlane vm1  }
0x11e: {  	s23 =	simm.s32 $0x30;
	s26 =	simm.s32 $0x60;
	s25 =	simm.s32 $0x50;
	v19 =	vperm.xlane v11, v0;
	v17 =	vsub.s32 v10, v20;
	v15 =	vmovc v12;
	v14 =	vsel vm0, v14, v10  }
.LBB2_33:
0x11f: {  	p0 =	sne.s32 s29, $0x0;
	v20 =	vadd.s32 $0xFFFFFFFF, v18;
	vm1 =	vgt.s32 v18, $0x0;
	vm2 =	veq.s32 v13, $0x0  }
0x120: {  	v18 =	vperm.xlane v8, v2;
	v21, _, _ =	vpop (xrf0);
	vm1 =	vmand vm2, vm1;
	v22 =	vnsel vm2, $0x0, v19  }
0x121: {  	v19 =	vmovc v8;
	v21 =	vperm.xlane v21, v2;
	v13 =	vsel vm1, $0x1, v13;
	v12 =	vadd.s32 v12, v22  }
.Ltmp8:
0x122: {  	s28 =	sadd.s32 $0xFFFFFFF0, s28;
	v16 =	vadd.s32 v16, v17;
	vm2 =	vgt.s32 v20, $0x0;
	(xrf0) =	vadd.scan.msk.s32 $0xffff, v18;
	(pc) =	sbr.rel @p0 .LBB2_33-.Ltmp8, $4  }
0x123: {  	v10 =	vsel vm0, v16, v10;
	v20 =	vnsel vm2, $0x0, v20;
	v8 =	vld [tilespmem:s28+$0x0];
	v17 =	vadd.s32 v12, v21  }
0x124: {  	v16 =	vperm.xlane v11, v20;
	v11 =	vmovc v21;
	vm0 =	vge.s32 v17, v6;
	v17 =	vperm.xlane v9, v20  }
0x125: {  	v20 =	vadd.s32 s26, v20;
	v9 =	vmovc v7;
	v7 =	vmovc v19;
	s26 =	smov.u32 s25;
	s25 =	smov.u32 s24;
	s24 =	smov.u32 s23;
	v18 =	vmpcnt.ones.xlane vm0;
	vm0 =	vmmov vm1  }
0x126: {  	v19 =	vperm.xlane v11, v0;
	s23 =	smov.u32 s29;
	s29 =	sadd.s32 $0xFFFFFFF0, s29;
	v14 =	vsel vm0, v20, v14;
	v17 =	vsub.s32 v15, v17;
	v15 =	vmovc v12  }
0x127: {  	vm1 =	vgt.s32 v18, $0x0;
	vm2 =	veq.s32 v13, $0x0;
	v18 =	vadd.s32 $0xFFFFFFFF, v18  }
0x128: {  	s28 =	sadd.s32 $0xFFFFFFF0, s28;
	v16 =	vadd.s32 v16, v17;
	v20 =	vperm.xlane v8, v2;
	v21, _, _ =	vpop (xrf0);
	vm1 =	vmand vm2, vm1  }
0x129: {  	v19 =	vnsel vm2, $0x0, v19;
	v63 =	vld [tilespmem:s28+$0x0];
	vm2 =	vgt.s32 v18, $0x0;
	v21 =	vperm.xlane v21, v2  }
0x12a: {  	v10 =	vsel vm0, v16, v10;
	v12 =	vadd.s32 v12, v19;
	v18 =	vnsel vm2, $0x0, v18;
	(xrf0) =	vadd.scan.msk.s32 $0xffff, v20  }
0x12b: {  	v13 =	vsel vm1, $0x1, v13;
	v9 =	vperm.xlane v9, v18;
	v17 =	vadd.s32 v12, v21  }
0x12c: {  	v11 =	vperm.xlane v11, v18;
	vm0 =	vge.s32 v17, v6;
	v17 =	vadd.s32 s26, v18  }
0x12d: {  	v18 =	vperm.xlane v21, v0;
	v16 =	vmpcnt.ones.xlane vm0;
	vm0 =	vmmov vm1  }
0x12e: {  	v9 =	vsub.s32 v15, v9;
	v14 =	vsel vm0, v17, v14;
	v17 =	vperm.xlane v63, v2  }
0x12f: {  	vm1 =	veq.s32 v13, $0x0;
	v9 =	vadd.s32 v11, v9  }
0x130: {  	v15 =	vadd.s32 $0xFFFFFFFF, v16;
	vm2 =	vgt.s32 v16, $0x0;
	v16 =	vnsel vm1, $0x0, v18;
	v19, _, _ =	vpop (xrf0);
	(xrf0) =	vadd.scan.msk.s32 $0xffff, v17  }
0x131: {  	v9 =	vsel vm0, v9, v10;
	vm1 =	vmand vm1, vm2;
	v16 =	vadd.s32 v12, v16  }
0x132: {  	s28 =	simm.s32 $0x3;
	vm2 =	vgt.s32 v15, $0x0;
	v18 =	vperm.xlane v19, v2;
	v13 =	vsel vm1, $0x1, v13  }
0x133: {  	v15 =	vnsel vm2, $0x0, v15;
	vm0 =	vmmov vm1;
	v19 =	vadd.s32 s28, v3  }
0x134: {  	v7 =	vperm.xlane v7, v15;
	v10 =	vperm.xlane v21, v15;
	v17 =	vadd.s32 v16, v18  }
0x135: {  	v15 =	vadd.s32 s25, v15;
	vm2 =	vge.s32 v17, v6;
	v17 =	vperm.xlane v18, v0  }
0x136: {  	[tilespmem:$0xC080] =	vst v0;
	vm1 =	veq.s32 v13, $0x0;
	v14 =	vsel vm0, v15, v14;
	v7 =	vsub.s32 v12, v7;
	v12, _, _ =	vpop (xrf0)  }
0x137: {  	s31 =	simm.s32 $0x0;
	[tilespmem:$0xC090] =	vst v0;
	v11 =	vmpcnt.ones.xlane vm2;
	v15 =	vnsel vm1, $0x0, v17;
	v12 =	vperm.xlane v12, v2  }
0x138: {  	[tilespmem:$0xC0A0] =	vst v0;
	v7 =	vadd.s32 v10, v7;
	v10 =	vadd.s32 s31, v3;
	v15 =	vadd.s32 v16, v15  }
0x139: {  	[tilespmem:$0xC0B0] =	vst v0;
	vm2 =	vgt.s32 v11, $0x0;
	v11 =	vadd.s32 $0xFFFFFFFF, v11;
	v17 =	vadd.s32 v15, v12  }
0x13a: {  	[tilespmem:$0xC0C0] =	vst v0;
	vm1 =	vmand vm1, vm2;
	vm2 =	vgt.s32 v11, $0x0;
	vm3 =	vge.s32 v17, v6  }
0x13b: {  	[tilespmem:$0xC0D0] =	vst v0;
	v7 =	vsel vm0, v7, v9;
	v11 =	vnsel vm2, $0x0, v11;
	v9 =	vmpcnt.ones.xlane vm3  }
0x13c: {  	[tilespmem:$0xC0E0] =	vst v0;
	v13 =	vsel vm1, $0x1, v13;
	vm0 =	vmmov vm1;
	v8 =	vperm.xlane v8, v11  }
0x13d: {  	s29 =	simm.s32 $0x2;
	[tilespmem:$0xC0F0] =	vst v0;
	v17 =	vperm.xlane v18, v11;
	v11 =	vadd.s32 s24, v11;
	v18 =	vadd.s32 $0xFFFFFFFF, v9  }
0x13e: {  	v10 =	vld.idx.msk [tilespmem:v10+s13+$0x0], $0xffff;
	v11 =	vsel vm0, v11, v14;
	v14 =	vadd.s32 s29, v3;
	vm1 =	vgt.s32 v18, $0x0  }
0x13f: {  	v8 =	vsub.s32 v16, v8;
	v16 =	vld.idx.msk [tilespmem:v19+s13+$0x0], $0xffff;
	vm2 =	vgt.s32 v9, $0x0;
	v9 =	vnsel vm1, $0x0, v18  }
0x140: {  	vm3 =	veq.s32 v13, $0x0;
	v8 =	vadd.s32 v17, v8;
	v13 =	vperm.xlane v63, v9  }
0x141: {  	s24 =	simm.s32 $0x1;
	vm1 =	vmand vm3, vm2;
	v12 =	vperm.xlane v12, v9;
	v9 =	vadd.s32 s23, v9  }
0x142: {  	vm1 =	vmmov vm1;
	v13 =	vsub.s32 v15, v13;
	v15 =	vadd.s32 s24, v3  }
0x143: {  	v8 =	vsel vm0, v8, v7;
	v7 =	vsel vm1, v9, v11;
	v11 =	vshrl.u32 v10, $0xE  }
0x144: {  	s26 =	simm.s32 $0x4;
	v17 =	vld.idx.msk [tilespmem:v14+s13+$0x0], $0xffff;
	v10 =	vshrl.u32 v10, $0x7;
	v14 =	vshrl.u32 v16, $0xE;
	v11 =	vand.u32 $0x7F, v11  }
0x145: {  	s25 =	simm.s32 $0x6;
	s23 =	simm.s32 $0x7;
	v14 =	vand.u32 $0x7F, v14;
	v9 =	vadd.s32 v12, v13;
	v12 =	vadd.s32 s26, v3  }
0x146: {  	v13 =	vadd.s32 s23, v3;
	vm2 =	veq.s32 v14, v7;
	v14 =	vadd.s32 s25, v3  }
0x147: {  	v8 =	vsel vm1, v9, v8;
	v9 =	vmov s31;
	vm1 =	veq.s32 v11, v7;
	v11 =	vld.idx.msk [tilespmem:v15+s13+$0x0], $0xffff  }
0x148: {  	vm0 =	vlt.s32 v9, v5;
	v9 =	vand.u32 $0x7F, v10;
	v10 =	vmov s28  }
0x149: {  	vm0 =	vmand vm0, vm1;
	vm1 =	vlt.s32 v10, v5;
	v15 =	vshrl.u32 v16, $0x7  }
0x14a: {  	v16 =	vshrl.u32 v17, $0xE;
	v10 =	vand.u32 $0x7F, v15;
	v15 =	vmov s29  }
0x14b: {  	vm1 =	vmand vm1, vm2;
	v12 =	vld.idx.msk [tilespmem:v12+s13+$0x0], $0xffff;
	vm2 =	vlt.s32 v15, v5;
	v15 =	vand.u32 $0x7F, v16  }
0x14c: {  	s28 =	simm.s32 $0x8;
	s29 =	simm.s32 $0x5;
	vm3 =	veq.s32 v15, v7;
	v15 =	vshrl.u32 v17, $0x7;
	v16 =	vshrl.u32 v11, $0xE  }
.LBB2_35:
0x14d: {  	p0 =	slt.u32 s28, $0x1C;
	v17 =	vadd.s32 s29, v3;
	v18 =	vld.idx.msk [tilespmem:v13+s13+$0x0], $0xffff;
	v13 =	vmov s24;
	v16 =	vand.u32 $0x7F, v16;
	s24 =	smov.u32 s29  }
0x14e: {  	vm3 =	vmand vm2, vm3;
	vm4 =	vlt.s32 v13, v5;
	vm5 =	veq.s32 v16, v7  }
0x14f: {  	v11 =	vshrl.u32 v11, $0x7;
	v15 =	vand.u32 $0x7F, v15;
	vm2 =	vmand vm4, vm5  }
0x150: {  	v13 =	vmov s26;
	s26 =	smov.u32 s28;
	v16 =	vshrl.u32 v12, $0xE;
	v19 =	vld.idx.msk [tilespmem:v14+s13+$0x0], $0xffff;
	v14 =	vand.u32 $0x7F, v11  }
0x151: {  	v20 =	vadd.s32 s28, v3;
	v12 =	vshrl.u32 v12, $0x7;
	v11 =	vand.u32 $0x7F, v16;
	[tilespmem:v9+s12+$0x0] =	vst.idx.add.s32.msk vm0, v1  }
0x152: {  	vm0 =	vlt.s32 v13, v5;
	vm4 =	veq.s32 v11, v7;
	v9 =	vand.u32 $0x7F, v12;
	v11 =	vld.idx.msk [tilespmem:v17+s13+$0x0], $0xffff  }
0x153: {  	v12 =	vmov s23;
	s23 =	sadd.s32 $0x3, s28;
	vm0 =	vmand vm0, vm4;
	v16 =	vshrl.u32 v18, $0xE;
	[tilespmem:v10+s12+$0x0] =	vst.idx.add.s32.msk vm1, v1  }
.Ltmp9:
0x154: {  	v13 =	vadd.s32 s23, v3;
	v10 =	vand.u32 $0x7F, v16;
	v16 =	vshrl.u32 v18, $0x7;
	[tilespmem:v15+s12+$0x0] =	vst.idx.add.s32.msk vm3, v1;
	(pc) =	sbr.rel @p0 .LBB2_35-.Ltmp9, $4  }
0x155: {  	vm1 =	vlt.s32 v12, v5;
	vm3 =	veq.s32 v10, v7;
	v10 =	vand.u32 $0x7F, v16;
	[tilespmem:v14+s12+$0x0] =	vst.idx.add.s32.msk vm2, v1  }
0x156: {  	v15 =	vmov s25;
	s25 =	sadd.s32 $0x2, s28;
	v16 =	vshrl.u32 v19, $0xE;
	vm1 =	vmand vm1, vm3;
	v12 =	vld.idx.msk [tilespmem:v20+s13+$0x0], $0xffff  }
0x157: {  	v14 =	vadd.s32 s25, v3;
	vm2 =	vlt.s32 v15, v5;
	v15 =	vand.u32 $0x7F, v16  }
0x158: {  	s29 =	sadd.s32 $0x1, s26;
	s28 =	sadd.s32 $0x4, s28;
	v16 =	vshrl.u32 v11, $0xE;
	vm3 =	veq.s32 v15, v7;
	v15 =	vshrl.u32 v19, $0x7  }
0x159: {  	_ =	sdelay $0x2  }
0x15a: {  	v17 =	vadd.s32 s29, v3;
	v18 =	vmov s24  }
0x15b: {  	v16 =	vand.u32 $0x7F, v16;
	v13 =	vld.idx.msk [tilespmem:v13+s13+$0x0], $0xffff;
	vm3 =	vmand vm2, vm3;
	v11 =	vshrl.u32 v11, $0x7  }
0x15c: {  	v15 =	vand.u32 $0x7F, v15;
	v14 =	vld.idx.msk [tilespmem:v14+s13+$0x0], $0xffff;
	vm4 =	vlt.s32 v18, v5;
	vm5 =	veq.s32 v16, v7  }
0x15d: {  	v16 =	vmov s26;
	v11 =	vand.u32 $0x7F, v11;
	v18 =	vshrl.u32 v12, $0xE  }
0x15e: {  	vm2 =	vmand vm4, vm5;
	v12 =	vshrl.u32 v12, $0x7;
	v18 =	vand.u32 $0x7F, v18  }
0x15f: {  	vm11 =	vlt.s32 v16, v5;
	v12 =	vand.u32 $0x7F, v12;
	vm12 =	veq.s32 v18, v7;
	v16 =	vld.idx.msk [tilespmem:v17+s13+$0x0], $0xffff  }
0x160: {  	vm4 =	vmand vm11, vm12;
	v17 =	vmov s23;
	v18 =	vshrl.u32 v13, $0xE  }
0x161: {  	[tilespmem:v9+s12+$0x0] =	vst.idx.add.s32.msk vm0, v1;
	v13 =	vshrl.u32 v13, $0x7;
	v9 =	vshrl.u32 v14, $0x7;
	v18 =	vand.u32 $0x7F, v18  }
0x162: {  	vm13 =	vlt.s32 v17, v5;
	v13 =	vand.u32 $0x7F, v13;
	v17 =	vshrl.u32 v14, $0xE  }
0x163: {  	vm6 =	veq.s32 v18, v7;
	v18 =	vmov s25;
	v17 =	vand.u32 $0x7F, v17  }
0x164: {  	vm5 =	vmand vm13, vm6;
	vm14 =	vlt.s32 v18, v5;
	v18 =	vshrl.u32 v16, $0xE  }
0x165: {  	vm7 =	veq.s32 v17, v7;
	v17 =	vmov s29;
	v18 =	vand.u32 $0x7F, v18  }
0x166: {  	vm6 =	vmand vm14, vm7;
	vm0 =	vlt.s32 v17, v5;
	vm15 =	veq.s32 v18, v7  }
0x167: {  	[tilespmem:v10+s12+$0x0] =	vst.idx.add.s32.msk vm1, v1;
	v9 =	vand.u32 $0x7F, v9;
	v10 =	vshrl.u32 v16, $0x7;
	vm0 =	vmand vm0, vm15  }
0x168: {  	[tilespmem:v15+s12+$0x0] =	vst.idx.add.s32.msk vm3, v1;
	v10 =	vand.u32 $0x7F, v10  }
0x169: {  	[tilespmem:v11+s12+$0x0] =	vst.idx.add.s32.msk vm2, v1  }
0x16a: {  	[tilespmem:v12+s12+$0x0] =	vst.idx.add.s32.msk vm4, v1  }
0x16b: {  	[tilespmem:v13+s12+$0x0] =	vst.idx.add.s32.msk vm5, v1  }
0x16c: {  	[tilespmem:v9+s12+$0x0] =	vst.idx.add.s32.msk vm6, v1  }
0x16d: {  	s25 =	simm.s32 $0xC0F0;
	[tilespmem:v10+s12+$0x0] =	vst.idx.add.s32.msk vm0, v1  }
0x16e: {  	v9 =	vld [tilespmem:s25+$0x0];
	_ =	sdelay $0x4  }
0x16f: {  	v10 =	vperm.xlane v9, v2;
	_ =	sdelay $0x1  }
0x170: {  	s26 =	simm.s32 $0xC0E0;
	(xrf0) =	vadd.scan.msk.s32 $0xffff, v10  }
0x171: {  	v10 =	vld [tilespmem:s26+$0x0];
	_ =	sdelay $0x4  }
0x172: {  	v11 =	vperm.xlane v10, v2;
	v12, _, _ =	vpop (xrf0)  }
0x173: {  	v15 =	vperm.xlane v12, v2  }
0x174: {  	s30 =	simm.s32 $0xC0D0;
	(xrf0) =	vadd.scan.msk.s32 $0xffff, v11;
	v11 =	vimm.s32 $0x0  }
0x175: {  	v6 =	vsub.s32 v6, v8;
	v8 =	vld [tilespmem:s30+$0x0];
	v12 =	vadd.s32 v11, v15  }
0x176: {  	vm0 =	vge.s32 v12, v6  }
0x177: {  	v12 =	vmpcnt.ones.xlane vm0;
	_ =	sdelay $0x1  }
0x178: {  	v13 =	vperm.xlane v15, v0  }
0x179: {  	v18 =	vperm.xlane v8, v2;
	vm1 =	veq.s32 v11, $0x0  }
0x17a: {  	v13 =	vnsel vm1, $0x0, v13;
	v16 =	vadd.s32 $0xFFFFFFFF, v12;
	vm0 =	vgt.s32 v12, $0x0;
	v12, _, _ =	vpop (xrf0)  }
0x17b: {  	vm0 =	vmand vm1, vm0;
	vm1 =	vgt.s32 v16, $0x0;
	v12 =	vperm.xlane v12, v2  }
0x17c: {  	s28 =	simm.s32 $0xC0C0;
	v13 =	vadd.s32 v11, v13;
	v16 =	vnsel vm1, $0x0, v16;
	(xrf0) =	vadd.scan.msk.s32 $0xffff, v18  }
0x17d: {  	v21 =	vperm.xlane v9, v16;
	v9 =	vld [tilespmem:s28+$0x0];
	v17 =	vadd.s32 v13, v12  }
0x17e: {  	s31 =	simm.s32 $0x70;
	v14 =	vsel vm0, $0x1, v11;
	vm0 =	vmmov vm0;
	vm1 =	vge.s32 v17, v6  }
0x17f: {  	s24 =	simm.s32 $0x40;
	s23 =	simm.s32 $0x30;
	v17 =	vperm.xlane v15, v16;
	v15 =	vadd.s32 s31, v16;
	v19 =	vmpcnt.ones.xlane vm1  }
0x180: {  	s29 =	simm.s32 $0x20;
	s25 =	simm.s32 $0x50;
	s26 =	simm.s32 $0x60;
	v20 =	vperm.xlane v12, v0;
	v18 =	vsub.s32 v11, v21;
	v16 =	vmovc v13;
	v15 =	vsel vm0, v15, v11  }
.LBB2_37:
0x181: {  	p0 =	sne.s32 s29, $0x0;
	v21 =	vadd.s32 $0xFFFFFFFF, v19;
	vm1 =	vgt.s32 v19, $0x0;
	vm2 =	veq.s32 v14, $0x0  }
0x182: {  	v19 =	vperm.xlane v9, v2;
	v22, _, _ =	vpop (xrf0);
	vm1 =	vmand vm2, vm1;
	v23 =	vnsel vm2, $0x0, v20  }
0x183: {  	v20 =	vmovc v9;
	v22 =	vperm.xlane v22, v2;
	v14 =	vsel vm1, $0x1, v14;
	v13 =	vadd.s32 v13, v23  }
.Ltmp10:
0x184: {  	s28 =	sadd.s32 $0xFFFFFFF0, s28;
	v17 =	vadd.s32 v17, v18;
	vm2 =	vgt.s32 v21, $0x0;
	(xrf0) =	vadd.scan.msk.s32 $0xffff, v19;
	(pc) =	sbr.rel @p0 .LBB2_37-.Ltmp10, $4  }
0x185: {  	v11 =	vsel vm0, v17, v11;
	v21 =	vnsel vm2, $0x0, v21;
	v9 =	vld [tilespmem:s28+$0x0];
	v18 =	vadd.s32 v13, v22  }
0x186: {  	v17 =	vperm.xlane v12, v21;
	v12 =	vmovc v22;
	vm0 =	vge.s32 v18, v6;
	v18 =	vperm.xlane v10, v21  }
0x187: {  	v21 =	vadd.s32 s26, v21;
	v10 =	vmovc v8;
	v8 =	vmovc v20;
	s26 =	smov.u32 s25;
	s25 =	smov.u32 s24;
	s24 =	smov.u32 s23;
	v19 =	vmpcnt.ones.xlane vm0;
	vm0 =	vmmov vm1  }
0x188: {  	v20 =	vperm.xlane v12, v0;
	s23 =	smov.u32 s29;
	s29 =	sadd.s32 $0xFFFFFFF0, s29;
	v15 =	vsel vm0, v21, v15;
	v18 =	vsub.s32 v16, v18;
	v16 =	vmovc v13  }
0x189: {  	vm1 =	vgt.s32 v19, $0x0;
	vm2 =	veq.s32 v14, $0x0;
	v19 =	vadd.s32 $0xFFFFFFFF, v19  }
0x18a: {  	s28 =	sadd.s32 $0xFFFFFFF0, s28;
	v17 =	vadd.s32 v17, v18;
	v21 =	vperm.xlane v9, v2;
	v22, _, _ =	vpop (xrf0);
	vm1 =	vmand vm2, vm1  }
0x18b: {  	v20 =	vnsel vm2, $0x0, v20;
	v61 =	vld [tilespmem:s28+$0x0];
	vm2 =	vgt.s32 v19, $0x0;
	v22 =	vperm.xlane v22, v2  }
0x18c: {  	v11 =	vsel vm0, v17, v11;
	s28 =	simm.s32 $0x3;
	v14 =	vsel vm1, $0x1, v14;
	v13 =	vadd.s32 v13, v20;
	(xrf0) =	vadd.scan.msk.s32 $0xffff, v21  }
0x18d: {  	v19 =	vnsel vm2, $0x0, v19;
	v63 =	vadd.s32 s28, v3;
	v18 =	vadd.s32 v13, v22  }
0x18e: {  	v10 =	vperm.xlane v10, v19;
	v12 =	vperm.xlane v12, v19;
	vm0 =	vge.s32 v18, v6  }
0x18f: {  	v18 =	vadd.s32 s26, v19;
	v17 =	vmpcnt.ones.xlane vm0;
	vm0 =	vmmov vm1  }
0x190: {  	v10 =	vsub.s32 v16, v10;
	v15 =	vsel vm0, v18, v15;
	v18 =	vperm.xlane v61, v2  }
0x191: {  	v19 =	vperm.xlane v22, v0;
	vm1 =	veq.s32 v14, $0x0;
	v10 =	vadd.s32 v12, v10  }
0x192: {  	v10 =	vsel vm0, v10, v11;
	v16 =	vadd.s32 $0xFFFFFFFF, v17;
	vm2 =	vgt.s32 v17, $0x0;
	v62, _, _ =	vpop (xrf0);
	(xrf0) =	vadd.scan.msk.s32 $0xffff, v18  }
0x193: {  	v17 =	vnsel vm1, $0x0, v19;
	vm1 =	vmand vm1, vm2;
	vm2 =	vgt.s32 v16, $0x0  }
0x194: {  	v17 =	vadd.s32 v13, v17;
	v19 =	vperm.xlane v62, v2;
	v16 =	vnsel vm2, $0x0, v16  }
0x195: {  	v14 =	vsel vm1, $0x1, v14;
	vm0 =	vmmov vm1;
	v8 =	vperm.xlane v8, v16  }
0x196: {  	v11 =	vperm.xlane v22, v16;
	v16 =	vadd.s32 s25, v16;
	v18 =	vadd.s32 v17, v19  }
0x197: {  	vm1 =	veq.s32 v14, $0x0;
	vm2 =	vge.s32 v18, v6;
	v18 =	vperm.xlane v19, v0  }
0x198: {  	v15 =	vsel vm0, v16, v15;
	v8 =	vsub.s32 v13, v8;
	v12 =	vmpcnt.ones.xlane vm2;
	v13, _, _ =	vpop (xrf0)  }
0x199: {  	v8 =	vadd.s32 v11, v8;
	v16 =	vnsel vm1, $0x0, v18;
	v13 =	vperm.xlane v13, v2  }
0x19a: {  	[tilespmem:$0xC080] =	vst v0;
	vm2 =	vgt.s32 v12, $0x0;
	v12 =	vadd.s32 $0xFFFFFFFF, v12;
	v16 =	vadd.s32 v17, v16  }
0x19b: {  	[tilespmem:$0xC090] =	vst v0;
	vm1 =	vmand vm1, vm2;
	vm2 =	vgt.s32 v12, $0x0;
	v18 =	vadd.s32 v16, v13  }
0x19c: {  	s31 =	simm.s32 $0x0;
	[tilespmem:$0xC0A0] =	vst v0;
	v8 =	vsel vm0, v8, v10;
	v11 =	vnsel vm2, $0x0, v12;
	vm2 =	vge.s32 v18, v6  }
0x19d: {  	[tilespmem:$0xC0B0] =	vst v0;
	vm0 =	vmmov vm1;
	v18 =	vadd.s32 s31, v3;
	v10 =	vmpcnt.ones.xlane vm2  }
0x19e: {  	[tilespmem:$0xC0C0] =	vst v0;
	v9 =	vperm.xlane v9, v11;
	v12 =	vperm.xlane v19, v11;
	v11 =	vadd.s32 s24, v11  }
0x19f: {  	[tilespmem:$0xC0D0] =	vst v0;
	v14 =	vsel vm1, $0x1, v14;
	v11 =	vsel vm0, v11, v15;
	v19 =	vadd.s32 $0xFFFFFFFF, v10  }
0x1a0: {  	[tilespmem:$0xC0E0] =	vst v0;
	v9 =	vsub.s32 v17, v9;
	vm2 =	vgt.s32 v10, $0x0;
	vm1 =	vgt.s32 v19, $0x0  }
0x1a1: {  	[tilespmem:$0xC0F0] =	vst v0;
	v9 =	vadd.s32 v12, v9;
	v10 =	vnsel vm1, $0x0, v19;
	vm1 =	veq.s32 v14, $0x0  }
0x1a2: {  	v8 =	vsel vm0, v9, v8;
	vm1 =	vmand vm1, vm2;
	v9 =	vperm.xlane v13, v10;
	v13 =	vld.idx.msk [tilespmem:v18+s13+$0x0], $0xffff  }
0x1a3: {  	s29 =	simm.s32 $0x2;
	v12 =	vperm.xlane v61, v10;
	v10 =	vadd.s32 s23, v10;
	vm0 =	vmmov vm1  }
0x1a4: {  	v7 =	vshll.u32 v7, $0x7;
	s26 =	simm.s32 $0x1;
	v14 =	vadd.s32 s29, v3;
	v10 =	vsel vm0, v10, v11  }
0x1a5: {  	v7 =	vor.u32 v7, v10;
	v10 =	vadd.s32 s26, v3  }
0x1a6: {  	s24 =	simm.s32 $0x4;
	v15 =	vld.idx.msk [tilespmem:v63+s13+$0x0], $0xffff;
	v12 =	vsub.s32 v16, v12  }
0x1a7: {  	v16 =	vadd.s32 s24, v3;
	v9 =	vadd.s32 v9, v12;
	v12 =	vshrl.u32 v13, $0x7  }
0x1a8: {  	v8 =	vsel vm0, v9, v8;
	v9 =	vmov s31;
	v12 =	vand.u32 $0x3FFF, v12  }
0x1a9: {  	s23 =	simm.s32 $0x7;
	v11 =	vld.idx.msk [tilespmem:v14+s13+$0x0], $0xffff;
	vm0 =	vlt.s32 v9, v5;
	vm1 =	veq.s32 v12, v7;
	v12 =	vmov s28  }
0x1aa: {  	v14 =	vadd.s32 s23, v3;
	vm0 =	vmand vm0, vm1;
	vm1 =	vlt.s32 v12, v5;
	v12 =	vld.idx.msk [tilespmem:v10+s13+$0x0], $0xffff  }
0x1ab: {  	v9 =	vand.u32 $0x7F, v13;
	v13 =	vshrl.u32 v15, $0x7  }
0x1ac: {  	s25 =	simm.s32 $0x6;
	v17 =	vmov s29;
	v13 =	vand.u32 $0x3FFF, v13  }
0x1ad: {  	vm2 =	veq.s32 v13, v7;
	v10 =	vand.u32 $0x7F, v15;
	v15 =	vadd.s32 s25, v3  }
0x1ae: {  	s29 =	simm.s32 $0x5;
	v13 =	vld.idx.msk [tilespmem:v16+s13+$0x0], $0xffff;
	s28 =	simm.s32 $0x8;
	vm1 =	vmand vm1, vm2;
	vm2 =	vlt.s32 v17, v5;
	v16 =	vshrl.u32 v11, $0x7  }
.LBB2_39:
0x1af: {  	p0 =	slt.u32 s28, $0x1C;
	v17 =	vadd.s32 s29, v3;
	v18 =	vld.idx.msk [tilespmem:v14+s13+$0x0], $0xffff;
	v14 =	vshrl.u32 v12, $0x7;
	v16 =	vand.u32 $0x3FFF, v16  }
0x1b0: {  	v19 =	vmov s26;
	s26 =	smov.u32 s29;
	v14 =	vand.u32 $0x3FFF, v14;
	vm3 =	veq.s32 v16, v7  }
0x1b1: {  	vm4 =	vlt.s32 v19, v5;
	vm5 =	veq.s32 v14, v7;
	vm3 =	vmand vm2, vm3  }
0x1b2: {  	v16 =	vand.u32 $0x7F, v11;
	vm2 =	vmand vm4, vm5  }
0x1b3: {  	v19 =	vadd.s32 s28, v3;
	v14 =	vmov s24;
	s24 =	smov.u32 s28;
	v11 =	vld.idx.msk [tilespmem:v15+s13+$0x0], $0xffff;
	v15 =	vand.u32 $0x7F, v12  }
0x1b4: {  	s29 =	sadd.s32 $0x3, s28;
	vm4 =	vlt.s32 v14, v5;
	v20 =	vshrl.u32 v13, $0x7;
	v13 =	vand.u32 $0x7F, v13;
	v12 =	vld.idx.msk [tilespmem:v17+s13+$0x0], $0xffff  }
.Ltmp11:
0x1b5: {  	v14 =	vadd.s32 s29, v3;
	v17 =	vand.u32 $0x3FFF, v20;
	v20 =	vshrl.u32 v18, $0x7;
	[tilespmem:v9+s12+$0x0] =	vst.idx.add.s32.msk vm0, v1;
	v9 =	vmovc v13;
	(pc) =	sbr.rel @p0 .LBB2_39-.Ltmp11, $4  }
0x1b6: {  	vm0 =	veq.s32 v17, v7;
	v13 =	vmov s23;
	v17 =	vand.u32 $0x3FFF, v20;
	s23 =	smov.u32 s29;
	[tilespmem:v10+s12+$0x0] =	vst.idx.add.s32.msk vm1, v1  }
0x1b7: {  	vm0 =	vmand vm4, vm0;
	vm1 =	vlt.s32 v13, v5;
	vm4 =	veq.s32 v17, v7;
	[tilespmem:v16+s12+$0x0] =	vst.idx.add.s32.msk vm3, v1  }
0x1b8: {  	v10 =	vand.u32 $0x7F, v18;
	v16 =	vmov s25;
	s25 =	sadd.s32 $0x2, s28;
	vm1 =	vmand vm1, vm4;
	[tilespmem:v15+s12+$0x0] =	vst.idx.add.s32.msk vm2, v1  }
0x1b9: {  	s29 =	sadd.s32 $0x1, s24;
	s28 =	sadd.s32 $0x4, s28;
	v15 =	vadd.s32 s25, v3;
	vm2 =	vlt.s32 v16, v5;
	v16 =	vshrl.u32 v11, $0x7;
	v13 =	vld.idx.msk [tilespmem:v19+s13+$0x0], $0xffff  }
0x1ba: {  	_ =	sdelay $0x2  }
0x1bb: {  	v17 =	vadd.s32 s29, v3  }
0x1bc: {  	v14 =	vld.idx.msk [tilespmem:v14+s13+$0x0], $0xffff;
	v18 =	vshrl.u32 v12, $0x7;
	v16 =	vand.u32 $0x3FFF, v16;
	v19 =	vmov s26  }
0x1bd: {  	v11 =	vand.u32 $0x7F, v11;
	v12 =	vand.u32 $0x7F, v12;
	v18 =	vand.u32 $0x3FFF, v18  }
0x1be: {  	vm3 =	veq.s32 v16, v7;
	vm4 =	vlt.s32 v19, v5;
	v16 =	vmov s24  }
0x1bf: {  	v15 =	vld.idx.msk [tilespmem:v15+s13+$0x0], $0xffff;
	v19 =	vmov s23;
	vm5 =	veq.s32 v18, v7;
	vm3 =	vmand vm2, vm3  }
0x1c0: {  	vm10 =	vlt.s32 v16, v5;
	vm6 =	vlt.s32 v19, v5;
	v16 =	vshrl.u32 v13, $0x7;
	v17 =	vld.idx.msk [tilespmem:v17+s13+$0x0], $0xffff  }
0x1c1: {  	vm2 =	vmand vm4, vm5;
	v18 =	vshrl.u32 v14, $0x7;
	v16 =	vand.u32 $0x3FFF, v16  }
0x1c2: {  	v13 =	vand.u32 $0x7F, v13;
	v18 =	vand.u32 $0x3FFF, v18;
	vm11 =	veq.s32 v16, v7  }
0x1c3: {  	v16 =	vmov s25;
	vm7 =	veq.s32 v18, v7;
	vm4 =	vmand vm10, vm11  }
0x1c4: {  	vm13 =	vlt.s32 v16, v5;
	v16 =	vshrl.u32 v15, $0x7;
	v18 =	vmov s29  }
0x1c5: {  	vm14 =	vlt.s32 v18, v5;
	v16 =	vand.u32 $0x3FFF, v16;
	v5 =	vshrl.u32 v17, $0x7  }
0x1c6: {  	vm12 =	vmand vm6, vm7;
	vm8 =	veq.s32 v16, v7;
	v5 =	vand.u32 $0x3FFF, v5  }
0x1c7: {  	[tilespmem:v9+s12+$0x0] =	vst.idx.add.s32.msk vm0, v1;
	v9 =	vand.u32 $0x7F, v14;
	vm0 =	vmand vm13, vm8;
	vm15 =	veq.s32 v5, v7  }
0x1c8: {  	[tilespmem:v10+s12+$0x0] =	vst.idx.add.s32.msk vm1, v1;
	v5 =	vand.u32 $0x7F, v15;
	vm1 =	vmand vm14, vm15  }
0x1c9: {  	[tilespmem:v11+s12+$0x0] =	vst.idx.add.s32.msk vm3, v1;
	v10 =	vand.u32 $0x7F, v17  }
0x1ca: {  	[tilespmem:v12+s12+$0x0] =	vst.idx.add.s32.msk vm2, v1  }
0x1cb: {  	[tilespmem:v13+s12+$0x0] =	vst.idx.add.s32.msk vm4, v1  }
0x1cc: {  	[tilespmem:v9+s12+$0x0] =	vst.idx.add.s32.msk vm12, v1  }
0x1cd: {  	[tilespmem:v5+s12+$0x0] =	vst.idx.add.s32.msk vm0, v1  }
0x1ce: {  	s25 =	simm.s32 $0xC0F0;
	[tilespmem:v10+s12+$0x0] =	vst.idx.add.s32.msk vm1, v1  }
0x1cf: {  	v13 =	vld [tilespmem:s25+$0x0];
	_ =	sdelay $0x4  }
0x1d0: {  	v5 =	vperm.xlane v13, v2  }
0x1d1: {  	s26 =	simm.s32 $0xC0E0  }
0x1d2: {  	v9 =	vld [tilespmem:s26+$0x0];
	(xrf0) =	vadd.scan.msk.s32 $0xffff, v5;
	_ =	sdelay $0x4  }
0x1d3: {  	v5 =	vperm.xlane v9, v2  }
0x1d4: {  	v10, _, _ =	vpop (xrf0)  }
0x1d5: {  	(xrf0) =	vadd.scan.msk.s32 $0xffff, v5;
	v15 =	vperm.xlane v10, v2  }
0x1d6: {  	s30 =	simm.s32 $0xC0D0;
	v10 =	vimm.s32 $0x0  }
0x1d7: {  	v5 =	vsub.s32 v6, v8;
	v6 =	vld [tilespmem:s30+$0x0];
	v8 =	vadd.s32 v10, v15  }
0x1d8: {  	vm0 =	vge.s32 v8, v5  }
0x1d9: {  	v11 =	vperm.xlane v15, v0;
	v8 =	vmpcnt.ones.xlane vm0  }
0x1da: {  	vm0 =	veq.s32 v10, $0x0  }
0x1db: {  	v12, _, _ =	vpop (xrf0);
	v16 =	vnsel vm0, $0x0, v11;
	v14 =	vadd.s32 $0xFFFFFFFF, v8  }
0x1dc: {  	v11 =	vperm.xlane v12, v2;
	vm1 =	vgt.s32 v8, $0x0;
	v8 =	vperm.xlane v6, v2  }
0x1dd: {  	v12 =	vadd.s32 v10, v16  }
0x1de: {  	s28 =	simm.s32 $0xC0C0;
	vm2 =	vgt.s32 v14, $0x0;
	vm0 =	vmand vm0, vm1;
	v16 =	vadd.s32 v12, v11;
	(xrf0) =	vadd.scan.msk.s32 $0xffff, v8  }
0x1df: {  	v17 =	vnsel vm2, $0x0, v14;
	v14 =	vsel vm0, $0x1, v10;
	vm0 =	vmmov vm0;
	v8 =	vld [tilespmem:s28+$0x0]  }
0x1e0: {  	s31 =	simm.s32 $0x70;
	v21 =	vperm.xlane v11, v0;
	vm1 =	vge.s32 v16, v5;
	v13 =	vperm.xlane v13, v17  }
0x1e1: {  	s24 =	simm.s32 $0x40;
	s23 =	simm.s32 $0x30;
	v16 =	vperm.xlane v15, v17;
	v18 =	vadd.s32 s31, v17;
	v20 =	vmpcnt.ones.xlane vm1  }
0x1e2: {  	s29 =	simm.s32 $0x20;
	s26 =	simm.s32 $0x60;
	s25 =	simm.s32 $0x50;
	v17 =	vimm.s32 $0x0;
	v15 =	vmovc v12;
	v19 =	vsub.s32 v10, v13;
	v13 =	vsel vm0, v13, v10  }
.LBB2_41:
0x1e3: {  	p0 =	sne.s32 s29, $0x0;
	v22 =	vadd.s32 $0xFFFFFFFF, v20;
	vm1 =	vgt.s32 v20, $0x0;
	vm2 =	veq.s32 v14, $0x0  }
0x1e4: {  	v20 =	vperm.xlane v8, v2;
	v23, _, _ =	vpop (xrf0);
	vm1 =	vmand vm2, vm1;
	v24 =	vnsel vm2, $0x0, v21  }
0x1e5: {  	v21 =	vmovc v8;
	v23 =	vperm.xlane v23, v2;
	v14 =	vsel vm1, $0x1, v14;
	v12 =	vadd.s32 v12, v24  }
.Ltmp12:
0x1e6: {  	s28 =	sadd.s32 $0xFFFFFFF0, s28;
	v10 =	vsel vm0, v18, v10;
	v16 =	vadd.s32 v16, v19;
	vm2 =	vgt.s32 v22, $0x0;
	(xrf0) =	vadd.scan.msk.s32 $0xffff, v20;
	(pc) =	sbr.rel @p0 .LBB2_41-.Ltmp12, $4  }
0x1e7: {  	v17 =	vsel vm0, v16, v17;
	v19 =	vnsel vm2, $0x0, v22;
	v8 =	vld [tilespmem:s28+$0x0];
	v18 =	vadd.s32 v12, v23  }
0x1e8: {  	v22 =	vperm.xlane v9, v19;
	v16 =	vperm.xlane v11, v19;
	v11 =	vmovc v23;
	vm0 =	vge.s32 v18, v5  }
0x1e9: {  	v9 =	vmovc v6;
	v6 =	vmovc v21;
	v18 =	vadd.s32 s26, v19;
	s26 =	smov.u32 s25;
	s25 =	smov.u32 s24;
	s24 =	smov.u32 s23;
	v20 =	vmpcnt.ones.xlane vm0;
	vm0 =	vmmov vm1  }
0x1ea: {  	v21 =	vperm.xlane v11, v0;
	v19 =	vsub.s32 v15, v22;
	v15 =	vmovc v12;
	s23 =	smov.u32 s29;
	s29 =	sadd.s32 $0xFFFFFFF0, s29;
	v13 =	vsel vm0, v22, v13  }
0x1eb: {  	v22 =	vadd.s32 $0xFFFFFFFF, v20;
	vm1 =	vgt.s32 v20, $0x0;
	vm2 =	veq.s32 v14, $0x0  }
0x1ec: {  	s28 =	sadd.s32 $0xFFFFFFF0, s28;
	v10 =	vsel vm0, v18, v10;
	v16 =	vadd.s32 v16, v19;
	v38 =	vperm.xlane v8, v2  }
0x1ed: {  	v4 =	vshll.u32 v4, $0x15;
	v7 =	vshll.u32 v7, $0x7;
	vm1 =	vmand vm2, vm1;
	v40 =	vld [tilespmem:s28+$0x0]  }
0x1ee: {  	v23, _, _ =	vpop (xrf0);
	v21 =	vnsel vm2, $0x0, v21;
	vm12 =	vgt.s32 v22, $0x0;
	v16 =	vsel vm0, v16, v17;
	(xrf0) =	vadd.scan.msk.s32 $0xffff, v38  }
0x1ef: {  	v23 =	vperm.xlane v23, v2;
	v39 =	vsel vm1, $0x1, v14;
	v42 =	vnsel vm12, $0x0, v22  }
0x1f0: {  	v12 =	vadd.s32 v12, v21;
	vm14 =	vmmov vm1;
	v9 =	vperm.xlane v9, v42  }
0x1f1: {  	v11 =	vperm.xlane v11, v42;
	v44 =	vadd.s32 s26, v42;
	v41 =	vadd.s32 v12, v23  }
0x1f2: {  	v45 =	vperm.xlane v23, v0;
	vm13 =	vge.s32 v41, v5;
	v46 =	vperm.xlane v40, v2  }
0x1f3: {  	vm4 =	veq.s32 v39, $0x0;
	v10 =	vsel vm14, v44, v10;
	v43 =	vmpcnt.ones.xlane vm13  }
0x1f4: {  	v15 =	vsub.s32 v15, v9;
	v9 =	vsel vm14, v9, v13;
	v19 =	vnsel vm4, $0x0, v45;
	v48, _, _ =	vpop (xrf0);
	(xrf0) =	vadd.scan.msk.s32 $0xffff, v46  }
0x1f5: {  	v11 =	vadd.s32 v11, v15;
	v19 =	vadd.s32 v12, v19;
	v47 =	vadd.s32 $0xFFFFFFFF, v43  }
0x1f6: {  	v11 =	vsel vm14, v11, v16;
	vm15 =	vgt.s32 v43, $0x0;
	vm5 =	vgt.s32 v47, $0x0  }
0x1f7: {  	vm1 =	vmand vm4, vm15;
	v17 =	vperm.xlane v48, v2;
	v13 =	vnsel vm5, $0x0, v47  }
0x1f8: {  	v14 =	vsel vm1, $0x1, v39;
	vm7 =	vmmov vm1;
	v6 =	vperm.xlane v6, v13  }
0x1f9: {  	v50 =	vperm.xlane v23, v13;
	v49 =	vadd.s32 v19, v17;
	v52 =	vperm.xlane v17, v0  }
0x1fa: {  	v13 =	vadd.s32 s25, v13;
	vm8 =	veq.s32 v14, $0x0;
	vm6 =	vge.s32 v49, v5;
	v20, _, _ =	vpop (xrf0)  }
0x1fb: {  	v12 =	vsub.s32 v12, v6;
	v53 =	vnsel vm8, $0x0, v52;
	v54 =	vperm.xlane v20, v2  }
0x1fc: {  	v6 =	vsel vm7, v6, v9;
	v51 =	vmpcnt.ones.xlane vm6;
	v9 =	vadd.s32 v19, v53  }
0x1fd: {  	v10 =	vsel vm7, v13, v10;
	v12 =	vadd.s32 v50, v12;
	v56 =	vadd.s32 v9, v54  }
0x1fe: {  	v55 =	vadd.s32 $0xFFFFFFFF, v51;
	vm9 =	vgt.s32 v51, $0x0;
	vm11 =	vge.s32 v56, v5  }
0x1ff: {  	vm1 =	vmand vm8, vm9;
	vm10 =	vgt.s32 v55, $0x0;
	v57 =	vmpcnt.ones.xlane vm11  }
0x200: {  	v11 =	vsel vm7, v12, v11;
	v14 =	vsel vm1, $0x1, v14;
	v20 =	vnsel vm10, $0x0, v55  }
0x201: {  	vm12 =	vmmov vm1;
	v8 =	vperm.xlane v8, v20;
	v60 =	vadd.s32 $0xFFFFFFFF, v57  }
0x202: {  	v58 =	vperm.xlane v17, v20;
	v59 =	vadd.s32 s24, v20;
	vm13 =	vgt.s32 v60, $0x0  }
0x203: {  	v61 =	vsub.s32 v19, v8;
	v6 =	vsel vm12, v8, v6;
	v8 =	vnsel vm13, $0x0, v60  }
0x204: {  	vm14 =	veq.s32 v14, $0x0;
	v10 =	vsel vm12, v59, v10;
	v62 =	vperm.xlane v40, v8  }
0x205: {  	vm2 =	vgt.s32 v57, $0x0;
	v12 =	vadd.s32 v58, v61;
	v63 =	vperm.xlane v54, v8  }
0x206: {  	vm1 =	vmand vm14, vm2;
	v11 =	vsel vm12, v12, v11;
	v9 =	vsub.s32 v9, v62  }
0x207: {  	vm15 =	vmmov vm1;
	v8 =	vadd.s32 s23, v8;
	v9 =	vadd.s32 v63, v9  }
0x208: {  	v4 =	vor.u32 v4, v7;
	v8 =	vsel vm15, v8, v10;
	v9 =	vsel vm15, v9, v11  }
0x209: {  	v7 =	vsel vm15, v62, v6;
	v4 =	vor.u32 v8, v4;
	v5 =	vsub.s32 v5, v9  }
.LBB2_43:
0x20a: {  	v6 =	vxor.u32 $0x80000000, v5  }
0x20b: {  	(xrf0) =	vmax.scan.msk.u32 $0xffff, v6;
	v6 =	vxor.u32 $0x80000000, v7  }
0x20c: {  	(xrf0) =	vmax.scan.msk.u32 $0xffff, v6;
	_ =	sdelay $0x4  }
0x20d: {  	v6, _, _ =	vpop (xrf0)  }
0x20e: {  	(v2sf) =	vpush v6, $0xF;
	v6, _, _ =	vpop (xrf0)  }
0x20f: {  	(v2sf) =	vpush v6, $0xF;
	_ =	sdelay $0xd  }
0x210: {  	s23 =	spop (v2sf)  }
0x211: {  	s24 =	spop (v2sf)  }
0x212: {  	p0 =	sne.s32 s23, s24  }
.Ltmp13:
0x213: {  	_ = 	snop;
	(pc) =	sbr.rel @p0 .LBB2_47-.Ltmp13, $2  }
0x214: {  	_ =	sdelay $0x2  }
0x215: {  	s23 =	simm.s32 $0x0  }
0x216: {  	s23 =	simm.s32 $0x40  }
0x217: {  	v12 =	vld [tilespmem:s23+$0x30]  }
0x218: {  	v9 =	vld [tilespmem:s23+$0xFFFFFFD0]  }
0x219: {  	v10 =	vld [tilespmem:s23+$0xFFFFFFE0]  }
0x21a: {  	v7 =	vld [tilespmem:s23+$0xFFFFFFF0]  }
0x21b: {  	v6 =	vld [tilespmem:s23+$0x0]  }
0x21c: {  	v5 =	vld [tilespmem:s23+$0x10]  }
0x21d: {  	v8 =	vld [tilespmem:s23+$0x20]  }
0x21e: {  	vm0 =	vlt.s32 v12, $0x0;
	v11 =	vxor.u32 $0x7FFFFFFF, v12  }
0x21f: {  	vm1 =	vlt.s32 v9, $0x0;
	v13 =	vxor.u32 $0x7FFFFFFF, v9;
	vm11 =	vlt.s32 v10, $0x0  }
0x220: {  	v15 =	vxor.u32 $0x7FFFFFFF, v10;
	vm3 =	vlt.s32 v7, $0x0;
	v14 =	vsel vm0, v11, v12;
	v11 =	vld [tilespmem:s23+$0xFFFFFFC0]  }
0x221: {  	vm12 =	vlt.s32 v6, $0x0;
	v16 =	vxor.u32 $0x7FFFFFFF, v6;
	vm13 =	vlt.s32 v5, $0x0  }
0x222: {  	vm14 =	vlt.s32 v8, $0x0;
	v19 =	vxor.u32 $0x7FFFFFFF, v8;
	vm2 =	vlt.s32 v14, v4  }
0x223: {  	v16 =	vsel vm12, v16, v6;
	v14 =	vxor.u32 $0x7FFFFFFF, v7;
	v17 =	vsel vm2, $0x0, v12  }
0x224: {  	v12 =	vsel vm1, v13, v9;
	v13 =	vsel vm11, v15, v10;
	v15 =	vxor.u32 $0x7FFFFFFF, v5  }
0x225: {  	v14 =	vsel vm3, v14, v7;
	vm15 =	vlt.s32 v11, $0x0;
	v18 =	vxor.u32 $0x7FFFFFFF, v11  }
0x226: {  	s24 =	simm.s32 $0x0;
	s25 =	simm.s32 $0xC0;
	[tilespmem:s23+$0x30] =	vst v17;
	v17 =	vsel vm13, v15, v5;
	v15 =	vsel vm14, v19, v8;
	v18 =	vsel vm15, v18, v11  }
.LBB2_45:
0x227: {  	v19 =	vld [tilespmem:s25+$0x30];
	s24 =	sadd.s32 $0x8, s24;
	vm0 =	vlt.s32 v18, v4;
	vm1 =	vlt.s32 v12, v4;
	vm2 =	vlt.s32 v13, v4  }
0x228: {  	vm3 =	vlt.s32 v14, v4;
	vm4 =	vlt.s32 v16, v4;
	vm5 =	vlt.s32 v17, v4;
	v12 =	vld [tilespmem:s25+$0xFFFFFFD0];
	p0 =	slt.u32 s24, $0x3F8  }
0x229: {  	v11 =	vsel vm0, $0x0, v11;
	v9 =	vsel vm1, $0x0, v9;
	vm0 =	vlt.s32 v15, v4;
	v13 =	vld [tilespmem:s25+$0xFFFFFFE0]  }
0x22a: {  	v10 =	vsel vm2, $0x0, v10;
	v14 =	vsel vm4, $0x0, v6;
	[tilespmem:s23+$0xFFFFFFC0] =	vst v11;
	v11 =	vsel vm3, $0x0, v7;
	v7 =	vld [tilespmem:s25+$0xFFFFFFF0]  }
0x22b: {  	v15 =	vsel vm5, $0x0, v5;
	v16 =	vsel vm0, $0x0, v8;
	v6 =	vld [tilespmem:s25+$0x0];
	[tilespmem:s23+$0xFFFFFFD0] =	vst v9  }
0x22c: {  	v5 =	vld [tilespmem:s25+$0x10];
	vm0 =	vlt.s32 v19, $0x0;
	v18 =	vxor.u32 $0x7FFFFFFF, v19;
	[tilespmem:s23+$0xFFFFFFE0] =	vst v10  }
0x22d: {  	vm1 =	vlt.s32 v12, $0x0;
	v17 =	vxor.u32 $0x7FFFFFFF, v12;
	v8 =	vld [tilespmem:s25+$0x20];
	v20 =	vsel vm0, v18, v19;
	[tilespmem:s23+$0xFFFFFFF0] =	vst v11;
	v9 =	vmovc v12  }
0x22e: {  	v11 =	vld [tilespmem:s25+$0xFFFFFFC0];
	vm0 =	vlt.s32 v13, $0x0;
	v18 =	vxor.u32 $0x7FFFFFFF, v13;
	vm2 =	vlt.s32 v20, v4;
	[tilespmem:s23+$0x0] =	vst v14;
	v10 =	vmovc v13  }
0x22f: {  	vm3 =	vlt.s32 v7, $0x0;
	v14 =	vxor.u32 $0x7FFFFFFF, v7;
	v13 =	vsel vm2, $0x0, v19;
	[tilespmem:s23+$0x10] =	vst v15  }
.Ltmp14:
0x230: {  	v12 =	vsel vm1, v17, v9;
	vm1 =	vlt.s32 v6, $0x0;
	v15 =	vxor.u32 $0x7FFFFFFF, v6;
	[tilespmem:s25+$0x30] =	vst v13;
	(pc) =	sbr.rel @p0 .LBB2_45-.Ltmp14, $4  }
0x231: {  	v13 =	vsel vm0, v18, v10;
	vm0 =	vlt.s32 v5, $0x0;
	v17 =	vxor.u32 $0x7FFFFFFF, v5;
	[tilespmem:s23+$0x20] =	vst v16;
	s23 =	smov.u32 s25  }
0x232: {  	v14 =	vsel vm3, v14, v7;
	vm2 =	vlt.s32 v8, $0x0;
	v19 =	vxor.u32 $0x7FFFFFFF, v8  }
0x233: {  	v16 =	vsel vm1, v15, v6;
	vm3 =	vlt.s32 v11, $0x0;
	v18 =	vxor.u32 $0x7FFFFFFF, v11  }
0x234: {  	s25 =	sadd.s32 $0x80, s25;
	v17 =	vsel vm0, v17, v5;
	v15 =	vsel vm2, v19, v8;
	v18 =	vsel vm3, v18, v11  }
0x235: {  	vm0 =	vlt.s32 v18, v4  }
0x236: {  	vm1 =	vlt.s32 v12, v4;
	v11 =	vsel vm0, $0x0, v11  }
0x237: {  	vm11 =	vlt.s32 v13, v4;
	v9 =	vsel vm1, $0x0, v9;
	[tilespmem:s23+$0xFFFFFFC0] =	vst v11  }
0x238: {  	vm12 =	vlt.s32 v14, v4;
	v10 =	vsel vm11, $0x0, v10;
	[tilespmem:s23+$0xFFFFFFD0] =	vst v9  }
.Ltmp15:
0x239: {  	vm13 =	vlt.s32 v16, v4;
	v7 =	vsel vm12, $0x0, v7;
	[tilespmem:s23+$0xFFFFFFE0] =	vst v10;
	(pc) =	sbr.rel .LBB2_50-.Ltmp15, $4  }
0x23a: {  	vm14 =	vlt.s32 v17, v4;
	v6 =	vsel vm13, $0x0, v6;
	[tilespmem:s23+$0xFFFFFFF0] =	vst v7  }
0x23b: {  	vm15 =	vlt.s32 v15, v4;
	v4 =	vsel vm14, $0x0, v5;
	[tilespmem:s23+$0x0] =	vst v6  }
0x23c: {  	v5 =	vsel vm15, $0x0, v8;
	[tilespmem:s23+$0x10] =	vst v4  }
0x23d: {  	[tilespmem:s23+$0x20] =	vst v5  }
.LBB2_47:
0x23e: {  	s26 =	sshra.s32 s23, $0x2  }
0x23f: {  	v6 =	vld [tilespmem:s26+$0x0];
	_ =	sdelay $0x4  }
0x240: {  	vm0 =	vlt.s32 v6, $0x0;
	v7 =	vxor.u32 $0x7FFFFFFF, v6  }
0x241: {  	v7 =	vsel vm0, v7, v6  }
0x242: {  	vm0 =	veq.s32 v7, v4  }
0x243: {  	v8 =	vsel vm0, $0x1, v0  }
0x244: {  	(xrf0) =	vadd.scan.msk.s32 $0xffff, v8;
	_ =	sdelay $0x5  }
0x245: {  	v8, _, _ =	vpop (xrf0)  }
0x246: {  	v9 =	vadd.s32 s23, v8;
	(v2sf) =	vpush v8, $0xF  }
0x247: {  	vm1 =	vle.s32 v9, v5  }
0x248: {  	vm2 =	vgt.s32 v7, v4;
	vm0 =	vmand vm0, vm1  }
0x249: {  	vm0 =	vmor vm2, vm0  }
0x24a: {  	s25 =	sadd.s32 $0x40, s23;
	v6 =	vnsel vm0, $0x0, v6  }
0x24b: {  	s24 =	sshra.s32 s25, $0x2;
	s25 =	sadd.s32 $0x40, s25;
	[tilespmem:s26+$0x0] =	vst v6  }
.LBB2_48:
0x24c: {  	p0 =	sne.s32 s25, $0xFFC0;
	v6 =	vld [tilespmem:s24+$0x0];
	_ =	sdelay $0x4  }
0x24d: {  	vm0 =	vlt.s32 v6, $0x0;
	v7 =	vxor.u32 $0x7FFFFFFF, v6  }
0x24e: {  	v7 =	vsel vm0, v7, v6  }
0x24f: {  	vm0 =	veq.s32 v7, v4;
	vm1 =	vgt.s32 v7, v4  }
0x250: {  	v7 =	vsel vm0, $0x1, v0  }
0x251: {  	(xrf0) =	vadd.scan.msk.s32 $0xffff, v7;
	s26 =	spop (v2sf)  }
0x252: {  	s23 =	sadd.s32 s23, s26;
	_ =	sdelay $0x4  }
0x253: {  	v7, _, _ =	vpop (xrf0)  }
0x254: {  	v8 =	vadd.s32 s23, v7;
	(v2sf) =	vpush v7, $0xF  }
.Ltmp16:
0x255: {  	vm2 =	vle.s32 v8, v5;
	(pc) =	sbr.rel @p0 .LBB2_48-.Ltmp16, $4  }
0x256: {  	vm0 =	vmand vm0, vm2  }
0x257: {  	vm0 =	vmor vm1, vm0  }
0x258: {  	v6 =	vnsel vm0, $0x0, v6  }
0x259: {  	[tilespmem:s24+$0x0] =	vst v6;
	s24 =	sshra.s32 s25, $0x2;
	s25 =	sadd.s32 $0x40, s25  }
0x25a: {  	v6 =	vld [tilespmem:s24+$0x0];
	_ =	sdelay $0x4  }
0x25b: {  	vm0 =	vlt.s32 v6, $0x0;
	v7 =	vxor.u32 $0x7FFFFFFF, v6  }
0x25c: {  	v7 =	vsel vm0, v7, v6  }
0x25d: {  	vm0 =	veq.s32 v7, v4  }
0x25e: {  	v8 =	vsel vm0, $0x1, v0  }
0x25f: {  	(xrf0) =	vadd.scan.msk.s32 $0xffff, v8;
	_ =	sdelay $0x5  }
0x260: {  	v8, _, _ =	vpop (xrf0)  }
0x261: {  	(v2sf) =	vpush v8, $0xF;
	_ =	sdelay $0x7  }
0x262: {  	s25 =	spop (v2sf)  }
0x263: {  	s23 =	sadd.s32 s23, s25  }
0x264: {  	v8 =	vadd.s32 s23, v8  }
0x265: {  	vm1 =	vle.s32 v8, v5  }
0x266: {  	vm2 =	vgt.s32 v7, v4;
	vm0 =	vmand vm0, vm1  }
0x267: {  	vm0 =	vmor vm2, vm0  }
0x268: {  	v4 =	vnsel vm0, $0x0, v6  }
0x269: {  	[tilespmem:s24+$0x0] =	vst v4;
	s31 =	spop (v2sf)  }
.LBB2_50:
0x26a: {  	s22 =	sadd.s32 s3, s22  }
0x26b: {  	s21 =	sadd.s32 s21, s22  }
0x26c: {  	[hbm4b:s21+s8] =	stream.strided.scatter [tilespmem:s4], [sflag:$0x3], $0x4000, s9, s8, $0x38;
	[tilespmem:$0xC880] =	vst v63  }
0x26d: {  	_ =	swait.ge [sflag:s14], $0x4000  }
0x26e: {  	[sflag:s14] =	ssyncset.done $0x0  }
0x26f: {  	s22 =	simm.s32 $0xC0A0;
	[sflag:s14] =	ssyncadd.s32 $0xFFFFC000  }
0x270: {  	[tilespmem:s22+$0xFFFFFFE0] =	vst v0  }
0x271: {  	[tilespmem:s22+$0x10] =	vst v0  }
0x272: {  	s23 =	simm.s32 $0x0;
	s21 =	simm.s32 $0x4200;
	[tilespmem:s22+$0x0] =	vst v0  }
.LBB2_51:
0x273: {  	s23 =	sadd.s32 $0x4, s23  }
0x274: {  	[tilespmem:s22+$0xFFFFFFF0] =	vst v0;
	s22 =	sadd.s32 $0x40, s22;
	p0 =	slt.u32 s23, $0x7C  }
.Ltmp17:
0x275: {  	[tilespmem:s22+$0xFFFFFFE0] =	vst v0;
	(pc) =	sbr.rel @p0 .LBB2_51-.Ltmp17, $3  }
0x276: {  	_ =	sdelay $0x1  }
0x277: {  	[tilespmem:s22+$0x10] =	vst v0  }
0x278: {  	[tilespmem:s22+$0x0] =	vst v0  }
0x279: {  	[tilespmem:s22+$0xFFFFFFF0] =	vst v0  }
0x27a: {  	v6 =	vld [tilespmem:s21+$0x100]  }
0x27b: {  	v4 =	vld [tilespmem:s21+$0x180]  }
0x27c: {  	v5 =	vld [tilespmem:s21+$0x80]  }
0x27d: {  	v10 =	vld [tilespmem:s21+$0x0]  }
0x27e: {  	v7 =	vld [tilespmem:s21+$0xFFFFFE00]  }
0x27f: {  	v8 =	vld [tilespmem:s21+$0xFFFFFF80]  }
0x280: {  	v11 =	vld [tilespmem:s21+$0xFFFFFE80]  }
0x281: {  	v9 =	vld [tilespmem:s21+$0xFFFFFF00]  }
0x282: {  	v12 =	vimm.s32 $0xFFFFFFFF;
	vm1 =	vlt.s32 v6, $0x0;
	vm2 =	vlt.s32 v5, $0x0  }
0x283: {  	vm0 =	vlt.s32 v4, $0x0;
	v13 =	vshra.s32 v7, $0x15;
	vm3 =	vlt.s32 v10, $0x0  }
0x284: {  	vm4 =	vlt.s32 v7, $0x0;
	vm5 =	vlt.s32 v8, $0x0;
	v7 =	vxor.u32 $0x3FF, v13  }
0x285: {  	v61 =	vshra.s32 v11, $0x15;
	vm6 =	vlt.s32 v11, $0x0;
	v7 =	vsel vm4, v7, v13  }
0x286: {  	vm4 =	vlt.s32 v9, $0x0;
	v14 =	vadd.s32 $0x400, v7;
	v7 =	vxor.u32 $0x3FF, v61  }
0x287: {  	v9 =	vshra.s32 v9, $0x15;
	vm7 =	vgt.s32 v12, v14;
	v7 =	vsel vm6, v7, v61  }
0x288: {  	v62 =	vxor.u32 $0x3FF, v9;
	v11 =	vsel vm7, v12, v14;
	v7 =	vadd.s32 $0x400, v7  }
0x289: {  	v63 =	vshra.s32 v8, $0x15;
	v12 =	vsel vm4, v62, v9;
	vm6 =	vgt.s32 v11, v7  }
0x28a: {  	v8 =	vadd.s32 $0x400, v12;
	v9 =	vsel vm6, v11, v7;
	v11 =	vxor.u32 $0x3FF, v63  }
0x28b: {  	s22 =	simm.s32 $0x4600;
	s21 =	simm.s32 $0x0;
	v10 =	vshra.s32 v10, $0x15;
	[tilespmem:v14+s12+$0x0] =	vst.idx.add.s32.msk $0xffff, v1;
	vm4 =	vgt.s32 v9, v8;
	v11 =	vsel vm5, v11, v63  }
.LBB2_53:
0x28c: {  	v12 =	vld [tilespmem:s22+$0x100];
	v9 =	vsel vm4, v9, v8;
	v11 =	vadd.s32 $0x400, v11;
	v13 =	vxor.u32 $0x3FF, v10  }
0x28d: {  	v14 =	vld [tilespmem:s22+$0x180];
	vm4 =	vgt.s32 v9, v11;
	v10 =	vsel vm3, v13, v10;
	v13 =	vshra.s32 v5, $0x15  }
0x28e: {  	v5 =	vld [tilespmem:s22+$0x80];
	v9 =	vsel vm4, v9, v11;
	v10 =	vadd.s32 $0x400, v10;
	v15 =	vxor.u32 $0x3FF, v13  }
0x28f: {  	v20 =	vshra.s32 v6, $0x15;
	v16 =	vld [tilespmem:s22+$0x0];
	vm3 =	vgt.s32 v9, v10;
	v13 =	vsel vm2, v15, v13  }
0x290: {  	v17 =	vxor.u32 $0x3FF, v20;
	v15 =	vld [tilespmem:s22+$0xFFFFFF80];
	v9 =	vsel vm3, v9, v10;
	v13 =	vadd.s32 $0x400, v13  }
0x291: {  	s21 =	sadd.s32 $0x8, s21;
	v19 =	vshra.s32 v4, $0x15;
	v17 =	vsel vm1, v17, v20;
	v18 =	vld [tilespmem:s22+$0xFFFFFE00];
	vm2 =	vgt.s32 v9, v13;
	v6 =	vmovc v12  }
0x292: {  	p0 =	slt.u32 s21, $0x78;
	v20 =	vxor.u32 $0x3FF, v19;
	v17 =	vadd.s32 $0x400, v17;
	v12 =	vld [tilespmem:s22+$0xFFFFFF00];
	v9 =	vsel vm2, v9, v13;
	v4 =	vmovc v14  }
0x293: {  	v19 =	vsel vm0, v20, v19;
	v14 =	vld [tilespmem:s22+$0xFFFFFE80];
	vm2 =	vgt.s32 v9, v17  }
0x294: {  	vm1 =	vlt.s32 v6, $0x0;
	[tilespmem:v7+s12+$0x0] =	vst.idx.add.s32.msk $0xffff, v1;
	v7 =	vsel vm2, v9, v17;
	v9 =	vadd.s32 $0x400, v19  }
0x295: {  	vm0 =	vlt.s32 v4, $0x0;
	vm2 =	vlt.s32 v5, $0x0;
	[tilespmem:v8+s12+$0x0] =	vst.idx.add.s32.msk $0xffff, v1;
	vm4 =	vgt.s32 v7, v9  }
0x296: {  	vm3 =	vlt.s32 v16, $0x0;
	v8 =	vshra.s32 v18, $0x15;
	[tilespmem:v11+s12+$0x0] =	vst.idx.add.s32.msk $0xffff, v1;
	v7 =	vsel vm4, v7, v9  }
0x297: {  	vm5 =	vlt.s32 v15, $0x0;
	vm4 =	vlt.s32 v18, $0x0;
	v11 =	vxor.u32 $0x3FF, v8;
	[tilespmem:v10+s12+$0x0] =	vst.idx.add.s32.msk $0xffff, v1  }
0x298: {  	v8 =	vsel vm4, v11, v8;
	v10 =	vshra.s32 v14, $0x15;
	vm4 =	vlt.s32 v12, $0x0;
	[tilespmem:v13+s12+$0x0] =	vst.idx.add.s32.msk $0xffff, v1  }
0x299: {  	vm6 =	vlt.s32 v14, $0x0;
	v11 =	vadd.s32 $0x400, v8;
	v8 =	vxor.u32 $0x3FF, v10;
	[tilespmem:v17+s12+$0x0] =	vst.idx.add.s32.msk $0xffff, v1  }
.Ltmp18:
0x29a: {  	vm7 =	vgt.s32 v7, v11;
	v8 =	vsel vm6, v8, v10;
	v10 =	vshra.s32 v12, $0x15;
	[tilespmem:v9+s12+$0x0] =	vst.idx.add.s32.msk $0xffff, v1;
	(pc) =	sbr.rel @p0 .LBB2_53-.Ltmp18, $4  }
0x29b: {  	v9 =	vsel vm7, v7, v11;
	v7 =	vadd.s32 $0x400, v8;
	v8 =	vxor.u32 $0x3FF, v10  }
0x29c: {  	vm6 =	vgt.s32 v9, v7;
	v8 =	vsel vm4, v8, v10;
	v10 =	vshra.s32 v15, $0x15  }
0x29d: {  	v9 =	vsel vm6, v9, v7;
	v8 =	vadd.s32 $0x400, v8;
	v12 =	vxor.u32 $0x3FF, v10  }
0x29e: {  	s22 =	sadd.s32 $0x400, s22;
	[tilespmem:v11+s12+$0x0] =	vst.idx.add.s32.msk $0xffff, v1;
	vm4 =	vgt.s32 v9, v8;
	v11 =	vsel vm5, v12, v10;
	v10 =	vshra.s32 v16, $0x15  }
0x29f: {  	v9 =	vsel vm4, v9, v8;
	v11 =	vadd.s32 $0x400, v11;
	v12 =	vxor.u32 $0x3FF, v10  }
0x2a0: {  	v5 =	vshra.s32 v5, $0x15;
	vm4 =	vgt.s32 v9, v11;
	v10 =	vsel vm3, v12, v10  }
0x2a1: {  	v60 =	vxor.u32 $0x3FF, v5;
	v9 =	vsel vm4, v9, v11;
	v10 =	vadd.s32 $0x400, v10  }
0x2a2: {  	v6 =	vshra.s32 v6, $0x15;
	v5 =	vsel vm2, v60, v5;
	vm3 =	vgt.s32 v9, v10  }
0x2a3: {  	v61 =	vxor.u32 $0x3FF, v6;
	v5 =	vadd.s32 $0x400, v5;
	v9 =	vsel vm3, v9, v10  }
0x2a4: {  	v4 =	vshra.s32 v4, $0x15;
	v6 =	vsel vm1, v61, v6;
	vm2 =	vgt.s32 v9, v5  }
0x2a5: {  	v62 =	vxor.u32 $0x3FF, v4;
	v6 =	vadd.s32 $0x400, v6;
	v9 =	vsel vm2, v9, v5  }
0x2a6: {  	v4 =	vsel vm0, v62, v4;
	vm1 =	vgt.s32 v9, v6  }
0x2a7: {  	v4 =	vadd.s32 $0x400, v4;
	v9 =	vsel vm1, v9, v6  }
0x2a8: {  	vm0 =	vgt.s32 v9, v4  }
0x2a9: {  	v9 =	vsel vm0, v9, v4  }
0x2aa: {  	v9 =	vxor.u32 $0x80000000, v9  }
0x2ab: {  	(xrf0) =	vmax.scan.msk.u32 $0xffff, v9;
	_ =	sdelay $0x5  }
0x2ac: {  	v9, _, _ =	vpop (xrf0)  }
0x2ad: {  	(v2sf) =	vpush v9, $0xF;
	_ =	sdelay $0xe  }
0x2ae: {  	s21 =	spop (v2sf)  }
0x2af: {  	s22 =	sxor.u32 $0x80000000, s21  }
0x2b0: {  	p1 =	sgt.s32 s21, $0xFFFFFFFF;
	s21 =	sand.u32 $0xF, s21;
	p0 =	slt.s32 s22, $0x1  }
0x2b1: {  	s23 =	sshra.s32 s22, $0x1F;
	p6 =	sne.s32 s21, $0x0;
	p0 =	por p1, p0  }
0x2b2: {  	s31 =	sshrl.u32 s23, $0x1C;
	p0 =	por !p6, !p0  }
0x2b3: {  	[tilespmem:v7+s12+$0x0] =	vst.idx.add.s32.msk $0xffff, v1;
	s21 =	sadd.s32 s31, s22;
	s22 =	simm.s32 $0x1;
	p0 =	por !p0, !p0  }
0x2b4: {  	[tilespmem:v8+s12+$0x0] =	vst.idx.add.s32.msk $0xffff, v1;
	s21 =	sshra.s32 s21, $0x4;
	s22 =	simm.s32 @!p0 $0x0  }
0x2b5: {  	[tilespmem:v11+s12+$0x0] =	vst.idx.add.s32.msk $0xffff, v1;
	s22 =	ssub.s32 s21, s22  }
0x2b6: {  	[tilespmem:v10+s12+$0x0] =	vst.idx.add.s32.msk $0xffff, v1;
	s21 =	sadd.s32 $0x0, s22  }
0x2b7: {  	[tilespmem:v5+s12+$0x0] =	vst.idx.add.s32.msk $0xffff, v1;
	p0 =	sgt.s32 s21, $0x0  }
0x2b8: {  	[tilespmem:v6+s12+$0x0] =	vst.idx.add.s32.msk $0xffff, v1;
	s21 =	simm.s32 @!p0 $0x0  }
0x2b9: {  	[tilespmem:v4+s12+$0x0] =	vst.idx.add.s32.msk $0xffff, v1;
	s24 =	sshll.u32 s21, $0x4  }
0x2ba: {  	v4 =	vld [tilespmem:s24+$0xC080];
	_ =	sdelay $0x4  }
0x2bb: {  	v4 =	vperm.xlane v4, v2;
	_ =	sdelay $0x1  }
0x2bc: {  	(xrf0) =	vadd.scan.msk.s32 $0xffff, v4;
	_ =	sdelay $0x3  }
0x2bd: {  	s21 =	sadd.s32 $0xFFFFFFFF, s22  }
0x2be: {  	p0 =	sgt.s32 s21, $0x0  }
0x2bf: {  	s21 =	simm.s32 @!p0 $0x0;
	v4, _, _ =	vpop (xrf0)  }
0x2c0: {  	s21 =	sshll.u32 s21, $0x4;
	v5 =	vperm.xlane v4, v2  }
0x2c1: {  	v6 =	vld [tilespmem:s21+$0xC080];
	v4 =	vimm.s32 $0x0  }
0x2c2: {  	v7 =	vadd.s32 v4, v5  }
0x2c3: {  	vm0 =	vgt.s32 v7, $0xC  }
0x2c4: {  	v7 =	vmpcnt.ones.xlane vm0  }
0x2c5: {  	v5 =	vperm.xlane v5, v0  }
0x2c6: {  	v63 =	vperm.xlane v6, v2;
	vm0 =	veq.s32 v4, $0x0;
	v8 =	vadd.s32 $0xFFFFFFFF, v7  }
0x2c7: {  	v5 =	vnsel vm0, $0x0, v5;
	vm1 =	vgt.s32 v8, $0x0  }
0x2c8: {  	(xrf0) =	vadd.scan.msk.s32 $0xffff, v63;
	v6 =	vadd.s32 v4, v5;
	vm2 =	vgt.s32 v7, $0x0;
	v5 =	vnsel vm1, $0x0, v8  }
0x2c9: {  	s23 =	simm.s32 $0xFFFFFFFE;
	vm0 =	vmand vm0, vm2;
	v7 =	vadd.s32 s24, v5;
	v5 =	vimm.s32 $0x0  }
.LBB2_55:
0x2ca: {  	p0 =	sne.s32 s23, $0xFFFFFFFD;
	v4 =	vsel vm0, v7, v4;
	v5 =	vsel vm0, $0x1, v5;
	s24 =	smov.u32 s23;
	s23 =	sadd.s32 $0xFFFFFFFF, s23  }
0x2cb: {  	_ = 	snop  }
0x2cc: {  	s24 =	sadd.s32 s24, s22  }
0x2cd: {  	p1 =	sgt.s32 s24, $0x0  }
0x2ce: {  	s24 =	simm.s32 @!p1 $0x0;
	v7, _, _ =	vpop (xrf0)  }
0x2cf: {  	s24 =	sshll.u32 s24, $0x4;
	v7 =	vperm.xlane v7, v2  }
0x2d0: {  	v8 =	vld [tilespmem:s24+$0xC080]  }
0x2d1: {  	v9 =	vadd.s32 v6, v7;
	v7 =	vperm.xlane v7, v0  }
0x2d2: {  	vm1 =	veq.s32 v5, $0x0;
	vm0 =	vgt.s32 v9, $0xC  }
0x2d3: {  	v9 =	vmpcnt.ones.xlane vm0;
	v7 =	vnsel vm1, $0x0, v7  }
.Ltmp19:
0x2d4: {  	v6 =	vadd.s32 v6, v7;
	(pc) =	sbr.rel @p0 .LBB2_55-.Ltmp19, $4  }
0x2d5: {  	v7 =	vperm.xlane v8, v2;
	v8 =	vadd.s32 $0xFFFFFFFF, v9;
	vm0 =	vgt.s32 v9, $0x0  }
0x2d6: {  	vm2 =	vgt.s32 v8, $0x0  }
0x2d7: {  	(xrf0) =	vadd.scan.msk.s32 $0xffff, v7;
	v7 =	vnsel vm2, $0x0, v8  }
0x2d8: {  	vm0 =	vmand vm1, vm0;
	v7 =	vadd.s32 s21, v7;
	s21 =	smov.u32 s24  }
0x2d9: {  	_ =	sdelay $0x1  }
0x2da: {  	s22 =	simm.s32 $0x4040  }
0x2db: {  	v11 =	vld [tilespmem:s22+$0x10]  }
0x2dc: {  	v13 =	vld [tilespmem:s22+$0x0];
	v8, _, _ =	vpop (xrf0)  }
0x2dd: {  	v14 =	vld [tilespmem:s22+$0xFFFFFFE0];
	v8 =	vperm.xlane v8, v2  }
0x2de: {  	v5 =	vsel vm0, $0x1, v5;
	v16 =	vld [tilespmem:s22+$0xFFFFFFC0]  }
0x2df: {  	v4 =	vsel vm0, v7, v4;
	v15 =	vimm.s32 $0x0;
	v6 =	vadd.s32 v6, v8  }
0x2e0: {  	vm2 =	veq.s32 v5, $0x0;
	v20 =	vadd.s32 v3, v15;
	v8 =	vld [tilespmem:s22+$0x30];
	vm1 =	vgt.s32 v6, $0xC  }
0x2e1: {  	v9 =	vld [tilespmem:s22+$0x20];
	v17 =	vxor.u32 $0x7FFFFFFF, v11;
	vm4 =	vlt.s32 v13, $0x0;
	v6 =	vmpcnt.ones.xlane vm1  }
0x2e2: {  	v18 =	vxor.u32 $0x7FFFFFFF, v13;
	vm5 =	vlt.s32 v14, $0x0;
	v19 =	vxor.u32 $0x7FFFFFFF, v14  }
0x2e3: {  	vm6 =	vlt.s32 v16, $0x0;
	v23 =	vxor.u32 $0x7FFFFFFF, v16;
	v10 =	vadd.s32 $0xFFFFFFFF, v6  }
0x2e4: {  	v16 =	vsel vm6, v23, v16;
	vm3 =	vgt.s32 v6, $0x0;
	vm1 =	vgt.s32 v10, $0x0  }
0x2e5: {  	v6 =	vld [tilespmem:s22+$0xFFFFFFF0];
	vm0 =	vmand vm2, vm3;
	v7 =	vxor.u32 $0x7FFFFFFF, v8;
	vm2 =	vlt.s32 v11, $0x0  }
0x2e6: {  	v5 =	vnsel vm1, $0x0, v10;
	vm1 =	vlt.s32 v8, $0x0;
	v10 =	vxor.u32 $0x7FFFFFFF, v9  }
0x2e7: {  	v11 =	vsel vm2, v17, v11;
	v5 =	vadd.s32 s21, v5;
	v12 =	vsel vm1, v7, v8  }
0x2e8: {  	v8 =	vsel vm5, v19, v14;
	v4 =	vsel vm0, v5, v4;
	vm0 =	vlt.s32 v9, $0x0  }
0x2e9: {  	v14 =	vshra.s32 v12, $0x15;
	v17 =	vshra.s32 v8, $0x15;
	v4 =	vadd.s32 $0xFFFFFC00, v4  }
0x2ea: {  	vm3 =	vlt.s32 v6, $0x0;
	v21 =	vxor.u32 $0x7FFFFFFF, v6;
	v10 =	vsel vm0, v10, v9  }
0x2eb: {  	v9 =	vsel vm4, v18, v13;
	v7 =	vsel vm3, v21, v6;
	v13 =	vshra.s32 v10, $0x15  }
0x2ec: {  	v5 =	vld [tilespmem:s22+$0xFFFFFFD0];
	v19 =	vshra.s32 v9, $0x15;
	v21 =	vshra.s32 v16, $0x15;
	vm11 =	vgt.s32 v17, v4  }
0x2ed: {  	vm6 =	veq.s32 v14, v4;
	vm1 =	veq.s32 v17, v4;
	v18 =	vshra.s32 v7, $0x15  }
0x2ee: {  	vm8 =	vgt.s32 v19, v4;
	vm10 =	vgt.s32 v13, v4;
	vm13 =	vgt.s32 v21, v4  }
0x2ef: {  	vm5 =	veq.s32 v13, v4;
	vm3 =	veq.s32 v19, v4;
	vm15 =	veq.s32 v21, v4  }
0x2f0: {  	v21 =	vsel vm11, $0x1, v0;
	vm12 =	vgt.s32 v18, v4;
	vm2 =	veq.s32 v18, v4  }
0x2f1: {  	v13 =	vsel vm10, $0x1, v0;
	vm7 =	vlt.s32 v5, $0x0;
	v22 =	vxor.u32 $0x7FFFFFFF, v5  }
0x2f2: {  	v18 =	vsel vm8, $0x1, v0;
	v19 =	vsel vm12, $0x1, v0;
	v6 =	vsel vm7, v22, v5  }
0x2f3: {  	v5 =	vshra.s32 v11, $0x15;
	vm7 =	vgt.s32 v14, v4;
	v14 =	vsel vm13, $0x1, v0  }
0x2f4: {  	v22 =	vshra.s32 v6, $0x15;
	vm9 =	vgt.s32 v5, v4;
	vm4 =	veq.s32 v5, v4  }
0x2f5: {  	v5 =	vsel vm7, $0x1, v0;
	v24 =	vadd.s32 v14, v15;
	vm14 =	vgt.s32 v22, v4  }
0x2f6: {  	vm0 =	veq.s32 v22, v4;
	v17 =	vsel vm9, $0x1, v0;
	v22 =	vsel vm15, $0x1, v0  }
0x2f7: {  	v23 =	vsel vm14, $0x1, v0;
	v14 =	vadd.s32 v22, v15;
	v15 =	vsel vm0, $0x1, v0  }
0x2f8: {  	v22 =	vadd.s32 v23, v24;
	v15 =	vadd.s32 v15, v14;
	v23 =	vsel vm1, $0x1, v0  }
0x2f9: {  	s21 =	simm.s32 $0x0;
	s22 =	simm.s32 $0x40C0;
	[tilespmem:v20+s13+$0x0] =	vst.idx.msk vm15, v16;
	v20 =	vadd.s32 v21, v22;
	v16 =	vadd.s32 v23, v15;
	v21 =	vsel vm2, $0x1, v0  }
.LBB2_57:
0x2fa: {  	v22 =	vld [tilespmem:s22+$0x30];
	v19 =	vadd.s32 v19, v20;
	v20 =	vadd.s32 v21, v16;
	v21 =	vsel vm3, $0x1, v0  }
0x2fb: {  	v23 =	vld [tilespmem:s22+$0x20];
	v18 =	vadd.s32 v18, v19;
	v19 =	vadd.s32 v21, v20;
	v21 =	vsel vm4, $0x1, v0  }
0x2fc: {  	v24 =	vld [tilespmem:s22+$0x10];
	v17 =	vadd.s32 v17, v18;
	v18 =	vadd.s32 v21, v19;
	v21 =	vsel vm5, $0x1, v0  }
0x2fd: {  	v25 =	vld [tilespmem:s22+$0x0];
	v13 =	vadd.s32 v13, v17;
	v17 =	vadd.s32 v21, v18;
	v21 =	vsel vm6, $0x1, v0  }
0x2fe: {  	v26 =	vld [tilespmem:s22+$0xFFFFFFF0];
	v27 =	vadd.s32 v3, v17;
	v28 =	vadd.s32 v5, v13;
	v21 =	vadd.s32 v21, v17  }
0x2ff: {  	v18 =	vadd.s32 v3, v18;
	v13 =	vadd.s32 v3, v20;
	v17 =	vadd.s32 v3, v19;
	v5 =	vld [tilespmem:s22+$0xFFFFFFE0]  }
0x300: {  	v14 =	vadd.s32 v3, v14;
	v15 =	vadd.s32 v3, v15;
	v16 =	vadd.s32 v3, v16;
	v19 =	vld [tilespmem:s22+$0xFFFFFFD0]  }
0x301: {  	v29 =	vadd.s32 v3, v21;
	v20 =	vld [tilespmem:s22+$0xFFFFFFC0]  }
0x302: {  	vm8 =	vlt.s32 v22, $0x0;
	v30 =	vxor.u32 $0x7FFFFFFF, v22;
	vm7 =	vlt.s32 v23, $0x0  }
0x303: {  	v32 =	vxor.u32 $0x7FFFFFFF, v23;
	vm9 =	vlt.s32 v24, $0x0;
	v31 =	vxor.u32 $0x7FFFFFFF, v24;
	[tilespmem:v27+s13+$0x0] =	vst.idx.msk vm6, v12  }
0x304: {  	vm10 =	vlt.s32 v25, $0x0;
	vm6 =	vlt.s32 v26, $0x0;
	v27 =	vxor.u32 $0x7FFFFFFF, v25;
	[tilespmem:v18+s13+$0x0] =	vst.idx.msk vm5, v10  }
0x305: {  	v33 =	vxor.u32 $0x7FFFFFFF, v26;
	vm5 =	vlt.s32 v5, $0x0;
	v18 =	vxor.u32 $0x7FFFFFFF, v5;
	[tilespmem:v17+s13+$0x0] =	vst.idx.msk vm4, v11  }
0x306: {  	s21 =	sadd.s32 $0x8, s21;
	vm11 =	vlt.s32 v19, $0x0;
	v17 =	vxor.u32 $0x7FFFFFFF, v19;
	vm4 =	vlt.s32 v20, $0x0;
	[tilespmem:v13+s13+$0x0] =	vst.idx.msk vm3, v9  }
0x307: {  	p0 =	slt.u32 s21, $0x3F8;
	v12 =	vsel vm8, v30, v22;
	v10 =	vsel vm7, v32, v23;
	v13 =	vxor.u32 $0x7FFFFFFF, v20;
	[tilespmem:v16+s13+$0x0] =	vst.idx.msk vm2, v7  }
0x308: {  	v11 =	vsel vm9, v31, v24;
	v9 =	vsel vm10, v27, v25;
	v7 =	vsel vm6, v33, v26  }
0x309: {  	v5 =	vsel vm5, v18, v5;
	v16 =	vsel vm4, v13, v20;
	v13 =	vsel vm11, v17, v19  }
0x30a: {  	v18 =	vshra.s32 v10, $0x15;
	v17 =	vshra.s32 v11, $0x15;
	v19 =	vshra.s32 v12, $0x15;
	[tilespmem:v15+s13+$0x0] =	vst.idx.msk vm1, v8;
	v8 =	vmovc v5  }
0x30b: {  	v20 =	vshra.s32 v9, $0x15;
	v15 =	vshra.s32 v7, $0x15;
	v5 =	vshra.s32 v8, $0x15;
	[tilespmem:v14+s13+$0x0] =	vst.idx.msk vm0, v6;
	v6 =	vmovc v13  }
0x30c: {  	vm7 =	vgt.s32 v19, v4;
	v13 =	vshra.s32 v16, $0x15;
	v14 =	vshra.s32 v6, $0x15  }
0x30d: {  	vm10 =	vgt.s32 v18, v4;
	vm8 =	vgt.s32 v20, v4;
	vm9 =	vgt.s32 v17, v4  }
0x30e: {  	vm6 =	veq.s32 v19, v4;
	vm12 =	vgt.s32 v15, v4;
	vm11 =	vgt.s32 v5, v4  }
0x30f: {  	vm5 =	veq.s32 v18, v4;
	vm13 =	vgt.s32 v13, v4;
	vm14 =	vgt.s32 v14, v4  }
0x310: {  	vm3 =	veq.s32 v20, v4;
	vm4 =	veq.s32 v17, v4;
	vm2 =	veq.s32 v15, v4  }
0x311: {  	vm15 =	veq.s32 v13, v4;
	vm1 =	veq.s32 v5, v4;
	vm0 =	veq.s32 v14, v4  }
0x312: {  	v17 =	vsel vm9, $0x1, v0;
	v13 =	vsel vm10, $0x1, v0;
	v5 =	vsel vm7, $0x1, v0  }
.Ltmp20:
0x313: {  	v18 =	vsel vm8, $0x1, v0;
	v19 =	vsel vm12, $0x1, v0;
	v20 =	vsel vm11, $0x1, v0;
	(pc) =	sbr.rel @p0 .LBB2_57-.Ltmp20, $4  }
0x314: {  	v14 =	vsel vm13, $0x1, v0;
	v15 =	vsel vm15, $0x1, v0;
	v22 =	vsel vm14, $0x1, v0  }
0x315: {  	v23 =	vadd.s32 v14, v28;
	v14 =	vadd.s32 v15, v21;
	v15 =	vsel vm0, $0x1, v0  }
0x316: {  	v21 =	vadd.s32 v22, v23;
	v15 =	vadd.s32 v15, v14;
	v22 =	vsel vm1, $0x1, v0  }
0x317: {  	s22 =	sadd.s32 $0x80, s22;
	v20 =	vadd.s32 v20, v21;
	v21 =	vsel vm2, $0x1, v0;
	[tilespmem:v29+s13+$0x0] =	vst.idx.msk vm15, v16;
	v16 =	vadd.s32 v22, v15  }
0x318: {  	v19 =	vadd.s32 v19, v20  }
0x319: {  	v53 =	vadd.s32 v21, v16;
	v54 =	vsel vm3, $0x1, v0;
	v18 =	vadd.s32 v18, v19  }
0x31a: {  	v56 =	vsel vm4, $0x1, v0;
	v55 =	vadd.s32 v54, v53;
	v17 =	vadd.s32 v17, v18  }
0x31b: {  	v58 =	vsel vm5, $0x1, v0;
	v57 =	vadd.s32 v56, v55;
	v13 =	vadd.s32 v13, v17  }
0x31c: {  	v60 =	vsel vm6, $0x1, v0;
	v59 =	vadd.s32 v58, v57;
	v13 =	vadd.s32 v5, v13  }
0x31d: {  	v5 =	vadd.s32 v60, v59;
	(xrf0) =	vadd.scan.msk.s32 $0xffff, v13  }
0x31e: {  	v13 =	vxor.u32 $0x80000000, v5;
	(xrf0) =	vadd.scan.msk.s32 $0xffff, v5  }
0x31f: {  	(xrf0) =	vmax.scan.msk.u32 $0xffff, v13;
	_ =	sdelay $0x3  }
0x320: {  	v13, _, _ =	vpop (xrf0)  }
0x321: {  	v61, _, _ =	vpop (xrf0);
	(v2sf) =	vpush v13, $0xF  }
0x322: {  	(v2sf) =	vpush v61, $0xF;
	v62, _, _ =	vpop (xrf0)  }
0x323: {  	(v2sf) =	vpush v62, $0xF;
	_ =	sdelay $0xc  }
0x324: {  	s21 =	spop (v2sf)  }
0x325: {  	v63 =	vadd.s32 v3, v16;
	s22 =	spop (v2sf)  }
0x326: {  	v17 =	vadd.s32 v3, v59;
	s23 =	spop (v2sf)  }
0x327: {  	v15 =	vadd.s32 v3, v15;
	p0 =	sgt.u32 s23, $0x80000020  }
0x328: {  	v20 =	vadd.s32 v3, v53;
	p1 =	sgt.s32 @!p0 s21, $0x63  }
0x329: {  	v19 =	vadd.s32 v3, v55;
	s21 =	sadd.s32 s21, s22;
	p1 =	por p0, p1  }
0x32a: {  	v18 =	vadd.s32 v3, v57;
	[tilespmem:v63+s13+$0x0] =	vst.idx.msk vm2, v7;
	p2 =	slt.s32 @!p1 s21, $0x64  }
0x32b: {  	[tilespmem:v17+s13+$0x0] =	vst.idx.msk vm6, v12;
	v12 =	vadd.s32 v3, v14;
	p2 =	por p1, p2  }
.Ltmp21:
0x32c: {  	[tilespmem:v15+s13+$0x0] =	vst.idx.msk vm1, v8;
	(pc) =	sbr.rel @p2 .LBB2_59-.Ltmp21, $4  }
0x32d: {  	[tilespmem:v20+s13+$0x0] =	vst.idx.msk vm3, v9  }
0x32e: {  	[tilespmem:v19+s13+$0x0] =	vst.idx.msk vm4, v11  }
0x32f: {  	[tilespmem:v18+s13+$0x0] =	vst.idx.msk vm5, v10  }
0x330: {  	[tilespmem:v12+s13+$0x0] =	vst.idx.msk vm0, v6  }
0x331: {  	[tilespmem:$0xC080] =	vst v0  }
0x332: {  	[tilespmem:$0xC090] =	vst v0  }
0x333: {  	[tilespmem:$0xC0A0] =	vst v0;
	s25 =	simm.s32 $0x0  }
0x334: {  	[tilespmem:$0xC0B0] =	vst v0;
	v6 =	vadd.s32 s25, v3  }
0x335: {  	[tilespmem:$0xC0C0] =	vst v0;
	s26 =	simm.s32 $0x3  }
0x336: {  	[tilespmem:$0xC0D0] =	vst v0;
	v7 =	vadd.s32 s26, v3  }
0x337: {  	[tilespmem:$0xC0E0] =	vst v0;
	s23 =	simm.s32 $0x2  }
0x338: {  	[tilespmem:$0xC0F0] =	vst v0;
	s24 =	simm.s32 $0x1;
	v8 =	vadd.s32 s23, v3  }
0x339: {  	v11 =	vadd.s32 s24, v3;
	v6 =	vld.idx.msk [tilespmem:v6+s13+$0x0], $0xffff;
	_ =	sdelay $0x1  }
0x33a: {  	s22 =	simm.s32 $0x4;
	v12 =	vld.idx.msk [tilespmem:v7+s13+$0x0], $0xffff  }
0x33b: {  	v10 =	vadd.s32 s22, v3  }
0x33c: {  	s21 =	simm.s32 $0x7;
	v14 =	vmov s25;
	v7 =	vld.idx.msk [tilespmem:v8+s13+$0x0], $0xffff  }
0x33d: {  	v9 =	vadd.s32 s21, v3;
	vm0 =	vlt.s32 v14, v5;
	v8 =	vld.idx.msk [tilespmem:v11+s13+$0x0], $0xffff;
	v6 =	vshrl.u32 v6, $0xE  }
0x33e: {  	s25 =	simm.s32 $0x6;
	v14 =	vmov s26;
	v6 =	vand.u32 $0x7F, v6  }
0x33f: {  	s28 =	simm.s32 $0x5;
	s26 =	simm.s32 $0x8;
	vm1 =	vlt.s32 v14, v5;
	v11 =	vadd.s32 s25, v3;
	v12 =	vshrl.u32 v12, $0xE  }
.LBB2_79:
0x340: {  	p0 =	slt.u32 s26, $0x1C;
	v14 =	vld.idx.msk [tilespmem:v10+s13+$0x0], $0xffff;
	v15 =	vadd.s32 s28, v3;
	v10 =	vmov s23;
	v12 =	vand.u32 $0x7F, v12;
	s23 =	smov.u32 s25  }
0x341: {  	v16 =	vmov s24;
	v7 =	vshrl.u32 v7, $0xE;
	s24 =	smov.u32 s28;
	vm2 =	vlt.s32 v10, v5  }
0x342: {  	vm3 =	vlt.s32 v16, v5;
	v8 =	vshrl.u32 v8, $0xE;
	v16 =	vand.u32 $0x7F, v7;
	v17 =	vld.idx.msk [tilespmem:v9+s13+$0x0], $0xffff  }
0x343: {  	v18 =	vand.u32 $0x7F, v8;
	[tilespmem:v6+s12+$0x0] =	vst.idx.add.s32.msk vm0, v1  }
.Ltmp22:
0x344: {  	v10 =	vadd.s32 s26, v3;
	v7 =	vld.idx.msk [tilespmem:v11+s13+$0x0], $0xffff;
	(pc) =	sbr.rel @p0 .LBB2_79-.Ltmp22, $4  }
0x345: {  	s28 =	sadd.s32 $0x3, s26;
	v6 =	vmov s22;
	s22 =	smov.u32 s26;
	v8 =	vld.idx.msk [tilespmem:v15+s13+$0x0], $0xffff  }
0x346: {  	v9 =	vadd.s32 s28, v3;
	vm0 =	vlt.s32 v6, v5;
	v6 =	vshrl.u32 v14, $0xE;
	[tilespmem:v12+s12+$0x0] =	vst.idx.add.s32.msk vm1, v1  }
0x347: {  	s25 =	sadd.s32 $0x2, s26;
	v6 =	vand.u32 $0x7F, v6;
	v12 =	vmov s21;
	s21 =	smov.u32 s28;
	[tilespmem:v16+s12+$0x0] =	vst.idx.add.s32.msk vm2, v1  }
0x348: {  	s26 =	sadd.s32 $0x4, s26;
	v11 =	vadd.s32 s25, v3;
	s28 =	sadd.s32 $0x1, s22;
	vm1 =	vlt.s32 v12, v5;
	v12 =	vshrl.u32 v17, $0xE;
	[tilespmem:v18+s12+$0x0] =	vst.idx.add.s32.msk vm3, v1  }
0x349: {  	_ =	sdelay $0x2  }
0x34a: {  	v14 =	vadd.s32 s28, v3  }
0x34b: {  	v10 =	vld.idx.msk [tilespmem:v10+s13+$0x0], $0xffff  }
0x34c: {  	v9 =	vld.idx.msk [tilespmem:v9+s13+$0x0], $0xffff  }
0x34d: {  	v15 =	vmov s23;
	v12 =	vand.u32 $0x7F, v12;
	v16 =	vmov s24;
	v11 =	vld.idx.msk [tilespmem:v11+s13+$0x0], $0xffff  }
0x34e: {  	v7 =	vshrl.u32 v7, $0xE;
	[tilespmem:v6+s12+$0x0] =	vst.idx.add.s32.msk vm0, v1;
	v6 =	vmov s28;
	vm2 =	vlt.s32 v15, v5  }
0x34f: {  	vm3 =	vlt.s32 v16, v5;
	v8 =	vshrl.u32 v8, $0xE;
	v15 =	vmov s22;
	v14 =	vld.idx.msk [tilespmem:v14+s13+$0x0], $0xffff  }
0x350: {  	v7 =	vand.u32 $0x7F, v7;
	vm4 =	vlt.s32 v15, v5;
	v15 =	vmov s21  }
0x351: {  	v8 =	vand.u32 $0x7F, v8;
	vm5 =	vlt.s32 v15, v5;
	v10 =	vshrl.u32 v10, $0xE  }
0x352: {  	v15 =	vmov s25;
	v9 =	vshrl.u32 v9, $0xE;
	v10 =	vand.u32 $0x7F, v10  }
0x353: {  	vm0 =	vlt.s32 v15, v5;
	v11 =	vshrl.u32 v11, $0xE;
	v9 =	vand.u32 $0x7F, v9  }
0x354: {  	[tilespmem:v12+s12+$0x0] =	vst.idx.add.s32.msk vm1, v1;
	vm1 =	vlt.s32 v6, v5;
	v11 =	vand.u32 $0x7F, v11;
	v6 =	vshrl.u32 v14, $0xE  }
0x355: {  	[tilespmem:v7+s12+$0x0] =	vst.idx.add.s32.msk vm2, v1;
	v6 =	vand.u32 $0x7F, v6  }
0x356: {  	[tilespmem:v8+s12+$0x0] =	vst.idx.add.s32.msk vm3, v1  }
0x357: {  	[tilespmem:v10+s12+$0x0] =	vst.idx.add.s32.msk vm4, v1  }
0x358: {  	[tilespmem:v9+s12+$0x0] =	vst.idx.add.s32.msk vm5, v1  }
0x359: {  	[tilespmem:v11+s12+$0x0] =	vst.idx.add.s32.msk vm0, v1  }
0x35a: {  	s28 =	simm.s32 $0xC0F0;
	[tilespmem:v6+s12+$0x0] =	vst.idx.add.s32.msk vm1, v1  }
0x35b: {  	v8 =	vld [tilespmem:s28+$0x0];
	_ =	sdelay $0x4  }
0x35c: {  	v6 =	vperm.xlane v8, v2;
	_ =	sdelay $0x1  }
0x35d: {  	s29 =	simm.s32 $0xC0E0;
	(xrf0) =	vadd.scan.msk.s32 $0xffff, v6  }
0x35e: {  	v9 =	vld [tilespmem:s29+$0x0];
	_ =	sdelay $0x4  }
0x35f: {  	v6 =	vperm.xlane v9, v2;
	v7, _, _ =	vpop (xrf0)  }
0x360: {  	v10 =	vsub.s32 $0x64, v13;
	v14 =	vperm.xlane v7, v2  }
0x361: {  	(xrf0) =	vadd.scan.msk.s32 $0xffff, v6;
	v6 =	vbroadcast v10, $0xF;
	v10 =	vimm.s32 $0x0  }
0x362: {  	s30 =	simm.s32 $0xC0D0;
	v11 =	vadd.s32 v10, v14  }
0x363: {  	v7 =	vld [tilespmem:s30+$0x0];
	vm0 =	vge.s32 v11, v6  }
0x364: {  	v11 =	vmpcnt.ones.xlane vm0  }
0x365: {  	v12 =	vperm.xlane v14, v0  }
0x366: {  	vm1 =	veq.s32 v10, $0x0  }
0x367: {  	v12 =	vnsel vm1, $0x0, v12  }
0x368: {  	v17 =	vperm.xlane v7, v2;
	v15 =	vadd.s32 $0xFFFFFFFF, v11;
	vm0 =	vgt.s32 v11, $0x0;
	v11, _, _ =	vpop (xrf0)  }
0x369: {  	vm0 =	vmand vm1, vm0;
	vm1 =	vgt.s32 v15, $0x0;
	v11 =	vperm.xlane v11, v2  }
0x36a: {  	s25 =	simm.s32 $0xC0C0;
	v12 =	vadd.s32 v10, v12;
	v15 =	vnsel vm1, $0x0, v15;
	(xrf0) =	vadd.scan.msk.s32 $0xffff, v17  }
0x36b: {  	v20 =	vperm.xlane v8, v15;
	v8 =	vld [tilespmem:s25+$0x0];
	v16 =	vadd.s32 v12, v11  }
0x36c: {  	s31 =	simm.s32 $0x70;
	v13 =	vsel vm0, $0x1, v10;
	vm0 =	vmmov vm0;
	vm1 =	vge.s32 v16, v6  }
0x36d: {  	s24 =	simm.s32 $0x60;
	s23 =	simm.s32 $0x50;
	v16 =	vperm.xlane v14, v15;
	v14 =	vadd.s32 s31, v15;
	v18 =	vmpcnt.ones.xlane vm1  }
0x36e: {  	s26 =	simm.s32 $0x20;
	s22 =	simm.s32 $0x40;
	s21 =	simm.s32 $0x30;
	v19 =	vperm.xlane v11, v0;
	v17 =	vsub.s32 v10, v20;
	v15 =	vmovc v12;
	v14 =	vsel vm0, v14, v10  }
.LBB2_81:
0x36f: {  	p0 =	sne.s32 s26, $0x0;
	v20 =	vadd.s32 $0xFFFFFFFF, v18;
	vm1 =	vgt.s32 v18, $0x0;
	vm2 =	veq.s32 v13, $0x0  }
0x370: {  	v18 =	vperm.xlane v8, v2;
	v21, _, _ =	vpop (xrf0);
	vm1 =	vmand vm2, vm1;
	v22 =	vnsel vm2, $0x0, v19  }
0x371: {  	v19 =	vmovc v8;
	v21 =	vperm.xlane v21, v2;
	v13 =	vsel vm1, $0x1, v13;
	v12 =	vadd.s32 v12, v22  }
.Ltmp23:
0x372: {  	s25 =	sadd.s32 $0xFFFFFFF0, s25;
	v16 =	vadd.s32 v16, v17;
	vm2 =	vgt.s32 v20, $0x0;
	(xrf0) =	vadd.scan.msk.s32 $0xffff, v18;
	(pc) =	sbr.rel @p0 .LBB2_81-.Ltmp23, $4  }
0x373: {  	v10 =	vsel vm0, v16, v10;
	v20 =	vnsel vm2, $0x0, v20;
	v8 =	vld [tilespmem:s25+$0x0];
	v17 =	vadd.s32 v12, v21  }
0x374: {  	v16 =	vperm.xlane v11, v20;
	v11 =	vmovc v21;
	vm0 =	vge.s32 v17, v6;
	v17 =	vperm.xlane v9, v20  }
0x375: {  	v20 =	vadd.s32 s24, v20;
	v9 =	vmovc v7;
	v7 =	vmovc v19;
	s24 =	smov.u32 s23;
	s23 =	smov.u32 s22;
	s22 =	smov.u32 s21;
	v18 =	vmpcnt.ones.xlane vm0;
	vm0 =	vmmov vm1  }
0x376: {  	v19 =	vperm.xlane v11, v0;
	s21 =	smov.u32 s26;
	s26 =	sadd.s32 $0xFFFFFFF0, s26;
	v14 =	vsel vm0, v20, v14;
	v17 =	vsub.s32 v15, v17;
	v15 =	vmovc v12  }
0x377: {  	vm1 =	vgt.s32 v18, $0x0;
	vm2 =	veq.s32 v13, $0x0;
	v18 =	vadd.s32 $0xFFFFFFFF, v18  }
0x378: {  	s25 =	sadd.s32 $0xFFFFFFF0, s25;
	v16 =	vadd.s32 v16, v17;
	v20 =	vperm.xlane v8, v2;
	v21, _, _ =	vpop (xrf0);
	vm1 =	vmand vm2, vm1  }
0x379: {  	v19 =	vnsel vm2, $0x0, v19;
	v63 =	vld [tilespmem:s25+$0x0];
	vm2 =	vgt.s32 v18, $0x0;
	v21 =	vperm.xlane v21, v2  }
0x37a: {  	v10 =	vsel vm0, v16, v10;
	v12 =	vadd.s32 v12, v19;
	v18 =	vnsel vm2, $0x0, v18;
	(xrf0) =	vadd.scan.msk.s32 $0xffff, v20  }
0x37b: {  	v13 =	vsel vm1, $0x1, v13;
	v9 =	vperm.xlane v9, v18;
	v17 =	vadd.s32 v12, v21  }
0x37c: {  	v11 =	vperm.xlane v11, v18;
	vm0 =	vge.s32 v17, v6;
	v17 =	vadd.s32 s24, v18  }
0x37d: {  	v18 =	vperm.xlane v21, v0;
	v16 =	vmpcnt.ones.xlane vm0;
	vm0 =	vmmov vm1  }
0x37e: {  	v9 =	vsub.s32 v15, v9;
	v14 =	vsel vm0, v17, v14;
	v17 =	vperm.xlane v63, v2  }
0x37f: {  	vm1 =	veq.s32 v13, $0x0;
	v9 =	vadd.s32 v11, v9  }
0x380: {  	v15 =	vadd.s32 $0xFFFFFFFF, v16;
	vm2 =	vgt.s32 v16, $0x0;
	v16 =	vnsel vm1, $0x0, v18;
	v19, _, _ =	vpop (xrf0);
	(xrf0) =	vadd.scan.msk.s32 $0xffff, v17  }
0x381: {  	v9 =	vsel vm0, v9, v10;
	vm1 =	vmand vm1, vm2;
	v16 =	vadd.s32 v12, v16  }
0x382: {  	s31 =	simm.s32 $0x3;
	vm2 =	vgt.s32 v15, $0x0;
	v18 =	vperm.xlane v19, v2;
	v13 =	vsel vm1, $0x1, v13  }
0x383: {  	v15 =	vnsel vm2, $0x0, v15;
	vm0 =	vmmov vm1;
	v19 =	vadd.s32 s31, v3  }
0x384: {  	v7 =	vperm.xlane v7, v15;
	v10 =	vperm.xlane v21, v15;
	v17 =	vadd.s32 v16, v18  }
0x385: {  	v15 =	vadd.s32 s23, v15;
	vm2 =	vge.s32 v17, v6;
	v17 =	vperm.xlane v18, v0  }
0x386: {  	[tilespmem:$0xC080] =	vst v0;
	vm1 =	veq.s32 v13, $0x0;
	v14 =	vsel vm0, v15, v14;
	v7 =	vsub.s32 v12, v7;
	v12, _, _ =	vpop (xrf0)  }
0x387: {  	s30 =	simm.s32 $0x0;
	[tilespmem:$0xC090] =	vst v0;
	v11 =	vmpcnt.ones.xlane vm2;
	v15 =	vnsel vm1, $0x0, v17;
	v12 =	vperm.xlane v12, v2  }
0x388: {  	[tilespmem:$0xC0A0] =	vst v0;
	v7 =	vadd.s32 v10, v7;
	v10 =	vadd.s32 s30, v3;
	v15 =	vadd.s32 v16, v15  }
0x389: {  	[tilespmem:$0xC0B0] =	vst v0;
	vm2 =	vgt.s32 v11, $0x0;
	v11 =	vadd.s32 $0xFFFFFFFF, v11;
	v17 =	vadd.s32 v15, v12  }
0x38a: {  	[tilespmem:$0xC0C0] =	vst v0;
	vm1 =	vmand vm1, vm2;
	vm2 =	vgt.s32 v11, $0x0;
	vm3 =	vge.s32 v17, v6  }
0x38b: {  	[tilespmem:$0xC0D0] =	vst v0;
	v7 =	vsel vm0, v7, v9;
	v11 =	vnsel vm2, $0x0, v11;
	v9 =	vmpcnt.ones.xlane vm3  }
0x38c: {  	[tilespmem:$0xC0E0] =	vst v0;
	v13 =	vsel vm1, $0x1, v13;
	vm0 =	vmmov vm1;
	v8 =	vperm.xlane v8, v11  }
0x38d: {  	s26 =	simm.s32 $0x2;
	[tilespmem:$0xC0F0] =	vst v0;
	v17 =	vperm.xlane v18, v11;
	v11 =	vadd.s32 s22, v11;
	v18 =	vadd.s32 $0xFFFFFFFF, v9  }
0x38e: {  	v10 =	vld.idx.msk [tilespmem:v10+s13+$0x0], $0xffff;
	v11 =	vsel vm0, v11, v14;
	v14 =	vadd.s32 s26, v3;
	vm1 =	vgt.s32 v18, $0x0  }
0x38f: {  	v8 =	vsub.s32 v16, v8;
	v16 =	vld.idx.msk [tilespmem:v19+s13+$0x0], $0xffff;
	vm2 =	vgt.s32 v9, $0x0;
	v9 =	vnsel vm1, $0x0, v18  }
0x390: {  	vm3 =	veq.s32 v13, $0x0;
	v8 =	vadd.s32 v17, v8;
	v13 =	vperm.xlane v63, v9  }
0x391: {  	s22 =	simm.s32 $0x1;
	vm1 =	vmand vm3, vm2;
	v12 =	vperm.xlane v12, v9;
	v9 =	vadd.s32 s21, v9  }
0x392: {  	vm1 =	vmmov vm1;
	v13 =	vsub.s32 v15, v13;
	v15 =	vadd.s32 s22, v3  }
0x393: {  	v8 =	vsel vm0, v8, v7;
	v7 =	vsel vm1, v9, v11;
	v11 =	vshrl.u32 v10, $0xE  }
0x394: {  	s24 =	simm.s32 $0x4;
	v17 =	vld.idx.msk [tilespmem:v14+s13+$0x0], $0xffff;
	v10 =	vshrl.u32 v10, $0x7;
	v14 =	vshrl.u32 v16, $0xE;
	v11 =	vand.u32 $0x7F, v11  }
0x395: {  	s23 =	simm.s32 $0x6;
	s21 =	simm.s32 $0x7;
	v14 =	vand.u32 $0x7F, v14;
	v9 =	vadd.s32 v12, v13;
	v12 =	vadd.s32 s24, v3  }
0x396: {  	v13 =	vadd.s32 s21, v3;
	vm2 =	veq.s32 v14, v7;
	v14 =	vadd.s32 s23, v3  }
0x397: {  	v8 =	vsel vm1, v9, v8;
	v9 =	vmov s30;
	vm1 =	veq.s32 v11, v7;
	v11 =	vld.idx.msk [tilespmem:v15+s13+$0x0], $0xffff  }
0x398: {  	vm0 =	vlt.s32 v9, v5;
	v9 =	vand.u32 $0x7F, v10;
	v10 =	vmov s31  }
0x399: {  	vm0 =	vmand vm0, vm1;
	vm1 =	vlt.s32 v10, v5;
	v15 =	vshrl.u32 v16, $0x7  }
0x39a: {  	v16 =	vshrl.u32 v17, $0xE;
	v10 =	vand.u32 $0x7F, v15;
	v15 =	vmov s26  }
0x39b: {  	vm1 =	vmand vm1, vm2;
	v12 =	vld.idx.msk [tilespmem:v12+s13+$0x0], $0xffff;
	vm2 =	vlt.s32 v15, v5;
	v15 =	vand.u32 $0x7F, v16  }
0x39c: {  	s25 =	simm.s32 $0x8;
	s26 =	simm.s32 $0x5;
	vm3 =	veq.s32 v15, v7;
	v15 =	vshrl.u32 v17, $0x7;
	v16 =	vshrl.u32 v11, $0xE  }
.LBB2_83:
0x39d: {  	p0 =	slt.u32 s25, $0x1C;
	v17 =	vadd.s32 s26, v3;
	v18 =	vld.idx.msk [tilespmem:v13+s13+$0x0], $0xffff;
	v13 =	vmov s22;
	v16 =	vand.u32 $0x7F, v16;
	s22 =	smov.u32 s26  }
0x39e: {  	vm3 =	vmand vm2, vm3;
	vm4 =	vlt.s32 v13, v5;
	vm5 =	veq.s32 v16, v7  }
0x39f: {  	v11 =	vshrl.u32 v11, $0x7;
	v15 =	vand.u32 $0x7F, v15;
	vm2 =	vmand vm4, vm5  }
0x3a0: {  	v13 =	vmov s24;
	s24 =	smov.u32 s25;
	v16 =	vshrl.u32 v12, $0xE;
	v19 =	vld.idx.msk [tilespmem:v14+s13+$0x0], $0xffff;
	v14 =	vand.u32 $0x7F, v11  }
0x3a1: {  	v20 =	vadd.s32 s25, v3;
	v12 =	vshrl.u32 v12, $0x7;
	v11 =	vand.u32 $0x7F, v16;
	[tilespmem:v9+s12+$0x0] =	vst.idx.add.s32.msk vm0, v1  }
0x3a2: {  	vm0 =	vlt.s32 v13, v5;
	vm4 =	veq.s32 v11, v7;
	v9 =	vand.u32 $0x7F, v12;
	v11 =	vld.idx.msk [tilespmem:v17+s13+$0x0], $0xffff  }
0x3a3: {  	v12 =	vmov s21;
	s21 =	sadd.s32 $0x3, s25;
	vm0 =	vmand vm0, vm4;
	v16 =	vshrl.u32 v18, $0xE;
	[tilespmem:v10+s12+$0x0] =	vst.idx.add.s32.msk vm1, v1  }
.Ltmp24:
0x3a4: {  	v13 =	vadd.s32 s21, v3;
	v10 =	vand.u32 $0x7F, v16;
	v16 =	vshrl.u32 v18, $0x7;
	[tilespmem:v15+s12+$0x0] =	vst.idx.add.s32.msk vm3, v1;
	(pc) =	sbr.rel @p0 .LBB2_83-.Ltmp24, $4  }
0x3a5: {  	vm1 =	vlt.s32 v12, v5;
	vm3 =	veq.s32 v10, v7;
	v10 =	vand.u32 $0x7F, v16;
	[tilespmem:v14+s12+$0x0] =	vst.idx.add.s32.msk vm2, v1  }
0x3a6: {  	v15 =	vmov s23;
	s23 =	sadd.s32 $0x2, s25;
	v16 =	vshrl.u32 v19, $0xE;
	vm1 =	vmand vm1, vm3;
	v12 =	vld.idx.msk [tilespmem:v20+s13+$0x0], $0xffff  }
0x3a7: {  	v14 =	vadd.s32 s23, v3;
	vm2 =	vlt.s32 v15, v5;
	v15 =	vand.u32 $0x7F, v16  }
0x3a8: {  	s26 =	sadd.s32 $0x1, s24;
	s25 =	sadd.s32 $0x4, s25;
	v16 =	vshrl.u32 v11, $0xE;
	vm3 =	veq.s32 v15, v7;
	v15 =	vshrl.u32 v19, $0x7  }
0x3a9: {  	_ =	sdelay $0x2  }
0x3aa: {  	v17 =	vadd.s32 s26, v3;
	v18 =	vmov s22  }
0x3ab: {  	v16 =	vand.u32 $0x7F, v16;
	v13 =	vld.idx.msk [tilespmem:v13+s13+$0x0], $0xffff;
	vm3 =	vmand vm2, vm3;
	v11 =	vshrl.u32 v11, $0x7  }
0x3ac: {  	v15 =	vand.u32 $0x7F, v15;
	v14 =	vld.idx.msk [tilespmem:v14+s13+$0x0], $0xffff;
	vm4 =	vlt.s32 v18, v5;
	vm5 =	veq.s32 v16, v7  }
0x3ad: {  	v16 =	vmov s24;
	v11 =	vand.u32 $0x7F, v11;
	v18 =	vshrl.u32 v12, $0xE  }
0x3ae: {  	vm2 =	vmand vm4, vm5;
	v12 =	vshrl.u32 v12, $0x7;
	v18 =	vand.u32 $0x7F, v18  }
0x3af: {  	vm11 =	vlt.s32 v16, v5;
	v12 =	vand.u32 $0x7F, v12;
	vm12 =	veq.s32 v18, v7;
	v16 =	vld.idx.msk [tilespmem:v17+s13+$0x0], $0xffff  }
0x3b0: {  	vm4 =	vmand vm11, vm12;
	v17 =	vmov s21;
	v18 =	vshrl.u32 v13, $0xE  }
0x3b1: {  	[tilespmem:v9+s12+$0x0] =	vst.idx.add.s32.msk vm0, v1;
	v13 =	vshrl.u32 v13, $0x7;
	v9 =	vshrl.u32 v14, $0x7;
	v18 =	vand.u32 $0x7F, v18  }
0x3b2: {  	vm13 =	vlt.s32 v17, v5;
	v13 =	vand.u32 $0x7F, v13;
	v17 =	vshrl.u32 v14, $0xE  }
0x3b3: {  	vm6 =	veq.s32 v18, v7;
	v18 =	vmov s23;
	v17 =	vand.u32 $0x7F, v17  }
0x3b4: {  	vm5 =	vmand vm13, vm6;
	vm14 =	vlt.s32 v18, v5;
	v18 =	vshrl.u32 v16, $0xE  }
0x3b5: {  	vm7 =	veq.s32 v17, v7;
	v17 =	vmov s26;
	v18 =	vand.u32 $0x7F, v18  }
0x3b6: {  	vm6 =	vmand vm14, vm7;
	vm0 =	vlt.s32 v17, v5;
	vm15 =	veq.s32 v18, v7  }
0x3b7: {  	[tilespmem:v10+s12+$0x0] =	vst.idx.add.s32.msk vm1, v1;
	v9 =	vand.u32 $0x7F, v9;
	v10 =	vshrl.u32 v16, $0x7;
	vm0 =	vmand vm0, vm15  }
0x3b8: {  	[tilespmem:v15+s12+$0x0] =	vst.idx.add.s32.msk vm3, v1;
	v10 =	vand.u32 $0x7F, v10  }
0x3b9: {  	[tilespmem:v11+s12+$0x0] =	vst.idx.add.s32.msk vm2, v1  }
0x3ba: {  	[tilespmem:v12+s12+$0x0] =	vst.idx.add.s32.msk vm4, v1  }
0x3bb: {  	[tilespmem:v13+s12+$0x0] =	vst.idx.add.s32.msk vm5, v1  }
0x3bc: {  	[tilespmem:v9+s12+$0x0] =	vst.idx.add.s32.msk vm6, v1  }
0x3bd: {  	s28 =	simm.s32 $0xC0F0;
	[tilespmem:v10+s12+$0x0] =	vst.idx.add.s32.msk vm0, v1  }
0x3be: {  	v9 =	vld [tilespmem:s28+$0x0];
	_ =	sdelay $0x4  }
0x3bf: {  	v10 =	vperm.xlane v9, v2;
	_ =	sdelay $0x1  }
0x3c0: {  	s29 =	simm.s32 $0xC0E0;
	(xrf0) =	vadd.scan.msk.s32 $0xffff, v10  }
0x3c1: {  	v10 =	vld [tilespmem:s29+$0x0];
	_ =	sdelay $0x4  }
0x3c2: {  	v11 =	vperm.xlane v10, v2;
	v12, _, _ =	vpop (xrf0)  }
0x3c3: {  	v15 =	vperm.xlane v12, v2  }
0x3c4: {  	s30 =	simm.s32 $0xC0D0;
	(xrf0) =	vadd.scan.msk.s32 $0xffff, v11;
	v11 =	vimm.s32 $0x0  }
0x3c5: {  	v6 =	vsub.s32 v6, v8;
	v8 =	vld [tilespmem:s30+$0x0];
	v12 =	vadd.s32 v11, v15  }
0x3c6: {  	vm0 =	vge.s32 v12, v6  }
0x3c7: {  	v12 =	vmpcnt.ones.xlane vm0;
	_ =	sdelay $0x1  }
0x3c8: {  	v13 =	vperm.xlane v15, v0  }
0x3c9: {  	v18 =	vperm.xlane v8, v2;
	vm1 =	veq.s32 v11, $0x0  }
0x3ca: {  	v13 =	vnsel vm1, $0x0, v13;
	v16 =	vadd.s32 $0xFFFFFFFF, v12;
	vm0 =	vgt.s32 v12, $0x0;
	v12, _, _ =	vpop (xrf0)  }
0x3cb: {  	vm0 =	vmand vm1, vm0;
	vm1 =	vgt.s32 v16, $0x0;
	v12 =	vperm.xlane v12, v2  }
0x3cc: {  	s25 =	simm.s32 $0xC0C0;
	v13 =	vadd.s32 v11, v13;
	v16 =	vnsel vm1, $0x0, v16;
	(xrf0) =	vadd.scan.msk.s32 $0xffff, v18  }
0x3cd: {  	v21 =	vperm.xlane v9, v16;
	v9 =	vld [tilespmem:s25+$0x0];
	v17 =	vadd.s32 v13, v12  }
0x3ce: {  	s31 =	simm.s32 $0x70;
	v14 =	vsel vm0, $0x1, v11;
	vm0 =	vmmov vm0;
	vm1 =	vge.s32 v17, v6  }
0x3cf: {  	s22 =	simm.s32 $0x40;
	s24 =	simm.s32 $0x60;
	v17 =	vperm.xlane v15, v16;
	v15 =	vadd.s32 s31, v16;
	v19 =	vmpcnt.ones.xlane vm1  }
0x3d0: {  	s21 =	simm.s32 $0x30;
	s23 =	simm.s32 $0x50;
	s26 =	simm.s32 $0x20;
	v20 =	vperm.xlane v12, v0;
	v18 =	vsub.s32 v11, v21;
	v16 =	vmovc v13;
	v15 =	vsel vm0, v15, v11  }
.LBB2_85:
0x3d1: {  	p0 =	sne.s32 s26, $0x0;
	v21 =	vadd.s32 $0xFFFFFFFF, v19;
	vm1 =	vgt.s32 v19, $0x0;
	vm2 =	veq.s32 v14, $0x0  }
0x3d2: {  	v19 =	vperm.xlane v9, v2;
	v22, _, _ =	vpop (xrf0);
	vm1 =	vmand vm2, vm1;
	v23 =	vnsel vm2, $0x0, v20  }
0x3d3: {  	v20 =	vmovc v9;
	v22 =	vperm.xlane v22, v2;
	v14 =	vsel vm1, $0x1, v14;
	v13 =	vadd.s32 v13, v23  }
.Ltmp25:
0x3d4: {  	s25 =	sadd.s32 $0xFFFFFFF0, s25;
	v17 =	vadd.s32 v17, v18;
	vm2 =	vgt.s32 v21, $0x0;
	(xrf0) =	vadd.scan.msk.s32 $0xffff, v19;
	(pc) =	sbr.rel @p0 .LBB2_85-.Ltmp25, $4  }
0x3d5: {  	v11 =	vsel vm0, v17, v11;
	v21 =	vnsel vm2, $0x0, v21;
	v9 =	vld [tilespmem:s25+$0x0];
	v18 =	vadd.s32 v13, v22  }
0x3d6: {  	v17 =	vperm.xlane v12, v21;
	v12 =	vmovc v22;
	vm0 =	vge.s32 v18, v6;
	v18 =	vperm.xlane v10, v21  }
0x3d7: {  	v21 =	vadd.s32 s24, v21;
	v10 =	vmovc v8;
	v8 =	vmovc v20;
	s24 =	smov.u32 s23;
	s23 =	smov.u32 s22;
	s22 =	smov.u32 s21;
	v19 =	vmpcnt.ones.xlane vm0;
	vm0 =	vmmov vm1  }
0x3d8: {  	v20 =	vperm.xlane v12, v0;
	s21 =	smov.u32 s26;
	s26 =	sadd.s32 $0xFFFFFFF0, s26;
	v15 =	vsel vm0, v21, v15;
	v18 =	vsub.s32 v16, v18;
	v16 =	vmovc v13  }
0x3d9: {  	vm1 =	vgt.s32 v19, $0x0;
	vm2 =	veq.s32 v14, $0x0;
	v19 =	vadd.s32 $0xFFFFFFFF, v19  }
0x3da: {  	s25 =	sadd.s32 $0xFFFFFFF0, s25;
	v17 =	vadd.s32 v17, v18;
	v21 =	vperm.xlane v9, v2;
	v22, _, _ =	vpop (xrf0);
	vm1 =	vmand vm2, vm1  }
0x3db: {  	s31 =	simm.s32 $0x3;
	v20 =	vnsel vm2, $0x0, v20;
	v61 =	vld [tilespmem:s25+$0x0];
	vm2 =	vgt.s32 v19, $0x0;
	v22 =	vperm.xlane v22, v2  }
0x3dc: {  	v11 =	vsel vm0, v17, v11;
	v63 =	vadd.s32 s31, v3;
	v13 =	vadd.s32 v13, v20;
	(xrf0) =	vadd.scan.msk.s32 $0xffff, v21  }
0x3dd: {  	v14 =	vsel vm1, $0x1, v14;
	v19 =	vnsel vm2, $0x0, v19;
	v18 =	vadd.s32 v13, v22  }
0x3de: {  	v10 =	vperm.xlane v10, v19;
	v12 =	vperm.xlane v12, v19;
	vm0 =	vge.s32 v18, v6  }
0x3df: {  	v18 =	vadd.s32 s24, v19;
	v17 =	vmpcnt.ones.xlane vm0;
	vm0 =	vmmov vm1  }
0x3e0: {  	v10 =	vsub.s32 v16, v10;
	v15 =	vsel vm0, v18, v15;
	v18 =	vperm.xlane v61, v2  }
0x3e1: {  	v19 =	vperm.xlane v22, v0;
	vm1 =	veq.s32 v14, $0x0;
	v10 =	vadd.s32 v12, v10  }
0x3e2: {  	v10 =	vsel vm0, v10, v11;
	v16 =	vadd.s32 $0xFFFFFFFF, v17;
	vm2 =	vgt.s32 v17, $0x0;
	v62, _, _ =	vpop (xrf0);
	(xrf0) =	vadd.scan.msk.s32 $0xffff, v18  }
0x3e3: {  	v17 =	vnsel vm1, $0x0, v19;
	vm1 =	vmand vm1, vm2;
	vm2 =	vgt.s32 v16, $0x0  }
0x3e4: {  	v17 =	vadd.s32 v13, v17;
	v19 =	vperm.xlane v62, v2;
	v16 =	vnsel vm2, $0x0, v16  }
0x3e5: {  	v14 =	vsel vm1, $0x1, v14;
	vm0 =	vmmov vm1;
	v8 =	vperm.xlane v8, v16  }
0x3e6: {  	v11 =	vperm.xlane v22, v16;
	v16 =	vadd.s32 s23, v16;
	v18 =	vadd.s32 v17, v19  }
0x3e7: {  	vm1 =	veq.s32 v14, $0x0;
	vm2 =	vge.s32 v18, v6;
	v18 =	vperm.xlane v19, v0  }
0x3e8: {  	v15 =	vsel vm0, v16, v15;
	v8 =	vsub.s32 v13, v8;
	v12 =	vmpcnt.ones.xlane vm2;
	v13, _, _ =	vpop (xrf0)  }
0x3e9: {  	v8 =	vadd.s32 v11, v8;
	v16 =	vnsel vm1, $0x0, v18;
	v13 =	vperm.xlane v13, v2  }
0x3ea: {  	[tilespmem:$0xC080] =	vst v0;
	vm2 =	vgt.s32 v12, $0x0;
	v12 =	vadd.s32 $0xFFFFFFFF, v12;
	v16 =	vadd.s32 v17, v16  }
0x3eb: {  	[tilespmem:$0xC090] =	vst v0;
	vm1 =	vmand vm1, vm2;
	vm2 =	vgt.s32 v12, $0x0;
	v18 =	vadd.s32 v16, v13  }
0x3ec: {  	s30 =	simm.s32 $0x0;
	[tilespmem:$0xC0A0] =	vst v0;
	v8 =	vsel vm0, v8, v10;
	v11 =	vnsel vm2, $0x0, v12;
	vm2 =	vge.s32 v18, v6  }
0x3ed: {  	[tilespmem:$0xC0B0] =	vst v0;
	vm0 =	vmmov vm1;
	v18 =	vadd.s32 s30, v3;
	v10 =	vmpcnt.ones.xlane vm2  }
0x3ee: {  	[tilespmem:$0xC0C0] =	vst v0;
	v9 =	vperm.xlane v9, v11;
	v12 =	vperm.xlane v19, v11;
	v11 =	vadd.s32 s22, v11  }
0x3ef: {  	[tilespmem:$0xC0D0] =	vst v0;
	v14 =	vsel vm1, $0x1, v14;
	v11 =	vsel vm0, v11, v15;
	v19 =	vadd.s32 $0xFFFFFFFF, v10  }
0x3f0: {  	[tilespmem:$0xC0E0] =	vst v0;
	v9 =	vsub.s32 v17, v9;
	vm2 =	vgt.s32 v10, $0x0;
	vm1 =	vgt.s32 v19, $0x0  }
0x3f1: {  	[tilespmem:$0xC0F0] =	vst v0;
	v9 =	vadd.s32 v12, v9;
	v10 =	vnsel vm1, $0x0, v19;
	vm1 =	veq.s32 v14, $0x0  }
0x3f2: {  	v8 =	vsel vm0, v9, v8;
	vm1 =	vmand vm1, vm2;
	v9 =	vperm.xlane v13, v10;
	v13 =	vld.idx.msk [tilespmem:v18+s13+$0x0], $0xffff  }
0x3f3: {  	s26 =	simm.s32 $0x2;
	v12 =	vperm.xlane v61, v10;
	v10 =	vadd.s32 s21, v10;
	vm0 =	vmmov vm1  }
0x3f4: {  	v7 =	vshll.u32 v7, $0x7;
	s24 =	simm.s32 $0x1;
	v14 =	vadd.s32 s26, v3;
	v10 =	vsel vm0, v10, v11  }
0x3f5: {  	v7 =	vor.u32 v7, v10;
	v10 =	vadd.s32 s24, v3  }
0x3f6: {  	s22 =	simm.s32 $0x4;
	v15 =	vld.idx.msk [tilespmem:v63+s13+$0x0], $0xffff;
	v12 =	vsub.s32 v16, v12  }
0x3f7: {  	v16 =	vadd.s32 s22, v3;
	v9 =	vadd.s32 v9, v12;
	v12 =	vshrl.u32 v13, $0x7  }
0x3f8: {  	v8 =	vsel vm0, v9, v8;
	v9 =	vmov s30;
	v12 =	vand.u32 $0x3FFF, v12  }
0x3f9: {  	s21 =	simm.s32 $0x7;
	v11 =	vld.idx.msk [tilespmem:v14+s13+$0x0], $0xffff;
	vm0 =	vlt.s32 v9, v5;
	vm1 =	veq.s32 v12, v7;
	v12 =	vmov s31  }
0x3fa: {  	v14 =	vadd.s32 s21, v3;
	vm0 =	vmand vm0, vm1;
	vm1 =	vlt.s32 v12, v5;
	v12 =	vld.idx.msk [tilespmem:v10+s13+$0x0], $0xffff  }
0x3fb: {  	v9 =	vand.u32 $0x7F, v13;
	v13 =	vshrl.u32 v15, $0x7  }
0x3fc: {  	s23 =	simm.s32 $0x6;
	v17 =	vmov s26;
	v13 =	vand.u32 $0x3FFF, v13  }
0x3fd: {  	vm2 =	veq.s32 v13, v7;
	v10 =	vand.u32 $0x7F, v15;
	v15 =	vadd.s32 s23, v3  }
0x3fe: {  	s25 =	simm.s32 $0x8;
	s26 =	simm.s32 $0x5;
	v13 =	vld.idx.msk [tilespmem:v16+s13+$0x0], $0xffff;
	vm1 =	vmand vm1, vm2;
	vm2 =	vlt.s32 v17, v5;
	v16 =	vshrl.u32 v11, $0x7  }
.LBB2_87:
0x3ff: {  	p0 =	slt.u32 s25, $0x1C;
	v17 =	vadd.s32 s26, v3;
	v18 =	vld.idx.msk [tilespmem:v14+s13+$0x0], $0xffff;
	v14 =	vshrl.u32 v12, $0x7;
	v16 =	vand.u32 $0x3FFF, v16  }
0x400: {  	v19 =	vmov s24;
	s24 =	smov.u32 s26;
	v14 =	vand.u32 $0x3FFF, v14;
	vm3 =	veq.s32 v16, v7  }
0x401: {  	vm4 =	vlt.s32 v19, v5;
	vm5 =	veq.s32 v14, v7;
	vm3 =	vmand vm2, vm3  }
0x402: {  	v16 =	vand.u32 $0x7F, v11;
	vm2 =	vmand vm4, vm5  }
0x403: {  	v19 =	vadd.s32 s25, v3;
	v14 =	vmov s22;
	s22 =	smov.u32 s25;
	v11 =	vld.idx.msk [tilespmem:v15+s13+$0x0], $0xffff;
	v15 =	vand.u32 $0x7F, v12  }
0x404: {  	s26 =	sadd.s32 $0x3, s25;
	vm4 =	vlt.s32 v14, v5;
	v20 =	vshrl.u32 v13, $0x7;
	v13 =	vand.u32 $0x7F, v13;
	v12 =	vld.idx.msk [tilespmem:v17+s13+$0x0], $0xffff  }
.Ltmp26:
0x405: {  	v14 =	vadd.s32 s26, v3;
	v17 =	vand.u32 $0x3FFF, v20;
	v20 =	vshrl.u32 v18, $0x7;
	[tilespmem:v9+s12+$0x0] =	vst.idx.add.s32.msk vm0, v1;
	v9 =	vmovc v13;
	(pc) =	sbr.rel @p0 .LBB2_87-.Ltmp26, $4  }
0x406: {  	vm0 =	veq.s32 v17, v7;
	v13 =	vmov s21;
	v17 =	vand.u32 $0x3FFF, v20;
	s21 =	smov.u32 s26;
	[tilespmem:v10+s12+$0x0] =	vst.idx.add.s32.msk vm1, v1  }
0x407: {  	vm0 =	vmand vm4, vm0;
	vm1 =	vlt.s32 v13, v5;
	vm4 =	veq.s32 v17, v7;
	[tilespmem:v16+s12+$0x0] =	vst.idx.add.s32.msk vm3, v1  }
0x408: {  	v10 =	vand.u32 $0x7F, v18;
	v16 =	vmov s23;
	s23 =	sadd.s32 $0x2, s25;
	vm1 =	vmand vm1, vm4;
	[tilespmem:v15+s12+$0x0] =	vst.idx.add.s32.msk vm2, v1  }
0x409: {  	s26 =	sadd.s32 $0x1, s22;
	s25 =	sadd.s32 $0x4, s25;
	v15 =	vadd.s32 s23, v3;
	vm2 =	vlt.s32 v16, v5;
	v16 =	vshrl.u32 v11, $0x7;
	v13 =	vld.idx.msk [tilespmem:v19+s13+$0x0], $0xffff  }
0x40a: {  	_ =	sdelay $0x2  }
0x40b: {  	v17 =	vadd.s32 s26, v3  }
0x40c: {  	v14 =	vld.idx.msk [tilespmem:v14+s13+$0x0], $0xffff;
	v18 =	vshrl.u32 v12, $0x7;
	v16 =	vand.u32 $0x3FFF, v16;
	v19 =	vmov s24  }
0x40d: {  	v11 =	vand.u32 $0x7F, v11;
	v12 =	vand.u32 $0x7F, v12;
	v18 =	vand.u32 $0x3FFF, v18  }
0x40e: {  	vm3 =	veq.s32 v16, v7;
	vm4 =	vlt.s32 v19, v5;
	v16 =	vmov s22  }
0x40f: {  	v15 =	vld.idx.msk [tilespmem:v15+s13+$0x0], $0xffff;
	v19 =	vmov s21;
	vm5 =	veq.s32 v18, v7;
	vm3 =	vmand vm2, vm3  }
0x410: {  	vm10 =	vlt.s32 v16, v5;
	vm6 =	vlt.s32 v19, v5;
	v16 =	vshrl.u32 v13, $0x7;
	v17 =	vld.idx.msk [tilespmem:v17+s13+$0x0], $0xffff  }
0x411: {  	vm2 =	vmand vm4, vm5;
	v18 =	vshrl.u32 v14, $0x7;
	v16 =	vand.u32 $0x3FFF, v16  }
0x412: {  	v13 =	vand.u32 $0x7F, v13;
	v18 =	vand.u32 $0x3FFF, v18;
	vm11 =	veq.s32 v16, v7  }
0x413: {  	v16 =	vmov s23;
	vm7 =	veq.s32 v18, v7;
	vm4 =	vmand vm10, vm11  }
0x414: {  	vm13 =	vlt.s32 v16, v5;
	v16 =	vshrl.u32 v15, $0x7;
	v18 =	vmov s26  }
0x415: {  	vm14 =	vlt.s32 v18, v5;
	v16 =	vand.u32 $0x3FFF, v16;
	v5 =	vshrl.u32 v17, $0x7  }
0x416: {  	vm12 =	vmand vm6, vm7;
	vm8 =	veq.s32 v16, v7;
	v5 =	vand.u32 $0x3FFF, v5  }
0x417: {  	[tilespmem:v9+s12+$0x0] =	vst.idx.add.s32.msk vm0, v1;
	v9 =	vand.u32 $0x7F, v14;
	vm0 =	vmand vm13, vm8;
	vm15 =	veq.s32 v5, v7  }
0x418: {  	[tilespmem:v10+s12+$0x0] =	vst.idx.add.s32.msk vm1, v1;
	v5 =	vand.u32 $0x7F, v15;
	vm1 =	vmand vm14, vm15  }
0x419: {  	[tilespmem:v11+s12+$0x0] =	vst.idx.add.s32.msk vm3, v1;
	v10 =	vand.u32 $0x7F, v17  }
0x41a: {  	[tilespmem:v12+s12+$0x0] =	vst.idx.add.s32.msk vm2, v1  }
0x41b: {  	[tilespmem:v13+s12+$0x0] =	vst.idx.add.s32.msk vm4, v1  }
0x41c: {  	[tilespmem:v9+s12+$0x0] =	vst.idx.add.s32.msk vm12, v1  }
0x41d: {  	[tilespmem:v5+s12+$0x0] =	vst.idx.add.s32.msk vm0, v1  }
0x41e: {  	s28 =	simm.s32 $0xC0F0;
	[tilespmem:v10+s12+$0x0] =	vst.idx.add.s32.msk vm1, v1  }
0x41f: {  	v13 =	vld [tilespmem:s28+$0x0];
	_ =	sdelay $0x4  }
0x420: {  	v5 =	vperm.xlane v13, v2  }
0x421: {  	s29 =	simm.s32 $0xC0E0  }
0x422: {  	v9 =	vld [tilespmem:s29+$0x0];
	(xrf0) =	vadd.scan.msk.s32 $0xffff, v5;
	_ =	sdelay $0x4  }
0x423: {  	v5 =	vperm.xlane v9, v2  }
0x424: {  	v10, _, _ =	vpop (xrf0)  }
0x425: {  	(xrf0) =	vadd.scan.msk.s32 $0xffff, v5;
	v15 =	vperm.xlane v10, v2  }
0x426: {  	s30 =	simm.s32 $0xC0D0;
	v10 =	vimm.s32 $0x0  }
0x427: {  	v5 =	vsub.s32 v6, v8;
	v6 =	vld [tilespmem:s30+$0x0];
	v8 =	vadd.s32 v10, v15  }
0x428: {  	vm0 =	vge.s32 v8, v5  }
0x429: {  	v11 =	vperm.xlane v15, v0;
	v8 =	vmpcnt.ones.xlane vm0  }
0x42a: {  	vm0 =	veq.s32 v10, $0x0  }
0x42b: {  	v12, _, _ =	vpop (xrf0);
	v16 =	vnsel vm0, $0x0, v11;
	v14 =	vadd.s32 $0xFFFFFFFF, v8  }
0x42c: {  	v11 =	vperm.xlane v12, v2;
	vm1 =	vgt.s32 v8, $0x0;
	v8 =	vperm.xlane v6, v2  }
0x42d: {  	v12 =	vadd.s32 v10, v16  }
0x42e: {  	s25 =	simm.s32 $0xC0C0;
	vm2 =	vgt.s32 v14, $0x0;
	vm0 =	vmand vm0, vm1;
	v16 =	vadd.s32 v12, v11;
	(xrf0) =	vadd.scan.msk.s32 $0xffff, v8  }
0x42f: {  	v17 =	vnsel vm2, $0x0, v14;
	v14 =	vsel vm0, $0x1, v10;
	vm0 =	vmmov vm0;
	v8 =	vld [tilespmem:s25+$0x0]  }
0x430: {  	s31 =	simm.s32 $0x70;
	v21 =	vperm.xlane v11, v0;
	vm1 =	vge.s32 v16, v5;
	v13 =	vperm.xlane v13, v17  }
0x431: {  	s24 =	simm.s32 $0x60;
	s22 =	simm.s32 $0x40;
	v16 =	vperm.xlane v15, v17;
	v18 =	vadd.s32 s31, v17;
	v20 =	vmpcnt.ones.xlane vm1  }
0x432: {  	s21 =	simm.s32 $0x30;
	s23 =	simm.s32 $0x50;
	s26 =	simm.s32 $0x20;
	v17 =	vimm.s32 $0x0;
	v15 =	vmovc v12;
	v19 =	vsub.s32 v10, v13;
	v13 =	vsel vm0, v13, v10  }
.LBB2_89:
0x433: {  	p0 =	sne.s32 s26, $0x0;
	v22 =	vadd.s32 $0xFFFFFFFF, v20;
	vm1 =	vgt.s32 v20, $0x0;
	vm2 =	veq.s32 v14, $0x0  }
0x434: {  	v20 =	vperm.xlane v8, v2;
	v23, _, _ =	vpop (xrf0);
	vm1 =	vmand vm2, vm1;
	v24 =	vnsel vm2, $0x0, v21  }
0x435: {  	v21 =	vmovc v8;
	v23 =	vperm.xlane v23, v2;
	v14 =	vsel vm1, $0x1, v14;
	v12 =	vadd.s32 v12, v24  }
.Ltmp27:
0x436: {  	s25 =	sadd.s32 $0xFFFFFFF0, s25;
	v10 =	vsel vm0, v18, v10;
	v16 =	vadd.s32 v16, v19;
	vm2 =	vgt.s32 v22, $0x0;
	(xrf0) =	vadd.scan.msk.s32 $0xffff, v20;
	(pc) =	sbr.rel @p0 .LBB2_89-.Ltmp27, $4  }
0x437: {  	v17 =	vsel vm0, v16, v17;
	v19 =	vnsel vm2, $0x0, v22;
	v8 =	vld [tilespmem:s25+$0x0];
	v18 =	vadd.s32 v12, v23  }
0x438: {  	v22 =	vperm.xlane v9, v19;
	v16 =	vperm.xlane v11, v19;
	v11 =	vmovc v23;
	vm0 =	vge.s32 v18, v5  }
0x439: {  	v9 =	vmovc v6;
	v6 =	vmovc v21;
	v18 =	vadd.s32 s24, v19;
	s24 =	smov.u32 s23;
	s23 =	smov.u32 s22;
	s22 =	smov.u32 s21;
	v20 =	vmpcnt.ones.xlane vm0;
	vm0 =	vmmov vm1  }
0x43a: {  	v21 =	vperm.xlane v11, v0;
	v19 =	vsub.s32 v15, v22;
	v15 =	vmovc v12;
	s21 =	smov.u32 s26;
	s26 =	sadd.s32 $0xFFFFFFF0, s26;
	v13 =	vsel vm0, v22, v13  }
0x43b: {  	v22 =	vadd.s32 $0xFFFFFFFF, v20;
	vm1 =	vgt.s32 v20, $0x0;
	vm2 =	veq.s32 v14, $0x0  }
0x43c: {  	s25 =	sadd.s32 $0xFFFFFFF0, s25;
	v10 =	vsel vm0, v18, v10;
	v16 =	vadd.s32 v16, v19;
	v38 =	vperm.xlane v8, v2  }
0x43d: {  	v4 =	vshll.u32 v4, $0x15;
	v7 =	vshll.u32 v7, $0x7;
	vm1 =	vmand vm2, vm1;
	v40 =	vld [tilespmem:s25+$0x0]  }
0x43e: {  	v23, _, _ =	vpop (xrf0);
	v21 =	vnsel vm2, $0x0, v21;
	vm12 =	vgt.s32 v22, $0x0;
	v16 =	vsel vm0, v16, v17;
	(xrf0) =	vadd.scan.msk.s32 $0xffff, v38  }
0x43f: {  	v23 =	vperm.xlane v23, v2;
	v39 =	vsel vm1, $0x1, v14;
	v42 =	vnsel vm12, $0x0, v22  }
0x440: {  	v12 =	vadd.s32 v12, v21;
	vm14 =	vmmov vm1;
	v9 =	vperm.xlane v9, v42  }
0x441: {  	v11 =	vperm.xlane v11, v42;
	v44 =	vadd.s32 s24, v42;
	v41 =	vadd.s32 v12, v23  }
0x442: {  	v45 =	vperm.xlane v23, v0;
	vm13 =	vge.s32 v41, v5;
	v46 =	vperm.xlane v40, v2  }
0x443: {  	vm4 =	veq.s32 v39, $0x0;
	v10 =	vsel vm14, v44, v10;
	v43 =	vmpcnt.ones.xlane vm13  }
0x444: {  	v15 =	vsub.s32 v15, v9;
	v9 =	vsel vm14, v9, v13;
	v19 =	vnsel vm4, $0x0, v45;
	v48, _, _ =	vpop (xrf0);
	(xrf0) =	vadd.scan.msk.s32 $0xffff, v46  }
0x445: {  	v11 =	vadd.s32 v11, v15;
	v19 =	vadd.s32 v12, v19;
	v47 =	vadd.s32 $0xFFFFFFFF, v43  }
0x446: {  	v11 =	vsel vm14, v11, v16;
	vm15 =	vgt.s32 v43, $0x0;
	vm5 =	vgt.s32 v47, $0x0  }
0x447: {  	vm1 =	vmand vm4, vm15;
	v17 =	vperm.xlane v48, v2;
	v13 =	vnsel vm5, $0x0, v47  }
0x448: {  	v14 =	vsel vm1, $0x1, v39;
	vm7 =	vmmov vm1;
	v6 =	vperm.xlane v6, v13  }
0x449: {  	v50 =	vperm.xlane v23, v13;
	v49 =	vadd.s32 v19, v17;
	v52 =	vperm.xlane v17, v0  }
0x44a: {  	v13 =	vadd.s32 s23, v13;
	vm8 =	veq.s32 v14, $0x0;
	vm6 =	vge.s32 v49, v5;
	v20, _, _ =	vpop (xrf0)  }
0x44b: {  	v12 =	vsub.s32 v12, v6;
	v53 =	vnsel vm8, $0x0, v52;
	v54 =	vperm.xlane v20, v2  }
0x44c: {  	v6 =	vsel vm7, v6, v9;
	v51 =	vmpcnt.ones.xlane vm6;
	v9 =	vadd.s32 v19, v53  }
0x44d: {  	v10 =	vsel vm7, v13, v10;
	v12 =	vadd.s32 v50, v12;
	v56 =	vadd.s32 v9, v54  }
0x44e: {  	v55 =	vadd.s32 $0xFFFFFFFF, v51;
	vm9 =	vgt.s32 v51, $0x0;
	vm11 =	vge.s32 v56, v5  }
0x44f: {  	vm1 =	vmand vm8, vm9;
	vm10 =	vgt.s32 v55, $0x0;
	v57 =	vmpcnt.ones.xlane vm11  }
0x450: {  	v11 =	vsel vm7, v12, v11;
	v14 =	vsel vm1, $0x1, v14;
	v20 =	vnsel vm10, $0x0, v55  }
0x451: {  	vm12 =	vmmov vm1;
	v8 =	vperm.xlane v8, v20;
	v60 =	vadd.s32 $0xFFFFFFFF, v57  }
0x452: {  	v58 =	vperm.xlane v17, v20;
	v59 =	vadd.s32 s22, v20;
	vm13 =	vgt.s32 v60, $0x0  }
0x453: {  	v61 =	vsub.s32 v19, v8;
	v6 =	vsel vm12, v8, v6;
	v8 =	vnsel vm13, $0x0, v60  }
0x454: {  	vm14 =	veq.s32 v14, $0x0;
	v10 =	vsel vm12, v59, v10;
	v62 =	vperm.xlane v40, v8  }
0x455: {  	vm2 =	vgt.s32 v57, $0x0;
	v12 =	vadd.s32 v58, v61;
	v63 =	vperm.xlane v54, v8  }
0x456: {  	vm1 =	vmand vm14, vm2;
	v11 =	vsel vm12, v12, v11;
	v9 =	vsub.s32 v9, v62  }
0x457: {  	vm15 =	vmmov vm1;
	v8 =	vadd.s32 s21, v8;
	v9 =	vadd.s32 v63, v9  }
0x458: {  	v4 =	vor.u32 v4, v7;
	v8 =	vsel vm15, v8, v10;
	v9 =	vsel vm15, v9, v11  }
0x459: {  	v7 =	vsel vm15, v62, v6;
	v4 =	vor.u32 v8, v4;
	v5 =	vsub.s32 v5, v9  }
.LBB2_91:
0x45a: {  	v6 =	vxor.u32 $0x80000000, v5  }
0x45b: {  	(xrf0) =	vmax.scan.msk.u32 $0xffff, v6;
	v6 =	vxor.u32 $0x80000000, v7  }
0x45c: {  	(xrf0) =	vmax.scan.msk.u32 $0xffff, v6;
	_ =	sdelay $0x4  }
0x45d: {  	v6, _, _ =	vpop (xrf0)  }
0x45e: {  	(v2sf) =	vpush v6, $0xF;
	v6, _, _ =	vpop (xrf0)  }
0x45f: {  	(v2sf) =	vpush v6, $0xF;
	_ =	sdelay $0xd  }
0x460: {  	s21 =	spop (v2sf)  }
0x461: {  	s22 =	spop (v2sf)  }
0x462: {  	p0 =	sne.s32 s21, s22  }
.Ltmp28:
0x463: {  	_ = 	snop;
	(pc) =	sbr.rel @p0 .LBB2_95-.Ltmp28, $2  }
0x464: {  	_ =	sdelay $0x2  }
0x465: {  	s21 =	simm.s32 $0x0  }
0x466: {  	s21 =	simm.s32 $0x4040  }
0x467: {  	v12 =	vld [tilespmem:s21+$0x30]  }
0x468: {  	v9 =	vld [tilespmem:s21+$0xFFFFFFD0]  }
0x469: {  	v10 =	vld [tilespmem:s21+$0xFFFFFFE0]  }
0x46a: {  	v7 =	vld [tilespmem:s21+$0xFFFFFFF0]  }
0x46b: {  	v6 =	vld [tilespmem:s21+$0x0]  }
0x46c: {  	v5 =	vld [tilespmem:s21+$0x10]  }
0x46d: {  	v8 =	vld [tilespmem:s21+$0x20]  }
0x46e: {  	vm0 =	vlt.s32 v12, $0x0;
	v11 =	vxor.u32 $0x7FFFFFFF, v12  }
0x46f: {  	vm1 =	vlt.s32 v9, $0x0;
	v13 =	vxor.u32 $0x7FFFFFFF, v9;
	vm11 =	vlt.s32 v10, $0x0  }
0x470: {  	v15 =	vxor.u32 $0x7FFFFFFF, v10;
	vm3 =	vlt.s32 v7, $0x0;
	v14 =	vsel vm0, v11, v12;
	v11 =	vld [tilespmem:s21+$0xFFFFFFC0]  }
0x471: {  	vm12 =	vlt.s32 v6, $0x0;
	v16 =	vxor.u32 $0x7FFFFFFF, v6;
	vm13 =	vlt.s32 v5, $0x0  }
0x472: {  	vm14 =	vlt.s32 v8, $0x0;
	v19 =	vxor.u32 $0x7FFFFFFF, v8;
	vm2 =	vlt.s32 v14, v4  }
0x473: {  	v16 =	vsel vm12, v16, v6;
	v14 =	vxor.u32 $0x7FFFFFFF, v7;
	v17 =	vsel vm2, $0x0, v12  }
0x474: {  	v12 =	vsel vm1, v13, v9;
	v13 =	vsel vm11, v15, v10;
	v15 =	vxor.u32 $0x7FFFFFFF, v5  }
0x475: {  	v14 =	vsel vm3, v14, v7;
	vm15 =	vlt.s32 v11, $0x0;
	v18 =	vxor.u32 $0x7FFFFFFF, v11  }
0x476: {  	s22 =	simm.s32 $0x0;
	s23 =	simm.s32 $0x40C0;
	[tilespmem:s21+$0x30] =	vst v17;
	v17 =	vsel vm13, v15, v5;
	v15 =	vsel vm14, v19, v8;
	v18 =	vsel vm15, v18, v11  }
.LBB2_93:
0x477: {  	v19 =	vld [tilespmem:s23+$0x30];
	s22 =	sadd.s32 $0x8, s22;
	vm0 =	vlt.s32 v18, v4;
	vm1 =	vlt.s32 v12, v4;
	vm2 =	vlt.s32 v13, v4  }
0x478: {  	vm3 =	vlt.s32 v14, v4;
	vm4 =	vlt.s32 v16, v4;
	vm5 =	vlt.s32 v17, v4;
	v12 =	vld [tilespmem:s23+$0xFFFFFFD0];
	p0 =	slt.u32 s22, $0x3F8  }
0x479: {  	v11 =	vsel vm0, $0x0, v11;
	v9 =	vsel vm1, $0x0, v9;
	vm0 =	vlt.s32 v15, v4;
	v13 =	vld [tilespmem:s23+$0xFFFFFFE0]  }
0x47a: {  	v10 =	vsel vm2, $0x0, v10;
	v14 =	vsel vm4, $0x0, v6;
	[tilespmem:s21+$0xFFFFFFC0] =	vst v11;
	v11 =	vsel vm3, $0x0, v7;
	v7 =	vld [tilespmem:s23+$0xFFFFFFF0]  }
0x47b: {  	v15 =	vsel vm5, $0x0, v5;
	v16 =	vsel vm0, $0x0, v8;
	v6 =	vld [tilespmem:s23+$0x0];
	[tilespmem:s21+$0xFFFFFFD0] =	vst v9  }
0x47c: {  	v5 =	vld [tilespmem:s23+$0x10];
	vm0 =	vlt.s32 v19, $0x0;
	v18 =	vxor.u32 $0x7FFFFFFF, v19;
	[tilespmem:s21+$0xFFFFFFE0] =	vst v10  }
0x47d: {  	vm1 =	vlt.s32 v12, $0x0;
	v17 =	vxor.u32 $0x7FFFFFFF, v12;
	v8 =	vld [tilespmem:s23+$0x20];
	v20 =	vsel vm0, v18, v19;
	[tilespmem:s21+$0xFFFFFFF0] =	vst v11;
	v9 =	vmovc v12  }
0x47e: {  	v11 =	vld [tilespmem:s23+$0xFFFFFFC0];
	vm0 =	vlt.s32 v13, $0x0;
	v18 =	vxor.u32 $0x7FFFFFFF, v13;
	vm2 =	vlt.s32 v20, v4;
	[tilespmem:s21+$0x0] =	vst v14;
	v10 =	vmovc v13  }
0x47f: {  	vm3 =	vlt.s32 v7, $0x0;
	v14 =	vxor.u32 $0x7FFFFFFF, v7;
	v13 =	vsel vm2, $0x0, v19;
	[tilespmem:s21+$0x10] =	vst v15  }
.Ltmp29:
0x480: {  	v12 =	vsel vm1, v17, v9;
	vm1 =	vlt.s32 v6, $0x0;
	v15 =	vxor.u32 $0x7FFFFFFF, v6;
	[tilespmem:s23+$0x30] =	vst v13;
	(pc) =	sbr.rel @p0 .LBB2_93-.Ltmp29, $4  }
0x481: {  	v13 =	vsel vm0, v18, v10;
	vm0 =	vlt.s32 v5, $0x0;
	v17 =	vxor.u32 $0x7FFFFFFF, v5;
	[tilespmem:s21+$0x20] =	vst v16;
	s21 =	smov.u32 s23  }
0x482: {  	v14 =	vsel vm3, v14, v7;
	vm2 =	vlt.s32 v8, $0x0;
	v19 =	vxor.u32 $0x7FFFFFFF, v8  }
0x483: {  	v16 =	vsel vm1, v15, v6;
	vm3 =	vlt.s32 v11, $0x0;
	v18 =	vxor.u32 $0x7FFFFFFF, v11  }
0x484: {  	s23 =	sadd.s32 $0x80, s23;
	v17 =	vsel vm0, v17, v5;
	v15 =	vsel vm2, v19, v8;
	v18 =	vsel vm3, v18, v11  }
0x485: {  	vm0 =	vlt.s32 v18, v4  }
0x486: {  	vm1 =	vlt.s32 v12, v4;
	v11 =	vsel vm0, $0x0, v11  }
0x487: {  	vm11 =	vlt.s32 v13, v4;
	v9 =	vsel vm1, $0x0, v9;
	[tilespmem:s21+$0xFFFFFFC0] =	vst v11  }
0x488: {  	vm12 =	vlt.s32 v14, v4;
	v10 =	vsel vm11, $0x0, v10;
	[tilespmem:s21+$0xFFFFFFD0] =	vst v9  }
.Ltmp30:
0x489: {  	vm13 =	vlt.s32 v16, v4;
	v7 =	vsel vm12, $0x0, v7;
	[tilespmem:s21+$0xFFFFFFE0] =	vst v10;
	(pc) =	sbr.rel .LBB2_98-.Ltmp30, $4  }
0x48a: {  	vm14 =	vlt.s32 v17, v4;
	v6 =	vsel vm13, $0x0, v6;
	[tilespmem:s21+$0xFFFFFFF0] =	vst v7  }
0x48b: {  	vm15 =	vlt.s32 v15, v4;
	v4 =	vsel vm14, $0x0, v5;
	[tilespmem:s21+$0x0] =	vst v6  }
0x48c: {  	v5 =	vsel vm15, $0x0, v8;
	[tilespmem:s21+$0x10] =	vst v4  }
0x48d: {  	[tilespmem:s21+$0x20] =	vst v5  }
.LBB2_95:
0x48e: {  	s24 =	sshra.s32 s21, $0x2  }
0x48f: {  	v6 =	vld [tilespmem:s24+$0x4000];
	_ =	sdelay $0x4  }
0x490: {  	vm0 =	vlt.s32 v6, $0x0;
	v7 =	vxor.u32 $0x7FFFFFFF, v6  }
0x491: {  	v7 =	vsel vm0, v7, v6  }
0x492: {  	vm0 =	veq.s32 v7, v4  }
0x493: {  	v8 =	vsel vm0, $0x1, v0  }
0x494: {  	(xrf0) =	vadd.scan.msk.s32 $0xffff, v8;
	_ =	sdelay $0x5  }
0x495: {  	v8, _, _ =	vpop (xrf0)  }
0x496: {  	v9 =	vadd.s32 s21, v8;
	(v2sf) =	vpush v8, $0xF  }
0x497: {  	vm1 =	vle.s32 v9, v5  }
0x498: {  	vm2 =	vgt.s32 v7, v4;
	vm0 =	vmand vm0, vm1  }
0x499: {  	vm0 =	vmor vm2, vm0  }
0x49a: {  	s23 =	sadd.s32 $0x40, s21;
	v6 =	vnsel vm0, $0x0, v6  }
0x49b: {  	s22 =	sshra.s32 s23, $0x2;
	s23 =	sadd.s32 $0x40, s23;
	[tilespmem:s24+$0x4000] =	vst v6  }
.LBB2_96:
0x49c: {  	p0 =	sne.s32 s23, $0xFFC0;
	v6 =	vld [tilespmem:s22+$0x4000];
	_ =	sdelay $0x4  }
0x49d: {  	vm0 =	vlt.s32 v6, $0x0;
	v7 =	vxor.u32 $0x7FFFFFFF, v6  }
0x49e: {  	v7 =	vsel vm0, v7, v6  }
0x49f: {  	vm0 =	veq.s32 v7, v4;
	vm1 =	vgt.s32 v7, v4  }
0x4a0: {  	v7 =	vsel vm0, $0x1, v0  }
0x4a1: {  	(xrf0) =	vadd.scan.msk.s32 $0xffff, v7;
	s24 =	spop (v2sf)  }
0x4a2: {  	s21 =	sadd.s32 s21, s24;
	_ =	sdelay $0x4  }
0x4a3: {  	v7, _, _ =	vpop (xrf0)  }
0x4a4: {  	v8 =	vadd.s32 s21, v7;
	(v2sf) =	vpush v7, $0xF  }
.Ltmp31:
0x4a5: {  	vm2 =	vle.s32 v8, v5;
	(pc) =	sbr.rel @p0 .LBB2_96-.Ltmp31, $4  }
0x4a6: {  	vm0 =	vmand vm0, vm2  }
0x4a7: {  	vm0 =	vmor vm1, vm0  }
0x4a8: {  	v6 =	vnsel vm0, $0x0, v6  }
0x4a9: {  	[tilespmem:s22+$0x4000] =	vst v6;
	s22 =	sshra.s32 s23, $0x2;
	s23 =	sadd.s32 $0x40, s23  }
0x4aa: {  	v6 =	vld [tilespmem:s22+$0x4000];
	_ =	sdelay $0x4  }
0x4ab: {  	vm0 =	vlt.s32 v6, $0x0;
	v7 =	vxor.u32 $0x7FFFFFFF, v6  }
0x4ac: {  	v7 =	vsel vm0, v7, v6  }
0x4ad: {  	vm0 =	veq.s32 v7, v4  }
0x4ae: {  	v8 =	vsel vm0, $0x1, v0  }
0x4af: {  	(xrf0) =	vadd.scan.msk.s32 $0xffff, v8;
	_ =	sdelay $0x5  }
0x4b0: {  	v8, _, _ =	vpop (xrf0)  }
0x4b1: {  	(v2sf) =	vpush v8, $0xF;
	_ =	sdelay $0x7  }
0x4b2: {  	s23 =	spop (v2sf)  }
0x4b3: {  	s21 =	sadd.s32 s21, s23  }
0x4b4: {  	v8 =	vadd.s32 s21, v8  }
0x4b5: {  	vm1 =	vle.s32 v8, v5  }
0x4b6: {  	vm2 =	vgt.s32 v7, v4;
	vm0 =	vmand vm0, vm1  }
0x4b7: {  	vm0 =	vmor vm2, vm0  }
0x4b8: {  	v4 =	vnsel vm0, $0x0, v6  }
0x4b9: {  	[tilespmem:s22+$0x4000] =	vst v4;
	s31 =	spop (v2sf)  }
.LBB2_98:
0x4ba: {  	p0 =	seq.s32 s18, $0x3F  }
.Ltmp32:
0x4bb: {  	s20 =	sadd.s32 s3, s20;
	(pc) =	sbr.rel @p0 .LBB2_100-.Ltmp32, $4  }
0x4bc: {  	[hbm4b:s20+s8] =	stream.strided.scatter [tilespmem:s10], [sflag:$0x4], $0x4000, s9, s8, $0x38;
	[tilespmem:$0xC880] =	vst v63  }
0x4bd: {  	_ =	swait.ge [sflag:s15], $0x4000  }
0x4be: {  	[sflag:s15] =	ssyncset.done $0x0  }
0x4bf: {  	[sflag:s15] =	ssyncadd.s32 $0xFFFFC000  }
0x4c0: {  	s19 =	sadd.s32 $0x2, s19  }
.Ltmp33:
0x4c1: {  	s20 =	sshll.u32 s19, $0x4;
	(pc) =	sbr.rel .LBB2_2-.Ltmp33, $4  }
0x4c2: {  	s19 =	sshll.u32 s19, $0xB;
	s20 =	sand.u32 $0x60, s20  }
0x4c3: {  	s19 =	sand.u32 $0xFFFC000, s19;
	s20 =	sadd.s32 s1, s20  }
0x4c4: {  	s18 =	sadd.s32 $0x1, s18;
	s19 =	sadd.s32 s19, s20  }
0x4c5: {  	[tilespmem:s4], [sflag:$0x1] =	stream.strided.gather [hbm4b:s19+s8], $0x4000, s9, s8, $0x38;
	[tilespmem:$0xC880] =	vst v63  }
.LBB2_11:
0x4c6: {  	s23 =	simm.s32 $0xFFFFFFFC  }
0x4c7: {  	s23 =	simm.s32 @p0 $0xFFFFFFFC  }
0x4c8: {  	s23 =	simm.s32 @!p1 $0xFFFFFFFC  }
0x4c9: {  	s24 =	simm.s32 $0xC0A0;
	s25 =	sadd.s32 $0x4, s23  }
0x4ca: {  	s24 =	simm.s32 @p0 $0xC0A0;
	p0 =	slt.u32 s25, $0x7C  }
.Ltmp34:
0x4cb: {  	_ = 	snop;
	(pc) =	sbr.rel @!p0 .LBB2_13-.Ltmp34, $4  }
0x4cc: {  	s24 =	simm.s32 @!p1 $0xC0A0  }
0x4cd: {  	[tilespmem:s24+$0xFFFFFFE0] =	vst v0  }
0x4ce: {  	[tilespmem:s24+$0x10] =	vst v0  }
0x4cf: {  	[tilespmem:s24+$0x0] =	vst v0;
	s23 =	simm.s32 $0x40  }
.LBB2_12:
0x4d0: {  	s25 =	sadd.s32 $0x4, s25  }
0x4d1: {  	[tilespmem:s24+$0xFFFFFFF0] =	vst v0;
	s24 =	sadd.s32 $0x40, s24;
	p0 =	slt.u32 s25, $0x7C  }
.Ltmp35:
0x4d2: {  	[tilespmem:s24+$0xFFFFFFE0] =	vst v0;
	(pc) =	sbr.rel @p0 .LBB2_12-.Ltmp35, $3  }
0x4d3: {  	_ =	sdelay $0x1  }
0x4d4: {  	[tilespmem:s24+$0x10] =	vst v0  }
0x4d5: {  	[tilespmem:s24+$0x0] =	vst v0  }
.LBB2_13:
0x4d6: {  	[tilespmem:s24+$0xFFFFFFF0] =	vst v0  }
0x4d7: {  	v4 =	vld [tilespmem:s23+$0xFFFFFFC0]  }
0x4d8: {  	v5 =	vld [tilespmem:s23+$0x20]  }
0x4d9: {  	v7 =	vld [tilespmem:s23+$0xFFFFFFF0]  }
0x4da: {  	v13 =	vld [tilespmem:s23+$0xFFFFFFE0]  }
0x4db: {  	v14 =	vld [tilespmem:s23+$0xFFFFFFD0]  }
0x4dc: {  	v6 =	vld [tilespmem:s23+$0x0];
	v8 =	vshra.s32 v4, $0x15  }
0x4dd: {  	vm0 =	vlt.s32 v4, $0x0;
	v4 =	vxor.u32 $0x3FF, v8  }
0x4de: {  	v11 =	vshra.s32 v5, $0x15;
	vm1 =	vlt.s32 v5, $0x0;
	v4 =	vsel vm0, v4, v8  }
0x4df: {  	v10 =	vshra.s32 v13, $0x15;
	vm3 =	vlt.s32 v7, $0x0;
	v9 =	vadd.s32 $0x400, v4  }
0x4e0: {  	v15 =	vshra.s32 v7, $0x15;
	v12 =	vshra.s32 v14, $0x15;
	v4 =	vxor.u32 $0x3FF, v11  }
0x4e1: {  	v7 =	vld [tilespmem:s23+$0x30];
	vm2 =	vlt.s32 v14, $0x0;
	vm0 =	vlt.s32 v6, $0x0;
	v4 =	vsel vm1, v4, v11  }
0x4e2: {  	v5 =	vld [tilespmem:s23+$0x10];
	v11 =	vxor.u32 $0x3FF, v10;
	v8 =	vadd.s32 $0x400, v4;
	v4 =	vxor.u32 $0x3FF, v15  }
0x4e3: {  	s25 =	simm.s32 $0x0;
	s26 =	sadd.s32 $0x80, s23;
	vm1 =	vlt.s32 v13, $0x0;
	v13 =	vxor.u32 $0x3FF, v12;
	v14 =	vsel vm3, v4, v15  }
.LBB2_14:
0x4e4: {  	s25 =	sadd.s32 $0x8, s25;
	[tilespmem:v9+s12+$0x0] =	vst.idx.add.s32.msk $0xffff, v1;
	v4 =	vsel vm2, v13, v12;
	v12 =	vadd.s32 $0x400, v14;
	v6 =	vshra.s32 v6, $0x15;
	s23 =	simm.s32 $0x7F0;
	s24 =	simm.s32 $0xC870  }
0x4e5: {  	v9 =	vld [tilespmem:s26+$0x20];
	p0 =	slt.u32 s25, $0x3F8;
	v15 =	vadd.s32 $0x400, v4;
	v4 =	vsel vm1, v11, v10;
	v10 =	vxor.u32 $0x3FF, v6  }
0x4e6: {  	v11 =	vld [tilespmem:s26+$0xFFFFFFC0];
	v6 =	vsel vm0, v10, v6;
	vm0 =	vlt.s32 v7, $0x0;
	v7 =	vshra.s32 v7, $0x15  }
0x4e7: {  	v10 =	vadd.s32 $0x400, v4;
	v4 =	vshra.s32 v5, $0x15;
	[tilespmem:v8+s12+$0x0] =	vst.idx.add.s32.msk $0xffff, v1;
	v8 =	vxor.u32 $0x3FF, v7  }
0x4e8: {  	v14 =	vadd.s32 $0x400, v6;
	v16 =	vxor.u32 $0x3FF, v4;
	v13 =	vld [tilespmem:s26+$0xFFFFFFF0];
	v6 =	vsel vm0, v8, v7  }
0x4e9: {  	vm0 =	vlt.s32 v5, $0x0;
	v17 =	vld [tilespmem:s26+$0xFFFFFFD0];
	v8 =	vadd.s32 $0x400, v6  }
0x4ea: {  	v4 =	vsel vm0, v16, v4;
	v6 =	vld [tilespmem:s26+$0x0]  }
0x4eb: {  	v18 =	vadd.s32 $0x400, v4;
	v16 =	vld [tilespmem:s26+$0xFFFFFFE0]  }
0x4ec: {  	v19 =	vshra.s32 v11, $0x15;
	v7 =	vld [tilespmem:s26+$0x30]  }
0x4ed: {  	v20 =	vshra.s32 v9, $0x15;
	vm0 =	vlt.s32 v11, $0x0;
	v11 =	vxor.u32 $0x3FF, v19;
	v5 =	vld [tilespmem:s26+$0x10]  }
0x4ee: {  	v4 =	vimm.s32 $0x0;
	vm1 =	vlt.s32 v9, $0x0;
	v11 =	vsel vm0, v11, v19;
	[tilespmem:v10+s12+$0x0] =	vst.idx.add.s32.msk $0xffff, v1  }
.Ltmp36:
0x4ef: {  	v9 =	vadd.s32 $0x400, v11;
	v11 =	vxor.u32 $0x3FF, v20;
	vm0 =	vlt.s32 v6, $0x0;
	[tilespmem:v14+s12+$0x0] =	vst.idx.add.s32.msk $0xffff, v1;
	(pc) =	sbr.rel @p0 .LBB2_14-.Ltmp36, $4  }
0x4f0: {  	vm3 =	vlt.s32 v13, $0x0;
	v14 =	vsel vm1, v11, v20;
	v10 =	vshra.s32 v16, $0x15;
	[tilespmem:v8+s12+$0x0] =	vst.idx.add.s32.msk $0xffff, v1  }
0x4f1: {  	v19 =	vshra.s32 v13, $0x15;
	v8 =	vadd.s32 $0x400, v14;
	v11 =	vxor.u32 $0x3FF, v10;
	[tilespmem:v12+s12+$0x0] =	vst.idx.add.s32.msk $0xffff, v1  }
0x4f2: {  	vm1 =	vlt.s32 v16, $0x0;
	v14 =	vxor.u32 $0x3FF, v19;
	v12 =	vshra.s32 v17, $0x15;
	[tilespmem:v18+s12+$0x0] =	vst.idx.add.s32.msk $0xffff, v1  }
0x4f3: {  	s26 =	sadd.s32 $0x80, s26;
	vm2 =	vlt.s32 v17, $0x0;
	v14 =	vsel vm3, v14, v19;
	v13 =	vxor.u32 $0x3FF, v12;
	[tilespmem:v15+s12+$0x0] =	vst.idx.add.s32.msk $0xffff, v1  }
0x4f4: {  	_ =	sdelay $0x2  }
0x4f5: {  	v6 =	vshra.s32 v6, $0x15;
	v10 =	vsel vm1, v11, v10  }
0x4f6: {  	v11 =	vshra.s32 v7, $0x15;
	[tilespmem:v9+s12+$0x0] =	vst.idx.add.s32.msk $0xffff, v1;
	v9 =	vadd.s32 $0x400, v14;
	v15 =	vxor.u32 $0x3FF, v6  }
0x4f7: {  	v6 =	vsel vm0, v15, v6;
	vm0 =	vlt.s32 v7, $0x0;
	v7 =	vadd.s32 $0x400, v10  }
0x4f8: {  	v10 =	vxor.u32 $0x3FF, v11;
	v15 =	vshra.s32 v5, $0x15;
	v6 =	vadd.s32 $0x400, v6  }
0x4f9: {  	v10 =	vsel vm0, v10, v11;
	v11 =	vxor.u32 $0x3FF, v15;
	vm0 =	vlt.s32 v5, $0x0  }
0x4fa: {  	v5 =	vadd.s32 $0x400, v10;
	v10 =	vsel vm0, v11, v15  }
0x4fb: {  	[tilespmem:v8+s12+$0x0] =	vst.idx.add.s32.msk $0xffff, v1;
	v11 =	vsel vm2, v13, v12;
	v8 =	vadd.s32 $0x400, v10  }
0x4fc: {  	v10 =	vadd.s32 $0x400, v11;
	[tilespmem:v9+s12+$0x0] =	vst.idx.add.s32.msk $0xffff, v1  }
0x4fd: {  	[tilespmem:v7+s12+$0x0] =	vst.idx.add.s32.msk $0xffff, v1  }
0x4fe: {  	[tilespmem:v6+s12+$0x0] =	vst.idx.add.s32.msk $0xffff, v1  }
0x4ff: {  	[tilespmem:v5+s12+$0x0] =	vst.idx.add.s32.msk $0xffff, v1  }
0x500: {  	[tilespmem:v8+s12+$0x0] =	vst.idx.add.s32.msk $0xffff, v1  }
0x501: {  	[tilespmem:v10+s12+$0x0] =	vst.idx.add.s32.msk $0xffff, v1  }
0x502: {  	v6 =	vld [tilespmem:s24+$0x0];
	_ =	sdelay $0x4  }
0x503: {  	v5 =	vperm.xlane v6, v2;
	_ =	sdelay $0x1  }
0x504: {  	(xrf0) =	vadd.scan.msk.s32 $0xffff, v5  }
0x505: {  	s30 =	simm.s32 $0xC860  }
0x506: {  	v7 =	vld [tilespmem:s30+$0x0];
	_ =	sdelay $0x3  }
0x507: {  	v8, _, _ =	vpop (xrf0)  }
0x508: {  	v5 =	vperm.xlane v7, v2;
	v11 =	vperm.xlane v8, v2  }
0x509: {  	s31 =	simm.s32 $0xC850  }
0x50a: {  	(xrf0) =	vadd.scan.msk.s32 $0xffff, v5;
	v5 =	vld [tilespmem:s31+$0x0];
	v8 =	vadd.s32 v4, v11  }
0x50b: {  	vm0 =	vgt.s32 v8, $0x63  }
0x50c: {  	v8 =	vmpcnt.ones.xlane vm0;
	_ =	sdelay $0x1  }
0x50d: {  	v9 =	vperm.xlane v11, v0  }
0x50e: {  	vm1 =	veq.s32 v4, $0x0;
	v14 =	vperm.xlane v5, v2  }
0x50f: {  	v9 =	vnsel vm1, $0x0, v9;
	v12 =	vadd.s32 $0xFFFFFFFF, v8;
	vm0 =	vgt.s32 v8, $0x0;
	v8, _, _ =	vpop (xrf0)  }
0x510: {  	vm0 =	vmand vm1, vm0;
	vm1 =	vgt.s32 v12, $0x0;
	v8 =	vperm.xlane v8, v2  }
0x511: {  	s28 =	simm.s32 $0xC840;
	v9 =	vadd.s32 v4, v9;
	v12 =	vnsel vm1, $0x0, v12;
	(xrf0) =	vadd.scan.msk.s32 $0xffff, v14  }
0x512: {  	v17 =	vperm.xlane v6, v12;
	v6 =	vld [tilespmem:s28+$0x0];
	v13 =	vadd.s32 v9, v8  }
0x513: {  	v10 =	vsel vm0, $0x1, v4;
	vm0 =	vmmov vm0;
	vm1 =	vgt.s32 v13, $0x63  }
0x514: {  	s26 =	simm.s32 $0x7E0;
	s25 =	simm.s32 $0x7D0;
	v13 =	vperm.xlane v11, v12;
	v11 =	vadd.s32 s23, v12;
	v15 =	vmpcnt.ones.xlane vm1  }
0x515: {  	s29 =	simm.s32 $0x7A0;
	s24 =	simm.s32 $0x7C0;
	v16 =	vperm.xlane v8, v0;
	v14 =	vsub.s32 v4, v17;
	s23 =	simm.s32 $0x7B0;
	v12 =	vmovc v9;
	v11 =	vsel vm0, v11, v4  }
.LBB2_16:
0x516: {  	p0 =	sne.s32 s29, $0x0;
	v17 =	vadd.s32 $0xFFFFFFFF, v15;
	vm1 =	vgt.s32 v15, $0x0;
	vm2 =	veq.s32 v10, $0x0  }
0x517: {  	v15 =	vperm.xlane v6, v2;
	v18, _, _ =	vpop (xrf0);
	vm1 =	vmand vm2, vm1;
	v19 =	vnsel vm2, $0x0, v16  }
0x518: {  	v16 =	vmovc v6;
	v18 =	vperm.xlane v18, v2;
	v10 =	vsel vm1, $0x1, v10;
	v9 =	vadd.s32 v9, v19  }
.Ltmp37:
0x519: {  	s28 =	sadd.s32 $0xFFFFFFF0, s28;
	v13 =	vadd.s32 v13, v14;
	vm2 =	vgt.s32 v17, $0x0;
	(xrf0) =	vadd.scan.msk.s32 $0xffff, v15;
	(pc) =	sbr.rel @p0 .LBB2_16-.Ltmp37, $4  }
0x51a: {  	v4 =	vsel vm0, v13, v4;
	v17 =	vnsel vm2, $0x0, v17;
	v6 =	vld [tilespmem:s28+$0x0];
	v14 =	vadd.s32 v9, v18  }
0x51b: {  	v13 =	vperm.xlane v8, v17;
	v8 =	vmovc v18;
	vm0 =	vgt.s32 v14, $0x63;
	v14 =	vperm.xlane v7, v17;
	v7 =	vmovc v5  }
0x51c: {  	v17 =	vadd.s32 s26, v17;
	v5 =	vmovc v16;
	s26 =	smov.u32 s25;
	s25 =	smov.u32 s24;
	s24 =	smov.u32 s23;
	v15 =	vmpcnt.ones.xlane vm0;
	vm0 =	vmmov vm1  }
0x51d: {  	v16 =	vperm.xlane v8, v0;
	s23 =	smov.u32 s29;
	s29 =	sadd.s32 $0xFFFFFFF0, s29;
	v11 =	vsel vm0, v17, v11;
	v14 =	vsub.s32 v12, v14;
	v12 =	vmovc v9  }
0x51e: {  	s28 =	sadd.s32 $0xFFFFFFF0, s28  }
0x51f: {  	vm1 =	vgt.s32 v15, $0x0;
	vm2 =	veq.s32 v10, $0x0;
	v44 =	vadd.s32 $0xFFFFFFFF, v15;
	v18 =	vld [tilespmem:s28+$0x0]  }
0x520: {  	v13 =	vadd.s32 v13, v14;
	v17 =	vperm.xlane v6, v2;
	vm1 =	vmand vm2, vm1  }
0x521: {  	v16 =	vnsel vm2, $0x0, v16;
	v19, _, _ =	vpop (xrf0);
	vm11 =	vgt.s32 v44, $0x0;
	v4 =	vsel vm0, v13, v4  }
0x522: {  	v45 =	vperm.xlane v19, v2;
	v46 =	vsel vm1, $0x1, v10;
	v47 =	vnsel vm11, $0x0, v44;
	(xrf0) =	vadd.scan.msk.s32 $0xffff, v17  }
0x523: {  	v9 =	vadd.s32 v9, v16;
	vm13 =	vmmov vm1;
	v7 =	vperm.xlane v7, v47  }
0x524: {  	v8 =	vperm.xlane v8, v47;
	v48 =	vadd.s32 v9, v45;
	v49 =	vperm.xlane v18, v2  }
0x525: {  	v14 =	vadd.s32 s26, v47;
	v50 =	vperm.xlane v45, v0;
	vm12 =	vgt.s32 v48, $0x63  }
0x526: {  	vm15 =	veq.s32 v46, $0x0;
	v7 =	vsub.s32 v12, v7;
	v15 =	vmpcnt.ones.xlane vm12;
	(xrf0) =	vadd.scan.msk.s32 $0xffff, v49  }
0x527: {  	v11 =	vsel vm13, v14, v11;
	v53 =	vnsel vm15, $0x0, v50;
	v7 =	vadd.s32 v8, v7  }
0x528: {  	v14 =	vadd.s32 v9, v53;
	v52 =	vadd.s32 $0xFFFFFFFF, v15;
	vm14 =	vgt.s32 v15, $0x0;
	v51, _, _ =	vpop (xrf0)  }
0x529: {  	vm1 =	vmand vm15, vm14;
	vm4 =	vgt.s32 v52, $0x0;
	v12 =	vperm.xlane v51, v2  }
0x52a: {  	v4 =	vsel vm13, v7, v4;
	v10 =	vsel vm1, $0x1, v46;
	v13 =	vnsel vm4, $0x0, v52  }
0x52b: {  	vm7 =	vmmov vm1;
	v5 =	vperm.xlane v5, v13;
	v7 =	vperm.xlane v12, v0  }
0x52c: {  	v55 =	vperm.xlane v45, v13;
	vm6 =	veq.s32 v10, $0x0;
	v54 =	vadd.s32 v14, v12;
	v56, _, _ =	vpop (xrf0)  }
0x52d: {  	vm5 =	vgt.s32 v54, $0x63;
	v7 =	vnsel vm6, $0x0, v7;
	v15 =	vperm.xlane v56, v2  }
0x52e: {  	v13 =	vadd.s32 s25, v13;
	v57 =	vmpcnt.ones.xlane vm5;
	v7 =	vadd.s32 v14, v7  }
0x52f: {  	v11 =	vsel vm7, v13, v11;
	v5 =	vsub.s32 v9, v5;
	v58 =	vadd.s32 v7, v15  }
0x530: {  	v5 =	vadd.s32 v55, v5;
	v16 =	vadd.s32 $0xFFFFFFFF, v57;
	vm9 =	vgt.s32 v58, $0x63  }
0x531: {  	vm8 =	vgt.s32 v57, $0x0;
	vm10 =	vgt.s32 v16, $0x0;
	v59 =	vmpcnt.ones.xlane vm9  }
0x532: {  	v4 =	vsel vm7, v5, v4;
	vm1 =	vmand vm6, vm8;
	v60 =	vnsel vm10, $0x0, v16  }
0x533: {  	v10 =	vsel vm1, $0x1, v10;
	v5 =	vperm.xlane v6, v60;
	v6 =	vadd.s32 $0xFFFFFFFF, v59  }
0x534: {  	vm11 =	vmmov vm1;
	v61 =	vadd.s32 s24, v60;
	vm12 =	vgt.s32 v6, $0x0  }
0x535: {  	v8 =	vperm.xlane v12, v60;
	vm14 =	veq.s32 v10, $0x0;
	v6 =	vnsel vm12, $0x0, v6  }
0x536: {  	v11 =	vsel vm11, v61, v11;
	v5 =	vsub.s32 v14, v5;
	v62 =	vperm.xlane v18, v6  }
0x537: {  	s24 =	simm.s32 $0xC0A0;
	vm13 =	vgt.s32 v59, $0x0;
	v5 =	vadd.s32 v8, v5;
	v63 =	vperm.xlane v15, v6  }
0x538: {  	[tilespmem:s24+$0xFFFFFFE0] =	vst v0;
	vm1 =	vmand vm14, vm13;
	v4 =	vsel vm11, v5, v4;
	v5 =	vsub.s32 v7, v62  }
0x539: {  	[tilespmem:s24+$0x10] =	vst v0;
	vm15 =	vmmov vm1;
	v6 =	vadd.s32 s23, v6;
	v7 =	vadd.s32 v63, v5  }
0x53a: {  	[tilespmem:s24+$0x0] =	vst v0;
	s23 =	simm.s32 $0x0;
	v5 =	vsel vm15, v6, v11;
	v4 =	vsel vm15, v7, v4  }
.LBB2_18:
0x53b: {  	s23 =	sadd.s32 $0x4, s23  }
0x53c: {  	[tilespmem:s24+$0xFFFFFFF0] =	vst v0;
	s24 =	sadd.s32 $0x40, s24;
	p0 =	slt.u32 s23, $0x7C  }
.Ltmp38:
0x53d: {  	[tilespmem:s24+$0xFFFFFFE0] =	vst v0;
	(pc) =	sbr.rel @p0 .LBB2_18-.Ltmp38, $3  }
0x53e: {  	_ =	sdelay $0x1  }
0x53f: {  	[tilespmem:s24+$0x10] =	vst v0  }
0x540: {  	[tilespmem:s24+$0x0] =	vst v0  }
0x541: {  	[tilespmem:s24+$0xFFFFFFF0] =	vst v0;
	s23 =	simm.s32 $0x40  }
0x542: {  	v6 =	vld [tilespmem:s23+$0x30]  }
0x543: {  	v7 =	vld [tilespmem:s23+$0xFFFFFFD0]  }
0x544: {  	v8 =	vld [tilespmem:s23+$0xFFFFFFE0]  }
0x545: {  	v9 =	vld [tilespmem:s23+$0xFFFFFFF0]  }
0x546: {  	v10 =	vld [tilespmem:s23+$0x0]  }
0x547: {  	v11 =	vld [tilespmem:s23+$0x10]  }
0x548: {  	v14 =	vld [tilespmem:s23+$0x20];
	_ =	sdelay $0x1  }
0x549: {  	v5 =	vadd.s32 $0xFFFFFC00, v5;
	vm0 =	vlt.s32 v6, $0x0;
	v12 =	vxor.u32 $0x7FFFFFFF, v6  }
0x54a: {  	vm1 =	vlt.s32 v7, $0x0;
	v13 =	vxor.u32 $0x7FFFFFFF, v7;
	vm14 =	vlt.s32 v8, $0x0  }
0x54b: {  	v15 =	vxor.u32 $0x7FFFFFFF, v8;
	vm2 =	vlt.s32 v9, $0x0;
	vm4 =	vlt.s32 v10, $0x0  }
0x54c: {  	vm5 =	vlt.s32 v11, $0x0;
	v17 =	vxor.u32 $0x7FFFFFFF, v11;
	vm15 =	vlt.s32 v14, $0x0  }
0x54d: {  	v6 =	vsel vm0, v12, v6;
	v13 =	vsel vm1, v13, v7;
	v7 =	vxor.u32 $0x7FFFFFFF, v14  }
0x54e: {  	v15 =	vsel vm14, v15, v8;
	v22 =	vsel vm5, v17, v11;
	v16 =	vshra.s32 v6, $0x15  }
0x54f: {  	v12 =	vld [tilespmem:s23+$0xFFFFFFC0];
	v6 =	vshrl.u32 v6, $0xA;
	v11 =	vshra.s32 v15, $0x15;
	v8 =	vshra.s32 v22, $0x15  }
0x550: {  	v17 =	vshrl.u32 v13, $0xA;
	v15 =	vshrl.u32 v15, $0xA;
	vm3 =	veq.s32 v16, v5  }
0x551: {  	v16 =	vxor.u32 $0x7FFFFFFF, v9;
	v18 =	vand.u32 $0x7FF, v6;
	v6 =	vxor.u32 $0x7FFFFFFF, v10  }
0x552: {  	v20 =	vsel vm2, v16, v9;
	v21 =	vsel vm4, v6, v10;
	v6 =	vsel vm15, v7, v14  }
0x553: {  	v16 =	vshra.s32 v13, $0x15;
	v13 =	vshrl.u32 v22, $0xA;
	v10 =	vshra.s32 v20, $0x15  }
0x554: {  	v7 =	vshra.s32 v6, $0x15;
	vm6 =	vlt.s32 v12, $0x0;
	v19 =	vxor.u32 $0x7FFFFFFF, v12  }
0x555: {  	v14 =	vshrl.u32 v21, $0xA;
	v19 =	vsel vm6, v19, v12;
	v12 =	vshra.s32 v21, $0x15  }
0x556: {  	s24 =	simm.s32 $0xC0;
	s23 =	simm.s32 $0x0;
	v9 =	vshra.s32 v19, $0x15;
	v19 =	vshrl.u32 v19, $0xA;
	[tilespmem:v18+s12+$0x0] =	vst.idx.add.s32.msk vm3, v1;
	v18 =	vshrl.u32 v20, $0xA  }
.LBB2_20:
0x557: {  	v20 =	vld [tilespmem:s24+$0x30];
	s23 =	sadd.s32 $0x8, s23;
	vm6 =	veq.s32 v9, v5;
	vm4 =	veq.s32 v16, v5;
	v6 =	vshrl.u32 v6, $0xA  }
0x558: {  	vm5 =	veq.s32 v11, v5;
	vm3 =	veq.s32 v10, v5;
	vm2 =	veq.s32 v12, v5;
	v9 =	vld [tilespmem:s24+$0xFFFFFFD0];
	p0 =	slt.u32 s23, $0x3F8  }
0x559: {  	v11 =	vand.u32 $0x7FF, v19;
	vm1 =	veq.s32 v8, v5;
	vm0 =	veq.s32 v7, v5;
	v10 =	vld [tilespmem:s24+$0xFFFFFFE0]  }
0x55a: {  	v8 =	vand.u32 $0x7FF, v17;
	v12 =	vand.u32 $0x7FF, v15;
	v15 =	vand.u32 $0x7FF, v18;
	v7 =	vld [tilespmem:s24+$0xFFFFFFF0]  }
0x55b: {  	v14 =	vand.u32 $0x7FF, v14;
	v13 =	vand.u32 $0x7FF, v13;
	v17 =	vand.u32 $0x7FF, v6;
	v16 =	vld [tilespmem:s24+$0x0]  }
0x55c: {  	v6 =	vld [tilespmem:s24+$0x10];
	vm7 =	vlt.s32 v20, $0x0;
	v18 =	vxor.u32 $0x7FFFFFFF, v20  }
0x55d: {  	vm8 =	vlt.s32 v9, $0x0;
	v19 =	vxor.u32 $0x7FFFFFFF, v9;
	v21 =	vld [tilespmem:s24+$0x20];
	v18 =	vsel vm7, v18, v20  }
0x55e: {  	v20 =	vld [tilespmem:s24+$0xFFFFFFC0];
	vm7 =	vlt.s32 v10, $0x0;
	v22 =	vxor.u32 $0x7FFFFFFF, v10;
	v23 =	vshra.s32 v18, $0x15  }
0x55f: {  	v18 =	vshrl.u32 v18, $0xA;
	vm9 =	vlt.s32 v7, $0x0;
	vm10 =	veq.s32 v23, v5;
	[tilespmem:v11+s12+$0x0] =	vst.idx.add.s32.msk vm6, v1  }
0x560: {  	v11 =	vxor.u32 $0x7FFFFFFF, v7;
	v18 =	vand.u32 $0x7FF, v18;
	vm6 =	vlt.s32 v16, $0x0;
	[tilespmem:v8+s12+$0x0] =	vst.idx.add.s32.msk vm4, v1  }
0x561: {  	v8 =	vxor.u32 $0x7FFFFFFF, v16;
	vm4 =	vlt.s32 v6, $0x0;
	v23 =	vxor.u32 $0x7FFFFFFF, v6;
	[tilespmem:v12+s12+$0x0] =	vst.idx.add.s32.msk vm5, v1  }
0x562: {  	v24 =	vsel vm8, v19, v9;
	vm5 =	vlt.s32 v21, $0x0;
	v12 =	vxor.u32 $0x7FFFFFFF, v21;
	[tilespmem:v15+s12+$0x0] =	vst.idx.add.s32.msk vm3, v1  }
0x563: {  	v15 =	vsel vm7, v22, v10;
	vm3 =	vlt.s32 v20, $0x0;
	v9 =	vxor.u32 $0x7FFFFFFF, v20;
	[tilespmem:v14+s12+$0x0] =	vst.idx.add.s32.msk vm2, v1  }
0x564: {  	v22 =	vsel vm6, v8, v16;
	v14 =	vsel vm3, v9, v20;
	v20 =	vsel vm9, v11, v7  }
.Ltmp39:
0x565: {  	v23 =	vsel vm4, v23, v6;
	v6 =	vsel vm5, v12, v21;
	v9 =	vshra.s32 v14, $0x15;
	[tilespmem:v18+s12+$0x0] =	vst.idx.add.s32.msk vm10, v1;
	(pc) =	sbr.rel @p0 .LBB2_20-.Ltmp39, $4  }
0x566: {  	v16 =	vshra.s32 v24, $0x15;
	v11 =	vshra.s32 v15, $0x15;
	v10 =	vshra.s32 v20, $0x15;
	[tilespmem:v13+s12+$0x0] =	vst.idx.add.s32.msk vm1, v1  }
0x567: {  	v12 =	vshra.s32 v22, $0x15;
	v8 =	vshra.s32 v23, $0x15;
	v7 =	vshra.s32 v6, $0x15;
	[tilespmem:v17+s12+$0x0] =	vst.idx.add.s32.msk vm0, v1  }
0x568: {  	v15 =	vshrl.u32 v15, $0xA;
	v19 =	vshrl.u32 v14, $0xA;
	v17 =	vshrl.u32 v24, $0xA  }
0x569: {  	s24 =	sadd.s32 $0x80, s24;
	v18 =	vshrl.u32 v20, $0xA;
	v14 =	vshrl.u32 v22, $0xA;
	v13 =	vshrl.u32 v23, $0xA  }
0x56a: {  	vm0 =	veq.s32 v9, v5  }
0x56b: {  	vm1 =	veq.s32 v16, v5;
	v9 =	vand.u32 $0x7FF, v19  }
0x56c: {  	vm2 =	veq.s32 v11, v5;
	v11 =	vand.u32 $0x7FF, v17  }
0x56d: {  	vm3 =	veq.s32 v10, v5;
	v10 =	vand.u32 $0x7FF, v15  }
0x56e: {  	vm4 =	veq.s32 v12, v5;
	v12 =	vand.u32 $0x7FF, v18  }
0x56f: {  	vm5 =	veq.s32 v8, v5;
	v8 =	vand.u32 $0x7FF, v14  }
0x570: {  	v6 =	vshrl.u32 v6, $0xA;
	vm6 =	veq.s32 v7, v5;
	v7 =	vand.u32 $0x7FF, v13;
	[tilespmem:v9+s12+$0x0] =	vst.idx.add.s32.msk vm0, v1  }
0x571: {  	v6 =	vand.u32 $0x7FF, v6;
	[tilespmem:v11+s12+$0x0] =	vst.idx.add.s32.msk vm1, v1  }
0x572: {  	[tilespmem:v10+s12+$0x0] =	vst.idx.add.s32.msk vm2, v1  }
0x573: {  	[tilespmem:v12+s12+$0x0] =	vst.idx.add.s32.msk vm3, v1  }
0x574: {  	[tilespmem:v8+s12+$0x0] =	vst.idx.add.s32.msk vm4, v1  }
0x575: {  	[tilespmem:v7+s12+$0x0] =	vst.idx.add.s32.msk vm5, v1  }
0x576: {  	s23 =	simm.s32 $0xC870;
	[tilespmem:v6+s12+$0x0] =	vst.idx.add.s32.msk vm6, v1  }
0x577: {  	v7 =	vld [tilespmem:s23+$0x0];
	_ =	sdelay $0x4  }
0x578: {  	v6 =	vperm.xlane v7, v2;
	_ =	sdelay $0x1  }
0x579: {  	(xrf0) =	vadd.scan.msk.s32 $0xffff, v6  }
0x57a: {  	s26 =	simm.s32 $0xC860  }
0x57b: {  	v8 =	vld [tilespmem:s26+$0x0];
	_ =	sdelay $0x3  }
0x57c: {  	v9, _, _ =	vpop (xrf0)  }
0x57d: {  	v6 =	vperm.xlane v8, v2;
	v13 =	vperm.xlane v9, v2  }
0x57e: {  	s30 =	simm.s32 $0xC850;
	v9 =	vimm.s32 $0x0  }
0x57f: {  	v4 =	vsub.s32 $0x64, v4;
	(xrf0) =	vadd.scan.msk.s32 $0xffff, v6;
	v6 =	vld [tilespmem:s30+$0x0];
	v10 =	vadd.s32 v9, v13  }
0x580: {  	vm0 =	vge.s32 v10, v4  }
0x581: {  	v10 =	vmpcnt.ones.xlane vm0;
	_ =	sdelay $0x1  }
0x582: {  	v11 =	vperm.xlane v13, v0  }
0x583: {  	vm1 =	veq.s32 v9, $0x0;
	v16 =	vperm.xlane v6, v2  }
0x584: {  	v11 =	vnsel vm1, $0x0, v11;
	v14 =	vadd.s32 $0xFFFFFFFF, v10;
	vm0 =	vgt.s32 v10, $0x0;
	v10, _, _ =	vpop (xrf0)  }
0x585: {  	vm0 =	vmand vm1, vm0;
	vm1 =	vgt.s32 v14, $0x0;
	v10 =	vperm.xlane v10, v2  }
0x586: {  	s28 =	simm.s32 $0xC840;
	v11 =	vadd.s32 v9, v11;
	v14 =	vnsel vm1, $0x0, v14;
	(xrf0) =	vadd.scan.msk.s32 $0xffff, v16  }
0x587: {  	v19 =	vperm.xlane v7, v14;
	v7 =	vld [tilespmem:s28+$0x0];
	v15 =	vadd.s32 v11, v10  }
0x588: {  	s31 =	simm.s32 $0x7F0;
	v12 =	vsel vm0, $0x1, v9;
	vm0 =	vmmov vm0;
	vm1 =	vge.s32 v15, v4  }
0x589: {  	s25 =	simm.s32 $0x7D0;
	s24 =	simm.s32 $0x7C0;
	v15 =	vperm.xlane v13, v14;
	v13 =	vadd.s32 s31, v14;
	v17 =	vmpcnt.ones.xlane vm1  }
0x58a: {  	s29 =	simm.s32 $0x7A0;
	s26 =	simm.s32 $0x7E0;
	s23 =	simm.s32 $0x7B0;
	v18 =	vperm.xlane v10, v0;
	v16 =	vsub.s32 v9, v19;
	v14 =	vmovc v11;
	v13 =	vsel vm0, v13, v9  }
.LBB2_22:
0x58b: {  	p0 =	sne.s32 s29, $0x0;
	v19 =	vadd.s32 $0xFFFFFFFF, v17;
	vm1 =	vgt.s32 v17, $0x0;
	vm2 =	veq.s32 v12, $0x0  }
0x58c: {  	v17 =	vperm.xlane v7, v2;
	v20, _, _ =	vpop (xrf0);
	vm1 =	vmand vm2, vm1;
	v21 =	vnsel vm2, $0x0, v18  }
0x58d: {  	v18 =	vmovc v7;
	v20 =	vperm.xlane v20, v2;
	v12 =	vsel vm1, $0x1, v12;
	v11 =	vadd.s32 v11, v21  }
.Ltmp40:
0x58e: {  	s28 =	sadd.s32 $0xFFFFFFF0, s28;
	v15 =	vadd.s32 v15, v16;
	vm2 =	vgt.s32 v19, $0x0;
	(xrf0) =	vadd.scan.msk.s32 $0xffff, v17;
	(pc) =	sbr.rel @p0 .LBB2_22-.Ltmp40, $4  }
0x58f: {  	v9 =	vsel vm0, v15, v9;
	v19 =	vnsel vm2, $0x0, v19;
	v7 =	vld [tilespmem:s28+$0x0];
	v16 =	vadd.s32 v11, v20  }
0x590: {  	v15 =	vperm.xlane v10, v19;
	v10 =	vmovc v20;
	vm0 =	vge.s32 v16, v4;
	v16 =	vperm.xlane v8, v19  }
0x591: {  	v19 =	vadd.s32 s26, v19;
	v8 =	vmovc v6;
	v6 =	vmovc v18;
	s26 =	smov.u32 s25;
	s25 =	smov.u32 s24;
	s24 =	smov.u32 s23;
	v17 =	vmpcnt.ones.xlane vm0;
	vm0 =	vmmov vm1  }
0x592: {  	v18 =	vperm.xlane v10, v0;
	s23 =	smov.u32 s29;
	s29 =	sadd.s32 $0xFFFFFFF0, s29;
	v13 =	vsel vm0, v19, v13;
	v16 =	vsub.s32 v14, v16;
	v14 =	vmovc v11  }
0x593: {  	s28 =	sadd.s32 $0xFFFFFFF0, s28  }
0x594: {  	vm1 =	vgt.s32 v17, $0x0;
	vm2 =	veq.s32 v12, $0x0;
	v43 =	vadd.s32 $0xFFFFFFFF, v17;
	v20 =	vld [tilespmem:s28+$0x0]  }
0x595: {  	v15 =	vadd.s32 v15, v16;
	v19 =	vperm.xlane v7, v2;
	vm1 =	vmand vm2, vm1  }
0x596: {  	v18 =	vnsel vm2, $0x0, v18;
	v21, _, _ =	vpop (xrf0);
	vm11 =	vgt.s32 v43, $0x0;
	v9 =	vsel vm0, v15, v9  }
0x597: {  	v44 =	vperm.xlane v21, v2;
	v45 =	vsel vm1, $0x1, v12;
	v46 =	vnsel vm11, $0x0, v43;
	(xrf0) =	vadd.scan.msk.s32 $0xffff, v19  }
0x598: {  	v11 =	vadd.s32 v11, v18;
	vm13 =	vmmov vm1;
	v8 =	vperm.xlane v8, v46  }
0x599: {  	v10 =	vperm.xlane v10, v46;
	v47 =	vadd.s32 v11, v44;
	v48 =	vperm.xlane v20, v2  }
0x59a: {  	v16 =	vadd.s32 s26, v46;
	v49 =	vperm.xlane v44, v0;
	vm12 =	vge.s32 v47, v4  }
0x59b: {  	vm15 =	veq.s32 v45, $0x0;
	v8 =	vsub.s32 v14, v8;
	v17 =	vmpcnt.ones.xlane vm12;
	(xrf0) =	vadd.scan.msk.s32 $0xffff, v48  }
0x59c: {  	v13 =	vsel vm13, v16, v13;
	v52 =	vnsel vm15, $0x0, v49;
	v8 =	vadd.s32 v10, v8  }
0x59d: {  	v16 =	vadd.s32 v11, v52;
	v51 =	vadd.s32 $0xFFFFFFFF, v17;
	vm14 =	vgt.s32 v17, $0x0;
	v50, _, _ =	vpop (xrf0)  }
0x59e: {  	vm1 =	vmand vm15, vm14;
	vm4 =	vgt.s32 v51, $0x0;
	v14 =	vperm.xlane v50, v2  }
0x59f: {  	v8 =	vsel vm13, v8, v9;
	v12 =	vsel vm1, $0x1, v45;
	v15 =	vnsel vm4, $0x0, v51  }
0x5a0: {  	vm7 =	vmmov vm1;
	v6 =	vperm.xlane v6, v15;
	v54 =	vperm.xlane v14, v0  }
0x5a1: {  	v55 =	vperm.xlane v44, v15;
	vm6 =	veq.s32 v12, $0x0;
	v53 =	vadd.s32 v16, v14;
	v56, _, _ =	vpop (xrf0)  }
0x5a2: {  	vm5 =	vge.s32 v53, v4;
	v9 =	vnsel vm6, $0x0, v54;
	v17 =	vperm.xlane v56, v2  }
0x5a3: {  	v15 =	vadd.s32 s25, v15;
	v57 =	vmpcnt.ones.xlane vm5;
	v9 =	vadd.s32 v16, v9  }
0x5a4: {  	v13 =	vsel vm7, v15, v13;
	v6 =	vsub.s32 v11, v6;
	v58 =	vadd.s32 v9, v17  }
0x5a5: {  	v6 =	vadd.s32 v55, v6;
	vm8 =	vgt.s32 v57, $0x0;
	vm9 =	vge.s32 v58, v4  }
0x5a6: {  	v18 =	vadd.s32 $0xFFFFFFFF, v57;
	vm1 =	vmand vm6, vm8;
	v59 =	vmpcnt.ones.xlane vm9  }
0x5a7: {  	v6 =	vsel vm7, v6, v8;
	vm10 =	vgt.s32 v18, $0x0;
	v12 =	vsel vm1, $0x1, v12  }
0x5a8: {  	v60 =	vnsel vm10, $0x0, v18;
	vm11 =	vmmov vm1;
	v8 =	vadd.s32 $0xFFFFFFFF, v59  }
0x5a9: {  	v7 =	vperm.xlane v7, v60;
	v61 =	vadd.s32 s24, v60;
	vm12 =	vgt.s32 v8, $0x0  }
0x5aa: {  	v10 =	vperm.xlane v14, v60;
	vm14 =	veq.s32 v12, $0x0;
	v8 =	vnsel vm12, $0x0, v8  }
0x5ab: {  	v13 =	vsel vm11, v61, v13;
	v7 =	vsub.s32 v16, v7;
	v62 =	vperm.xlane v20, v8  }
0x5ac: {  	s24 =	simm.s32 $0xC0A0;
	vm13 =	vgt.s32 v59, $0x0;
	v7 =	vadd.s32 v10, v7;
	v63 =	vperm.xlane v17, v8  }
0x5ad: {  	[tilespmem:s24+$0xFFFFFFE0] =	vst v0;
	vm1 =	vmand vm14, vm13;
	v6 =	vsel vm11, v7, v6;
	v7 =	vsub.s32 v9, v62  }
0x5ae: {  	[tilespmem:s24+$0x10] =	vst v0;
	vm15 =	vmmov vm1;
	v8 =	vadd.s32 s23, v8;
	v9 =	vadd.s32 v63, v7  }
0x5af: {  	[tilespmem:s24+$0x0] =	vst v0;
	s23 =	simm.s32 $0x0;
	v7 =	vsel vm15, v8, v13;
	v6 =	vsel vm15, v9, v6  }
.LBB2_24:
0x5b0: {  	s23 =	sadd.s32 $0x4, s23  }
0x5b1: {  	[tilespmem:s24+$0xFFFFFFF0] =	vst v0;
	s24 =	sadd.s32 $0x40, s24;
	p0 =	slt.u32 s23, $0x3C  }
.Ltmp41:
0x5b2: {  	[tilespmem:s24+$0xFFFFFFE0] =	vst v0;
	(pc) =	sbr.rel @p0 .LBB2_24-.Ltmp41, $3  }
0x5b3: {  	_ =	sdelay $0x1  }
0x5b4: {  	[tilespmem:s24+$0x10] =	vst v0  }
0x5b5: {  	[tilespmem:s24+$0x0] =	vst v0  }
0x5b6: {  	[tilespmem:s24+$0xFFFFFFF0] =	vst v0;
	s23 =	simm.s32 $0x40  }
0x5b7: {  	v8 =	vld [tilespmem:s23+$0x20]  }
0x5b8: {  	v9 =	vld [tilespmem:s23+$0xFFFFFFC0]  }
0x5b9: {  	v10 =	vld [tilespmem:s23+$0x30]  }
0x5ba: {  	v12 =	vld [tilespmem:s23+$0xFFFFFFD0]  }
0x5bb: {  	v15 =	vld [tilespmem:s23+$0x0]  }
0x5bc: {  	s31 =	simm.s32 $0xC0;
	v17 =	vld [tilespmem:s23+$0xFFFFFFE0]  }
0x5bd: {  	v20 =	vld [tilespmem:s31+$0x10]  }
0x5be: {  	v5 =	vshll.u32 v5, $0xB;
	v11 =	vld [tilespmem:s23+$0x10]  }
0x5bf: {  	v5 =	vor.u32 v5, v7;
	v7 =	vld [tilespmem:s23+$0xFFFFFFF0];
	vm0 =	vlt.s32 v8, $0x0  }
0x5c0: {  	vm1 =	vlt.s32 v9, $0x0;
	v13 =	vxor.u32 $0x7FFFFFFF, v9;
	v14 =	vxor.u32 $0x7FFFFFFF, v8  }
0x5c1: {  	vm2 =	vlt.s32 v10, $0x0;
	vm3 =	vlt.s32 v12, $0x0;
	v16 =	vxor.u32 $0x7FFFFFFF, v12  }
0x5c2: {  	vm5 =	vlt.s32 v15, $0x0;
	vm7 =	vlt.s32 v17, $0x0;
	v24 =	vxor.u32 $0x7FFFFFFF, v20  }
0x5c3: {  	v9 =	vsel vm1, v13, v9;
	vm1 =	vlt.s32 v11, $0x0;
	v13 =	vxor.u32 $0x7FFFFFFF, v11  }
0x5c4: {  	v8 =	vsel vm0, v14, v8;
	v14 =	vxor.u32 $0x7FFFFFFF, v10;
	vm0 =	vlt.s32 v7, $0x0  }
0x5c5: {  	v12 =	vsel vm3, v16, v12;
	v11 =	vsel vm1, v13, v11;
	v10 =	vsel vm2, v14, v10  }
0x5c6: {  	v13 =	vxor.u32 $0x7FFFFFFF, v7;
	v18 =	vand.u32 $0x3FF, v8;
	v19 =	vand.u32 $0x3FF, v9  }
0x5c7: {  	v14 =	vshra.s32 v10, $0xA;
	v7 =	vsel vm0, v13, v7;
	v13 =	vshra.s32 v9, $0xA  }
0x5c8: {  	v22 =	vld [tilespmem:s31+$0xFFFFFFD0];
	v10 =	vand.u32 $0x3FF, v10;
	v16 =	vshra.s32 v11, $0xA;
	v11 =	vand.u32 $0x3FF, v11  }
0x5c9: {  	vm4 =	veq.s32 v14, v5;
	v14 =	vshra.s32 v8, $0xA;
	vm0 =	veq.s32 v13, v5;
	v8 =	vld [tilespmem:s31+$0xFFFFFFC0]  }
0x5ca: {  	v13 =	vshra.s32 v7, $0xA;
	vm6 =	veq.s32 v16, v5;
	v16 =	vld [tilespmem:s31+$0x30];
	vm2 =	veq.s32 v14, v5  }
0x5cb: {  	v14 =	vld [tilespmem:s31+$0x20];
	vm3 =	veq.s32 v13, v5;
	v13 =	vand.u32 $0x3FF, v7;
	v7 =	vxor.u32 $0x7FFFFFFF, v15  }
0x5cc: {  	v9 =	vshra.s32 v12, $0xA;
	v12 =	vand.u32 $0x3FF, v12;
	v7 =	vsel vm5, v7, v15  }
0x5cd: {  	vm1 =	veq.s32 v9, v5;
	v9 =	vxor.u32 $0x7FFFFFFF, v17;
	v15 =	vshra.s32 v7, $0xA  }
0x5ce: {  	v21 =	vand.u32 $0x3FF, v7;
	v7 =	vsel vm7, v9, v17;
	vm5 =	veq.s32 v15, v5;
	v15 =	vld [tilespmem:s31+$0xFFFFFFF0]  }
0x5cf: {  	v63 =	vxor.u32 $0x7FFFFFFF, v22;
	v17 =	vshra.s32 v7, $0xA;
	v9 =	vand.u32 $0x3FF, v7;
	[tilespmem:v10+s12+$0x0] =	vst.idx.add.s32.msk vm4, v1  }
0x5d0: {  	vm7 =	vlt.s32 v8, $0x0;
	vm8 =	vlt.s32 v16, $0x0;
	vm4 =	vlt.s32 v14, $0x0;
	[tilespmem:v11+s12+$0x0] =	vst.idx.add.s32.msk vm6, v1  }
0x5d1: {  	v10 =	vxor.u32 $0x7FFFFFFF, v8;
	v23 =	vxor.u32 $0x7FFFFFFF, v14;
	vm6 =	vlt.s32 v20, $0x0;
	[tilespmem:v13+s12+$0x0] =	vst.idx.add.s32.msk vm3, v1  }
0x5d2: {  	v7 =	vsel vm7, v10, v8;
	v10 =	vld [tilespmem:s31+$0x0];
	v11 =	vsel vm4, v23, v14;
	vm3 =	veq.s32 v17, v5  }
0x5d3: {  	[tilespmem:v12+s12+$0x0] =	vst.idx.add.s32.msk vm1, v1;
	v14 =	vxor.u32 $0x7FFFFFFF, v16;
	vm4 =	vlt.s32 v22, $0x0;
	v13 =	vsel vm6, v24, v20  }
0x5d4: {  	[tilespmem:v19+s12+$0x0] =	vst.idx.add.s32.msk vm0, v1;
	v17 =	vsel vm8, v14, v16;
	vm6 =	vlt.s32 v15, $0x0;
	v14 =	vxor.u32 $0x7FFFFFFF, v15  }
0x5d5: {  	v8 =	vld [tilespmem:s31+$0xFFFFFFE0];
	v16 =	vshra.s32 v17, $0xA;
	v12 =	vand.u32 $0x3FF, v17;
	v14 =	vsel vm6, v14, v15  }
0x5d6: {  	[tilespmem:v18+s12+$0x0] =	vst.idx.add.s32.msk vm2, v1;
	vm1 =	veq.s32 v16, v5;
	v15 =	vshra.s32 v7, $0xA;
	v16 =	vshra.s32 v11, $0xA  }
0x5d7: {  	s24 =	simm.s32 $0x140;
	s23 =	simm.s32 $0x8;
	[tilespmem:v21+s12+$0x0] =	vst.idx.add.s32.msk vm5, v1;
	vm0 =	veq.s32 v15, v5;
	v15 =	vsel vm4, v63, v22;
	vm5 =	vlt.s32 v10, $0x0  }
.LBB2_26:
0x5d8: {  	s23 =	sadd.s32 $0x8, s23;
	v17 =	vshra.s32 v14, $0xA;
	v18 =	vshra.s32 v13, $0xA;
	vm2 =	veq.s32 v16, v5;
	[tilespmem:v9+s12+$0x0] =	vst.idx.add.s32.msk vm3, v1  }
0x5d9: {  	v16 =	vld [tilespmem:s24+$0x20];
	p0 =	slt.u32 s23, $0x3F8;
	vm3 =	veq.s32 v17, v5;
	vm6 =	veq.s32 v18, v5;
	v17 =	vand.u32 $0x3FF, v11  }
0x5da: {  	v13 =	vand.u32 $0x3FF, v13;
	v18 =	vand.u32 $0x3FF, v7;
	v7 =	vshra.s32 v15, $0xA;
	v11 =	vld [tilespmem:s24+$0xFFFFFFC0]  }
0x5db: {  	v14 =	vand.u32 $0x3FF, v14;
	vm4 =	veq.s32 v7, v5;
	v7 =	vxor.u32 $0x7FFFFFFF, v10;
	v19 =	vld [tilespmem:s24+$0x30]  }
0x5dc: {  	vm7 =	vlt.s32 v8, $0x0;
	v15 =	vand.u32 $0x3FF, v15;
	v7 =	vsel vm5, v7, v10;
	v20 =	vld [tilespmem:s24+$0x10]  }
0x5dd: {  	v9 =	vxor.u32 $0x7FFFFFFF, v8;
	v10 =	vshra.s32 v7, $0xA;
	v21 =	vand.u32 $0x3FF, v7;
	[tilespmem:v12+s12+$0x0] =	vst.idx.add.s32.msk vm1, v1  }
0x5de: {  	v7 =	vsel vm7, v9, v8;
	vm5 =	veq.s32 v10, v5;
	v22 =	vld [tilespmem:s24+$0xFFFFFFD0];
	vm1 =	vlt.s32 v16, $0x0  }
0x5df: {  	v23 =	vshra.s32 v7, $0xA;
	vm7 =	vlt.s32 v11, $0x0;
	v8 =	vxor.u32 $0x7FFFFFFF, v11;
	v12 =	vld [tilespmem:s24+$0xFFFFFFF0]  }
0x5e0: {  	v9 =	vand.u32 $0x3FF, v7;
	v24 =	vxor.u32 $0x7FFFFFFF, v16;
	vm8 =	vlt.s32 v19, $0x0;
	[tilespmem:v13+s12+$0x0] =	vst.idx.add.s32.msk vm6, v1  }
0x5e1: {  	v7 =	vsel vm7, v8, v11;
	vm6 =	vlt.s32 v20, $0x0;
	v13 =	vxor.u32 $0x7FFFFFFF, v20;
	[tilespmem:v14+s12+$0x0] =	vst.idx.add.s32.msk vm3, v1  }
0x5e2: {  	v11 =	vsel vm1, v24, v16;
	v14 =	vxor.u32 $0x7FFFFFFF, v19;
	vm3 =	veq.s32 v23, v5;
	v10 =	vld [tilespmem:s24+$0x0]  }
.Ltmp42:
0x5e3: {  	v13 =	vsel vm6, v13, v20;
	v19 =	vsel vm8, v14, v19;
	vm7 =	vlt.s32 v22, $0x0;
	v8 =	vld [tilespmem:s24+$0xFFFFFFE0];
	(pc) =	sbr.rel @p0 .LBB2_26-.Ltmp42, $4  }
0x5e4: {  	v16 =	vshra.s32 v19, $0xA;
	vm1 =	vlt.s32 v12, $0x0;
	v14 =	vxor.u32 $0x7FFFFFFF, v12;
	[tilespmem:v15+s12+$0x0] =	vst.idx.add.s32.msk vm4, v1  }
0x5e5: {  	v15 =	vxor.u32 $0x7FFFFFFF, v22;
	v14 =	vsel vm1, v14, v12;
	vm1 =	veq.s32 v16, v5;
	[tilespmem:v21+s12+$0x0] =	vst.idx.add.s32.msk vm5, v1  }
0x5e6: {  	v20 =	vshra.s32 v7, $0xA;
	v16 =	vshra.s32 v11, $0xA;
	v12 =	vand.u32 $0x3FF, v19;
	[tilespmem:v18+s12+$0x0] =	vst.idx.add.s32.msk vm0, v1  }
0x5e7: {  	s24 =	sadd.s32 $0x80, s24;
	v15 =	vsel vm7, v15, v22;
	vm0 =	veq.s32 v20, v5;
	vm5 =	vlt.s32 v10, $0x0;
	[tilespmem:v17+s12+$0x0] =	vst.idx.add.s32.msk vm2, v1  }
0x5e8: {  	_ =	sdelay $0x3  }
0x5e9: {  	v17 =	vshra.s32 v14, $0xA;
	v18 =	vshra.s32 v13, $0xA;
	v13 =	vand.u32 $0x3FF, v13  }
0x5ea: {  	v14 =	vand.u32 $0x3FF, v14;
	vm15 =	vlt.s32 v8, $0x0;
	[tilespmem:v9+s12+$0x0] =	vst.idx.add.s32.msk vm3, v1;
	vm3 =	veq.s32 v16, v5  }
0x5eb: {  	v7 =	vand.u32 $0x3FF, v7;
	v11 =	vand.u32 $0x3FF, v11;
	vm2 =	veq.s32 v17, v5  }
0x5ec: {  	vm4 =	veq.s32 v18, v5;
	v17 =	vshra.s32 v15, $0xA;
	v18 =	vxor.u32 $0x7FFFFFFF, v10  }
0x5ed: {  	v15 =	vand.u32 $0x3FF, v15;
	v10 =	vsel vm5, v18, v10;
	v18 =	vxor.u32 $0x7FFFFFFF, v8  }
0x5ee: {  	vm6 =	veq.s32 v17, v5;
	v17 =	vshra.s32 v10, $0xA;
	v8 =	vsel vm15, v18, v8  }
0x5ef: {  	[tilespmem:v12+s12+$0x0] =	vst.idx.add.s32.msk vm1, v1;
	v9 =	vand.u32 $0x3FF, v10;
	vm7 =	veq.s32 v17, v5;
	v10 =	vshra.s32 v8, $0xA  }
0x5f0: {  	vm1 =	veq.s32 v10, v5;
	[tilespmem:v7+s12+$0x0] =	vst.idx.add.s32.msk vm0, v1  }
0x5f1: {  	v8 =	vand.u32 $0x3FF, v8;
	[tilespmem:v11+s12+$0x0] =	vst.idx.add.s32.msk vm3, v1  }
0x5f2: {  	[tilespmem:v13+s12+$0x0] =	vst.idx.add.s32.msk vm4, v1  }
0x5f3: {  	[tilespmem:v14+s12+$0x0] =	vst.idx.add.s32.msk vm2, v1  }
0x5f4: {  	[tilespmem:v15+s12+$0x0] =	vst.idx.add.s32.msk vm6, v1  }
0x5f5: {  	[tilespmem:v9+s12+$0x0] =	vst.idx.add.s32.msk vm7, v1  }
0x5f6: {  	s23 =	simm.s32 $0xC470;
	[tilespmem:v8+s12+$0x0] =	vst.idx.add.s32.msk vm1, v1  }
0x5f7: {  	v7 =	vld [tilespmem:s23+$0x0];
	_ =	sdelay $0x4  }
0x5f8: {  	v9 =	vperm.xlane v7, v2  }
0x5f9: {  	s26 =	simm.s32 $0xC460  }
0x5fa: {  	v8 =	vld [tilespmem:s26+$0x0];
	(xrf0) =	vadd.scan.msk.s32 $0xffff, v9;
	_ =	sdelay $0x4  }
0x5fb: {  	v9 =	vperm.xlane v8, v2  }
0x5fc: {  	s30 =	simm.s32 $0xC450;
	v10, _, _ =	vpop (xrf0)  }
0x5fd: {  	v6 =	vsub.s32 v4, v6;
	v4 =	vld [tilespmem:s30+$0x0];
	(xrf0) =	vadd.scan.msk.s32 $0xffff, v9;
	v12 =	vperm.xlane v10, v2  }
0x5fe: {  	v9 =	vimm.s32 $0x0  }
0x5ff: {  	v10 =	vadd.s32 v9, v12  }
0x600: {  	vm0 =	vge.s32 v10, v6  }
0x601: {  	v10 =	vperm.xlane v12, v0;
	v11 =	vmpcnt.ones.xlane vm0  }
0x602: {  	v16 =	vperm.xlane v4, v2;
	vm0 =	veq.s32 v9, $0x0  }
0x603: {  	v13, _, _ =	vpop (xrf0);
	v15 =	vnsel vm0, $0x0, v10;
	v14 =	vadd.s32 $0xFFFFFFFF, v11  }
0x604: {  	(xrf0) =	vadd.scan.msk.s32 $0xffff, v16;
	v16 =	vimm.s32 $0x0;
	v10 =	vperm.xlane v13, v2;
	vm2 =	vgt.s32 v14, $0x0  }
0x605: {  	s28 =	simm.s32 $0xC440;
	vm1 =	vgt.s32 v11, $0x0;
	v11 =	vadd.s32 v9, v15;
	v14 =	vnsel vm2, $0x0, v14  }
0x606: {  	vm0 =	vmand vm0, vm1;
	v13 =	vadd.s32 v11, v10;
	v21 =	vperm.xlane v7, v14;
	v7 =	vld [tilespmem:s28+$0x0]  }
0x607: {  	v20 =	vperm.xlane v10, v0;
	vm1 =	vge.s32 v13, v6;
	v13 =	vsel vm0, $0x1, v9  }
0x608: {  	s31 =	simm.s32 $0x3F0;
	s25 =	simm.s32 $0x3D0;
	s24 =	simm.s32 $0x3C0;
	v15 =	vperm.xlane v12, v14;
	vm0 =	vmmov vm0;
	v19 =	vmpcnt.ones.xlane vm1  }
0x609: {  	s29 =	simm.s32 $0x3A0;
	s26 =	simm.s32 $0x3E0;
	s23 =	simm.s32 $0x3B0;
	v17 =	vadd.s32 s31, v14;
	v18 =	vsub.s32 v9, v21;
	v12 =	vsel vm0, v21, v9;
	v14 =	vmovc v11  }
.LBB2_28:
0x60a: {  	p0 =	sne.s32 s29, $0x0;
	v21 =	vadd.s32 $0xFFFFFFFF, v19;
	vm1 =	vgt.s32 v19, $0x0;
	vm2 =	veq.s32 v13, $0x0  }
0x60b: {  	v19 =	vperm.xlane v7, v2;
	v22, _, _ =	vpop (xrf0);
	vm1 =	vmand vm2, vm1;
	v23 =	vnsel vm2, $0x0, v20  }
0x60c: {  	v20 =	vmovc v7;
	v22 =	vperm.xlane v22, v2;
	v13 =	vsel vm1, $0x1, v13;
	v11 =	vadd.s32 v11, v23  }
.Ltmp43:
0x60d: {  	s28 =	sadd.s32 $0xFFFFFFF0, s28;
	v9 =	vsel vm0, v17, v9;
	v15 =	vadd.s32 v15, v18;
	vm2 =	vgt.s32 v21, $0x0;
	(xrf0) =	vadd.scan.msk.s32 $0xffff, v19;
	(pc) =	sbr.rel @p0 .LBB2_28-.Ltmp43, $4  }
0x60e: {  	v16 =	vsel vm0, v15, v16;
	v18 =	vnsel vm2, $0x0, v21;
	v7 =	vld [tilespmem:s28+$0x0];
	v17 =	vadd.s32 v11, v22  }
0x60f: {  	v21 =	vperm.xlane v8, v18;
	v15 =	vperm.xlane v10, v18;
	v10 =	vmovc v22;
	vm0 =	vge.s32 v17, v6  }
0x610: {  	v8 =	vmovc v4;
	v4 =	vmovc v20;
	v17 =	vadd.s32 s26, v18;
	s26 =	smov.u32 s25;
	s25 =	smov.u32 s24;
	s24 =	smov.u32 s23;
	v19 =	vmpcnt.ones.xlane vm0;
	vm0 =	vmmov vm1  }
0x611: {  	v20 =	vperm.xlane v10, v0;
	v18 =	vsub.s32 v14, v21;
	v14 =	vmovc v11;
	s23 =	smov.u32 s29;
	s29 =	sadd.s32 $0xFFFFFFF0, s29;
	v12 =	vsel vm0, v21, v12  }
0x612: {  	v21 =	vadd.s32 $0xFFFFFFFF, v19  }
0x613: {  	vm1 =	vgt.s32 v19, $0x0;
	vm2 =	veq.s32 v13, $0x0;
	s28 =	sadd.s32 $0xFFFFFFF0, s28;
	v42 =	vperm.xlane v7, v2  }
0x614: {  	v9 =	vsel vm0, v17, v9;
	v15 =	vadd.s32 v15, v18;
	vm1 =	vmand vm2, vm1;
	v23 =	vld [tilespmem:s28+$0x0]  }
0x615: {  	v22, _, _ =	vpop (xrf0);
	v20 =	vnsel vm2, $0x0, v20;
	vm13 =	vgt.s32 v21, $0x0;
	v15 =	vsel vm0, v15, v16;
	(xrf0) =	vadd.scan.msk.s32 $0xffff, v42  }
0x616: {  	v22 =	vperm.xlane v22, v2;
	v11 =	vadd.s32 v11, v20;
	v45 =	vnsel vm13, $0x0, v21  }
0x617: {  	v43 =	vsel vm1, $0x1, v13;
	vm15 =	vmmov vm1;
	v8 =	vperm.xlane v8, v45  }
0x618: {  	v10 =	vperm.xlane v10, v45;
	v47 =	vadd.s32 s26, v45;
	v44 =	vadd.s32 v11, v22  }
0x619: {  	v49 =	vperm.xlane v22, v0;
	vm14 =	vge.s32 v44, v6;
	v48 =	vperm.xlane v23, v2  }
0x61a: {  	vm5 =	veq.s32 v43, $0x0;
	v9 =	vsel vm15, v47, v9;
	v46 =	vmpcnt.ones.xlane vm14  }
0x61b: {  	v14 =	vsub.s32 v14, v8;
	v8 =	vsel vm15, v8, v12;
	v52 =	vnsel vm5, $0x0, v49;
	v51, _, _ =	vpop (xrf0);
	(xrf0) =	vadd.scan.msk.s32 $0xffff, v48  }
0x61c: {  	v10 =	vadd.s32 v10, v14;
	v18 =	vadd.s32 v11, v52;
	v50 =	vadd.s32 $0xFFFFFFFF, v46  }
0x61d: {  	v10 =	vsel vm15, v10, v15;
	vm4 =	vgt.s32 v46, $0x0;
	vm6 =	vgt.s32 v50, $0x0  }
0x61e: {  	vm1 =	vmand vm5, vm4;
	v16 =	vperm.xlane v51, v2;
	v12 =	vnsel vm6, $0x0, v50  }
0x61f: {  	v13 =	vsel vm1, $0x1, v43;
	vm1 =	vmmov vm1;
	v4 =	vperm.xlane v4, v12  }
0x620: {  	v54 =	vperm.xlane v22, v12;
	v12 =	vadd.s32 s25, v12;
	v55 =	vperm.xlane v16, v0  }
0x621: {  	vm8 =	veq.s32 v13, $0x0;
	v53 =	vadd.s32 v18, v16;
	v9 =	vsel vm1, v12, v9;
	v57, _, _ =	vpop (xrf0)  }
0x622: {  	vm7 =	vge.s32 v53, v6;
	v15 =	vnsel vm8, $0x0, v55;
	v19 =	vperm.xlane v57, v2  }
0x623: {  	v11 =	vsub.s32 v11, v4;
	v56 =	vmpcnt.ones.xlane vm7;
	v15 =	vadd.s32 v18, v15  }
0x624: {  	v4 =	vsel vm1, v4, v8;
	v11 =	vadd.s32 v54, v11;
	v8 =	vadd.s32 v15, v19  }
0x625: {  	vm9 =	vgt.s32 v56, $0x0;
	v17 =	vadd.s32 $0xFFFFFFFF, v56;
	vm10 =	vge.s32 v8, v6  }
0x626: {  	vm0 =	vmand vm8, vm9;
	vm11 =	vgt.s32 v17, $0x0;
	v8 =	vmpcnt.ones.xlane vm10  }
0x627: {  	v10 =	vsel vm1, v11, v10;
	v13 =	vsel vm0, $0x1, v13;
	v58 =	vnsel vm11, $0x0, v17  }
0x628: {  	vm0 =	vmmov vm0;
	v7 =	vperm.xlane v7, v58;
	v60 =	vadd.s32 $0xFFFFFFFF, v8  }
0x629: {  	v59 =	vperm.xlane v16, v58;
	v12 =	vadd.s32 s24, v58;
	vm12 =	vgt.s32 v60, $0x0  }
0x62a: {  	v61 =	vsub.s32 v18, v7;
	v4 =	vsel vm0, v7, v4;
	v7 =	vnsel vm12, $0x0, v60  }
0x62b: {  	vm14 =	veq.s32 v13, $0x0;
	vm13 =	vgt.s32 v8, $0x0;
	v8 =	vperm.xlane v23, v7  }
.Ltmp44:
0x62c: {  	v9 =	vsel vm0, v12, v9;
	v11 =	vadd.s32 v59, v61;
	v62 =	vperm.xlane v19, v7;
	(pc) =	sbr.rel .LBB2_43-.Ltmp44, $4  }
0x62d: {  	vm1 =	vmand vm14, vm13;
	v10 =	vsel vm0, v11, v10;
	v63 =	vsub.s32 v15, v8  }
0x62e: {  	vm15 =	vmmov vm1;
	v7 =	vadd.s32 s23, v7;
	v11 =	vadd.s32 v62, v63  }
0x62f: {  	v5 =	vshll.u32 v5, $0xA;
	v9 =	vsel vm15, v7, v9;
	v10 =	vsel vm15, v11, v10  }
0x630: {  	v7 =	vsel vm15, v8, v4;
	v4 =	vor.u32 v5, v9;
	v5 =	vsub.s32 v6, v10  }
.LBB2_59:
0x631: {  	s21 =	simm.s32 $0xFFFFFFFC  }
0x632: {  	s21 =	simm.s32 @p0 $0xFFFFFFFC  }
0x633: {  	s21 =	simm.s32 @!p1 $0xFFFFFFFC  }
0x634: {  	s22 =	simm.s32 $0xC0A0;
	s23 =	sadd.s32 $0x4, s21  }
0x635: {  	s22 =	simm.s32 @p0 $0xC0A0;
	p0 =	slt.u32 s23, $0x7C  }
.Ltmp45:
0x636: {  	_ = 	snop;
	(pc) =	sbr.rel @!p0 .LBB2_61-.Ltmp45, $4  }
0x637: {  	s22 =	simm.s32 @!p1 $0xC0A0  }
0x638: {  	[tilespmem:s22+$0xFFFFFFE0] =	vst v0  }
0x639: {  	[tilespmem:s22+$0x10] =	vst v0  }
0x63a: {  	[tilespmem:s22+$0x0] =	vst v0;
	s21 =	simm.s32 $0x4040  }
.LBB2_60:
0x63b: {  	s23 =	sadd.s32 $0x4, s23  }
0x63c: {  	[tilespmem:s22+$0xFFFFFFF0] =	vst v0;
	s22 =	sadd.s32 $0x40, s22;
	p0 =	slt.u32 s23, $0x7C  }
.Ltmp46:
0x63d: {  	[tilespmem:s22+$0xFFFFFFE0] =	vst v0;
	(pc) =	sbr.rel @p0 .LBB2_60-.Ltmp46, $3  }
0x63e: {  	_ =	sdelay $0x1  }
0x63f: {  	[tilespmem:s22+$0x10] =	vst v0  }
0x640: {  	[tilespmem:s22+$0x0] =	vst v0  }
.LBB2_61:
0x641: {  	[tilespmem:s22+$0xFFFFFFF0] =	vst v0  }
0x642: {  	v4 =	vld [tilespmem:s21+$0xFFFFFFC0]  }
0x643: {  	v5 =	vld [tilespmem:s21+$0x20]  }
0x644: {  	v7 =	vld [tilespmem:s21+$0xFFFFFFF0]  }
0x645: {  	v13 =	vld [tilespmem:s21+$0xFFFFFFE0]  }
0x646: {  	v14 =	vld [tilespmem:s21+$0xFFFFFFD0]  }
0x647: {  	v6 =	vld [tilespmem:s21+$0x0];
	v8 =	vshra.s32 v4, $0x15  }
0x648: {  	vm0 =	vlt.s32 v4, $0x0;
	v4 =	vxor.u32 $0x3FF, v8  }
0x649: {  	v11 =	vshra.s32 v5, $0x15;
	vm1 =	vlt.s32 v5, $0x0;
	v4 =	vsel vm0, v4, v8  }
0x64a: {  	v10 =	vshra.s32 v13, $0x15;
	vm3 =	vlt.s32 v7, $0x0;
	v9 =	vadd.s32 $0x400, v4  }
0x64b: {  	v15 =	vshra.s32 v7, $0x15;
	v12 =	vshra.s32 v14, $0x15;
	v4 =	vxor.u32 $0x3FF, v11  }
0x64c: {  	v7 =	vld [tilespmem:s21+$0x30];
	vm2 =	vlt.s32 v14, $0x0;
	vm0 =	vlt.s32 v6, $0x0;
	v4 =	vsel vm1, v4, v11  }
0x64d: {  	v5 =	vld [tilespmem:s21+$0x10];
	v11 =	vxor.u32 $0x3FF, v10;
	v8 =	vadd.s32 $0x400, v4;
	v4 =	vxor.u32 $0x3FF, v15  }
0x64e: {  	s23 =	simm.s32 $0x0;
	s24 =	sadd.s32 $0x80, s21;
	vm1 =	vlt.s32 v13, $0x0;
	v13 =	vxor.u32 $0x3FF, v12;
	v14 =	vsel vm3, v4, v15  }
.LBB2_62:
0x64f: {  	s23 =	sadd.s32 $0x8, s23;
	[tilespmem:v9+s12+$0x0] =	vst.idx.add.s32.msk $0xffff, v1;
	v4 =	vsel vm2, v13, v12;
	v12 =	vadd.s32 $0x400, v14;
	v6 =	vshra.s32 v6, $0x15;
	s21 =	simm.s32 $0x7F0;
	s22 =	simm.s32 $0xC870  }
0x650: {  	v9 =	vld [tilespmem:s24+$0x20];
	p0 =	slt.u32 s23, $0x3F8;
	v15 =	vadd.s32 $0x400, v4;
	v4 =	vsel vm1, v11, v10;
	v10 =	vxor.u32 $0x3FF, v6  }
0x651: {  	v11 =	vld [tilespmem:s24+$0xFFFFFFC0];
	v6 =	vsel vm0, v10, v6;
	vm0 =	vlt.s32 v7, $0x0;
	v7 =	vshra.s32 v7, $0x15  }
0x652: {  	v10 =	vadd.s32 $0x400, v4;
	v4 =	vshra.s32 v5, $0x15;
	[tilespmem:v8+s12+$0x0] =	vst.idx.add.s32.msk $0xffff, v1;
	v8 =	vxor.u32 $0x3FF, v7  }
0x653: {  	v14 =	vadd.s32 $0x400, v6;
	v16 =	vxor.u32 $0x3FF, v4;
	v13 =	vld [tilespmem:s24+$0xFFFFFFF0];
	v6 =	vsel vm0, v8, v7  }
0x654: {  	vm0 =	vlt.s32 v5, $0x0;
	v17 =	vld [tilespmem:s24+$0xFFFFFFD0];
	v8 =	vadd.s32 $0x400, v6  }
0x655: {  	v4 =	vsel vm0, v16, v4;
	v6 =	vld [tilespmem:s24+$0x0]  }
0x656: {  	v18 =	vadd.s32 $0x400, v4;
	v16 =	vld [tilespmem:s24+$0xFFFFFFE0]  }
0x657: {  	v19 =	vshra.s32 v11, $0x15;
	v7 =	vld [tilespmem:s24+$0x30]  }
0x658: {  	v20 =	vshra.s32 v9, $0x15;
	vm0 =	vlt.s32 v11, $0x0;
	v11 =	vxor.u32 $0x3FF, v19;
	v5 =	vld [tilespmem:s24+$0x10]  }
0x659: {  	v4 =	vimm.s32 $0x0;
	vm1 =	vlt.s32 v9, $0x0;
	v11 =	vsel vm0, v11, v19;
	[tilespmem:v10+s12+$0x0] =	vst.idx.add.s32.msk $0xffff, v1  }
.Ltmp47:
0x65a: {  	v9 =	vadd.s32 $0x400, v11;
	v11 =	vxor.u32 $0x3FF, v20;
	vm0 =	vlt.s32 v6, $0x0;
	[tilespmem:v14+s12+$0x0] =	vst.idx.add.s32.msk $0xffff, v1;
	(pc) =	sbr.rel @p0 .LBB2_62-.Ltmp47, $4  }
0x65b: {  	vm3 =	vlt.s32 v13, $0x0;
	v14 =	vsel vm1, v11, v20;
	v10 =	vshra.s32 v16, $0x15;
	[tilespmem:v8+s12+$0x0] =	vst.idx.add.s32.msk $0xffff, v1  }
0x65c: {  	v19 =	vshra.s32 v13, $0x15;
	v8 =	vadd.s32 $0x400, v14;
	v11 =	vxor.u32 $0x3FF, v10;
	[tilespmem:v12+s12+$0x0] =	vst.idx.add.s32.msk $0xffff, v1  }
0x65d: {  	vm1 =	vlt.s32 v16, $0x0;
	v14 =	vxor.u32 $0x3FF, v19;
	v12 =	vshra.s32 v17, $0x15;
	[tilespmem:v18+s12+$0x0] =	vst.idx.add.s32.msk $0xffff, v1  }
0x65e: {  	s24 =	sadd.s32 $0x80, s24;
	vm2 =	vlt.s32 v17, $0x0;
	v14 =	vsel vm3, v14, v19;
	v13 =	vxor.u32 $0x3FF, v12;
	[tilespmem:v15+s12+$0x0] =	vst.idx.add.s32.msk $0xffff, v1  }
0x65f: {  	_ =	sdelay $0x2  }
0x660: {  	v6 =	vshra.s32 v6, $0x15;
	v10 =	vsel vm1, v11, v10  }
0x661: {  	v11 =	vshra.s32 v7, $0x15;
	[tilespmem:v9+s12+$0x0] =	vst.idx.add.s32.msk $0xffff, v1;
	v9 =	vadd.s32 $0x400, v14;
	v15 =	vxor.u32 $0x3FF, v6  }
0x662: {  	v6 =	vsel vm0, v15, v6;
	vm0 =	vlt.s32 v7, $0x0;
	v7 =	vadd.s32 $0x400, v10  }
0x663: {  	v10 =	vxor.u32 $0x3FF, v11;
	v15 =	vshra.s32 v5, $0x15;
	v6 =	vadd.s32 $0x400, v6  }
0x664: {  	v10 =	vsel vm0, v10, v11;
	v11 =	vxor.u32 $0x3FF, v15;
	vm0 =	vlt.s32 v5, $0x0  }
0x665: {  	v5 =	vadd.s32 $0x400, v10;
	v10 =	vsel vm0, v11, v15  }
0x666: {  	[tilespmem:v8+s12+$0x0] =	vst.idx.add.s32.msk $0xffff, v1;
	v11 =	vsel vm2, v13, v12;
	v8 =	vadd.s32 $0x400, v10  }
0x667: {  	v10 =	vadd.s32 $0x400, v11;
	[tilespmem:v9+s12+$0x0] =	vst.idx.add.s32.msk $0xffff, v1  }
0x668: {  	[tilespmem:v7+s12+$0x0] =	vst.idx.add.s32.msk $0xffff, v1  }
0x669: {  	[tilespmem:v6+s12+$0x0] =	vst.idx.add.s32.msk $0xffff, v1  }
0x66a: {  	[tilespmem:v5+s12+$0x0] =	vst.idx.add.s32.msk $0xffff, v1  }
0x66b: {  	[tilespmem:v8+s12+$0x0] =	vst.idx.add.s32.msk $0xffff, v1  }
0x66c: {  	[tilespmem:v10+s12+$0x0] =	vst.idx.add.s32.msk $0xffff, v1  }
0x66d: {  	v6 =	vld [tilespmem:s22+$0x0];
	_ =	sdelay $0x4  }
0x66e: {  	v5 =	vperm.xlane v6, v2;
	_ =	sdelay $0x1  }
0x66f: {  	(xrf0) =	vadd.scan.msk.s32 $0xffff, v5  }
0x670: {  	s30 =	simm.s32 $0xC860  }
0x671: {  	v7 =	vld [tilespmem:s30+$0x0];
	_ =	sdelay $0x3  }
0x672: {  	v8, _, _ =	vpop (xrf0)  }
0x673: {  	v5 =	vperm.xlane v7, v2;
	v11 =	vperm.xlane v8, v2  }
0x674: {  	s31 =	simm.s32 $0xC850  }
0x675: {  	(xrf0) =	vadd.scan.msk.s32 $0xffff, v5;
	v5 =	vld [tilespmem:s31+$0x0];
	v8 =	vadd.s32 v4, v11  }
0x676: {  	vm0 =	vgt.s32 v8, $0x63  }
0x677: {  	v8 =	vmpcnt.ones.xlane vm0;
	_ =	sdelay $0x1  }
0x678: {  	v9 =	vperm.xlane v11, v0  }
0x679: {  	vm1 =	veq.s32 v4, $0x0;
	v14 =	vperm.xlane v5, v2  }
0x67a: {  	v9 =	vnsel vm1, $0x0, v9;
	v12 =	vadd.s32 $0xFFFFFFFF, v8;
	vm0 =	vgt.s32 v8, $0x0;
	v8, _, _ =	vpop (xrf0)  }
0x67b: {  	vm0 =	vmand vm1, vm0;
	vm1 =	vgt.s32 v12, $0x0;
	v8 =	vperm.xlane v8, v2  }
0x67c: {  	s25 =	simm.s32 $0xC840;
	v9 =	vadd.s32 v4, v9;
	v12 =	vnsel vm1, $0x0, v12;
	(xrf0) =	vadd.scan.msk.s32 $0xffff, v14  }
0x67d: {  	v17 =	vperm.xlane v6, v12;
	v6 =	vld [tilespmem:s25+$0x0];
	v13 =	vadd.s32 v9, v8  }
0x67e: {  	v10 =	vsel vm0, $0x1, v4;
	vm0 =	vmmov vm0;
	vm1 =	vgt.s32 v13, $0x63  }
0x67f: {  	s24 =	simm.s32 $0x7E0;
	s23 =	simm.s32 $0x7D0;
	v13 =	vperm.xlane v11, v12;
	v11 =	vadd.s32 s21, v12;
	v15 =	vmpcnt.ones.xlane vm1  }
0x680: {  	s26 =	simm.s32 $0x7A0;
	s22 =	simm.s32 $0x7C0;
	v16 =	vperm.xlane v8, v0;
	v14 =	vsub.s32 v4, v17;
	s21 =	simm.s32 $0x7B0;
	v12 =	vmovc v9;
	v11 =	vsel vm0, v11, v4  }
.LBB2_64:
0x681: {  	p0 =	sne.s32 s26, $0x0;
	v17 =	vadd.s32 $0xFFFFFFFF, v15;
	vm1 =	vgt.s32 v15, $0x0;
	vm2 =	veq.s32 v10, $0x0  }
0x682: {  	v15 =	vperm.xlane v6, v2;
	v18, _, _ =	vpop (xrf0);
	vm1 =	vmand vm2, vm1;
	v19 =	vnsel vm2, $0x0, v16  }
0x683: {  	v16 =	vmovc v6;
	v18 =	vperm.xlane v18, v2;
	v10 =	vsel vm1, $0x1, v10;
	v9 =	vadd.s32 v9, v19  }
.Ltmp48:
0x684: {  	s25 =	sadd.s32 $0xFFFFFFF0, s25;
	v13 =	vadd.s32 v13, v14;
	vm2 =	vgt.s32 v17, $0x0;
	(xrf0) =	vadd.scan.msk.s32 $0xffff, v15;
	(pc) =	sbr.rel @p0 .LBB2_64-.Ltmp48, $4  }
0x685: {  	v4 =	vsel vm0, v13, v4;
	v17 =	vnsel vm2, $0x0, v17;
	v6 =	vld [tilespmem:s25+$0x0];
	v14 =	vadd.s32 v9, v18  }
0x686: {  	v13 =	vperm.xlane v8, v17;
	v8 =	vmovc v18;
	vm0 =	vgt.s32 v14, $0x63;
	v14 =	vperm.xlane v7, v17;
	v7 =	vmovc v5  }
0x687: {  	v17 =	vadd.s32 s24, v17;
	v5 =	vmovc v16;
	s24 =	smov.u32 s23;
	s23 =	smov.u32 s22;
	s22 =	smov.u32 s21;
	v15 =	vmpcnt.ones.xlane vm0;
	vm0 =	vmmov vm1  }
0x688: {  	v16 =	vperm.xlane v8, v0;
	s21 =	smov.u32 s26;
	s26 =	sadd.s32 $0xFFFFFFF0, s26;
	v11 =	vsel vm0, v17, v11;
	v14 =	vsub.s32 v12, v14;
	v12 =	vmovc v9  }
0x689: {  	s25 =	sadd.s32 $0xFFFFFFF0, s25  }
0x68a: {  	vm1 =	vgt.s32 v15, $0x0;
	vm2 =	veq.s32 v10, $0x0;
	v44 =	vadd.s32 $0xFFFFFFFF, v15;
	v18 =	vld [tilespmem:s25+$0x0]  }
0x68b: {  	v13 =	vadd.s32 v13, v14;
	v17 =	vperm.xlane v6, v2;
	vm1 =	vmand vm2, vm1  }
0x68c: {  	v16 =	vnsel vm2, $0x0, v16;
	v19, _, _ =	vpop (xrf0);
	vm11 =	vgt.s32 v44, $0x0;
	v4 =	vsel vm0, v13, v4  }
0x68d: {  	v45 =	vperm.xlane v19, v2;
	v46 =	vsel vm1, $0x1, v10;
	v47 =	vnsel vm11, $0x0, v44;
	(xrf0) =	vadd.scan.msk.s32 $0xffff, v17  }
0x68e: {  	v9 =	vadd.s32 v9, v16;
	vm13 =	vmmov vm1;
	v7 =	vperm.xlane v7, v47  }
0x68f: {  	v8 =	vperm.xlane v8, v47;
	v48 =	vadd.s32 v9, v45;
	v49 =	vperm.xlane v18, v2  }
0x690: {  	v14 =	vadd.s32 s24, v47;
	v50 =	vperm.xlane v45, v0;
	vm12 =	vgt.s32 v48, $0x63  }
0x691: {  	vm15 =	veq.s32 v46, $0x0;
	v7 =	vsub.s32 v12, v7;
	v15 =	vmpcnt.ones.xlane vm12;
	(xrf0) =	vadd.scan.msk.s32 $0xffff, v49  }
0x692: {  	v11 =	vsel vm13, v14, v11;
	v53 =	vnsel vm15, $0x0, v50;
	v7 =	vadd.s32 v8, v7  }
0x693: {  	v14 =	vadd.s32 v9, v53;
	v52 =	vadd.s32 $0xFFFFFFFF, v15;
	vm14 =	vgt.s32 v15, $0x0;
	v51, _, _ =	vpop (xrf0)  }
0x694: {  	vm1 =	vmand vm15, vm14;
	vm4 =	vgt.s32 v52, $0x0;
	v12 =	vperm.xlane v51, v2  }
0x695: {  	v4 =	vsel vm13, v7, v4;
	v10 =	vsel vm1, $0x1, v46;
	v13 =	vnsel vm4, $0x0, v52  }
0x696: {  	vm7 =	vmmov vm1;
	v5 =	vperm.xlane v5, v13;
	v7 =	vperm.xlane v12, v0  }
0x697: {  	v55 =	vperm.xlane v45, v13;
	vm6 =	veq.s32 v10, $0x0;
	v54 =	vadd.s32 v14, v12;
	v56, _, _ =	vpop (xrf0)  }
0x698: {  	vm5 =	vgt.s32 v54, $0x63;
	v7 =	vnsel vm6, $0x0, v7;
	v15 =	vperm.xlane v56, v2  }
0x699: {  	v13 =	vadd.s32 s23, v13;
	v57 =	vmpcnt.ones.xlane vm5;
	v7 =	vadd.s32 v14, v7  }
0x69a: {  	v11 =	vsel vm7, v13, v11;
	v5 =	vsub.s32 v9, v5;
	v58 =	vadd.s32 v7, v15  }
0x69b: {  	v5 =	vadd.s32 v55, v5;
	v16 =	vadd.s32 $0xFFFFFFFF, v57;
	vm9 =	vgt.s32 v58, $0x63  }
0x69c: {  	vm8 =	vgt.s32 v57, $0x0;
	vm10 =	vgt.s32 v16, $0x0;
	v59 =	vmpcnt.ones.xlane vm9  }
0x69d: {  	v4 =	vsel vm7, v5, v4;
	vm1 =	vmand vm6, vm8;
	v60 =	vnsel vm10, $0x0, v16  }
0x69e: {  	v10 =	vsel vm1, $0x1, v10;
	v5 =	vperm.xlane v6, v60;
	v6 =	vadd.s32 $0xFFFFFFFF, v59  }
0x69f: {  	vm11 =	vmmov vm1;
	v61 =	vadd.s32 s22, v60;
	vm12 =	vgt.s32 v6, $0x0  }
0x6a0: {  	v8 =	vperm.xlane v12, v60;
	vm14 =	veq.s32 v10, $0x0;
	v6 =	vnsel vm12, $0x0, v6  }
0x6a1: {  	v11 =	vsel vm11, v61, v11;
	v5 =	vsub.s32 v14, v5;
	v62 =	vperm.xlane v18, v6  }
0x6a2: {  	s22 =	simm.s32 $0xC0A0;
	vm13 =	vgt.s32 v59, $0x0;
	v5 =	vadd.s32 v8, v5;
	v63 =	vperm.xlane v15, v6  }
0x6a3: {  	[tilespmem:s22+$0xFFFFFFE0] =	vst v0;
	vm1 =	vmand vm14, vm13;
	v4 =	vsel vm11, v5, v4;
	v5 =	vsub.s32 v7, v62  }
0x6a4: {  	[tilespmem:s22+$0x10] =	vst v0;
	vm15 =	vmmov vm1;
	v6 =	vadd.s32 s21, v6;
	v7 =	vadd.s32 v63, v5  }
0x6a5: {  	[tilespmem:s22+$0x0] =	vst v0;
	s21 =	simm.s32 $0x0;
	v5 =	vsel vm15, v6, v11;
	v4 =	vsel vm15, v7, v4  }
.LBB2_66:
0x6a6: {  	s21 =	sadd.s32 $0x4, s21  }
0x6a7: {  	[tilespmem:s22+$0xFFFFFFF0] =	vst v0;
	s22 =	sadd.s32 $0x40, s22;
	p0 =	slt.u32 s21, $0x7C  }
.Ltmp49:
0x6a8: {  	[tilespmem:s22+$0xFFFFFFE0] =	vst v0;
	(pc) =	sbr.rel @p0 .LBB2_66-.Ltmp49, $3  }
0x6a9: {  	_ =	sdelay $0x1  }
0x6aa: {  	[tilespmem:s22+$0x10] =	vst v0  }
0x6ab: {  	[tilespmem:s22+$0x0] =	vst v0  }
0x6ac: {  	[tilespmem:s22+$0xFFFFFFF0] =	vst v0;
	s21 =	simm.s32 $0x4040  }
0x6ad: {  	v6 =	vld [tilespmem:s21+$0x30]  }
0x6ae: {  	v7 =	vld [tilespmem:s21+$0xFFFFFFD0]  }
0x6af: {  	v8 =	vld [tilespmem:s21+$0xFFFFFFE0]  }
0x6b0: {  	v9 =	vld [tilespmem:s21+$0xFFFFFFF0]  }
0x6b1: {  	v10 =	vld [tilespmem:s21+$0x0]  }
0x6b2: {  	v11 =	vld [tilespmem:s21+$0x10]  }
0x6b3: {  	v14 =	vld [tilespmem:s21+$0x20];
	_ =	sdelay $0x1  }
0x6b4: {  	v5 =	vadd.s32 $0xFFFFFC00, v5;
	vm0 =	vlt.s32 v6, $0x0;
	v12 =	vxor.u32 $0x7FFFFFFF, v6  }
0x6b5: {  	vm1 =	vlt.s32 v7, $0x0;
	v13 =	vxor.u32 $0x7FFFFFFF, v7;
	vm14 =	vlt.s32 v8, $0x0  }
0x6b6: {  	v15 =	vxor.u32 $0x7FFFFFFF, v8;
	vm2 =	vlt.s32 v9, $0x0;
	vm4 =	vlt.s32 v10, $0x0  }
0x6b7: {  	vm5 =	vlt.s32 v11, $0x0;
	v17 =	vxor.u32 $0x7FFFFFFF, v11;
	vm15 =	vlt.s32 v14, $0x0  }
0x6b8: {  	v6 =	vsel vm0, v12, v6;
	v13 =	vsel vm1, v13, v7;
	v7 =	vxor.u32 $0x7FFFFFFF, v14  }
0x6b9: {  	v15 =	vsel vm14, v15, v8;
	v22 =	vsel vm5, v17, v11;
	v16 =	vshra.s32 v6, $0x15  }
0x6ba: {  	v12 =	vld [tilespmem:s21+$0xFFFFFFC0];
	v6 =	vshrl.u32 v6, $0xA;
	v11 =	vshra.s32 v15, $0x15;
	v8 =	vshra.s32 v22, $0x15  }
0x6bb: {  	v17 =	vshrl.u32 v13, $0xA;
	v15 =	vshrl.u32 v15, $0xA;
	vm3 =	veq.s32 v16, v5  }
0x6bc: {  	v16 =	vxor.u32 $0x7FFFFFFF, v9;
	v18 =	vand.u32 $0x7FF, v6;
	v6 =	vxor.u32 $0x7FFFFFFF, v10  }
0x6bd: {  	v20 =	vsel vm2, v16, v9;
	v21 =	vsel vm4, v6, v10;
	v6 =	vsel vm15, v7, v14  }
0x6be: {  	v16 =	vshra.s32 v13, $0x15;
	v13 =	vshrl.u32 v22, $0xA;
	v10 =	vshra.s32 v20, $0x15  }
0x6bf: {  	v7 =	vshra.s32 v6, $0x15;
	vm6 =	vlt.s32 v12, $0x0;
	v19 =	vxor.u32 $0x7FFFFFFF, v12  }
0x6c0: {  	v14 =	vshrl.u32 v21, $0xA;
	v19 =	vsel vm6, v19, v12;
	v12 =	vshra.s32 v21, $0x15  }
0x6c1: {  	s22 =	simm.s32 $0x40C0;
	s21 =	simm.s32 $0x0;
	v9 =	vshra.s32 v19, $0x15;
	v19 =	vshrl.u32 v19, $0xA;
	[tilespmem:v18+s12+$0x0] =	vst.idx.add.s32.msk vm3, v1;
	v18 =	vshrl.u32 v20, $0xA  }
.LBB2_68:
0x6c2: {  	v20 =	vld [tilespmem:s22+$0x30];
	s21 =	sadd.s32 $0x8, s21;
	vm6 =	veq.s32 v9, v5;
	vm4 =	veq.s32 v16, v5;
	v6 =	vshrl.u32 v6, $0xA  }
0x6c3: {  	vm5 =	veq.s32 v11, v5;
	vm3 =	veq.s32 v10, v5;
	vm2 =	veq.s32 v12, v5;
	v9 =	vld [tilespmem:s22+$0xFFFFFFD0];
	p0 =	slt.u32 s21, $0x3F8  }
0x6c4: {  	v11 =	vand.u32 $0x7FF, v19;
	vm1 =	veq.s32 v8, v5;
	vm0 =	veq.s32 v7, v5;
	v10 =	vld [tilespmem:s22+$0xFFFFFFE0]  }
0x6c5: {  	v8 =	vand.u32 $0x7FF, v17;
	v12 =	vand.u32 $0x7FF, v15;
	v15 =	vand.u32 $0x7FF, v18;
	v7 =	vld [tilespmem:s22+$0xFFFFFFF0]  }
0x6c6: {  	v14 =	vand.u32 $0x7FF, v14;
	v13 =	vand.u32 $0x7FF, v13;
	v17 =	vand.u32 $0x7FF, v6;
	v16 =	vld [tilespmem:s22+$0x0]  }
0x6c7: {  	v6 =	vld [tilespmem:s22+$0x10];
	vm7 =	vlt.s32 v20, $0x0;
	v18 =	vxor.u32 $0x7FFFFFFF, v20  }
0x6c8: {  	vm8 =	vlt.s32 v9, $0x0;
	v19 =	vxor.u32 $0x7FFFFFFF, v9;
	v21 =	vld [tilespmem:s22+$0x20];
	v18 =	vsel vm7, v18, v20  }
0x6c9: {  	v20 =	vld [tilespmem:s22+$0xFFFFFFC0];
	vm7 =	vlt.s32 v10, $0x0;
	v22 =	vxor.u32 $0x7FFFFFFF, v10;
	v23 =	vshra.s32 v18, $0x15  }
0x6ca: {  	v18 =	vshrl.u32 v18, $0xA;
	vm9 =	vlt.s32 v7, $0x0;
	vm10 =	veq.s32 v23, v5;
	[tilespmem:v11+s12+$0x0] =	vst.idx.add.s32.msk vm6, v1  }
0x6cb: {  	v11 =	vxor.u32 $0x7FFFFFFF, v7;
	v18 =	vand.u32 $0x7FF, v18;
	vm6 =	vlt.s32 v16, $0x0;
	[tilespmem:v8+s12+$0x0] =	vst.idx.add.s32.msk vm4, v1  }
0x6cc: {  	v8 =	vxor.u32 $0x7FFFFFFF, v16;
	vm4 =	vlt.s32 v6, $0x0;
	v23 =	vxor.u32 $0x7FFFFFFF, v6;
	[tilespmem:v12+s12+$0x0] =	vst.idx.add.s32.msk vm5, v1  }
0x6cd: {  	v24 =	vsel vm8, v19, v9;
	vm5 =	vlt.s32 v21, $0x0;
	v12 =	vxor.u32 $0x7FFFFFFF, v21;
	[tilespmem:v15+s12+$0x0] =	vst.idx.add.s32.msk vm3, v1  }
0x6ce: {  	v15 =	vsel vm7, v22, v10;
	vm3 =	vlt.s32 v20, $0x0;
	v9 =	vxor.u32 $0x7FFFFFFF, v20;
	[tilespmem:v14+s12+$0x0] =	vst.idx.add.s32.msk vm2, v1  }
0x6cf: {  	v22 =	vsel vm6, v8, v16;
	v14 =	vsel vm3, v9, v20;
	v20 =	vsel vm9, v11, v7  }
.Ltmp50:
0x6d0: {  	v23 =	vsel vm4, v23, v6;
	v6 =	vsel vm5, v12, v21;
	v9 =	vshra.s32 v14, $0x15;
	[tilespmem:v18+s12+$0x0] =	vst.idx.add.s32.msk vm10, v1;
	(pc) =	sbr.rel @p0 .LBB2_68-.Ltmp50, $4  }
0x6d1: {  	v16 =	vshra.s32 v24, $0x15;
	v11 =	vshra.s32 v15, $0x15;
	v10 =	vshra.s32 v20, $0x15;
	[tilespmem:v13+s12+$0x0] =	vst.idx.add.s32.msk vm1, v1  }
0x6d2: {  	v12 =	vshra.s32 v22, $0x15;
	v8 =	vshra.s32 v23, $0x15;
	v7 =	vshra.s32 v6, $0x15;
	[tilespmem:v17+s12+$0x0] =	vst.idx.add.s32.msk vm0, v1  }
0x6d3: {  	v15 =	vshrl.u32 v15, $0xA;
	v19 =	vshrl.u32 v14, $0xA;
	v17 =	vshrl.u32 v24, $0xA  }
0x6d4: {  	s22 =	sadd.s32 $0x80, s22;
	v18 =	vshrl.u32 v20, $0xA;
	v14 =	vshrl.u32 v22, $0xA;
	v13 =	vshrl.u32 v23, $0xA  }
0x6d5: {  	vm0 =	veq.s32 v9, v5  }
0x6d6: {  	vm1 =	veq.s32 v16, v5;
	v9 =	vand.u32 $0x7FF, v19  }
0x6d7: {  	vm2 =	veq.s32 v11, v5;
	v11 =	vand.u32 $0x7FF, v17  }
0x6d8: {  	vm3 =	veq.s32 v10, v5;
	v10 =	vand.u32 $0x7FF, v15  }
0x6d9: {  	vm4 =	veq.s32 v12, v5;
	v12 =	vand.u32 $0x7FF, v18  }
0x6da: {  	vm5 =	veq.s32 v8, v5;
	v8 =	vand.u32 $0x7FF, v14  }
0x6db: {  	v6 =	vshrl.u32 v6, $0xA;
	vm6 =	veq.s32 v7, v5;
	v7 =	vand.u32 $0x7FF, v13;
	[tilespmem:v9+s12+$0x0] =	vst.idx.add.s32.msk vm0, v1  }
0x6dc: {  	v6 =	vand.u32 $0x7FF, v6;
	[tilespmem:v11+s12+$0x0] =	vst.idx.add.s32.msk vm1, v1  }
0x6dd: {  	[tilespmem:v10+s12+$0x0] =	vst.idx.add.s32.msk vm2, v1  }
0x6de: {  	[tilespmem:v12+s12+$0x0] =	vst.idx.add.s32.msk vm3, v1  }
0x6df: {  	[tilespmem:v8+s12+$0x0] =	vst.idx.add.s32.msk vm4, v1  }
0x6e0: {  	[tilespmem:v7+s12+$0x0] =	vst.idx.add.s32.msk vm5, v1  }
0x6e1: {  	s21 =	simm.s32 $0xC870;
	[tilespmem:v6+s12+$0x0] =	vst.idx.add.s32.msk vm6, v1  }
0x6e2: {  	v7 =	vld [tilespmem:s21+$0x0];
	_ =	sdelay $0x4  }
0x6e3: {  	v6 =	vperm.xlane v7, v2;
	_ =	sdelay $0x1  }
0x6e4: {  	(xrf0) =	vadd.scan.msk.s32 $0xffff, v6  }
0x6e5: {  	s29 =	simm.s32 $0xC860  }
0x6e6: {  	v8 =	vld [tilespmem:s29+$0x0];
	_ =	sdelay $0x3  }
0x6e7: {  	v9, _, _ =	vpop (xrf0)  }
0x6e8: {  	v6 =	vperm.xlane v8, v2;
	v13 =	vperm.xlane v9, v2  }
0x6e9: {  	s30 =	simm.s32 $0xC850;
	v9 =	vimm.s32 $0x0  }
0x6ea: {  	v4 =	vsub.s32 $0x64, v4;
	(xrf0) =	vadd.scan.msk.s32 $0xffff, v6;
	v6 =	vld [tilespmem:s30+$0x0];
	v10 =	vadd.s32 v9, v13  }
0x6eb: {  	vm0 =	vge.s32 v10, v4  }
0x6ec: {  	v10 =	vmpcnt.ones.xlane vm0;
	_ =	sdelay $0x1  }
0x6ed: {  	v11 =	vperm.xlane v13, v0  }
0x6ee: {  	vm1 =	veq.s32 v9, $0x0;
	v16 =	vperm.xlane v6, v2  }
0x6ef: {  	v11 =	vnsel vm1, $0x0, v11;
	v14 =	vadd.s32 $0xFFFFFFFF, v10;
	vm0 =	vgt.s32 v10, $0x0;
	v10, _, _ =	vpop (xrf0)  }
0x6f0: {  	vm0 =	vmand vm1, vm0;
	vm1 =	vgt.s32 v14, $0x0;
	v10 =	vperm.xlane v10, v2  }
0x6f1: {  	s25 =	simm.s32 $0xC840;
	v11 =	vadd.s32 v9, v11;
	v14 =	vnsel vm1, $0x0, v14;
	(xrf0) =	vadd.scan.msk.s32 $0xffff, v16  }
0x6f2: {  	v19 =	vperm.xlane v7, v14;
	v7 =	vld [tilespmem:s25+$0x0];
	v15 =	vadd.s32 v11, v10  }
0x6f3: {  	s31 =	simm.s32 $0x7F0;
	v12 =	vsel vm0, $0x1, v9;
	vm0 =	vmmov vm0;
	vm1 =	vge.s32 v15, v4  }
0x6f4: {  	s24 =	simm.s32 $0x7E0;
	s23 =	simm.s32 $0x7D0;
	v15 =	vperm.xlane v13, v14;
	v13 =	vadd.s32 s31, v14;
	v17 =	vmpcnt.ones.xlane vm1  }
0x6f5: {  	s22 =	simm.s32 $0x7C0;
	s26 =	simm.s32 $0x7A0;
	s21 =	simm.s32 $0x7B0;
	v18 =	vperm.xlane v10, v0;
	v16 =	vsub.s32 v9, v19;
	v14 =	vmovc v11;
	v13 =	vsel vm0, v13, v9  }
.LBB2_70:
0x6f6: {  	p0 =	sne.s32 s26, $0x0;
	v19 =	vadd.s32 $0xFFFFFFFF, v17;
	vm1 =	vgt.s32 v17, $0x0;
	vm2 =	veq.s32 v12, $0x0  }
0x6f7: {  	v17 =	vperm.xlane v7, v2;
	v20, _, _ =	vpop (xrf0);
	vm1 =	vmand vm2, vm1;
	v21 =	vnsel vm2, $0x0, v18  }
0x6f8: {  	v18 =	vmovc v7;
	v20 =	vperm.xlane v20, v2;
	v12 =	vsel vm1, $0x1, v12;
	v11 =	vadd.s32 v11, v21  }
.Ltmp51:
0x6f9: {  	s25 =	sadd.s32 $0xFFFFFFF0, s25;
	v15 =	vadd.s32 v15, v16;
	vm2 =	vgt.s32 v19, $0x0;
	(xrf0) =	vadd.scan.msk.s32 $0xffff, v17;
	(pc) =	sbr.rel @p0 .LBB2_70-.Ltmp51, $4  }
0x6fa: {  	v9 =	vsel vm0, v15, v9;
	v19 =	vnsel vm2, $0x0, v19;
	v7 =	vld [tilespmem:s25+$0x0];
	v16 =	vadd.s32 v11, v20  }
0x6fb: {  	v15 =	vperm.xlane v10, v19;
	v10 =	vmovc v20;
	vm0 =	vge.s32 v16, v4;
	v16 =	vperm.xlane v8, v19  }
0x6fc: {  	v19 =	vadd.s32 s24, v19;
	v8 =	vmovc v6;
	v6 =	vmovc v18;
	s24 =	smov.u32 s23;
	s23 =	smov.u32 s22;
	s22 =	smov.u32 s21;
	v17 =	vmpcnt.ones.xlane vm0;
	vm0 =	vmmov vm1  }
0x6fd: {  	v18 =	vperm.xlane v10, v0;
	s21 =	smov.u32 s26;
	s26 =	sadd.s32 $0xFFFFFFF0, s26;
	v13 =	vsel vm0, v19, v13;
	v16 =	vsub.s32 v14, v16;
	v14 =	vmovc v11  }
0x6fe: {  	s25 =	sadd.s32 $0xFFFFFFF0, s25  }
0x6ff: {  	vm1 =	vgt.s32 v17, $0x0;
	vm2 =	veq.s32 v12, $0x0;
	v43 =	vadd.s32 $0xFFFFFFFF, v17;
	v20 =	vld [tilespmem:s25+$0x0]  }
0x700: {  	v15 =	vadd.s32 v15, v16;
	v19 =	vperm.xlane v7, v2;
	vm1 =	vmand vm2, vm1  }
0x701: {  	v18 =	vnsel vm2, $0x0, v18;
	v21, _, _ =	vpop (xrf0);
	vm11 =	vgt.s32 v43, $0x0;
	v9 =	vsel vm0, v15, v9  }
0x702: {  	v44 =	vperm.xlane v21, v2;
	v45 =	vsel vm1, $0x1, v12;
	v46 =	vnsel vm11, $0x0, v43;
	(xrf0) =	vadd.scan.msk.s32 $0xffff, v19  }
0x703: {  	v11 =	vadd.s32 v11, v18;
	vm13 =	vmmov vm1;
	v8 =	vperm.xlane v8, v46  }
0x704: {  	v10 =	vperm.xlane v10, v46;
	v47 =	vadd.s32 v11, v44;
	v48 =	vperm.xlane v20, v2  }
0x705: {  	v16 =	vadd.s32 s24, v46;
	v49 =	vperm.xlane v44, v0;
	vm12 =	vge.s32 v47, v4  }
0x706: {  	vm15 =	veq.s32 v45, $0x0;
	v8 =	vsub.s32 v14, v8;
	v17 =	vmpcnt.ones.xlane vm12;
	(xrf0) =	vadd.scan.msk.s32 $0xffff, v48  }
0x707: {  	v13 =	vsel vm13, v16, v13;
	v52 =	vnsel vm15, $0x0, v49;
	v8 =	vadd.s32 v10, v8  }
0x708: {  	v16 =	vadd.s32 v11, v52;
	v51 =	vadd.s32 $0xFFFFFFFF, v17;
	vm14 =	vgt.s32 v17, $0x0;
	v50, _, _ =	vpop (xrf0)  }
0x709: {  	vm1 =	vmand vm15, vm14;
	vm4 =	vgt.s32 v51, $0x0;
	v14 =	vperm.xlane v50, v2  }
0x70a: {  	v8 =	vsel vm13, v8, v9;
	v12 =	vsel vm1, $0x1, v45;
	v15 =	vnsel vm4, $0x0, v51  }
0x70b: {  	vm7 =	vmmov vm1;
	v6 =	vperm.xlane v6, v15;
	v54 =	vperm.xlane v14, v0  }
0x70c: {  	v55 =	vperm.xlane v44, v15;
	vm6 =	veq.s32 v12, $0x0;
	v53 =	vadd.s32 v16, v14;
	v56, _, _ =	vpop (xrf0)  }
0x70d: {  	vm5 =	vge.s32 v53, v4;
	v9 =	vnsel vm6, $0x0, v54;
	v17 =	vperm.xlane v56, v2  }
0x70e: {  	v15 =	vadd.s32 s23, v15;
	v57 =	vmpcnt.ones.xlane vm5;
	v9 =	vadd.s32 v16, v9  }
0x70f: {  	v13 =	vsel vm7, v15, v13;
	v6 =	vsub.s32 v11, v6;
	v58 =	vadd.s32 v9, v17  }
0x710: {  	v6 =	vadd.s32 v55, v6;
	vm8 =	vgt.s32 v57, $0x0;
	vm9 =	vge.s32 v58, v4  }
0x711: {  	v18 =	vadd.s32 $0xFFFFFFFF, v57;
	vm1 =	vmand vm6, vm8;
	v59 =	vmpcnt.ones.xlane vm9  }
0x712: {  	v6 =	vsel vm7, v6, v8;
	vm10 =	vgt.s32 v18, $0x0;
	v12 =	vsel vm1, $0x1, v12  }
0x713: {  	v60 =	vnsel vm10, $0x0, v18;
	vm11 =	vmmov vm1;
	v8 =	vadd.s32 $0xFFFFFFFF, v59  }
0x714: {  	v7 =	vperm.xlane v7, v60;
	v61 =	vadd.s32 s22, v60;
	vm12 =	vgt.s32 v8, $0x0  }
0x715: {  	v10 =	vperm.xlane v14, v60;
	vm14 =	veq.s32 v12, $0x0;
	v8 =	vnsel vm12, $0x0, v8  }
0x716: {  	v13 =	vsel vm11, v61, v13;
	v7 =	vsub.s32 v16, v7;
	v62 =	vperm.xlane v20, v8  }
0x717: {  	s22 =	simm.s32 $0xC0A0;
	vm13 =	vgt.s32 v59, $0x0;
	v7 =	vadd.s32 v10, v7;
	v63 =	vperm.xlane v17, v8  }
0x718: {  	[tilespmem:s22+$0xFFFFFFE0] =	vst v0;
	vm1 =	vmand vm14, vm13;
	v6 =	vsel vm11, v7, v6;
	v7 =	vsub.s32 v9, v62  }
0x719: {  	[tilespmem:s22+$0x10] =	vst v0;
	vm15 =	vmmov vm1;
	v8 =	vadd.s32 s21, v8;
	v9 =	vadd.s32 v63, v7  }
0x71a: {  	[tilespmem:s22+$0x0] =	vst v0;
	s21 =	simm.s32 $0x0;
	v7 =	vsel vm15, v8, v13;
	v6 =	vsel vm15, v9, v6  }
.LBB2_72:
0x71b: {  	s21 =	sadd.s32 $0x4, s21  }
0x71c: {  	[tilespmem:s22+$0xFFFFFFF0] =	vst v0;
	s22 =	sadd.s32 $0x40, s22;
	p0 =	slt.u32 s21, $0x3C  }
.Ltmp52:
0x71d: {  	[tilespmem:s22+$0xFFFFFFE0] =	vst v0;
	(pc) =	sbr.rel @p0 .LBB2_72-.Ltmp52, $3  }
0x71e: {  	_ =	sdelay $0x1  }
0x71f: {  	[tilespmem:s22+$0x10] =	vst v0  }
0x720: {  	[tilespmem:s22+$0x0] =	vst v0  }
0x721: {  	[tilespmem:s22+$0xFFFFFFF0] =	vst v0;
	s21 =	simm.s32 $0x4040  }
0x722: {  	v8 =	vld [tilespmem:s21+$0x20]  }
0x723: {  	v9 =	vld [tilespmem:s21+$0xFFFFFFC0]  }
0x724: {  	v10 =	vld [tilespmem:s21+$0x30]  }
0x725: {  	v12 =	vld [tilespmem:s21+$0xFFFFFFD0]  }
0x726: {  	v15 =	vld [tilespmem:s21+$0x0]  }
0x727: {  	s31 =	simm.s32 $0x40C0;
	v17 =	vld [tilespmem:s21+$0xFFFFFFE0]  }
0x728: {  	v20 =	vld [tilespmem:s31+$0x10]  }
0x729: {  	v5 =	vshll.u32 v5, $0xB;
	v11 =	vld [tilespmem:s21+$0x10]  }
0x72a: {  	v5 =	vor.u32 v5, v7;
	v7 =	vld [tilespmem:s21+$0xFFFFFFF0];
	vm0 =	vlt.s32 v8, $0x0  }
0x72b: {  	vm1 =	vlt.s32 v9, $0x0;
	v13 =	vxor.u32 $0x7FFFFFFF, v9;
	v14 =	vxor.u32 $0x7FFFFFFF, v8  }
0x72c: {  	vm2 =	vlt.s32 v10, $0x0;
	vm3 =	vlt.s32 v12, $0x0;
	v16 =	vxor.u32 $0x7FFFFFFF, v12  }
0x72d: {  	vm5 =	vlt.s32 v15, $0x0;
	vm7 =	vlt.s32 v17, $0x0;
	v24 =	vxor.u32 $0x7FFFFFFF, v20  }
0x72e: {  	v9 =	vsel vm1, v13, v9;
	vm1 =	vlt.s32 v11, $0x0;
	v13 =	vxor.u32 $0x7FFFFFFF, v11  }
0x72f: {  	v8 =	vsel vm0, v14, v8;
	v14 =	vxor.u32 $0x7FFFFFFF, v10;
	vm0 =	vlt.s32 v7, $0x0  }
0x730: {  	v12 =	vsel vm3, v16, v12;
	v11 =	vsel vm1, v13, v11;
	v10 =	vsel vm2, v14, v10  }
0x731: {  	v13 =	vxor.u32 $0x7FFFFFFF, v7;
	v18 =	vand.u32 $0x3FF, v8;
	v19 =	vand.u32 $0x3FF, v9  }
0x732: {  	v14 =	vshra.s32 v10, $0xA;
	v7 =	vsel vm0, v13, v7;
	v13 =	vshra.s32 v9, $0xA  }
0x733: {  	v22 =	vld [tilespmem:s31+$0xFFFFFFD0];
	v10 =	vand.u32 $0x3FF, v10;
	v16 =	vshra.s32 v11, $0xA;
	v11 =	vand.u32 $0x3FF, v11  }
0x734: {  	vm4 =	veq.s32 v14, v5;
	v14 =	vshra.s32 v8, $0xA;
	vm0 =	veq.s32 v13, v5;
	v8 =	vld [tilespmem:s31+$0xFFFFFFC0]  }
0x735: {  	v13 =	vshra.s32 v7, $0xA;
	vm6 =	veq.s32 v16, v5;
	v16 =	vld [tilespmem:s31+$0x30];
	vm2 =	veq.s32 v14, v5  }
0x736: {  	v14 =	vld [tilespmem:s31+$0x20];
	vm3 =	veq.s32 v13, v5;
	v13 =	vand.u32 $0x3FF, v7;
	v7 =	vxor.u32 $0x7FFFFFFF, v15  }
0x737: {  	v9 =	vshra.s32 v12, $0xA;
	v12 =	vand.u32 $0x3FF, v12;
	v7 =	vsel vm5, v7, v15  }
0x738: {  	vm1 =	veq.s32 v9, v5;
	v9 =	vxor.u32 $0x7FFFFFFF, v17;
	v15 =	vshra.s32 v7, $0xA  }
0x739: {  	v21 =	vand.u32 $0x3FF, v7;
	v7 =	vsel vm7, v9, v17;
	vm5 =	veq.s32 v15, v5;
	v15 =	vld [tilespmem:s31+$0xFFFFFFF0]  }
0x73a: {  	v63 =	vxor.u32 $0x7FFFFFFF, v22;
	v17 =	vshra.s32 v7, $0xA;
	v9 =	vand.u32 $0x3FF, v7;
	[tilespmem:v10+s12+$0x0] =	vst.idx.add.s32.msk vm4, v1  }
0x73b: {  	vm7 =	vlt.s32 v8, $0x0;
	vm8 =	vlt.s32 v16, $0x0;
	vm4 =	vlt.s32 v14, $0x0;
	[tilespmem:v11+s12+$0x0] =	vst.idx.add.s32.msk vm6, v1  }
0x73c: {  	v10 =	vxor.u32 $0x7FFFFFFF, v8;
	v23 =	vxor.u32 $0x7FFFFFFF, v14;
	vm6 =	vlt.s32 v20, $0x0;
	[tilespmem:v13+s12+$0x0] =	vst.idx.add.s32.msk vm3, v1  }
0x73d: {  	v7 =	vsel vm7, v10, v8;
	v10 =	vld [tilespmem:s31+$0x0];
	v11 =	vsel vm4, v23, v14;
	vm3 =	veq.s32 v17, v5  }
0x73e: {  	[tilespmem:v12+s12+$0x0] =	vst.idx.add.s32.msk vm1, v1;
	v14 =	vxor.u32 $0x7FFFFFFF, v16;
	vm4 =	vlt.s32 v22, $0x0;
	v13 =	vsel vm6, v24, v20  }
0x73f: {  	[tilespmem:v19+s12+$0x0] =	vst.idx.add.s32.msk vm0, v1;
	v17 =	vsel vm8, v14, v16;
	vm6 =	vlt.s32 v15, $0x0;
	v14 =	vxor.u32 $0x7FFFFFFF, v15  }
0x740: {  	v8 =	vld [tilespmem:s31+$0xFFFFFFE0];
	v16 =	vshra.s32 v17, $0xA;
	v12 =	vand.u32 $0x3FF, v17;
	v14 =	vsel vm6, v14, v15  }
0x741: {  	[tilespmem:v18+s12+$0x0] =	vst.idx.add.s32.msk vm2, v1;
	vm1 =	veq.s32 v16, v5;
	v15 =	vshra.s32 v7, $0xA;
	v16 =	vshra.s32 v11, $0xA  }
0x742: {  	s22 =	simm.s32 $0x4140;
	s21 =	simm.s32 $0x8;
	[tilespmem:v21+s12+$0x0] =	vst.idx.add.s32.msk vm5, v1;
	vm0 =	veq.s32 v15, v5;
	v15 =	vsel vm4, v63, v22;
	vm5 =	vlt.s32 v10, $0x0  }
.LBB2_74:
0x743: {  	s21 =	sadd.s32 $0x8, s21;
	v17 =	vshra.s32 v14, $0xA;
	v18 =	vshra.s32 v13, $0xA;
	vm2 =	veq.s32 v16, v5;
	[tilespmem:v9+s12+$0x0] =	vst.idx.add.s32.msk vm3, v1  }
0x744: {  	v16 =	vld [tilespmem:s22+$0x20];
	p0 =	slt.u32 s21, $0x3F8;
	vm3 =	veq.s32 v17, v5;
	vm6 =	veq.s32 v18, v5;
	v17 =	vand.u32 $0x3FF, v11  }
0x745: {  	v13 =	vand.u32 $0x3FF, v13;
	v18 =	vand.u32 $0x3FF, v7;
	v7 =	vshra.s32 v15, $0xA;
	v11 =	vld [tilespmem:s22+$0xFFFFFFC0]  }
0x746: {  	v14 =	vand.u32 $0x3FF, v14;
	vm4 =	veq.s32 v7, v5;
	v7 =	vxor.u32 $0x7FFFFFFF, v10;
	v19 =	vld [tilespmem:s22+$0x30]  }
0x747: {  	vm7 =	vlt.s32 v8, $0x0;
	v15 =	vand.u32 $0x3FF, v15;
	v7 =	vsel vm5, v7, v10;
	v20 =	vld [tilespmem:s22+$0x10]  }
0x748: {  	v9 =	vxor.u32 $0x7FFFFFFF, v8;
	v10 =	vshra.s32 v7, $0xA;
	v21 =	vand.u32 $0x3FF, v7;
	[tilespmem:v12+s12+$0x0] =	vst.idx.add.s32.msk vm1, v1  }
0x749: {  	v7 =	vsel vm7, v9, v8;
	vm5 =	veq.s32 v10, v5;
	v22 =	vld [tilespmem:s22+$0xFFFFFFD0];
	vm1 =	vlt.s32 v16, $0x0  }
0x74a: {  	v23 =	vshra.s32 v7, $0xA;
	vm7 =	vlt.s32 v11, $0x0;
	v8 =	vxor.u32 $0x7FFFFFFF, v11;
	v12 =	vld [tilespmem:s22+$0xFFFFFFF0]  }
0x74b: {  	v9 =	vand.u32 $0x3FF, v7;
	v24 =	vxor.u32 $0x7FFFFFFF, v16;
	vm8 =	vlt.s32 v19, $0x0;
	[tilespmem:v13+s12+$0x0] =	vst.idx.add.s32.msk vm6, v1  }
0x74c: {  	v7 =	vsel vm7, v8, v11;
	vm6 =	vlt.s32 v20, $0x0;
	v13 =	vxor.u32 $0x7FFFFFFF, v20;
	[tilespmem:v14+s12+$0x0] =	vst.idx.add.s32.msk vm3, v1  }
0x74d: {  	v11 =	vsel vm1, v24, v16;
	v14 =	vxor.u32 $0x7FFFFFFF, v19;
	vm3 =	veq.s32 v23, v5;
	v10 =	vld [tilespmem:s22+$0x0]  }
.Ltmp53:
0x74e: {  	v13 =	vsel vm6, v13, v20;
	v19 =	vsel vm8, v14, v19;
	vm7 =	vlt.s32 v22, $0x0;
	v8 =	vld [tilespmem:s22+$0xFFFFFFE0];
	(pc) =	sbr.rel @p0 .LBB2_74-.Ltmp53, $4  }
0x74f: {  	v16 =	vshra.s32 v19, $0xA;
	vm1 =	vlt.s32 v12, $0x0;
	v14 =	vxor.u32 $0x7FFFFFFF, v12;
	[tilespmem:v15+s12+$0x0] =	vst.idx.add.s32.msk vm4, v1  }
0x750: {  	v15 =	vxor.u32 $0x7FFFFFFF, v22;
	v14 =	vsel vm1, v14, v12;
	vm1 =	veq.s32 v16, v5;
	[tilespmem:v21+s12+$0x0] =	vst.idx.add.s32.msk vm5, v1  }
0x751: {  	v20 =	vshra.s32 v7, $0xA;
	v16 =	vshra.s32 v11, $0xA;
	v12 =	vand.u32 $0x3FF, v19;
	[tilespmem:v18+s12+$0x0] =	vst.idx.add.s32.msk vm0, v1  }
0x752: {  	s22 =	sadd.s32 $0x80, s22;
	v15 =	vsel vm7, v15, v22;
	vm0 =	veq.s32 v20, v5;
	vm5 =	vlt.s32 v10, $0x0;
	[tilespmem:v17+s12+$0x0] =	vst.idx.add.s32.msk vm2, v1  }
0x753: {  	_ =	sdelay $0x3  }
0x754: {  	v17 =	vshra.s32 v14, $0xA;
	v18 =	vshra.s32 v13, $0xA;
	v13 =	vand.u32 $0x3FF, v13  }
0x755: {  	v14 =	vand.u32 $0x3FF, v14;
	vm15 =	vlt.s32 v8, $0x0;
	[tilespmem:v9+s12+$0x0] =	vst.idx.add.s32.msk vm3, v1;
	vm3 =	veq.s32 v16, v5  }
0x756: {  	v7 =	vand.u32 $0x3FF, v7;
	v11 =	vand.u32 $0x3FF, v11;
	vm2 =	veq.s32 v17, v5  }
0x757: {  	vm4 =	veq.s32 v18, v5;
	v17 =	vshra.s32 v15, $0xA;
	v18 =	vxor.u32 $0x7FFFFFFF, v10  }
0x758: {  	v15 =	vand.u32 $0x3FF, v15;
	v10 =	vsel vm5, v18, v10;
	v18 =	vxor.u32 $0x7FFFFFFF, v8  }
0x759: {  	vm6 =	veq.s32 v17, v5;
	v17 =	vshra.s32 v10, $0xA;
	v8 =	vsel vm15, v18, v8  }
0x75a: {  	[tilespmem:v12+s12+$0x0] =	vst.idx.add.s32.msk vm1, v1;
	v9 =	vand.u32 $0x3FF, v10;
	vm7 =	veq.s32 v17, v5;
	v10 =	vshra.s32 v8, $0xA  }
0x75b: {  	vm1 =	veq.s32 v10, v5;
	[tilespmem:v7+s12+$0x0] =	vst.idx.add.s32.msk vm0, v1  }
0x75c: {  	v8 =	vand.u32 $0x3FF, v8;
	[tilespmem:v11+s12+$0x0] =	vst.idx.add.s32.msk vm3, v1  }
0x75d: {  	[tilespmem:v13+s12+$0x0] =	vst.idx.add.s32.msk vm4, v1  }
0x75e: {  	[tilespmem:v14+s12+$0x0] =	vst.idx.add.s32.msk vm2, v1  }
0x75f: {  	[tilespmem:v15+s12+$0x0] =	vst.idx.add.s32.msk vm6, v1  }
0x760: {  	[tilespmem:v9+s12+$0x0] =	vst.idx.add.s32.msk vm7, v1  }
0x761: {  	s21 =	simm.s32 $0xC470;
	[tilespmem:v8+s12+$0x0] =	vst.idx.add.s32.msk vm1, v1  }
0x762: {  	v7 =	vld [tilespmem:s21+$0x0];
	_ =	sdelay $0x4  }
0x763: {  	v9 =	vperm.xlane v7, v2  }
0x764: {  	s29 =	simm.s32 $0xC460  }
0x765: {  	v8 =	vld [tilespmem:s29+$0x0];
	(xrf0) =	vadd.scan.msk.s32 $0xffff, v9;
	_ =	sdelay $0x4  }
0x766: {  	v9 =	vperm.xlane v8, v2  }
0x767: {  	s30 =	simm.s32 $0xC450;
	v10, _, _ =	vpop (xrf0)  }
0x768: {  	v6 =	vsub.s32 v4, v6;
	v4 =	vld [tilespmem:s30+$0x0];
	(xrf0) =	vadd.scan.msk.s32 $0xffff, v9;
	v12 =	vperm.xlane v10, v2  }
0x769: {  	v9 =	vimm.s32 $0x0  }
0x76a: {  	v10 =	vadd.s32 v9, v12  }
0x76b: {  	vm0 =	vge.s32 v10, v6  }
0x76c: {  	v10 =	vperm.xlane v12, v0;
	v11 =	vmpcnt.ones.xlane vm0  }
0x76d: {  	v16 =	vperm.xlane v4, v2;
	vm0 =	veq.s32 v9, $0x0  }
0x76e: {  	v13, _, _ =	vpop (xrf0);
	v15 =	vnsel vm0, $0x0, v10;
	v14 =	vadd.s32 $0xFFFFFFFF, v11  }
0x76f: {  	(xrf0) =	vadd.scan.msk.s32 $0xffff, v16;
	v16 =	vimm.s32 $0x0;
	v10 =	vperm.xlane v13, v2;
	vm2 =	vgt.s32 v14, $0x0  }
0x770: {  	s25 =	simm.s32 $0xC440;
	vm1 =	vgt.s32 v11, $0x0;
	v11 =	vadd.s32 v9, v15;
	v14 =	vnsel vm2, $0x0, v14  }
0x771: {  	vm0 =	vmand vm0, vm1;
	v13 =	vadd.s32 v11, v10;
	v21 =	vperm.xlane v7, v14;
	v7 =	vld [tilespmem:s25+$0x0]  }
0x772: {  	v20 =	vperm.xlane v10, v0;
	vm1 =	vge.s32 v13, v6;
	v13 =	vsel vm0, $0x1, v9  }
0x773: {  	s31 =	simm.s32 $0x3F0;
	s24 =	simm.s32 $0x3E0;
	s23 =	simm.s32 $0x3D0;
	v15 =	vperm.xlane v12, v14;
	vm0 =	vmmov vm0;
	v19 =	vmpcnt.ones.xlane vm1  }
0x774: {  	s22 =	simm.s32 $0x3C0;
	s26 =	simm.s32 $0x3A0;
	s21 =	simm.s32 $0x3B0;
	v17 =	vadd.s32 s31, v14;
	v18 =	vsub.s32 v9, v21;
	v12 =	vsel vm0, v21, v9;
	v14 =	vmovc v11  }
.LBB2_76:
0x775: {  	p0 =	sne.s32 s26, $0x0;
	v21 =	vadd.s32 $0xFFFFFFFF, v19;
	vm1 =	vgt.s32 v19, $0x0;
	vm2 =	veq.s32 v13, $0x0  }
0x776: {  	v19 =	vperm.xlane v7, v2;
	v22, _, _ =	vpop (xrf0);
	vm1 =	vmand vm2, vm1;
	v23 =	vnsel vm2, $0x0, v20  }
0x777: {  	v20 =	vmovc v7;
	v22 =	vperm.xlane v22, v2;
	v13 =	vsel vm1, $0x1, v13;
	v11 =	vadd.s32 v11, v23  }
.Ltmp54:
0x778: {  	s25 =	sadd.s32 $0xFFFFFFF0, s25;
	v9 =	vsel vm0, v17, v9;
	v15 =	vadd.s32 v15, v18;
	vm2 =	vgt.s32 v21, $0x0;
	(xrf0) =	vadd.scan.msk.s32 $0xffff, v19;
	(pc) =	sbr.rel @p0 .LBB2_76-.Ltmp54, $4  }
0x779: {  	v16 =	vsel vm0, v15, v16;
	v18 =	vnsel vm2, $0x0, v21;
	v7 =	vld [tilespmem:s25+$0x0];
	v17 =	vadd.s32 v11, v22  }
0x77a: {  	v21 =	vperm.xlane v8, v18;
	v15 =	vperm.xlane v10, v18;
	v10 =	vmovc v22;
	vm0 =	vge.s32 v17, v6  }
0x77b: {  	v8 =	vmovc v4;
	v4 =	vmovc v20;
	v17 =	vadd.s32 s24, v18;
	s24 =	smov.u32 s23;
	s23 =	smov.u32 s22;
	s22 =	smov.u32 s21;
	v19 =	vmpcnt.ones.xlane vm0;
	vm0 =	vmmov vm1  }
0x77c: {  	v20 =	vperm.xlane v10, v0;
	v18 =	vsub.s32 v14, v21;
	v14 =	vmovc v11;
	s21 =	smov.u32 s26;
	s26 =	sadd.s32 $0xFFFFFFF0, s26;
	v12 =	vsel vm0, v21, v12  }
0x77d: {  	v21 =	vadd.s32 $0xFFFFFFFF, v19  }
0x77e: {  	vm1 =	vgt.s32 v19, $0x0;
	vm2 =	veq.s32 v13, $0x0;
	s25 =	sadd.s32 $0xFFFFFFF0, s25;
	v42 =	vperm.xlane v7, v2  }
0x77f: {  	v9 =	vsel vm0, v17, v9;
	v15 =	vadd.s32 v15, v18;
	vm1 =	vmand vm2, vm1;
	v23 =	vld [tilespmem:s25+$0x0]  }
0x780: {  	v22, _, _ =	vpop (xrf0);
	v20 =	vnsel vm2, $0x0, v20;
	vm13 =	vgt.s32 v21, $0x0;
	v15 =	vsel vm0, v15, v16;
	(xrf0) =	vadd.scan.msk.s32 $0xffff, v42  }
0x781: {  	v22 =	vperm.xlane v22, v2;
	v11 =	vadd.s32 v11, v20;
	v45 =	vnsel vm13, $0x0, v21  }
0x782: {  	v43 =	vsel vm1, $0x1, v13;
	vm15 =	vmmov vm1;
	v8 =	vperm.xlane v8, v45  }
0x783: {  	v10 =	vperm.xlane v10, v45;
	v47 =	vadd.s32 s24, v45;
	v44 =	vadd.s32 v11, v22  }
0x784: {  	v49 =	vperm.xlane v22, v0;
	vm14 =	vge.s32 v44, v6;
	v48 =	vperm.xlane v23, v2  }
0x785: {  	vm5 =	veq.s32 v43, $0x0;
	v9 =	vsel vm15, v47, v9;
	v46 =	vmpcnt.ones.xlane vm14  }
0x786: {  	v14 =	vsub.s32 v14, v8;
	v8 =	vsel vm15, v8, v12;
	v52 =	vnsel vm5, $0x0, v49;
	v51, _, _ =	vpop (xrf0);
	(xrf0) =	vadd.scan.msk.s32 $0xffff, v48  }
0x787: {  	v10 =	vadd.s32 v10, v14;
	v18 =	vadd.s32 v11, v52;
	v50 =	vadd.s32 $0xFFFFFFFF, v46  }
0x788: {  	v10 =	vsel vm15, v10, v15;
	vm4 =	vgt.s32 v46, $0x0;
	vm6 =	vgt.s32 v50, $0x0  }
0x789: {  	vm1 =	vmand vm5, vm4;
	v16 =	vperm.xlane v51, v2;
	v12 =	vnsel vm6, $0x0, v50  }
0x78a: {  	v13 =	vsel vm1, $0x1, v43;
	vm1 =	vmmov vm1;
	v4 =	vperm.xlane v4, v12  }
0x78b: {  	v54 =	vperm.xlane v22, v12;
	v12 =	vadd.s32 s23, v12;
	v55 =	vperm.xlane v16, v0  }
0x78c: {  	vm8 =	veq.s32 v13, $0x0;
	v53 =	vadd.s32 v18, v16;
	v9 =	vsel vm1, v12, v9;
	v57, _, _ =	vpop (xrf0)  }
0x78d: {  	vm7 =	vge.s32 v53, v6;
	v15 =	vnsel vm8, $0x0, v55;
	v19 =	vperm.xlane v57, v2  }
0x78e: {  	v11 =	vsub.s32 v11, v4;
	v56 =	vmpcnt.ones.xlane vm7;
	v15 =	vadd.s32 v18, v15  }
0x78f: {  	v4 =	vsel vm1, v4, v8;
	v11 =	vadd.s32 v54, v11;
	v8 =	vadd.s32 v15, v19  }
0x790: {  	vm9 =	vgt.s32 v56, $0x0;
	v17 =	vadd.s32 $0xFFFFFFFF, v56;
	vm10 =	vge.s32 v8, v6  }
0x791: {  	vm0 =	vmand vm8, vm9;
	vm11 =	vgt.s32 v17, $0x0;
	v8 =	vmpcnt.ones.xlane vm10  }
0x792: {  	v10 =	vsel vm1, v11, v10;
	v13 =	vsel vm0, $0x1, v13;
	v58 =	vnsel vm11, $0x0, v17  }
0x793: {  	vm0 =	vmmov vm0;
	v7 =	vperm.xlane v7, v58;
	v60 =	vadd.s32 $0xFFFFFFFF, v8  }
0x794: {  	v59 =	vperm.xlane v16, v58;
	v12 =	vadd.s32 s22, v58;
	vm12 =	vgt.s32 v60, $0x0  }
0x795: {  	v61 =	vsub.s32 v18, v7;
	v4 =	vsel vm0, v7, v4;
	v7 =	vnsel vm12, $0x0, v60  }
0x796: {  	vm14 =	veq.s32 v13, $0x0;
	vm13 =	vgt.s32 v8, $0x0;
	v8 =	vperm.xlane v23, v7  }
.Ltmp55:
0x797: {  	v9 =	vsel vm0, v12, v9;
	v11 =	vadd.s32 v59, v61;
	v62 =	vperm.xlane v19, v7;
	(pc) =	sbr.rel .LBB2_91-.Ltmp55, $4  }
0x798: {  	vm1 =	vmand vm14, vm13;
	v10 =	vsel vm0, v11, v10;
	v63 =	vsub.s32 v15, v8  }
0x799: {  	vm15 =	vmmov vm1;
	v7 =	vadd.s32 s21, v7;
	v11 =	vadd.s32 v62, v63  }
0x79a: {  	v5 =	vshll.u32 v5, $0xA;
	v9 =	vsel vm15, v7, v9;
	v10 =	vsel vm15, v11, v10  }
0x79b: {  	v7 =	vsel vm15, v8, v4;
	v4 =	vor.u32 v5, v9;
	v5 =	vsub.s32 v6, v10  }
.LBB2_101:
0x79c: {  	_ =	sfence.sel $0x180000  }
0x79d: {  	[bflag:$0x0] =	sbarrier.arrive $0xFFFF  }
0x79e: {  	p0 =	sne.s32 s2, $0x0;
	_ =	strace $0x90000047  }
0x79f: {  	s0 =	sadd.s32 @!p0 $0x100000, s0;
	[bflag:$0x2] =	sbarrier.arrive $0xFFFF  }
0x7a0: {  	[sflag:s0] =	ssyncadd.tile.s32 @!p0 $0x1;
	_ =	shalt  }
.Lfunc_end2:
_tile_overlayer_lowered:
.L_overlay_start_2:
0x7a1: {  	(tag) =	ssettag $0x2  }
0x7a2: {  	s0 =	rddreg [dreg:$0x0];
	s2 =	stileid.u32  }
0x7a3: {  	s1 =	rddreg [dreg:$0x1];
	p0 =	sne.s32 s2, $0x0  }
0x7a4: {  	s3 =	rddreg [dreg:$0x2];
	[bflag:$0x3] =	sbarrier.arrive $0xFFFF;
	s2 =	simm.s32 @!p0 $0x1C05  }
0x7a5: {  	[timem:s3], [sflag:s2] =	dma.local @!p0 [hbm:s0], s1  }
0x7a6: {  	s0 =	simm.s32 @!p0 $0x5  }
0x7a7: {  	_ =	swait.ge @!p0 [sflag:s0], s1  }
0x7a8: {  	s1 =	ssub.s32 @!p0 $0x0, s1;
	[sflag:s0] =	ssyncset.done @!p0 $0x0  }
0x7a9: {  	[sflag:s0] =	ssyncadd.s32 @!p0 s1  }
0x7aa: {  	[bflag:$0x3] =	sbarrier.arrive $0xFFFF  }
0x7ab: {  	_ =	shalt  }

</sc_bundles>
